<compile_context>
chip_gen: v7x
topology: tpu7x:2x2x1
jax: 0.10.2.dev20260603
libtpu: 0.0.44.dev20260713+nightly
codegen_flags: <defaults>
</compile_context>

<pallas_src>
import functools

import jax
import jax.numpy as jnp
from jax import lax
from jax.experimental import pallas as pl
from jax.experimental.pallas import tpu as pltpu
from jax.experimental.pallas import tpu_sc as plsc

_B, _T = 4096, 200
_V, _D = 1000000, 32
_NW = 32
_BB = 128
_NB = 4


def _build():
  mesh = plsc.VectorSubcoreMesh(core_axis_name="c", subcore_axis_name="s")
  per_w = _BB * _T

  @functools.partial(
      pl.kernel,
      mesh=mesh,
      out_type=jax.ShapeDtypeStruct((_T, 4, _NW, 8, 128), jnp.float32),
      scratch_types=[
          pltpu.VMEM((per_w,), jnp.int32),
          pltpu.VMEM((_NB, _BB, _D), jnp.float32),
          pltpu.VMEM((_NB, 4, 8, 128), jnp.float32),
          pltpu.VMEM((_NB, _BB), jnp.int32),
          pltpu.SemaphoreType.DMA((_NB,)),
          pltpu.SemaphoreType.DMA((_NB,)),
      ],
      compiler_params=pltpu.CompilerParams(
          use_tc_tiling_on_sc=False, needs_layout_passes=False),
  )
  def emb(idx_hbm, w_hbm, out_hbm, idx_v, g_v, tr_v, il_v, gsem, ssem):
    wid = lax.axis_index("s") * 2 + lax.axis_index("c")
    pltpu.sync_copy(idx_hbm.at[pl.ds(wid * per_w, per_w)], idx_v)
    lanes = lax.iota(jnp.int32, 16)

    def gcp(b):
      return pltpu.make_async_copy(
          w_hbm.at[il_v.at[b]], g_v.at[b], gsem.at[b])

    def scp(t, b):
      return pltpu.make_async_copy(
          tr_v.at[b], out_hbm.at[t, :, wid], ssem.at[b])

    def extract(t, b):
      for k in range(8):
        pos = (k * 16 + lanes) * _T + t
        il_v[b, pl.ds(k * 16, 16)] = plsc.load_gather(idx_v, [pos])

    def transpose(b):
      def body(d0, carry):
        dvec = jnp.bitwise_and(d0 + lanes, _D - 1)
        i0 = lax.shift_right_logical(dvec, 3)
        i1 = jnp.bitwise_and(dvec, 7)
        for k in range(8):
          jvec = k * 16 + lanes
          vals = plsc.load_gather(g_v.at[b], [jvec, dvec])
          plsc.store_scatter(tr_v.at[b], [i0, i1, jvec], vals)
        return carry
      lax.fori_loop(0, _D, body, 0)

    for b in range(_NB):
      extract(b, b)
      gcp(b).start()

    def main_body(r, carry):
      for b in range(_NB):
        t_new = r * _NB + b
        t_old = t_new - _NB
        gcp(b).wait()

        @pl.when(r >= 2)
        def _():
          scp(t_old, b).wait()

        transpose(b)
        scp(t_old, b).start()
        extract(t_new, b)
        gcp(b).start()
      return carry

    lax.fori_loop(1, _T // _NB, main_body, 0)

    for b in range(_NB):
      t_old = _T - _NB + b
      gcp(b).wait()
      scp(t_old, b).wait()
      transpose(b)
      scp(t_old, b).start()
    for b in range(_NB):
      scp(_T - _NB + b, b).wait()

  return emb


@jax.jit
def kernel(x, weight):
  flat = x.reshape(-1)
  out5 = _build()(flat, weight)
  return out5.transpose(2, 4, 0, 1, 3).reshape(_B, _T, _D)

# --- scband reference (transcript-rebuilt; emitter-appended) ---
"""Pipeline reference for scband-embedding-layer-40630390621111 (READ-ONLY COPY).

The authoritative reference and input builder live on the scoring server;
editing this copy changes nothing except your own understanding.
"""

import jax, jax.numpy as jnp
import numpy as np

NUM_EMBEDDINGS = 1000000
EMBEDDING_DIM = 32
BATCH = 4096
HIST_LEN = 200

def setup_inputs(seed: int = 0) -> dict:
    key = jax.random.key(seed)
    k1, k2 = jax.random.split(key)
    x = jax.random.randint(k1, (BATCH, HIST_LEN), 0, NUM_EMBEDDINGS, dtype=jnp.int32)
    weight = jax.random.normal(k2, (NUM_EMBEDDINGS, EMBEDDING_DIM), dtype=jnp.float32) * 0.02
    return {"x": x, "weight": weight}

def reference(x, weight):
    # Faithful translation of EmbeddingLayer.forward:
    # out = weight.index_select(0, x.view(-1)).view(*x.shape, embedding_dim)
    B, T = x.shape
    flat = x.reshape(-1)
    out = jnp.take(weight, flat, axis=0)
    out = out.reshape(B, T, weight.shape[1])
    return out

if __name__ == "__main__":
    import jax
    _d = setup_inputs()
    print(jax.jit(kernel)(*tuple(_d.values())))

</pallas_src>

<mosaic_0001>
#map = affine_map<(d0, d1) -> (0)>
#map1 = affine_map<(d0, d1) -> (0, 0)>
#map2 = affine_map<(d0, d1) -> (0, 0, 0, 0, 0)>
module attributes {stable_mosaic.version = 14 : i64} {
  func.func @emb(%arg0: i32, %arg1: i32, %arg2: memref<819200xi32, #tpu.memory_space<hbm>>, %arg3: memref<1000000x32xf32, #tpu.memory_space<hbm>>, %arg4: memref<200x4x32x8x128xf32, #tpu.memory_space<hbm>>, %arg5: memref<25600xi32, #tpu.memory_space<vmem>>, %arg6: memref<4x128x32xf32, #tpu.memory_space<vmem>>, %arg7: memref<4x4x8x128xf32, #tpu.memory_space<vmem>>, %arg8: memref<4x128xi32, #tpu.memory_space<vmem>>, %arg9: memref<4x!tpu.dma_semaphore, #tpu.memory_space<semaphore_mem>>, %arg10: memref<4x!tpu.dma_semaphore, #tpu.memory_space<semaphore_mem>>) attributes {dimension_semantics = [#tpu.dimension_semantics<core_parallel>, #tpu.dimension_semantics<subcore_parallel>], iteration_bounds = array<i64: 2, 16>, scalar_prefetch = 0 : i64, scratch_operands = 6 : i64, tpu.core_type = #tpu.core_type<sc_vector_subcore>, window_params = [{transform_indices = #map}, {transform_indices = #map1}, {transform_indices = #map2}]} {
    %mul3A = arith.constant 2 : i32
    %mul3A_0 = arith.muli %arg1, %mul3A : i32
    %add3A = arith.addi %mul3A_0, %arg0 : i32
    %mul3A_1 = arith.constant 25600 : i32
    %mul3A_2 = arith.muli %add3A, %mul3A_1 : i32
    "tpu.region"() ({
      %run_scoped3A = tpu.sem_alloc : memref<!tpu.dma_semaphore, #tpu.memory_space<semaphore_mem>>
      %dma_start3A_896 = tpu.memref_slice %arg2[%mul3A_2] : memref<819200xi32, #tpu.memory_space<hbm>> -> memref<25600xi32, #tpu.memory_space<hbm>>
      %dma_start3A_897 = tpu.memref_slice %arg2[%mul3A_2] : memref<819200xi32, #tpu.memory_space<hbm>> -> memref<25600xi32, #tpu.memory_space<hbm>>
      tpu.enqueue_dma source(%dma_start3A_897 : memref<25600xi32, #tpu.memory_space<hbm>>) target(%arg5 : memref<25600xi32, #tpu.memory_space<vmem>>) target_semaphore(%run_scoped3A : memref<!tpu.dma_semaphore, #tpu.memory_space<semaphore_mem>>)
      %dma_wait3A_898 = tpu.memref_slice %arg2[%mul3A_2] : memref<819200xi32, #tpu.memory_space<hbm>> -> memref<25600xi32, #tpu.memory_space<hbm>>
      %dma_wait3A_899 = tpu.memref_slice %arg2[%mul3A_2] : memref<819200xi32, #tpu.memory_space<hbm>> -> memref<25600xi32, #tpu.memory_space<hbm>>
      tpu.wait_dma2 semaphore(%run_scoped3A : memref<!tpu.dma_semaphore, #tpu.memory_space<semaphore_mem>>) src(%dma_wait3A_899 : memref<25600xi32, #tpu.memory_space<hbm>>) dst(%arg5 : memref<25600xi32, #tpu.memory_space<vmem>>)
      tpu.yield
    }) : () -> ()
    %iota3A = tpu.iota {dimensions = array<i32: 0>} : vector<16xi32>
    %add3A_3 = arith.constant 0 : i32
    %add3A_4 = vector.broadcast %add3A_3 : i32 to vector<16xi32>
    %add3A_5 = arith.addi %add3A_4, %iota3A : vector<16xi32>
    %mul3A_6 = arith.constant 200 : i32
    %mul3A_7 = vector.broadcast %mul3A_6 : i32 to vector<16xi32>
    %mul3A_8 = arith.muli %add3A_5, %mul3A_7 : vector<16xi32>
    %add3A_9 = arith.constant 0 : i32
    %add3A_10 = vector.broadcast %add3A_9 : i32 to vector<16xi32>
    %add3A_11 = arith.addi %mul3A_8, %add3A_10 : vector<16xi32>
    %gather3A = tpu.vector_load_idx %arg5[%add3A_11] : memref<25600xi32, #tpu.memory_space<vmem>>[vector<16xi32>], vector<16xi32>,
    %swap3A = arith.constant 0 : i32
    %swap3A_12 = arith.index_cast %swap3A : i32 to index
    %swap3A_13 = arith.constant 0 : index
    %swap3A_14 = tpu.vector_load %arg8[%swap3A_12, %swap3A_13] {strides = array<i32>} : memref<4x128xi32, #tpu.memory_space<vmem>>, vector<16xi32>,
    tpu.vector_store %arg8[%swap3A_12, %swap3A_13], %gather3A {strides = array<i32>} : memref<4x128xi32, #tpu.memory_space<vmem>>, vector<16xi32>,
    %add3A_15 = arith.constant 16 : i32
    %add3A_16 = vector.broadcast %add3A_15 : i32 to vector<16xi32>
    %add3A_17 = arith.addi %add3A_16, %iota3A : vector<16xi32>
    %mul3A_18 = arith.constant 200 : i32
    %mul3A_19 = vector.broadcast %mul3A_18 : i32 to vector<16xi32>
    %mul3A_20 = arith.muli %add3A_17, %mul3A_19 : vector<16xi32>
    %add3A_21 = arith.constant 0 : i32
    %add3A_22 = vector.broadcast %add3A_21 : i32 to vector<16xi32>
    %add3A_23 = arith.addi %mul3A_20, %add3A_22 : vector<16xi32>
    %gather3A_24 = tpu.vector_load_idx %arg5[%add3A_23] : memref<25600xi32, #tpu.memory_space<vmem>>[vector<16xi32>], vector<16xi32>,
    %swap3A_25 = arith.constant 0 : i32
    %swap3A_26 = arith.index_cast %swap3A_25 : i32 to index
    %swap3A_27 = arith.constant 16 : index
    %swap3A_28 = tpu.vector_load %arg8[%swap3A_26, %swap3A_27] {strides = array<i32>} : memref<4x128xi32, #tpu.memory_space<vmem>>, vector<16xi32>,
    tpu.vector_store %arg8[%swap3A_26, %swap3A_27], %gather3A_24 {strides = array<i32>} : memref<4x128xi32, #tpu.memory_space<vmem>>, vector<16xi32>,
    %add3A_29 = arith.constant 32 : i32
    %add3A_30 = vector.broadcast %add3A_29 : i32 to vector<16xi32>
    %add3A_31 = arith.addi %add3A_30, %iota3A : vector<16xi32>
    %mul3A_32 = arith.constant 200 : i32
    %mul3A_33 = vector.broadcast %mul3A_32 : i32 to vector<16xi32>
    %mul3A_34 = arith.muli %add3A_31, %mul3A_33 : vector<16xi32>
    %add3A_35 = arith.constant 0 : i32
    %add3A_36 = vector.broadcast %add3A_35 : i32 to vector<16xi32>
    %add3A_37 = arith.addi %mul3A_34, %add3A_36 : vector<16xi32>
    %gather3A_38 = tpu.vector_load_idx %arg5[%add3A_37] : memref<25600xi32, #tpu.memory_space<vmem>>[vector<16xi32>], vector<16xi32>,
    %swap3A_39 = arith.constant 0 : i32
    %swap3A_40 = arith.index_cast %swap3A_39 : i32 to index
    %swap3A_41 = arith.constant 32 : index
    %swap3A_42 = tpu.vector_load %arg8[%swap3A_40, %swap3A_41] {strides = array<i32>} : memref<4x128xi32, #tpu.memory_space<vmem>>, vector<16xi32>,
    tpu.vector_store %arg8[%swap3A_40, %swap3A_41], %gather3A_38 {strides = array<i32>} : memref<4x128xi32, #tpu.memory_space<vmem>>, vector<16xi32>,
    %add3A_43 = arith.constant 48 : i32
    %add3A_44 = vector.broadcast %add3A_43 : i32 to vector<16xi32>
    %add3A_45 = arith.addi %add3A_44, %iota3A : vector<16xi32>
    %mul3A_46 = arith.constant 200 : i32
    %mul3A_47 = vector.broadcast %mul3A_46 : i32 to vector<16xi32>
    %mul3A_48 = arith.muli %add3A_45, %mul3A_47 : vector<16xi32>
    %add3A_49 = arith.constant 0 : i32
    %add3A_50 = vector.broadcast %add3A_49 : i32 to vector<16xi32>
    %add3A_51 = arith.addi %mul3A_48, %add3A_50 : vector<16xi32>
    %gather3A_52 = tpu.vector_load_idx %arg5[%add3A_51] : memref<25600xi32, #tpu.memory_space<vmem>>[vector<16xi32>], vector<16xi32>,
    %swap3A_53 = arith.constant 0 : i32
    %swap3A_54 = arith.index_cast %swap3A_53 : i32 to index
    %swap3A_55 = arith.constant 48 : index
    %swap3A_56 = tpu.vector_load %arg8[%swap3A_54, %swap3A_55] {strides = array<i32>} : memref<4x128xi32, #tpu.memory_space<vmem>>, vector<16xi32>,
    tpu.vector_store %arg8[%swap3A_54, %swap3A_55], %gather3A_52 {strides = array<i32>} : memref<4x128xi32, #tpu.memory_space<vmem>>, vector<16xi32>,
    %add3A_57 = arith.constant 64 : i32
    %add3A_58 = vector.broadcast %add3A_57 : i32 to vector<16xi32>
    %add3A_59 = arith.addi %add3A_58, %iota3A : vector<16xi32>
    %mul3A_60 = arith.constant 200 : i32
    %mul3A_61 = vector.broadcast %mul3A_60 : i32 to vector<16xi32>
    %mul3A_62 = arith.muli %add3A_59, %mul3A_61 : vector<16xi32>
    %add3A_63 = arith.constant 0 : i32
    %add3A_64 = vector.broadcast %add3A_63 : i32 to vector<16xi32>
    %add3A_65 = arith.addi %mul3A_62, %add3A_64 : vector<16xi32>
    %gather3A_66 = tpu.vector_load_idx %arg5[%add3A_65] : memref<25600xi32, #tpu.memory_space<vmem>>[vector<16xi32>], vector<16xi32>,
    %swap3A_67 = arith.constant 0 : i32
    %swap3A_68 = arith.index_cast %swap3A_67 : i32 to index
    %swap3A_69 = arith.constant 64 : index
    %swap3A_70 = tpu.vector_load %arg8[%swap3A_68, %swap3A_69] {strides = array<i32>} : memref<4x128xi32, #tpu.memory_space<vmem>>, vector<16xi32>,
    tpu.vector_store %arg8[%swap3A_68, %swap3A_69], %gather3A_66 {strides = array<i32>} : memref<4x128xi32, #tpu.memory_space<vmem>>, vector<16xi32>,
    %add3A_71 = arith.constant 80 : i32
    %add3A_72 = vector.broadcast %add3A_71 : i32 to vector<16xi32>
    %add3A_73 = arith.addi %add3A_72, %iota3A : vector<16xi32>
    %mul3A_74 = arith.constant 200 : i32
    %mul3A_75 = vector.broadcast %mul3A_74 : i32 to vector<16xi32>
    %mul3A_76 = arith.muli %add3A_73, %mul3A_75 : vector<16xi32>
    %add3A_77 = arith.constant 0 : i32
    %add3A_78 = vector.broadcast %add3A_77 : i32 to vector<16xi32>
    %add3A_79 = arith.addi %mul3A_76, %add3A_78 : vector<16xi32>
    %gather3A_80 = tpu.vector_load_idx %arg5[%add3A_79] : memref<25600xi32, #tpu.memory_space<vmem>>[vector<16xi32>], vector<16xi32>,
    %swap3A_81 = arith.constant 0 : i32
    %swap3A_82 = arith.index_cast %swap3A_81 : i32 to index
    %swap3A_83 = arith.constant 80 : index
    %swap3A_84 = tpu.vector_load %arg8[%swap3A_82, %swap3A_83] {strides = array<i32>} : memref<4x128xi32, #tpu.memory_space<vmem>>, vector<16xi32>,
    tpu.vector_store %arg8[%swap3A_82, %swap3A_83], %gather3A_80 {strides = array<i32>} : memref<4x128xi32, #tpu.memory_space<vmem>>, vector<16xi32>,
    %add3A_85 = arith.constant 96 : i32
    %add3A_86 = vector.broadcast %add3A_85 : i32 to vector<16xi32>
    %add3A_87 = arith.addi %add3A_86, %iota3A : vector<16xi32>
    %mul3A_88 = arith.constant 200 : i32
    %mul3A_89 = vector.broadcast %mul3A_88 : i32 to vector<16xi32>
    %mul3A_90 = arith.muli %add3A_87, %mul3A_89 : vector<16xi32>
    %add3A_91 = arith.constant 0 : i32
    %add3A_92 = vector.broadcast %add3A_91 : i32 to vector<16xi32>
    %add3A_93 = arith.addi %mul3A_90, %add3A_92 : vector<16xi32>
    %gather3A_94 = tpu.vector_load_idx %arg5[%add3A_93] : memref<25600xi32, #tpu.memory_space<vmem>>[vector<16xi32>], vector<16xi32>,
    %swap3A_95 = arith.constant 0 : i32
    %swap3A_96 = arith.index_cast %swap3A_95 : i32 to index
    %swap3A_97 = arith.constant 96 : index
    %swap3A_98 = tpu.vector_load %arg8[%swap3A_96, %swap3A_97] {strides = array<i32>} : memref<4x128xi32, #tpu.memory_space<vmem>>, vector<16xi32>,
    tpu.vector_store %arg8[%swap3A_96, %swap3A_97], %gather3A_94 {strides = array<i32>} : memref<4x128xi32, #tpu.memory_space<vmem>>, vector<16xi32>,
    %add3A_99 = arith.constant 112 : i32
    %add3A_100 = vector.broadcast %add3A_99 : i32 to vector<16xi32>
    %add3A_101 = arith.addi %add3A_100, %iota3A : vector<16xi32>
    %mul3A_102 = arith.constant 200 : i32
    %mul3A_103 = vector.broadcast %mul3A_102 : i32 to vector<16xi32>
    %mul3A_104 = arith.muli %add3A_101, %mul3A_103 : vector<16xi32>
    %add3A_105 = arith.constant 0 : i32
    %add3A_106 = vector.broadcast %add3A_105 : i32 to vector<16xi32>
    %add3A_107 = arith.addi %mul3A_104, %add3A_106 : vector<16xi32>
    %gather3A_108 = tpu.vector_load_idx %arg5[%add3A_107] : memref<25600xi32, #tpu.memory_space<vmem>>[vector<16xi32>], vector<16xi32>,
    %swap3A_109 = arith.constant 0 : i32
    %swap3A_110 = arith.index_cast %swap3A_109 : i32 to index
    %swap3A_111 = arith.constant 112 : index
    %swap3A_112 = tpu.vector_load %arg8[%swap3A_110, %swap3A_111] {strides = array<i32>} : memref<4x128xi32, #tpu.memory_space<vmem>>, vector<16xi32>,
    tpu.vector_store %arg8[%swap3A_110, %swap3A_111], %gather3A_108 {strides = array<i32>} : memref<4x128xi32, #tpu.memory_space<vmem>>, vector<16xi32>,
    %dma_start3A = arith.constant 0 : i32
    %dma_start3A_113 = arith.constant 0 : i32
    %dma_start3A_114 = arith.constant 0 : i32
    %dma_start3A_115 = arith.constant 0 : i32
    %dma_start3A_116 = arith.constant 0 : i32
    %dma_start3A_117 = tpu.memref_slice %arg6[%dma_start3A_113, %dma_start3A_115, %dma_start3A_116] : memref<4x128x32xf32, #tpu.memory_space<vmem>> -> memref<1x128x32xf32, #tpu.memory_space<vmem>>
    %dma_start3A_118 = tpu.memref_squeeze %dma_start3A_117 : memref<1x128x32xf32, #tpu.memory_space<vmem>> -> memref<128x32xf32, #tpu.memory_space<vmem>>
    %dma_start3A_119 = arith.constant 0 : i32
    %dma_start3A_120 = tpu.memref_slice %arg8[%dma_start3A, %dma_start3A_119] : memref<4x128xi32, #tpu.memory_space<vmem>> -> memref<1x128xi32, #tpu.memory_space<vmem>>
    %dma_start3A_121 = tpu.memref_squeeze %dma_start3A_120 : memref<1x128xi32, #tpu.memory_space<vmem>> -> memref<128xi32, #tpu.memory_space<vmem>>
    %dma_start3A_122 = arith.constant 0 : i32
    %dma_start3A_123 = arith.constant 0 : i32
    %dma_start3A_124 = tpu.memref_slice %arg3[%dma_start3A_122, %dma_start3A_123] : memref<1000000x32xf32, #tpu.memory_space<hbm>> -> memref<1000000x32xf32, #tpu.memory_space<hbm>>
    %dma_start3A_125 = tpu.memref_slice %arg9[%dma_start3A_114] : memref<4x!tpu.dma_semaphore, #tpu.memory_space<semaphore_mem>> -> memref<1x!tpu.dma_semaphore, #tpu.memory_space<semaphore_mem>>
    %dma_start3A_126 = tpu.memref_squeeze %dma_start3A_125 : memref<1x!tpu.dma_semaphore, #tpu.memory_space<semaphore_mem>> -> memref<!tpu.dma_semaphore, #tpu.memory_space<semaphore_mem>>
    tpu.enqueue_indirect_dma source(%dma_start3A_124 : memref<1000000x32xf32, #tpu.memory_space<hbm>>) target(%dma_start3A_118 : memref<128x32xf32, #tpu.memory_space<vmem>>) offsets(%dma_start3A_121 : memref<128xi32, #tpu.memory_space<vmem>>) semaphore(%dma_start3A_126 : memref<!tpu.dma_semaphore, #tpu.memory_space<semaphore_mem>>)
    %add3A_127 = arith.constant 0 : i32
    %add3A_128 = vector.broadcast %add3A_127 : i32 to vector<16xi32>
    %add3A_129 = arith.addi %add3A_128, %iota3A : vector<16xi32>
    %mul3A_130 = arith.constant 200 : i32
    %mul3A_131 = vector.broadcast %mul3A_130 : i32 to vector<16xi32>
    %mul3A_132 = arith.muli %add3A_129, %mul3A_131 : vector<16xi32>
    %add3A_133 = arith.constant 1 : i32
    %add3A_134 = vector.broadcast %add3A_133 : i32 to vector<16xi32>
    %add3A_135 = arith.addi %mul3A_132, %add3A_134 : vector<16xi32>
    %gather3A_136 = tpu.vector_load_idx %arg5[%add3A_135] : memref<25600xi32, #tpu.memory_space<vmem>>[vector<16xi32>], vector<16xi32>,
    %swap3A_137 = arith.constant 1 : i32
    %swap3A_138 = arith.index_cast %swap3A_137 : i32 to index
    %swap3A_139 = arith.constant 0 : index
    %swap3A_140 = tpu.vector_load %arg8[%swap3A_138, %swap3A_139] {strides = array<i32>} : memref<4x128xi32, #tpu.memory_space<vmem>>, vector<16xi32>,
    tpu.vector_store %arg8[%swap3A_138, %swap3A_139], %gather3A_136 {strides = array<i32>} : memref<4x128xi32, #tpu.memory_space<vmem>>, vector<16xi32>,
    %add3A_141 = arith.constant 16 : i32
    %add3A_142 = vector.broadcast %add3A_141 : i32 to vector<16xi32>
    %add3A_143 = arith.addi %add3A_142, %iota3A : vector<16xi32>
    %mul3A_144 = arith.constant 200 : i32
    %mul3A_145 = vector.broadcast %mul3A_144 : i32 to vector<16xi32>
    %mul3A_146 = arith.muli %add3A_143, %mul3A_145 : vector<16xi32>
    %add3A_147 = arith.constant 1 : i32
    %add3A_148 = vector.broadcast %add3A_147 : i32 to vector<16xi32>
    %add3A_149 = arith.addi %mul3A_146, %add3A_148 : vector<16xi32>
    %gather3A_150 = tpu.vector_load_idx %arg5[%add3A_149] : memref<25600xi32, #tpu.memory_space<vmem>>[vector<16xi32>], vector<16xi32>,
    %swap3A_151 = arith.constant 1 : i32
    %swap3A_152 = arith.index_cast %swap3A_151 : i32 to index
    %swap3A_153 = arith.constant 16 : index
    %swap3A_154 = tpu.vector_load %arg8[%swap3A_152, %swap3A_153] {strides = array<i32>} : memref<4x128xi32, #tpu.memory_space<vmem>>, vector<16xi32>,
    tpu.vector_store %arg8[%swap3A_152, %swap3A_153], %gather3A_150 {strides = array<i32>} : memref<4x128xi32, #tpu.memory_space<vmem>>, vector<16xi32>,
    %add3A_155 = arith.constant 32 : i32
    %add3A_156 = vector.broadcast %add3A_155 : i32 to vector<16xi32>
    %add3A_157 = arith.addi %add3A_156, %iota3A : vector<16xi32>
    %mul3A_158 = arith.constant 200 : i32
    %mul3A_159 = vector.broadcast %mul3A_158 : i32 to vector<16xi32>
    %mul3A_160 = arith.muli %add3A_157, %mul3A_159 : vector<16xi32>
    %add3A_161 = arith.constant 1 : i32
    %add3A_162 = vector.broadcast %add3A_161 : i32 to vector<16xi32>
    %add3A_163 = arith.addi %mul3A_160, %add3A_162 : vector<16xi32>
    %gather3A_164 = tpu.vector_load_idx %arg5[%add3A_163] : memref<25600xi32, #tpu.memory_space<vmem>>[vector<16xi32>], vector<16xi32>,
    %swap3A_165 = arith.constant 1 : i32
    %swap3A_166 = arith.index_cast %swap3A_165 : i32 to index
    %swap3A_167 = arith.constant 32 : index
    %swap3A_168 = tpu.vector_load %arg8[%swap3A_166, %swap3A_167] {strides = array<i32>} : memref<4x128xi32, #tpu.memory_space<vmem>>, vector<16xi32>,
    tpu.vector_store %arg8[%swap3A_166, %swap3A_167], %gather3A_164 {strides = array<i32>} : memref<4x128xi32, #tpu.memory_space<vmem>>, vector<16xi32>,
    %add3A_169 = arith.constant 48 : i32
    %add3A_170 = vector.broadcast %add3A_169 : i32 to vector<16xi32>
    %add3A_171 = arith.addi %add3A_170, %iota3A : vector<16xi32>
    %mul3A_172 = arith.constant 200 : i32
    %mul3A_173 = vector.broadcast %mul3A_172 : i32 to vector<16xi32>
    %mul3A_174 = arith.muli %add3A_171, %mul3A_173 : vector<16xi32>
    %add3A_175 = arith.constant 1 : i32
    %add3A_176 = vector.broadcast %add3A_175 : i32 to vector<16xi32>
    %add3A_177 = arith.addi %mul3A_174, %add3A_176 : vector<16xi32>
    %gather3A_178 = tpu.vector_load_idx %arg5[%add3A_177] : memref<25600xi32, #tpu.memory_space<vmem>>[vector<16xi32>], vector<16xi32>,
    %swap3A_179 = arith.constant 1 : i32
    %swap3A_180 = arith.index_cast %swap3A_179 : i32 to index
    %swap3A_181 = arith.constant 48 : index
    %swap3A_182 = tpu.vector_load %arg8[%swap3A_180, %swap3A_181] {strides = array<i32>} : memref<4x128xi32, #tpu.memory_space<vmem>>, vector<16xi32>,
    tpu.vector_store %arg8[%swap3A_180, %swap3A_181], %gather3A_178 {strides = array<i32>} : memref<4x128xi32, #tpu.memory_space<vmem>>, vector<16xi32>,
    %add3A_183 = arith.constant 64 : i32
    %add3A_184 = vector.broadcast %add3A_183 : i32 to vector<16xi32>
    %add3A_185 = arith.addi %add3A_184, %iota3A : vector<16xi32>
    %mul3A_186 = arith.constant 200 : i32
    %mul3A_187 = vector.broadcast %mul3A_186 : i32 to vector<16xi32>
    %mul3A_188 = arith.muli %add3A_185, %mul3A_187 : vector<16xi32>
    %add3A_189 = arith.constant 1 : i32
    %add3A_190 = vector.broadcast %add3A_189 : i32 to vector<16xi32>
    %add3A_191 = arith.addi %mul3A_188, %add3A_190 : vector<16xi32>
    %gather3A_192 = tpu.vector_load_idx %arg5[%add3A_191] : memref<25600xi32, #tpu.memory_space<vmem>>[vector<16xi32>], vector<16xi32>,
    %swap3A_193 = arith.constant 1 : i32
    %swap3A_194 = arith.index_cast %swap3A_193 : i32 to index
    %swap3A_195 = arith.constant 64 : index
    %swap3A_196 = tpu.vector_load %arg8[%swap3A_194, %swap3A_195] {strides = array<i32>} : memref<4x128xi32, #tpu.memory_space<vmem>>, vector<16xi32>,
    tpu.vector_store %arg8[%swap3A_194, %swap3A_195], %gather3A_192 {strides = array<i32>} : memref<4x128xi32, #tpu.memory_space<vmem>>, vector<16xi32>,
    %add3A_197 = arith.constant 80 : i32
    %add3A_198 = vector.broadcast %add3A_197 : i32 to vector<16xi32>
    %add3A_199 = arith.addi %add3A_198, %iota3A : vector<16xi32>
    %mul3A_200 = arith.constant 200 : i32
    %mul3A_201 = vector.broadcast %mul3A_200 : i32 to vector<16xi32>
    %mul3A_202 = arith.muli %add3A_199, %mul3A_201 : vector<16xi32>
    %add3A_203 = arith.constant 1 : i32
    %add3A_204 = vector.broadcast %add3A_203 : i32 to vector<16xi32>
    %add3A_205 = arith.addi %mul3A_202, %add3A_204 : vector<16xi32>
    %gather3A_206 = tpu.vector_load_idx %arg5[%add3A_205] : memref<25600xi32, #tpu.memory_space<vmem>>[vector<16xi32>], vector<16xi32>,
    %swap3A_207 = arith.constant 1 : i32
    %swap3A_208 = arith.index_cast %swap3A_207 : i32 to index
    %swap3A_209 = arith.constant 80 : index
    %swap3A_210 = tpu.vector_load %arg8[%swap3A_208, %swap3A_209] {strides = array<i32>} : memref<4x128xi32, #tpu.memory_space<vmem>>, vector<16xi32>,
    tpu.vector_store %arg8[%swap3A_208, %swap3A_209], %gather3A_206 {strides = array<i32>} : memref<4x128xi32, #tpu.memory_space<vmem>>, vector<16xi32>,
    %add3A_211 = arith.constant 96 : i32
    %add3A_212 = vector.broadcast %add3A_211 : i32 to vector<16xi32>
    %add3A_213 = arith.addi %add3A_212, %iota3A : vector<16xi32>
    %mul3A_214 = arith.constant 200 : i32
    %mul3A_215 = vector.broadcast %mul3A_214 : i32 to vector<16xi32>
    %mul3A_216 = arith.muli %add3A_213, %mul3A_215 : vector<16xi32>
    %add3A_217 = arith.constant 1 : i32
    %add3A_218 = vector.broadcast %add3A_217 : i32 to vector<16xi32>
    %add3A_219 = arith.addi %mul3A_216, %add3A_218 : vector<16xi32>
    %gather3A_220 = tpu.vector_load_idx %arg5[%add3A_219] : memref<25600xi32, #tpu.memory_space<vmem>>[vector<16xi32>], vector<16xi32>,
    %swap3A_221 = arith.constant 1 : i32
    %swap3A_222 = arith.index_cast %swap3A_221 : i32 to index
    %swap3A_223 = arith.constant 96 : index
    %swap3A_224 = tpu.vector_load %arg8[%swap3A_222, %swap3A_223] {strides = array<i32>} : memref<4x128xi32, #tpu.memory_space<vmem>>, vector<16xi32>,
    tpu.vector_store %arg8[%swap3A_222, %swap3A_223], %gather3A_220 {strides = array<i32>} : memref<4x128xi32, #tpu.memory_space<vmem>>, vector<16xi32>,
    %add3A_225 = arith.constant 112 : i32
    %add3A_226 = vector.broadcast %add3A_225 : i32 to vector<16xi32>
    %add3A_227 = arith.addi %add3A_226, %iota3A : vector<16xi32>
    %mul3A_228 = arith.constant 200 : i32
    %mul3A_229 = vector.broadcast %mul3A_228 : i32 to vector<16xi32>
    %mul3A_230 = arith.muli %add3A_227, %mul3A_229 : vector<16xi32>
    %add3A_231 = arith.constant 1 : i32
    %add3A_232 = vector.broadcast %add3A_231 : i32 to vector<16xi32>
    %add3A_233 = arith.addi %mul3A_230, %add3A_232 : vector<16xi32>
    %gather3A_234 = tpu.vector_load_idx %arg5[%add3A_233] : memref<25600xi32, #tpu.memory_space<vmem>>[vector<16xi32>], vector<16xi32>,
    %swap3A_235 = arith.constant 1 : i32
    %swap3A_236 = arith.index_cast %swap3A_235 : i32 to index
    %swap3A_237 = arith.constant 112 : index
    %swap3A_238 = tpu.vector_load %arg8[%swap3A_236, %swap3A_237] {strides = array<i32>} : memref<4x128xi32, #tpu.memory_space<vmem>>, vector<16xi32>,
    tpu.vector_store %arg8[%swap3A_236, %swap3A_237], %gather3A_234 {strides = array<i32>} : memref<4x128xi32, #tpu.memory_space<vmem>>, vector<16xi32>,
    %dma_start3A_239 = arith.constant 1 : i32
    %dma_start3A_240 = arith.constant 1 : i32
    %dma_start3A_241 = arith.constant 1 : i32
    %dma_start3A_242 = arith.constant 0 : i32
    %dma_start3A_243 = arith.constant 0 : i32
    %dma_start3A_244 = tpu.memref_slice %arg6[%dma_start3A_240, %dma_start3A_242, %dma_start3A_243] : memref<4x128x32xf32, #tpu.memory_space<vmem>> -> memref<1x128x32xf32, #tpu.memory_space<vmem>>
    %dma_start3A_245 = tpu.memref_squeeze %dma_start3A_244 : memref<1x128x32xf32, #tpu.memory_space<vmem>> -> memref<128x32xf32, #tpu.memory_space<vmem>>
    %dma_start3A_246 = arith.constant 0 : i32
    %dma_start3A_247 = tpu.memref_slice %arg8[%dma_start3A_239, %dma_start3A_246] : memref<4x128xi32, #tpu.memory_space<vmem>> -> memref<1x128xi32, #tpu.memory_space<vmem>>
    %dma_start3A_248 = tpu.memref_squeeze %dma_start3A_247 : memref<1x128xi32, #tpu.memory_space<vmem>> -> memref<128xi32, #tpu.memory_space<vmem>>
    %dma_start3A_249 = arith.constant 0 : i32
    %dma_start3A_250 = arith.constant 0 : i32
    %dma_start3A_251 = tpu.memref_slice %arg3[%dma_start3A_249, %dma_start3A_250] : memref<1000000x32xf32, #tpu.memory_space<hbm>> -> memref<1000000x32xf32, #tpu.memory_space<hbm>>
    %dma_start3A_252 = tpu.memref_slice %arg9[%dma_start3A_241] : memref<4x!tpu.dma_semaphore, #tpu.memory_space<semaphore_mem>> -> memref<1x!tpu.dma_semaphore, #tpu.memory_space<semaphore_mem>>
    %dma_start3A_253 = tpu.memref_squeeze %dma_start3A_252 : memref<1x!tpu.dma_semaphore, #tpu.memory_space<semaphore_mem>> -> memref<!tpu.dma_semaphore, #tpu.memory_space<semaphore_mem>>
    tpu.enqueue_indirect_dma source(%dma_start3A_251 : memref<1000000x32xf32, #tpu.memory_space<hbm>>) target(%dma_start3A_245 : memref<128x32xf32, #tpu.memory_space<vmem>>) offsets(%dma_start3A_248 : memref<128xi32, #tpu.memory_space<vmem>>) semaphore(%dma_start3A_253 : memref<!tpu.dma_semaphore, #tpu.memory_space<semaphore_mem>>)
    %add3A_254 = arith.constant 0 : i32
    %add3A_255 = vector.broadcast %add3A_254 : i32 to vector<16xi32>
    %add3A_256 = arith.addi %add3A_255, %iota3A : vector<16xi32>
    %mul3A_257 = arith.constant 200 : i32
    %mul3A_258 = vector.broadcast %mul3A_257 : i32 to vector<16xi32>
    %mul3A_259 = arith.muli %add3A_256, %mul3A_258 : vector<16xi32>
    %add3A_260 = arith.constant 2 : i32
    %add3A_261 = vector.broadcast %add3A_260 : i32 to vector<16xi32>
    %add3A_262 = arith.addi %mul3A_259, %add3A_261 : vector<16xi32>
    %gather3A_263 = tpu.vector_load_idx %arg5[%add3A_262] : memref<25600xi32, #tpu.memory_space<vmem>>[vector<16xi32>], vector<16xi32>,
    %swap3A_264 = arith.constant 2 : i32
    %swap3A_265 = arith.index_cast %swap3A_264 : i32 to index
    %swap3A_266 = arith.constant 0 : index
    %swap3A_267 = tpu.vector_load %arg8[%swap3A_265, %swap3A_266] {strides = array<i32>} : memref<4x128xi32, #tpu.memory_space<vmem>>, vector<16xi32>,
    tpu.vector_store %arg8[%swap3A_265, %swap3A_266], %gather3A_263 {strides = array<i32>} : memref<4x128xi32, #tpu.memory_space<vmem>>, vector<16xi32>,
    %add3A_268 = arith.constant 16 : i32
    %add3A_269 = vector.broadcast %add3A_268 : i32 to vector<16xi32>
    %add3A_270 = arith.addi %add3A_269, %iota3A : vector<16xi32>
    %mul3A_271 = arith.constant 200 : i32
    %mul3A_272 = vector.broadcast %mul3A_271 : i32 to vector<16xi32>
    %mul3A_273 = arith.muli %add3A_270, %mul3A_272 : vector<16xi32>
    %add3A_274 = arith.constant 2 : i32
    %add3A_275 = vector.broadcast %add3A_274 : i32 to vector<16xi32>
    %add3A_276 = arith.addi %mul3A_273, %add3A_275 : vector<16xi32>
    %gather3A_277 = tpu.vector_load_idx %arg5[%add3A_276] : memref<25600xi32, #tpu.memory_space<vmem>>[vector<16xi32>], vector<16xi32>,
    %swap3A_278 = arith.constant 2 : i32
    %swap3A_279 = arith.index_cast %swap3A_278 : i32 to index
    %swap3A_280 = arith.constant 16 : index
    %swap3A_281 = tpu.vector_load %arg8[%swap3A_279, %swap3A_280] {strides = array<i32>} : memref<4x128xi32, #tpu.memory_space<vmem>>, vector<16xi32>,
    tpu.vector_store %arg8[%swap3A_279, %swap3A_280], %gather3A_277 {strides = array<i32>} : memref<4x128xi32, #tpu.memory_space<vmem>>, vector<16xi32>,
    %add3A_282 = arith.constant 32 : i32
    %add3A_283 = vector.broadcast %add3A_282 : i32 to vector<16xi32>
    %add3A_284 = arith.addi %add3A_283, %iota3A : vector<16xi32>
    %mul3A_285 = arith.constant 200 : i32
    %mul3A_286 = vector.broadcast %mul3A_285 : i32 to vector<16xi32>
    %mul3A_287 = arith.muli %add3A_284, %mul3A_286 : vector<16xi32>
    %add3A_288 = arith.constant 2 : i32
    %add3A_289 = vector.broadcast %add3A_288 : i32 to vector<16xi32>
    %add3A_290 = arith.addi %mul3A_287, %add3A_289 : vector<16xi32>
    %gather3A_291 = tpu.vector_load_idx %arg5[%add3A_290] : memref<25600xi32, #tpu.memory_space<vmem>>[vector<16xi32>], vector<16xi32>,
    %swap3A_292 = arith.constant 2 : i32
    %swap3A_293 = arith.index_cast %swap3A_292 : i32 to index
    %swap3A_294 = arith.constant 32 : index
    %swap3A_295 = tpu.vector_load %arg8[%swap3A_293, %swap3A_294] {strides = array<i32>} : memref<4x128xi32, #tpu.memory_space<vmem>>, vector<16xi32>,
    tpu.vector_store %arg8[%swap3A_293, %swap3A_294], %gather3A_291 {strides = array<i32>} : memref<4x128xi32, #tpu.memory_space<vmem>>, vector<16xi32>,
    %add3A_296 = arith.constant 48 : i32
    %add3A_297 = vector.broadcast %add3A_296 : i32 to vector<16xi32>
    %add3A_298 = arith.addi %add3A_297, %iota3A : vector<16xi32>
    %mul3A_299 = arith.constant 200 : i32
    %mul3A_300 = vector.broadcast %mul3A_299 : i32 to vector<16xi32>
    %mul3A_301 = arith.muli %add3A_298, %mul3A_300 : vector<16xi32>
    %add3A_302 = arith.constant 2 : i32
    %add3A_303 = vector.broadcast %add3A_302 : i32 to vector<16xi32>
    %add3A_304 = arith.addi %mul3A_301, %add3A_303 : vector<16xi32>
    %gather3A_305 = tpu.vector_load_idx %arg5[%add3A_304] : memref<25600xi32, #tpu.memory_space<vmem>>[vector<16xi32>], vector<16xi32>,
    %swap3A_306 = arith.constant 2 : i32
    %swap3A_307 = arith.index_cast %swap3A_306 : i32 to index
    %swap3A_308 = arith.constant 48 : index
    %swap3A_309 = tpu.vector_load %arg8[%swap3A_307, %swap3A_308] {strides = array<i32>} : memref<4x128xi32, #tpu.memory_space<vmem>>, vector<16xi32>,
    tpu.vector_store %arg8[%swap3A_307, %swap3A_308], %gather3A_305 {strides = array<i32>} : memref<4x128xi32, #tpu.memory_space<vmem>>, vector<16xi32>,
    %add3A_310 = arith.constant 64 : i32
    %add3A_311 = vector.broadcast %add3A_310 : i32 to vector<16xi32>
    %add3A_312 = arith.addi %add3A_311, %iota3A : vector<16xi32>
    %mul3A_313 = arith.constant 200 : i32
    %mul3A_314 = vector.broadcast %mul3A_313 : i32 to vector<16xi32>
    %mul3A_315 = arith.muli %add3A_312, %mul3A_314 : vector<16xi32>
    %add3A_316 = arith.constant 2 : i32
    %add3A_317 = vector.broadcast %add3A_316 : i32 to vector<16xi32>
    %add3A_318 = arith.addi %mul3A_315, %add3A_317 : vector<16xi32>
    %gather3A_319 = tpu.vector_load_idx %arg5[%add3A_318] : memref<25600xi32, #tpu.memory_space<vmem>>[vector<16xi32>], vector<16xi32>,
    %swap3A_320 = arith.constant 2 : i32
    %swap3A_321 = arith.index_cast %swap3A_320 : i32 to index
    %swap3A_322 = arith.constant 64 : index
    %swap3A_323 = tpu.vector_load %arg8[%swap3A_321, %swap3A_322] {strides = array<i32>} : memref<4x128xi32, #tpu.memory_space<vmem>>, vector<16xi32>,
    tpu.vector_store %arg8[%swap3A_321, %swap3A_322], %gather3A_319 {strides = array<i32>} : memref<4x128xi32, #tpu.memory_space<vmem>>, vector<16xi32>,
    %add3A_324 = arith.constant 80 : i32
    %add3A_325 = vector.broadcast %add3A_324 : i32 to vector<16xi32>
    %add3A_326 = arith.addi %add3A_325, %iota3A : vector<16xi32>
    %mul3A_327 = arith.constant 200 : i32
    %mul3A_328 = vector.broadcast %mul3A_327 : i32 to vector<16xi32>
    %mul3A_329 = arith.muli %add3A_326, %mul3A_328 : vector<16xi32>
    %add3A_330 = arith.constant 2 : i32
    %add3A_331 = vector.broadcast %add3A_330 : i32 to vector<16xi32>
    %add3A_332 = arith.addi %mul3A_329, %add3A_331 : vector<16xi32>
    %gather3A_333 = tpu.vector_load_idx %arg5[%add3A_332] : memref<25600xi32, #tpu.memory_space<vmem>>[vector<16xi32>], vector<16xi32>,
    %swap3A_334 = arith.constant 2 : i32
    %swap3A_335 = arith.index_cast %swap3A_334 : i32 to index
    %swap3A_336 = arith.constant 80 : index
    %swap3A_337 = tpu.vector_load %arg8[%swap3A_335, %swap3A_336] {strides = array<i32>} : memref<4x128xi32, #tpu.memory_space<vmem>>, vector<16xi32>,
    tpu.vector_store %arg8[%swap3A_335, %swap3A_336], %gather3A_333 {strides = array<i32>} : memref<4x128xi32, #tpu.memory_space<vmem>>, vector<16xi32>,
    %add3A_338 = arith.constant 96 : i32
    %add3A_339 = vector.broadcast %add3A_338 : i32 to vector<16xi32>
    %add3A_340 = arith.addi %add3A_339, %iota3A : vector<16xi32>
    %mul3A_341 = arith.constant 200 : i32
    %mul3A_342 = vector.broadcast %mul3A_341 : i32 to vector<16xi32>
    %mul3A_343 = arith.muli %add3A_340, %mul3A_342 : vector<16xi32>
    %add3A_344 = arith.constant 2 : i32
    %add3A_345 = vector.broadcast %add3A_344 : i32 to vector<16xi32>
    %add3A_346 = arith.addi %mul3A_343, %add3A_345 : vector<16xi32>
    %gather3A_347 = tpu.vector_load_idx %arg5[%add3A_346] : memref<25600xi32, #tpu.memory_space<vmem>>[vector<16xi32>], vector<16xi32>,
    %swap3A_348 = arith.constant 2 : i32
    %swap3A_349 = arith.index_cast %swap3A_348 : i32 to index
    %swap3A_350 = arith.constant 96 : index
    %swap3A_351 = tpu.vector_load %arg8[%swap3A_349, %swap3A_350] {strides = array<i32>} : memref<4x128xi32, #tpu.memory_space<vmem>>, vector<16xi32>,
    tpu.vector_store %arg8[%swap3A_349, %swap3A_350], %gather3A_347 {strides = array<i32>} : memref<4x128xi32, #tpu.memory_space<vmem>>, vector<16xi32>,
    %add3A_352 = arith.constant 112 : i32
    %add3A_353 = vector.broadcast %add3A_352 : i32 to vector<16xi32>
    %add3A_354 = arith.addi %add3A_353, %iota3A : vector<16xi32>
    %mul3A_355 = arith.constant 200 : i32
    %mul3A_356 = vector.broadcast %mul3A_355 : i32 to vector<16xi32>
    %mul3A_357 = arith.muli %add3A_354, %mul3A_356 : vector<16xi32>
    %add3A_358 = arith.constant 2 : i32
    %add3A_359 = vector.broadcast %add3A_358 : i32 to vector<16xi32>
    %add3A_360 = arith.addi %mul3A_357, %add3A_359 : vector<16xi32>
    %gather3A_361 = tpu.vector_load_idx %arg5[%add3A_360] : memref<25600xi32, #tpu.memory_space<vmem>>[vector<16xi32>], vector<16xi32>,
    %swap3A_362 = arith.constant 2 : i32
    %swap3A_363 = arith.index_cast %swap3A_362 : i32 to index
    %swap3A_364 = arith.constant 112 : index
    %swap3A_365 = tpu.vector_load %arg8[%swap3A_363, %swap3A_364] {strides = array<i32>} : memref<4x128xi32, #tpu.memory_space<vmem>>, vector<16xi32>,
    tpu.vector_store %arg8[%swap3A_363, %swap3A_364], %gather3A_361 {strides = array<i32>} : memref<4x128xi32, #tpu.memory_space<vmem>>, vector<16xi32>,
    %dma_start3A_366 = arith.constant 2 : i32
    %dma_start3A_367 = arith.constant 2 : i32
    %dma_start3A_368 = arith.constant 2 : i32
    %dma_start3A_369 = arith.constant 0 : i32
    %dma_start3A_370 = arith.constant 0 : i32
    %dma_start3A_371 = tpu.memref_slice %arg6[%dma_start3A_367, %dma_start3A_369, %dma_start3A_370] : memref<4x128x32xf32, #tpu.memory_space<vmem>> -> memref<1x128x32xf32, #tpu.memory_space<vmem>>
    %dma_start3A_372 = tpu.memref_squeeze %dma_start3A_371 : memref<1x128x32xf32, #tpu.memory_space<vmem>> -> memref<128x32xf32, #tpu.memory_space<vmem>>
    %dma_start3A_373 = arith.constant 0 : i32
    %dma_start3A_374 = tpu.memref_slice %arg8[%dma_start3A_366, %dma_start3A_373] : memref<4x128xi32, #tpu.memory_space<vmem>> -> memref<1x128xi32, #tpu.memory_space<vmem>>
    %dma_start3A_375 = tpu.memref_squeeze %dma_start3A_374 : memref<1x128xi32, #tpu.memory_space<vmem>> -> memref<128xi32, #tpu.memory_space<vmem>>
    %dma_start3A_376 = arith.constant 0 : i32
    %dma_start3A_377 = arith.constant 0 : i32
    %dma_start3A_378 = tpu.memref_slice %arg3[%dma_start3A_376, %dma_start3A_377] : memref<1000000x32xf32, #tpu.memory_space<hbm>> -> memref<1000000x32xf32, #tpu.memory_space<hbm>>
    %dma_start3A_379 = tpu.memref_slice %arg9[%dma_start3A_368] : memref<4x!tpu.dma_semaphore, #tpu.memory_space<semaphore_mem>> -> memref<1x!tpu.dma_semaphore, #tpu.memory_space<semaphore_mem>>
    %dma_start3A_380 = tpu.memref_squeeze %dma_start3A_379 : memref<1x!tpu.dma_semaphore, #tpu.memory_space<semaphore_mem>> -> memref<!tpu.dma_semaphore, #tpu.memory_space<semaphore_mem>>
    tpu.enqueue_indirect_dma source(%dma_start3A_378 : memref<1000000x32xf32, #tpu.memory_space<hbm>>) target(%dma_start3A_372 : memref<128x32xf32, #tpu.memory_space<vmem>>) offsets(%dma_start3A_375 : memref<128xi32, #tpu.memory_space<vmem>>) semaphore(%dma_start3A_380 : memref<!tpu.dma_semaphore, #tpu.memory_space<semaphore_mem>>)
    %add3A_381 = arith.constant 0 : i32
    %add3A_382 = vector.broadcast %add3A_381 : i32 to vector<16xi32>
    %add3A_383 = arith.addi %add3A_382, %iota3A : vector<16xi32>
    %mul3A_384 = arith.constant 200 : i32
    %mul3A_385 = vector.broadcast %mul3A_384 : i32 to vector<16xi32>
    %mul3A_386 = arith.muli %add3A_383, %mul3A_385 : vector<16xi32>
    %add3A_387 = arith.constant 3 : i32
    %add3A_388 = vector.broadcast %add3A_387 : i32 to vector<16xi32>
    %add3A_389 = arith.addi %mul3A_386, %add3A_388 : vector<16xi32>
    %gather3A_390 = tpu.vector_load_idx %arg5[%add3A_389] : memref<25600xi32, #tpu.memory_space<vmem>>[vector<16xi32>], vector<16xi32>,
    %swap3A_391 = arith.constant 3 : i32
    %swap3A_392 = arith.index_cast %swap3A_391 : i32 to index
    %swap3A_393 = arith.constant 0 : index
    %swap3A_394 = tpu.vector_load %arg8[%swap3A_392, %swap3A_393] {strides = array<i32>} : memref<4x128xi32, #tpu.memory_space<vmem>>, vector<16xi32>,
    tpu.vector_store %arg8[%swap3A_392, %swap3A_393], %gather3A_390 {strides = array<i32>} : memref<4x128xi32, #tpu.memory_space<vmem>>, vector<16xi32>,
    %add3A_395 = arith.constant 16 : i32
    %add3A_396 = vector.broadcast %add3A_395 : i32 to vector<16xi32>
    %add3A_397 = arith.addi %add3A_396, %iota3A : vector<16xi32>
    %mul3A_398 = arith.constant 200 : i32
    %mul3A_399 = vector.broadcast %mul3A_398 : i32 to vector<16xi32>
    %mul3A_400 = arith.muli %add3A_397, %mul3A_399 : vector<16xi32>
    %add3A_401 = arith.constant 3 : i32
    %add3A_402 = vector.broadcast %add3A_401 : i32 to vector<16xi32>
    %add3A_403 = arith.addi %mul3A_400, %add3A_402 : vector<16xi32>
    %gather3A_404 = tpu.vector_load_idx %arg5[%add3A_403] : memref<25600xi32, #tpu.memory_space<vmem>>[vector<16xi32>], vector<16xi32>,
    %swap3A_405 = arith.constant 3 : i32
    %swap3A_406 = arith.index_cast %swap3A_405 : i32 to index
    %swap3A_407 = arith.constant 16 : index
    %swap3A_408 = tpu.vector_load %arg8[%swap3A_406, %swap3A_407] {strides = array<i32>} : memref<4x128xi32, #tpu.memory_space<vmem>>, vector<16xi32>,
    tpu.vector_store %arg8[%swap3A_406, %swap3A_407], %gather3A_404 {strides = array<i32>} : memref<4x128xi32, #tpu.memory_space<vmem>>, vector<16xi32>,
    %add3A_409 = arith.constant 32 : i32
    %add3A_410 = vector.broadcast %add3A_409 : i32 to vector<16xi32>
    %add3A_411 = arith.addi %add3A_410, %iota3A : vector<16xi32>
    %mul3A_412 = arith.constant 200 : i32
    %mul3A_413 = vector.broadcast %mul3A_412 : i32 to vector<16xi32>
    %mul3A_414 = arith.muli %add3A_411, %mul3A_413 : vector<16xi32>
    %add3A_415 = arith.constant 3 : i32
    %add3A_416 = vector.broadcast %add3A_415 : i32 to vector<16xi32>
    %add3A_417 = arith.addi %mul3A_414, %add3A_416 : vector<16xi32>
    %gather3A_418 = tpu.vector_load_idx %arg5[%add3A_417] : memref<25600xi32, #tpu.memory_space<vmem>>[vector<16xi32>], vector<16xi32>,
    %swap3A_419 = arith.constant 3 : i32
    %swap3A_420 = arith.index_cast %swap3A_419 : i32 to index
    %swap3A_421 = arith.constant 32 : index
    %swap3A_422 = tpu.vector_load %arg8[%swap3A_420, %swap3A_421] {strides = array<i32>} : memref<4x128xi32, #tpu.memory_space<vmem>>, vector<16xi32>,
    tpu.vector_store %arg8[%swap3A_420, %swap3A_421], %gather3A_418 {strides = array<i32>} : memref<4x128xi32, #tpu.memory_space<vmem>>, vector<16xi32>,
    %add3A_423 = arith.constant 48 : i32
    %add3A_424 = vector.broadcast %add3A_423 : i32 to vector<16xi32>
    %add3A_425 = arith.addi %add3A_424, %iota3A : vector<16xi32>
    %mul3A_426 = arith.constant 200 : i32
    %mul3A_427 = vector.broadcast %mul3A_426 : i32 to vector<16xi32>
    %mul3A_428 = arith.muli %add3A_425, %mul3A_427 : vector<16xi32>
    %add3A_429 = arith.constant 3 : i32
    %add3A_430 = vector.broadcast %add3A_429 : i32 to vector<16xi32>
    %add3A_431 = arith.addi %mul3A_428, %add3A_430 : vector<16xi32>
    %gather3A_432 = tpu.vector_load_idx %arg5[%add3A_431] : memref<25600xi32, #tpu.memory_space<vmem>>[vector<16xi32>], vector<16xi32>,
    %swap3A_433 = arith.constant 3 : i32
    %swap3A_434 = arith.index_cast %swap3A_433 : i32 to index
    %swap3A_435 = arith.constant 48 : index
    %swap3A_436 = tpu.vector_load %arg8[%swap3A_434, %swap3A_435] {strides = array<i32>} : memref<4x128xi32, #tpu.memory_space<vmem>>, vector<16xi32>,
    tpu.vector_store %arg8[%swap3A_434, %swap3A_435], %gather3A_432 {strides = array<i32>} : memref<4x128xi32, #tpu.memory_space<vmem>>, vector<16xi32>,
    %add3A_437 = arith.constant 64 : i32
    %add3A_438 = vector.broadcast %add3A_437 : i32 to vector<16xi32>
    %add3A_439 = arith.addi %add3A_438, %iota3A : vector<16xi32>
    %mul3A_440 = arith.constant 200 : i32
    %mul3A_441 = vector.broadcast %mul3A_440 : i32 to vector<16xi32>
    %mul3A_442 = arith.muli %add3A_439, %mul3A_441 : vector<16xi32>
    %add3A_443 = arith.constant 3 : i32
    %add3A_444 = vector.broadcast %add3A_443 : i32 to vector<16xi32>
    %add3A_445 = arith.addi %mul3A_442, %add3A_444 : vector<16xi32>
    %gather3A_446 = tpu.vector_load_idx %arg5[%add3A_445] : memref<25600xi32, #tpu.memory_space<vmem>>[vector<16xi32>], vector<16xi32>,
    %swap3A_447 = arith.constant 3 : i32
    %swap3A_448 = arith.index_cast %swap3A_447 : i32 to index
    %swap3A_449 = arith.constant 64 : index
    %swap3A_450 = tpu.vector_load %arg8[%swap3A_448, %swap3A_449] {strides = array<i32>} : memref<4x128xi32, #tpu.memory_space<vmem>>, vector<16xi32>,
    tpu.vector_store %arg8[%swap3A_448, %swap3A_449], %gather3A_446 {strides = array<i32>} : memref<4x128xi32, #tpu.memory_space<vmem>>, vector<16xi32>,
    %add3A_451 = arith.constant 80 : i32
    %add3A_452 = vector.broadcast %add3A_451 : i32 to vector<16xi32>
    %add3A_453 = arith.addi %add3A_452, %iota3A : vector<16xi32>
    %mul3A_454 = arith.constant 200 : i32
    %mul3A_455 = vector.broadcast %mul3A_454 : i32 to vector<16xi32>
    %mul3A_456 = arith.muli %add3A_453, %mul3A_455 : vector<16xi32>
    %add3A_457 = arith.constant 3 : i32
    %add3A_458 = vector.broadcast %add3A_457 : i32 to vector<16xi32>
    %add3A_459 = arith.addi %mul3A_456, %add3A_458 : vector<16xi32>
    %gather3A_460 = tpu.vector_load_idx %arg5[%add3A_459] : memref<25600xi32, #tpu.memory_space<vmem>>[vector<16xi32>], vector<16xi32>,
    %swap3A_461 = arith.constant 3 : i32
    %swap3A_462 = arith.index_cast %swap3A_461 : i32 to index
    %swap3A_463 = arith.constant 80 : index
    %swap3A_464 = tpu.vector_load %arg8[%swap3A_462, %swap3A_463] {strides = array<i32>} : memref<4x128xi32, #tpu.memory_space<vmem>>, vector<16xi32>,
    tpu.vector_store %arg8[%swap3A_462, %swap3A_463], %gather3A_460 {strides = array<i32>} : memref<4x128xi32, #tpu.memory_space<vmem>>, vector<16xi32>,
    %add3A_465 = arith.constant 96 : i32
    %add3A_466 = vector.broadcast %add3A_465 : i32 to vector<16xi32>
    %add3A_467 = arith.addi %add3A_466, %iota3A : vector<16xi32>
    %mul3A_468 = arith.constant 200 : i32
    %mul3A_469 = vector.broadcast %mul3A_468 : i32 to vector<16xi32>
    %mul3A_470 = arith.muli %add3A_467, %mul3A_469 : vector<16xi32>
    %add3A_471 = arith.constant 3 : i32
    %add3A_472 = vector.broadcast %add3A_471 : i32 to vector<16xi32>
    %add3A_473 = arith.addi %mul3A_470, %add3A_472 : vector<16xi32>
    %gather3A_474 = tpu.vector_load_idx %arg5[%add3A_473] : memref<25600xi32, #tpu.memory_space<vmem>>[vector<16xi32>], vector<16xi32>,
    %swap3A_475 = arith.constant 3 : i32
    %swap3A_476 = arith.index_cast %swap3A_475 : i32 to index
    %swap3A_477 = arith.constant 96 : index
    %swap3A_478 = tpu.vector_load %arg8[%swap3A_476, %swap3A_477] {strides = array<i32>} : memref<4x128xi32, #tpu.memory_space<vmem>>, vector<16xi32>,
    tpu.vector_store %arg8[%swap3A_476, %swap3A_477], %gather3A_474 {strides = array<i32>} : memref<4x128xi32, #tpu.memory_space<vmem>>, vector<16xi32>,
    %add3A_479 = arith.constant 112 : i32
    %add3A_480 = vector.broadcast %add3A_479 : i32 to vector<16xi32>
    %add3A_481 = arith.addi %add3A_480, %iota3A : vector<16xi32>
    %mul3A_482 = arith.constant 200 : i32
    %mul3A_483 = vector.broadcast %mul3A_482 : i32 to vector<16xi32>
    %mul3A_484 = arith.muli %add3A_481, %mul3A_483 : vector<16xi32>
    %add3A_485 = arith.constant 3 : i32
    %add3A_486 = vector.broadcast %add3A_485 : i32 to vector<16xi32>
    %add3A_487 = arith.addi %mul3A_484, %add3A_486 : vector<16xi32>
    %gather3A_488 = tpu.vector_load_idx %arg5[%add3A_487] : memref<25600xi32, #tpu.memory_space<vmem>>[vector<16xi32>], vector<16xi32>,
    %swap3A_489 = arith.constant 3 : i32
    %swap3A_490 = arith.index_cast %swap3A_489 : i32 to index
    %swap3A_491 = arith.constant 112 : index
    %swap3A_492 = tpu.vector_load %arg8[%swap3A_490, %swap3A_491] {strides = array<i32>} : memref<4x128xi32, #tpu.memory_space<vmem>>, vector<16xi32>,
    tpu.vector_store %arg8[%swap3A_490, %swap3A_491], %gather3A_488 {strides = array<i32>} : memref<4x128xi32, #tpu.memory_space<vmem>>, vector<16xi32>,
    %dma_start3A_493 = arith.constant 3 : i32
    %dma_start3A_494 = arith.constant 3 : i32
    %dma_start3A_495 = arith.constant 3 : i32
    %dma_start3A_496 = arith.constant 0 : i32
    %dma_start3A_497 = arith.constant 0 : i32
    %dma_start3A_498 = tpu.memref_slice %arg6[%dma_start3A_494, %dma_start3A_496, %dma_start3A_497] : memref<4x128x32xf32, #tpu.memory_space<vmem>> -> memref<1x128x32xf32, #tpu.memory_space<vmem>>
    %dma_start3A_499 = tpu.memref_squeeze %dma_start3A_498 : memref<1x128x32xf32, #tpu.memory_space<vmem>> -> memref<128x32xf32, #tpu.memory_space<vmem>>
    %dma_start3A_500 = arith.constant 0 : i32
    %dma_start3A_501 = tpu.memref_slice %arg8[%dma_start3A_493, %dma_start3A_500] : memref<4x128xi32, #tpu.memory_space<vmem>> -> memref<1x128xi32, #tpu.memory_space<vmem>>
    %dma_start3A_502 = tpu.memref_squeeze %dma_start3A_501 : memref<1x128xi32, #tpu.memory_space<vmem>> -> memref<128xi32, #tpu.memory_space<vmem>>
    %dma_start3A_503 = arith.constant 0 : i32
    %dma_start3A_504 = arith.constant 0 : i32
    %dma_start3A_505 = tpu.memref_slice %arg3[%dma_start3A_503, %dma_start3A_504] : memref<1000000x32xf32, #tpu.memory_space<hbm>> -> memref<1000000x32xf32, #tpu.memory_space<hbm>>
    %dma_start3A_506 = tpu.memref_slice %arg9[%dma_start3A_495] : memref<4x!tpu.dma_semaphore, #tpu.memory_space<semaphore_mem>> -> memref<1x!tpu.dma_semaphore, #tpu.memory_space<semaphore_mem>>
    %dma_start3A_507 = tpu.memref_squeeze %dma_start3A_506 : memref<1x!tpu.dma_semaphore, #tpu.memory_space<semaphore_mem>> -> memref<!tpu.dma_semaphore, #tpu.memory_space<semaphore_mem>>
    tpu.enqueue_indirect_dma source(%dma_start3A_505 : memref<1000000x32xf32, #tpu.memory_space<hbm>>) target(%dma_start3A_499 : memref<128x32xf32, #tpu.memory_space<vmem>>) offsets(%dma_start3A_502 : memref<128xi32, #tpu.memory_space<vmem>>) semaphore(%dma_start3A_507 : memref<!tpu.dma_semaphore, #tpu.memory_space<semaphore_mem>>)
    %scan3A = arith.constant 0 : i32
    %scan3A_508 = arith.constant 1 : i32
    %scan3A_509 = arith.constant 49 : i32
    %scan3A_510 = arith.addi %scan3A_508, %scan3A_509 : i32
    %scan3A_511 = arith.constant 1 : i32
    scf.for %scan3A_896 = %scan3A_508 to %scan3A_510 step %scan3A_511  : i32 {
      %mul3A_897 = arith.constant 4 : i32
      %mul3A_898 = arith.muli %scan3A_896, %mul3A_897 : i32
      %add3A_899 = arith.constant 0 : i32
      %add3A_900 = arith.addi %mul3A_898, %add3A_899 : i32
      %sub3A = arith.constant 4 : i32
      %sub3A_901 = arith.subi %add3A_900, %sub3A : i32
      %dma_wait3A_902 = arith.constant 0 : i32
      %dma_wait3A_903 = arith.constant 0 : i32
      %dma_wait3A_904 = arith.constant 0 : i32
      %dma_wait3A_905 = arith.constant 0 : i32
      %dma_wait3A_906 = arith.constant 0 : i32
      %dma_wait3A_907 = tpu.memref_slice %arg6[%dma_wait3A_903, %dma_wait3A_905, %dma_wait3A_906] : memref<4x128x32xf32, #tpu.memory_space<vmem>> -> memref<1x128x32xf32, #tpu.memory_space<vmem>>
      %dma_wait3A_908 = tpu.memref_squeeze %dma_wait3A_907 : memref<1x128x32xf32, #tpu.memory_space<vmem>> -> memref<128x32xf32, #tpu.memory_space<vmem>>
      %dma_wait3A_909 = arith.constant 0 : i32
      %dma_wait3A_910 = tpu.memref_slice %arg8[%dma_wait3A_902, %dma_wait3A_909] : memref<4x128xi32, #tpu.memory_space<vmem>> -> memref<1x128xi32, #tpu.memory_space<vmem>>
      %dma_wait3A_911 = tpu.memref_squeeze %dma_wait3A_910 : memref<1x128xi32, #tpu.memory_space<vmem>> -> memref<128xi32, #tpu.memory_space<vmem>>
      %dma_wait3A_912 = arith.constant 0 : i32
      %dma_wait3A_913 = arith.constant 0 : i32
      %dma_wait3A_914 = tpu.memref_slice %arg3[%dma_wait3A_912, %dma_wait3A_913] : memref<1000000x32xf32, #tpu.memory_space<hbm>> -> memref<1000000x32xf32, #tpu.memory_space<hbm>>
      %dma_wait3A_915 = tpu.memref_slice %arg9[%dma_wait3A_904] : memref<4x!tpu.dma_semaphore, #tpu.memory_space<semaphore_mem>> -> memref<1x!tpu.dma_semaphore, #tpu.memory_space<semaphore_mem>>
      %dma_wait3A_916 = tpu.memref_squeeze %dma_wait3A_915 : memref<1x!tpu.dma_semaphore, #tpu.memory_space<semaphore_mem>> -> memref<!tpu.dma_semaphore, #tpu.memory_space<semaphore_mem>>
      tpu.wait_indirect_dma semaphore(%dma_wait3A_916 : memref<!tpu.dma_semaphore, #tpu.memory_space<semaphore_mem>>) src(%dma_wait3A_914 : memref<1000000x32xf32, #tpu.memory_space<hbm>>) dst(%dma_wait3A_908 : memref<128x32xf32, #tpu.memory_space<vmem>>)
      %ge3A = arith.constant 2 : i32
      %ge3A_917 = arith.cmpi sge, %scan3A_896, %ge3A : i32
      %convert_element_type3A = arith.extui %ge3A_917 : i1 to i32
      %cond3A = arith.constant 0 : i32
      %cond3A_918 = arith.cmpi ne, %convert_element_type3A, %cond3A : i32
      scf.if %cond3A_918 {
        %dma_wait3A_1593 = arith.constant 0 : i32
        %dma_wait3A_1594 = arith.constant 0 : i32
        %dma_wait3A_1595 = arith.constant 0 : i32
        %dma_wait3A_1596 = arith.constant 0 : i32
        %dma_wait3A_1597 = arith.constant 0 : i32
        %dma_wait3A_1598 = tpu.memref_slice %arg7[%dma_wait3A_1593, %dma_wait3A_1595, %dma_wait3A_1596, %dma_wait3A_1597] : memref<4x4x8x128xf32, #tpu.memory_space<vmem>> -> memref<1x4x8x128xf32, #tpu.memory_space<vmem>>
        %dma_wait3A_1599 = tpu.memref_squeeze %dma_wait3A_1598 : memref<1x4x8x128xf32, #tpu.memory_space<vmem>> -> memref<4x8x128xf32, #tpu.memory_space<vmem>>
        %dma_wait3A_1600 = arith.constant 0 : i32
        %dma_wait3A_1601 = arith.constant 0 : i32
        %dma_wait3A_1602 = arith.constant 0 : i32
        %dma_wait3A_1603 = tpu.memref_slice %arg4[%sub3A_901, %dma_wait3A_1600, %add3A, %dma_wait3A_1601, %dma_wait3A_1602] : memref<200x4x32x8x128xf32, #tpu.memory_space<hbm>> -> memref<1x4x1x8x128xf32, #tpu.memory_space<hbm>>
        %dma_wait3A_1604 = tpu.memref_squeeze %dma_wait3A_1603 : memref<1x4x1x8x128xf32, #tpu.memory_space<hbm>> -> memref<4x8x128xf32, #tpu.memory_space<hbm>>
        %dma_wait3A_1605 = tpu.memref_slice %arg10[%dma_wait3A_1594] : memref<4x!tpu.dma_semaphore, #tpu.memory_space<semaphore_mem>> -> memref<1x!tpu.dma_semaphore, #tpu.memory_space<semaphore_mem>>
        %dma_wait3A_1606 = tpu.memref_squeeze %dma_wait3A_1605 : memref<1x!tpu.dma_semaphore, #tpu.memory_space<semaphore_mem>> -> memref<!tpu.dma_semaphore, #tpu.memory_space<semaphore_mem>>
        %dma_wait3A_1607 = arith.constant 0 : i32
        %dma_wait3A_1608 = arith.constant 0 : i32
        %dma_wait3A_1609 = arith.constant 0 : i32
        %dma_wait3A_1610 = tpu.memref_slice %arg4[%sub3A_901, %dma_wait3A_1607, %add3A, %dma_wait3A_1608, %dma_wait3A_1609] : memref<200x4x32x8x128xf32, #tpu.memory_space<hbm>> -> memref<1x4x1x8x128xf32, #tpu.memory_space<hbm>>
        %dma_wait3A_1611 = tpu.memref_squeeze %dma_wait3A_1610 : memref<1x4x1x8x128xf32, #tpu.memory_space<hbm>> -> memref<4x8x128xf32, #tpu.memory_space<hbm>>
        %dma_wait3A_1612 = arith.constant 0 : i32
        %dma_wait3A_1613 = arith.constant 0 : i32
        %dma_wait3A_1614 = arith.constant 0 : i32
        %dma_wait3A_1615 = tpu.memref_slice %arg7[%dma_wait3A_1593, %dma_wait3A_1612, %dma_wait3A_1613, %dma_wait3A_1614] : memref<4x4x8x128xf32, #tpu.memory_space<vmem>> -> memref<1x4x8x128xf32, #tpu.memory_space<vmem>>
        %dma_wait3A_1616 = tpu.memref_squeeze %dma_wait3A_1615 : memref<1x4x8x128xf32, #tpu.memory_space<vmem>> -> memref<4x8x128xf32, #tpu.memory_space<vmem>>
        tpu.wait_dma2 semaphore(%dma_wait3A_1606 : memref<!tpu.dma_semaphore, #tpu.memory_space<semaphore_mem>>) src(%dma_wait3A_1616 : memref<4x8x128xf32, #tpu.memory_space<vmem>>) dst(%dma_wait3A_1611 : memref<4x8x128xf32, #tpu.memory_space<hbm>>)
      } else {
      }
      %scan3A_919 = arith.constant 0 : i32
      %scan3A_920 = arith.constant 0 : i32
      %scan3A_921 = arith.constant 32 : i32
      %scan3A_922 = arith.addi %scan3A_920, %scan3A_921 : i32
      %scan3A_923 = arith.constant 1 : i32
      scf.for %scan3A_1593 = %scan3A_920 to %scan3A_922 step %scan3A_923  : i32 {
        %add3A_1594 = vector.broadcast %scan3A_1593 : i32 to vector<16xi32>
        %add3A_1595 = arith.addi %add3A_1594, %iota3A : vector<16xi32>
        %and3A = arith.constant 31 : i32
        %and3A_1596 = vector.broadcast %and3A : i32 to vector<16xi32>
        %and3A_1597 = arith.andi %add3A_1595, %and3A_1596 : vector<16xi32>
        %shift_right_logical3A = arith.constant 3 : i32
        %shift_right_logical3A_1598 = vector.broadcast %shift_right_logical3A : i32 to vector<16xi32>
        %shift_right_logical3A_1599 = arith.shrui %and3A_1597, %shift_right_logical3A_1598 : vector<16xi32>
        %and3A_1600 = arith.constant 7 : i32
        %and3A_1601 = vector.broadcast %and3A_1600 : i32 to vector<16xi32>
        %and3A_1602 = arith.andi %and3A_1597, %and3A_1601 : vector<16xi32>
        %add3A_1603 = arith.constant 0 : i32
        %add3A_1604 = vector.broadcast %add3A_1603 : i32 to vector<16xi32>
        %add3A_1605 = arith.addi %add3A_1604, %iota3A : vector<16xi32>
        %gather3A_1606 = arith.constant 0 : i32
        %gather3A_1607 = arith.constant 0 : i32
        %gather3A_1608 = arith.constant 0 : i32
        %gather3A_1609 = tpu.memref_slice %arg6[%gather3A_1606, %gather3A_1607, %gather3A_1608] : memref<4x128x32xf32, #tpu.memory_space<vmem>> -> memref<1x128x32xf32, #tpu.memory_space<vmem>>
        %gather3A_1610 = tpu.memref_squeeze %gather3A_1609 : memref<1x128x32xf32, #tpu.memory_space<vmem>> -> memref<128x32xf32, #tpu.memory_space<vmem>>
        %gather3A_1611 = tpu.vector_load_idx %gather3A_1610[%add3A_1605, %and3A_1597] : memref<128x32xf32, #tpu.memory_space<vmem>>[vector<16xi32>, vector<16xi32>], vector<16xf32>,
        %scatter3A = arith.constant 0 : i32
        %scatter3A_1612 = arith.constant 0 : i32
        %scatter3A_1613 = arith.constant 0 : i32
        %scatter3A_1614 = arith.constant 0 : i32
        %scatter3A_1615 = tpu.memref_slice %arg7[%scatter3A, %scatter3A_1612, %scatter3A_1613, %scatter3A_1614] : memref<4x4x8x128xf32, #tpu.memory_space<vmem>> -> memref<1x4x8x128xf32, #tpu.memory_space<vmem>>
        %scatter3A_1616 = tpu.memref_squeeze %scatter3A_1615 : memref<1x4x8x128xf32, #tpu.memory_space<vmem>> -> memref<4x8x128xf32, #tpu.memory_space<vmem>>
        tpu.vector_store_idx %scatter3A_1616[%shift_right_logical3A_1599, %and3A_1602, %add3A_1605], %gather3A_1611 : memref<4x8x128xf32, #tpu.memory_space<vmem>>[vector<16xi32>, vector<16xi32>, vector<16xi32>], vector<16xf32>,
        %add3A_1617 = arith.constant 16 : i32
        %add3A_1618 = vector.broadcast %add3A_1617 : i32 to vector<16xi32>
        %add3A_1619 = arith.addi %add3A_1618, %iota3A : vector<16xi32>
        %gather3A_1620 = arith.constant 0 : i32
        %gather3A_1621 = arith.constant 0 : i32
        %gather3A_1622 = arith.constant 0 : i32
        %gather3A_1623 = tpu.memref_slice %arg6[%gather3A_1620, %gather3A_1621, %gather3A_1622] : memref<4x128x32xf32, #tpu.memory_space<vmem>> -> memref<1x128x32xf32, #tpu.memory_space<vmem>>
        %gather3A_1624 = tpu.memref_squeeze %gather3A_1623 : memref<1x128x32xf32, #tpu.memory_space<vmem>> -> memref<128x32xf32, #tpu.memory_space<vmem>>
        %gather3A_1625 = tpu.vector_load_idx %gather3A_1624[%add3A_1619, %and3A_1597] : memref<128x32xf32, #tpu.memory_space<vmem>>[vector<16xi32>, vector<16xi32>], vector<16xf32>,
        %scatter3A_1626 = arith.constant 0 : i32
        %scatter3A_1627 = arith.constant 0 : i32
        %scatter3A_1628 = arith.constant 0 : i32
        %scatter3A_1629 = arith.constant 0 : i32
        %scatter3A_1630 = tpu.memref_slice %arg7[%scatter3A_1626, %scatter3A_1627, %scatter3A_1628, %scatter3A_1629] : memref<4x4x8x128xf32, #tpu.memory_space<vmem>> -> memref<1x4x8x128xf32, #tpu.memory_space<vmem>>
        %scatter3A_1631 = tpu.memref_squeeze %scatter3A_1630 : memref<1x4x8x128xf32, #tpu.memory_space<vmem>> -> memref<4x8x128xf32, #tpu.memory_space<vmem>>
        tpu.vector_store_idx %scatter3A_1631[%shift_right_logical3A_1599, %and3A_1602, %add3A_1619], %gather3A_1625 : memref<4x8x128xf32, #tpu.memory_space<vmem>>[vector<16xi32>, vector<16xi32>, vector<16xi32>], vector<16xf32>,
        %add3A_1632 = arith.constant 32 : i32
        %add3A_1633 = vector.broadcast %add3A_1632 : i32 to vector<16xi32>
        %add3A_1634 = arith.addi %add3A_1633, %iota3A : vector<16xi32>
        %gather3A_1635 = arith.constant 0 : i32
        %gather3A_1636 = arith.constant 0 : i32
        %gather3A_1637 = arith.constant 0 : i32
        %gather3A_1638 = tpu.memref_slice %arg6[%gather3A_1635, %gather3A_1636, %gather3A_1637] : memref<4x128x32xf32, #tpu.memory_space<vmem>> -> memref<1x128x32xf32, #tpu.memory_space<vmem>>
        %gather3A_1639 = tpu.memref_squeeze %gather3A_1638 : memref<1x128x32xf32, #tpu.memory_space<vmem>> -> memref<128x32xf32, #tpu.memory_space<vmem>>
        %gather3A_1640 = tpu.vector_load_idx %gather3A_1639[%add3A_1634, %and3A_1597] : memref<128x32xf32, #tpu.memory_space<vmem>>[vector<16xi32>, vector<16xi32>], vector<16xf32>,
        %scatter3A_1641 = arith.constant 0 : i32
        %scatter3A_1642 = arith.constant 0 : i32
        %scatter3A_1643 = arith.constant 0 : i32
        %scatter3A_1644 = arith.constant 0 : i32
        %scatter3A_1645 = tpu.memref_slice %arg7[%scatter3A_1641, %scatter3A_1642, %scatter3A_1643, %scatter3A_1644] : memref<4x4x8x128xf32, #tpu.memory_space<vmem>> -> memref<1x4x8x128xf32, #tpu.memory_space<vmem>>
        %scatter3A_1646 = tpu.memref_squeeze %scatter3A_1645 : memref<1x4x8x128xf32, #tpu.memory_space<vmem>> -> memref<4x8x128xf32, #tpu.memory_space<vmem>>
        tpu.vector_store_idx %scatter3A_1646[%shift_right_logical3A_1599, %and3A_1602, %add3A_1634], %gather3A_1640 : memref<4x8x128xf32, #tpu.memory_space<vmem>>[vector<16xi32>, vector<16xi32>, vector<16xi32>], vector<16xf32>,
        %add3A_1647 = arith.constant 48 : i32
        %add3A_1648 = vector.broadcast %add3A_1647 : i32 to vector<16xi32>
        %add3A_1649 = arith.addi %add3A_1648, %iota3A : vector<16xi32>
        %gather3A_1650 = arith.constant 0 : i32
        %gather3A_1651 = arith.constant 0 : i32
        %gather3A_1652 = arith.constant 0 : i32
        %gather3A_1653 = tpu.memref_slice %arg6[%gather3A_1650, %gather3A_1651, %gather3A_1652] : memref<4x128x32xf32, #tpu.memory_space<vmem>> -> memref<1x128x32xf32, #tpu.memory_space<vmem>>
        %gather3A_1654 = tpu.memref_squeeze %gather3A_1653 : memref<1x128x32xf32, #tpu.memory_space<vmem>> -> memref<128x32xf32, #tpu.memory_space<vmem>>
        %gather3A_1655 = tpu.vector_load_idx %gather3A_1654[%add3A_1649, %and3A_1597] : memref<128x32xf32, #tpu.memory_space<vmem>>[vector<16xi32>, vector<16xi32>], vector<16xf32>,
        %scatter3A_1656 = arith.constant 0 : i32
        %scatter3A_1657 = arith.constant 0 : i32
        %scatter3A_1658 = arith.constant 0 : i32
        %scatter3A_1659 = arith.constant 0 : i32
        %scatter3A_1660 = tpu.memref_slice %arg7[%scatter3A_1656, %scatter3A_1657, %scatter3A_1658, %scatter3A_1659] : memref<4x4x8x128xf32, #tpu.memory_space<vmem>> -> memref<1x4x8x128xf32, #tpu.memory_space<vmem>>
        %scatter3A_1661 = tpu.memref_squeeze %scatter3A_1660 : memref<1x4x8x128xf32, #tpu.memory_space<vmem>> -> memref<4x8x128xf32, #tpu.memory_space<vmem>>
        tpu.vector_store_idx %scatter3A_1661[%shift_right_logical3A_1599, %and3A_1602, %add3A_1649], %gather3A_1655 : memref<4x8x128xf32, #tpu.memory_space<vmem>>[vector<16xi32>, vector<16xi32>, vector<16xi32>], vector<16xf32>,
        %add3A_1662 = arith.constant 64 : i32
        %add3A_1663 = vector.broadcast %add3A_1662 : i32 to vector<16xi32>
        %add3A_1664 = arith.addi %add3A_1663, %iota3A : vector<16xi32>
        %gather3A_1665 = arith.constant 0 : i32
        %gather3A_1666 = arith.constant 0 : i32
        %gather3A_1667 = arith.constant 0 : i32
        %gather3A_1668 = tpu.memref_slice %arg6[%gather3A_1665, %gather3A_1666, %gather3A_1667] : memref<4x128x32xf32, #tpu.memory_space<vmem>> -> memref<1x128x32xf32, #tpu.memory_space<vmem>>
        %gather3A_1669 = tpu.memref_squeeze %gather3A_1668 : memref<1x128x32xf32, #tpu.memory_space<vmem>> -> memref<128x32xf32, #tpu.memory_space<vmem>>
        %gather3A_1670 = tpu.vector_load_idx %gather3A_1669[%add3A_1664, %and3A_1597] : memref<128x32xf32, #tpu.memory_space<vmem>>[vector<16xi32>, vector<16xi32>], vector<16xf32>,
        %scatter3A_1671 = arith.constant 0 : i32
        %scatter3A_1672 = arith.constant 0 : i32
        %scatter3A_1673 = arith.constant 0 : i32
        %scatter3A_1674 = arith.constant 0 : i32
        %scatter3A_1675 = tpu.memref_slice %arg7[%scatter3A_1671, %scatter3A_1672, %scatter3A_1673, %scatter3A_1674] : memref<4x4x8x128xf32, #tpu.memory_space<vmem>> -> memref<1x4x8x128xf32, #tpu.memory_space<vmem>>
        %scatter3A_1676 = tpu.memref_squeeze %scatter3A_1675 : memref<1x4x8x128xf32, #tpu.memory_space<vmem>> -> memref<4x8x128xf32, #tpu.memory_space<vmem>>
        tpu.vector_store_idx %scatter3A_1676[%shift_right_logical3A_1599, %and3A_1602, %add3A_1664], %gather3A_1670 : memref<4x8x128xf32, #tpu.memory_space<vmem>>[vector<16xi32>, vector<16xi32>, vector<16xi32>], vector<16xf32>,
        %add3A_1677 = arith.constant 80 : i32
        %add3A_1678 = vector.broadcast %add3A_1677 : i32 to vector<16xi32>
        %add3A_1679 = arith.addi %add3A_1678, %iota3A : vector<16xi32>
        %gather3A_1680 = arith.constant 0 : i32
        %gather3A_1681 = arith.constant 0 : i32
        %gather3A_1682 = arith.constant 0 : i32
        %gather3A_1683 = tpu.memref_slice %arg6[%gather3A_1680, %gather3A_1681, %gather3A_1682] : memref<4x128x32xf32, #tpu.memory_space<vmem>> -> memref<1x128x32xf32, #tpu.memory_space<vmem>>
        %gather3A_1684 = tpu.memref_squeeze %gather3A_1683 : memref<1x128x32xf32, #tpu.memory_space<vmem>> -> memref<128x32xf32, #tpu.memory_space<vmem>>
        %gather3A_1685 = tpu.vector_load_idx %gather3A_1684[%add3A_1679, %and3A_1597] : memref<128x32xf32, #tpu.memory_space<vmem>>[vector<16xi32>, vector<16xi32>], vector<16xf32>,
        %scatter3A_1686 = arith.constant 0 : i32
        %scatter3A_1687 = arith.constant 0 : i32
        %scatter3A_1688 = arith.constant 0 : i32
        %scatter3A_1689 = arith.constant 0 : i32
        %scatter3A_1690 = tpu.memref_slice %arg7[%scatter3A_1686, %scatter3A_1687, %scatter3A_1688, %scatter3A_1689] : memref<4x4x8x128xf32, #tpu.memory_space<vmem>> -> memref<1x4x8x128xf32, #tpu.memory_space<vmem>>
        %scatter3A_1691 = tpu.memref_squeeze %scatter3A_1690 : memref<1x4x8x128xf32, #tpu.memory_space<vmem>> -> memref<4x8x128xf32, #tpu.memory_space<vmem>>
        tpu.vector_store_idx %scatter3A_1691[%shift_right_logical3A_1599, %and3A_1602, %add3A_1679], %gather3A_1685 : memref<4x8x128xf32, #tpu.memory_space<vmem>>[vector<16xi32>, vector<16xi32>, vector<16xi32>], vector<16xf32>,
        %add3A_1692 = arith.constant 96 : i32
        %add3A_1693 = vector.broadcast %add3A_1692 : i32 to vector<16xi32>
        %add3A_1694 = arith.addi %add3A_1693, %iota3A : vector<16xi32>
        %gather3A_1695 = arith.constant 0 : i32
        %gather3A_1696 = arith.constant 0 : i32
        %gather3A_1697 = arith.constant 0 : i32
        %gather3A_1698 = tpu.memref_slice %arg6[%gather3A_1695, %gather3A_1696, %gather3A_1697] : memref<4x128x32xf32, #tpu.memory_space<vmem>> -> memref<1x128x32xf32, #tpu.memory_space<vmem>>
        %gather3A_1699 = tpu.memref_squeeze %gather3A_1698 : memref<1x128x32xf32, #tpu.memory_space<vmem>> -> memref<128x32xf32, #tpu.memory_space<vmem>>
        %gather3A_1700 = tpu.vector_load_idx %gather3A_1699[%add3A_1694, %and3A_1597] : memref<128x32xf32, #tpu.memory_space<vmem>>[vector<16xi32>, vector<16xi32>], vector<16xf32>,
        %scatter3A_1701 = arith.constant 0 : i32
        %scatter3A_1702 = arith.constant 0 : i32
        %scatter3A_1703 = arith.constant 0 : i32
        %scatter3A_1704 = arith.constant 0 : i32
        %scatter3A_1705 = tpu.memref_slice %arg7[%scatter3A_1701, %scatter3A_1702, %scatter3A_1703, %scatter3A_1704] : memref<4x4x8x128xf32, #tpu.memory_space<vmem>> -> memref<1x4x8x128xf32, #tpu.memory_space<vmem>>
        %scatter3A_1706 = tpu.memref_squeeze %scatter3A_1705 : memref<1x4x8x128xf32, #tpu.memory_space<vmem>> -> memref<4x8x128xf32, #tpu.memory_space<vmem>>
        tpu.vector_store_idx %scatter3A_1706[%shift_right_logical3A_1599, %and3A_1602, %add3A_1694], %gather3A_1700 : memref<4x8x128xf32, #tpu.memory_space<vmem>>[vector<16xi32>, vector<16xi32>, vector<16xi32>], vector<16xf32>,
        %add3A_1707 = arith.constant 112 : i32
        %add3A_1708 = vector.broadcast %add3A_1707 : i32 to vector<16xi32>
        %add3A_1709 = arith.addi %add3A_1708, %iota3A : vector<16xi32>
        %gather3A_1710 = arith.constant 0 : i32
        %gather3A_1711 = arith.constant 0 : i32
        %gather3A_1712 = arith.constant 0 : i32
        %gather3A_1713 = tpu.memref_slice %arg6[%gather3A_1710, %gather3A_1711, %gather3A_1712] : memref<4x128x32xf32, #tpu.memory_space<vmem>> -> memref<1x128x32xf32, #tpu.memory_space<vmem>>
        %gather3A_1714 = tpu.memref_squeeze %gather3A_1713 : memref<1x128x32xf32, #tpu.memory_space<vmem>> -> memref<128x32xf32, #tpu.memory_space<vmem>>
        %gather3A_1715 = tpu.vector_load_idx %gather3A_1714[%add3A_1709, %and3A_1597] : memref<128x32xf32, #tpu.memory_space<vmem>>[vector<16xi32>, vector<16xi32>], vector<16xf32>,
        %scatter3A_1716 = arith.constant 0 : i32
        %scatter3A_1717 = arith.constant 0 : i32
        %scatter3A_1718 = arith.constant 0 : i32
        %scatter3A_1719 = arith.constant 0 : i32
        %scatter3A_1720 = tpu.memref_slice %arg7[%scatter3A_1716, %scatter3A_1717, %scatter3A_1718, %scatter3A_1719] : memref<4x4x8x128xf32, #tpu.memory_space<vmem>> -> memref<1x4x8x128xf32, #tpu.memory_space<vmem>>
        %scatter3A_1721 = tpu.memref_squeeze %scatter3A_1720 : memref<1x4x8x128xf32, #tpu.memory_space<vmem>> -> memref<4x8x128xf32, #tpu.memory_space<vmem>>
        tpu.vector_store_idx %scatter3A_1721[%shift_right_logical3A_1599, %and3A_1602, %add3A_1709], %gather3A_1715 : memref<4x8x128xf32, #tpu.memory_space<vmem>>[vector<16xi32>, vector<16xi32>, vector<16xi32>], vector<16xf32>,
      }
      %scan3A_924 = arith.constant 32 : i32
      %dma_start3A_925 = arith.constant 0 : i32
      %dma_start3A_926 = arith.constant 0 : i32
      %dma_start3A_927 = arith.constant 0 : i32
      %dma_start3A_928 = arith.constant 0 : i32
      %dma_start3A_929 = arith.constant 0 : i32
      %dma_start3A_930 = tpu.memref_slice %arg7[%dma_start3A_925, %dma_start3A_927, %dma_start3A_928, %dma_start3A_929] : memref<4x4x8x128xf32, #tpu.memory_space<vmem>> -> memref<1x4x8x128xf32, #tpu.memory_space<vmem>>
      %dma_start3A_931 = tpu.memref_squeeze %dma_start3A_930 : memref<1x4x8x128xf32, #tpu.memory_space<vmem>> -> memref<4x8x128xf32, #tpu.memory_space<vmem>>
      %dma_start3A_932 = arith.constant 0 : i32
      %dma_start3A_933 = arith.constant 0 : i32
      %dma_start3A_934 = arith.constant 0 : i32
      %dma_start3A_935 = tpu.memref_slice %arg4[%sub3A_901, %dma_start3A_932, %add3A, %dma_start3A_933, %dma_start3A_934] : memref<200x4x32x8x128xf32, #tpu.memory_space<hbm>> -> memref<1x4x1x8x128xf32, #tpu.memory_space<hbm>>
      %dma_start3A_936 = tpu.memref_squeeze %dma_start3A_935 : memref<1x4x1x8x128xf32, #tpu.memory_space<hbm>> -> memref<4x8x128xf32, #tpu.memory_space<hbm>>
      %dma_start3A_937 = tpu.memref_slice %arg10[%dma_start3A_926] : memref<4x!tpu.dma_semaphore, #tpu.memory_space<semaphore_mem>> -> memref<1x!tpu.dma_semaphore, #tpu.memory_space<semaphore_mem>>
      %dma_start3A_938 = tpu.memref_squeeze %dma_start3A_937 : memref<1x!tpu.dma_semaphore, #tpu.memory_space<semaphore_mem>> -> memref<!tpu.dma_semaphore, #tpu.memory_space<semaphore_mem>>
      %dma_start3A_939 = arith.constant 0 : i32
      %dma_start3A_940 = arith.constant 0 : i32
      %dma_start3A_941 = arith.constant 0 : i32
      %dma_start3A_942 = tpu.memref_slice %arg4[%sub3A_901, %dma_start3A_939, %add3A, %dma_start3A_940, %dma_start3A_941] : memref<200x4x32x8x128xf32, #tpu.memory_space<hbm>> -> memref<1x4x1x8x128xf32, #tpu.memory_space<hbm>>
      %dma_start3A_943 = tpu.memref_squeeze %dma_start3A_942 : memref<1x4x1x8x128xf32, #tpu.memory_space<hbm>> -> memref<4x8x128xf32, #tpu.memory_space<hbm>>
      %dma_start3A_944 = arith.constant 0 : i32
      %dma_start3A_945 = arith.constant 0 : i32
      %dma_start3A_946 = arith.constant 0 : i32
      %dma_start3A_947 = tpu.memref_slice %arg7[%dma_start3A_925, %dma_start3A_944, %dma_start3A_945, %dma_start3A_946] : memref<4x4x8x128xf32, #tpu.memory_space<vmem>> -> memref<1x4x8x128xf32, #tpu.memory_space<vmem>>
      %dma_start3A_948 = tpu.memref_squeeze %dma_start3A_947 : memref<1x4x8x128xf32, #tpu.memory_space<vmem>> -> memref<4x8x128xf32, #tpu.memory_space<vmem>>
      tpu.enqueue_dma source(%dma_start3A_948 : memref<4x8x128xf32, #tpu.memory_space<vmem>>) target(%dma_start3A_943 : memref<4x8x128xf32, #tpu.memory_space<hbm>>) target_semaphore(%dma_start3A_938 : memref<!tpu.dma_semaphore, #tpu.memory_space<semaphore_mem>>)
      %add3A_949 = arith.constant 0 : i32
      %add3A_950 = vector.broadcast %add3A_949 : i32 to vector<16xi32>
      %add3A_951 = arith.addi %add3A_950, %iota3A : vector<16xi32>
      %mul3A_952 = arith.constant 200 : i32
      %mul3A_953 = vector.broadcast %mul3A_952 : i32 to vector<16xi32>
      %mul3A_954 = arith.muli %add3A_951, %mul3A_953 : vector<16xi32>
      %add3A_955 = vector.broadcast %add3A_900 : i32 to vector<16xi32>
      %add3A_956 = arith.addi %mul3A_954, %add3A_955 : vector<16xi32>
      %gather3A_957 = tpu.vector_load_idx %arg5[%add3A_956] : memref<25600xi32, #tpu.memory_space<vmem>>[vector<16xi32>], vector<16xi32>,
      %swap3A_958 = arith.constant 0 : i32
      %swap3A_959 = arith.index_cast %swap3A_958 : i32 to index
      %swap3A_960 = arith.constant 0 : index
      %swap3A_961 = tpu.vector_load %arg8[%swap3A_959, %swap3A_960] {strides = array<i32>} : memref<4x128xi32, #tpu.memory_space<vmem>>, vector<16xi32>,
      tpu.vector_store %arg8[%swap3A_959, %swap3A_960], %gather3A_957 {strides = array<i32>} : memref<4x128xi32, #tpu.memory_space<vmem>>, vector<16xi32>,
      %add3A_962 = arith.constant 16 : i32
      %add3A_963 = vector.broadcast %add3A_962 : i32 to vector<16xi32>
      %add3A_964 = arith.addi %add3A_963, %iota3A : vector<16xi32>
      %mul3A_965 = arith.constant 200 : i32
      %mul3A_966 = vector.broadcast %mul3A_965 : i32 to vector<16xi32>
      %mul3A_967 = arith.muli %add3A_964, %mul3A_966 : vector<16xi32>
      %add3A_968 = vector.broadcast %add3A_900 : i32 to vector<16xi32>
      %add3A_969 = arith.addi %mul3A_967, %add3A_968 : vector<16xi32>
      %gather3A_970 = tpu.vector_load_idx %arg5[%add3A_969] : memref<25600xi32, #tpu.memory_space<vmem>>[vector<16xi32>], vector<16xi32>,
      %swap3A_971 = arith.constant 0 : i32
      %swap3A_972 = arith.index_cast %swap3A_971 : i32 to index
      %swap3A_973 = arith.constant 16 : index
      %swap3A_974 = tpu.vector_load %arg8[%swap3A_972, %swap3A_973] {strides = array<i32>} : memref<4x128xi32, #tpu.memory_space<vmem>>, vector<16xi32>,
      tpu.vector_store %arg8[%swap3A_972, %swap3A_973], %gather3A_970 {strides = array<i32>} : memref<4x128xi32, #tpu.memory_space<vmem>>, vector<16xi32>,
      %add3A_975 = arith.constant 32 : i32
      %add3A_976 = vector.broadcast %add3A_975 : i32 to vector<16xi32>
      %add3A_977 = arith.addi %add3A_976, %iota3A : vector<16xi32>
      %mul3A_978 = arith.constant 200 : i32
      %mul3A_979 = vector.broadcast %mul3A_978 : i32 to vector<16xi32>
      %mul3A_980 = arith.muli %add3A_977, %mul3A_979 : vector<16xi32>
      %add3A_981 = vector.broadcast %add3A_900 : i32 to vector<16xi32>
      %add3A_982 = arith.addi %mul3A_980, %add3A_981 : vector<16xi32>
      %gather3A_983 = tpu.vector_load_idx %arg5[%add3A_982] : memref<25600xi32, #tpu.memory_space<vmem>>[vector<16xi32>], vector<16xi32>,
      %swap3A_984 = arith.constant 0 : i32
      %swap3A_985 = arith.index_cast %swap3A_984 : i32 to index
      %swap3A_986 = arith.constant 32 : index
      %swap3A_987 = tpu.vector_load %arg8[%swap3A_985, %swap3A_986] {strides = array<i32>} : memref<4x128xi32, #tpu.memory_space<vmem>>, vector<16xi32>,
      tpu.vector_store %arg8[%swap3A_985, %swap3A_986], %gather3A_983 {strides = array<i32>} : memref<4x128xi32, #tpu.memory_space<vmem>>, vector<16xi32>,
      %add3A_988 = arith.constant 48 : i32
      %add3A_989 = vector.broadcast %add3A_988 : i32 to vector<16xi32>
      %add3A_990 = arith.addi %add3A_989, %iota3A : vector<16xi32>
      %mul3A_991 = arith.constant 200 : i32
      %mul3A_992 = vector.broadcast %mul3A_991 : i32 to vector<16xi32>
      %mul3A_993 = arith.muli %add3A_990, %mul3A_992 : vector<16xi32>
      %add3A_994 = vector.broadcast %add3A_900 : i32 to vector<16xi32>
      %add3A_995 = arith.addi %mul3A_993, %add3A_994 : vector<16xi32>
      %gather3A_996 = tpu.vector_load_idx %arg5[%add3A_995] : memref<25600xi32, #tpu.memory_space<vmem>>[vector<16xi32>], vector<16xi32>,
      %swap3A_997 = arith.constant 0 : i32
      %swap3A_998 = arith.index_cast %swap3A_997 : i32 to index
      %swap3A_999 = arith.constant 48 : index
      %swap3A_1000 = tpu.vector_load %arg8[%swap3A_998, %swap3A_999] {strides = array<i32>} : memref<4x128xi32, #tpu.memory_space<vmem>>, vector<16xi32>,
      tpu.vector_store %arg8[%swap3A_998, %swap3A_999], %gather3A_996 {strides = array<i32>} : memref<4x128xi32, #tpu.memory_space<vmem>>, vector<16xi32>,
      %add3A_1001 = arith.constant 64 : i32
      %add3A_1002 = vector.broadcast %add3A_1001 : i32 to vector<16xi32>
      %add3A_1003 = arith.addi %add3A_1002, %iota3A : vector<16xi32>
      %mul3A_1004 = arith.constant 200 : i32
      %mul3A_1005 = vector.broadcast %mul3A_1004 : i32 to vector<16xi32>
      %mul3A_1006 = arith.muli %add3A_1003, %mul3A_1005 : vector<16xi32>
      %add3A_1007 = vector.broadcast %add3A_900 : i32 to vector<16xi32>
      %add3A_1008 = arith.addi %mul3A_1006, %add3A_1007 : vector<16xi32>
      %gather3A_1009 = tpu.vector_load_idx %arg5[%add3A_1008] : memref<25600xi32, #tpu.memory_space<vmem>>[vector<16xi32>], vector<16xi32>,
      %swap3A_1010 = arith.constant 0 : i32
      %swap3A_1011 = arith.index_cast %swap3A_1010 : i32 to index
      %swap3A_1012 = arith.constant 64 : index
      %swap3A_1013 = tpu.vector_load %arg8[%swap3A_1011, %swap3A_1012] {strides = array<i32>} : memref<4x128xi32, #tpu.memory_space<vmem>>, vector<16xi32>,
      tpu.vector_store %arg8[%swap3A_1011, %swap3A_1012], %gather3A_1009 {strides = array<i32>} : memref<4x128xi32, #tpu.memory_space<vmem>>, vector<16xi32>,
      %add3A_1014 = arith.constant 80 : i32
      %add3A_1015 = vector.broadcast %add3A_1014 : i32 to vector<16xi32>
      %add3A_1016 = arith.addi %add3A_1015, %iota3A : vector<16xi32>
      %mul3A_1017 = arith.constant 200 : i32
      %mul3A_1018 = vector.broadcast %mul3A_1017 : i32 to vector<16xi32>
      %mul3A_1019 = arith.muli %add3A_1016, %mul3A_1018 : vector<16xi32>
      %add3A_1020 = vector.broadcast %add3A_900 : i32 to vector<16xi32>
      %add3A_1021 = arith.addi %mul3A_1019, %add3A_1020 : vector<16xi32>
      %gather3A_1022 = tpu.vector_load_idx %arg5[%add3A_1021] : memref<25600xi32, #tpu.memory_space<vmem>>[vector<16xi32>], vector<16xi32>,
      %swap3A_1023 = arith.constant 0 : i32
      %swap3A_1024 = arith.index_cast %swap3A_1023 : i32 to index
      %swap3A_1025 = arith.constant 80 : index
      %swap3A_1026 = tpu.vector_load %arg8[%swap3A_1024, %swap3A_1025] {strides = array<i32>} : memref<4x128xi32, #tpu.memory_space<vmem>>, vector<16xi32>,
      tpu.vector_store %arg8[%swap3A_1024, %swap3A_1025], %gather3A_1022 {strides = array<i32>} : memref<4x128xi32, #tpu.memory_space<vmem>>, vector<16xi32>,
      %add3A_1027 = arith.constant 96 : i32
      %add3A_1028 = vector.broadcast %add3A_1027 : i32 to vector<16xi32>
      %add3A_1029 = arith.addi %add3A_1028, %iota3A : vector<16xi32>
      %mul3A_1030 = arith.constant 200 : i32
      %mul3A_1031 = vector.broadcast %mul3A_1030 : i32 to vector<16xi32>
      %mul3A_1032 = arith.muli %add3A_1029, %mul3A_1031 : vector<16xi32>
      %add3A_1033 = vector.broadcast %add3A_900 : i32 to vector<16xi32>
      %add3A_1034 = arith.addi %mul3A_1032, %add3A_1033 : vector<16xi32>
      %gather3A_1035 = tpu.vector_load_idx %arg5[%add3A_1034] : memref<25600xi32, #tpu.memory_space<vmem>>[vector<16xi32>], vector<16xi32>,
      %swap3A_1036 = arith.constant 0 : i32
      %swap3A_1037 = arith.index_cast %swap3A_1036 : i32 to index
      %swap3A_1038 = arith.constant 96 : index
      %swap3A_1039 = tpu.vector_load %arg8[%swap3A_1037, %swap3A_1038] {strides = array<i32>} : memref<4x128xi32, #tpu.memory_space<vmem>>, vector<16xi32>,
      tpu.vector_store %arg8[%swap3A_1037, %swap3A_1038], %gather3A_1035 {strides = array<i32>} : memref<4x128xi32, #tpu.memory_space<vmem>>, vector<16xi32>,
      %add3A_1040 = arith.constant 112 : i32
      %add3A_1041 = vector.broadcast %add3A_1040 : i32 to vector<16xi32>
      %add3A_1042 = arith.addi %add3A_1041, %iota3A : vector<16xi32>
      %mul3A_1043 = arith.constant 200 : i32
      %mul3A_1044 = vector.broadcast %mul3A_1043 : i32 to vector<16xi32>
      %mul3A_1045 = arith.muli %add3A_1042, %mul3A_1044 : vector<16xi32>
      %add3A_1046 = vector.broadcast %add3A_900 : i32 to vector<16xi32>
      %add3A_1047 = arith.addi %mul3A_1045, %add3A_1046 : vector<16xi32>
      %gather3A_1048 = tpu.vector_load_idx %arg5[%add3A_1047] : memref<25600xi32, #tpu.memory_space<vmem>>[vector<16xi32>], vector<16xi32>,
      %swap3A_1049 = arith.constant 0 : i32
      %swap3A_1050 = arith.index_cast %swap3A_1049 : i32 to index
      %swap3A_1051 = arith.constant 112 : index
      %swap3A_1052 = tpu.vector_load %arg8[%swap3A_1050, %swap3A_1051] {strides = array<i32>} : memref<4x128xi32, #tpu.memory_space<vmem>>, vector<16xi32>,
      tpu.vector_store %arg8[%swap3A_1050, %swap3A_1051], %gather3A_1048 {strides = array<i32>} : memref<4x128xi32, #tpu.memory_space<vmem>>, vector<16xi32>,
      %dma_start3A_1053 = arith.constant 0 : i32
      %dma_start3A_1054 = arith.constant 0 : i32
      %dma_start3A_1055 = arith.constant 0 : i32
      %dma_start3A_1056 = arith.constant 0 : i32
      %dma_start3A_1057 = arith.constant 0 : i32
      %dma_start3A_1058 = tpu.memref_slice %arg6[%dma_start3A_1054, %dma_start3A_1056, %dma_start3A_1057] : memref<4x128x32xf32, #tpu.memory_space<vmem>> -> memref<1x128x32xf32, #tpu.memory_space<vmem>>
      %dma_start3A_1059 = tpu.memref_squeeze %dma_start3A_1058 : memref<1x128x32xf32, #tpu.memory_space<vmem>> -> memref<128x32xf32, #tpu.memory_space<vmem>>
      %dma_start3A_1060 = arith.constant 0 : i32
      %dma_start3A_1061 = tpu.memref_slice %arg8[%dma_start3A_1053, %dma_start3A_1060] : memref<4x128xi32, #tpu.memory_space<vmem>> -> memref<1x128xi32, #tpu.memory_space<vmem>>
      %dma_start3A_1062 = tpu.memref_squeeze %dma_start3A_1061 : memref<1x128xi32, #tpu.memory_space<vmem>> -> memref<128xi32, #tpu.memory_space<vmem>>
      %dma_start3A_1063 = arith.constant 0 : i32
      %dma_start3A_1064 = arith.constant 0 : i32
      %dma_start3A_1065 = tpu.memref_slice %arg3[%dma_start3A_1063, %dma_start3A_1064] : memref<1000000x32xf32, #tpu.memory_space<hbm>> -> memref<1000000x32xf32, #tpu.memory_space<hbm>>
      %dma_start3A_1066 = tpu.memref_slice %arg9[%dma_start3A_1055] : memref<4x!tpu.dma_semaphore, #tpu.memory_space<semaphore_mem>> -> memref<1x!tpu.dma_semaphore, #tpu.memory_space<semaphore_mem>>
      %dma_start3A_1067 = tpu.memref_squeeze %dma_start3A_1066 : memref<1x!tpu.dma_semaphore, #tpu.memory_space<semaphore_mem>> -> memref<!tpu.dma_semaphore, #tpu.memory_space<semaphore_mem>>
      tpu.enqueue_indirect_dma source(%dma_start3A_1065 : memref<1000000x32xf32, #tpu.memory_space<hbm>>) target(%dma_start3A_1059 : memref<128x32xf32, #tpu.memory_space<vmem>>) offsets(%dma_start3A_1062 : memref<128xi32, #tpu.memory_space<vmem>>) semaphore(%dma_start3A_1067 : memref<!tpu.dma_semaphore, #tpu.memory_space<semaphore_mem>>)
      %mul3A_1068 = arith.constant 4 : i32
      %mul3A_1069 = arith.muli %scan3A_896, %mul3A_1068 : i32
      %add3A_1070 = arith.constant 1 : i32
      %add3A_1071 = arith.addi %mul3A_1069, %add3A_1070 : i32
      %sub3A_1072 = arith.constant 4 : i32
      %sub3A_1073 = arith.subi %add3A_1071, %sub3A_1072 : i32
      %dma_wait3A_1074 = arith.constant 1 : i32
      %dma_wait3A_1075 = arith.constant 1 : i32
      %dma_wait3A_1076 = arith.constant 1 : i32
      %dma_wait3A_1077 = arith.constant 0 : i32
      %dma_wait3A_1078 = arith.constant 0 : i32
      %dma_wait3A_1079 = tpu.memref_slice %arg6[%dma_wait3A_1075, %dma_wait3A_1077, %dma_wait3A_1078] : memref<4x128x32xf32, #tpu.memory_space<vmem>> -> memref<1x128x32xf32, #tpu.memory_space<vmem>>
      %dma_wait3A_1080 = tpu.memref_squeeze %dma_wait3A_1079 : memref<1x128x32xf32, #tpu.memory_space<vmem>> -> memref<128x32xf32, #tpu.memory_space<vmem>>
      %dma_wait3A_1081 = arith.constant 0 : i32
      %dma_wait3A_1082 = tpu.memref_slice %arg8[%dma_wait3A_1074, %dma_wait3A_1081] : memref<4x128xi32, #tpu.memory_space<vmem>> -> memref<1x128xi32, #tpu.memory_space<vmem>>
      %dma_wait3A_1083 = tpu.memref_squeeze %dma_wait3A_1082 : memref<1x128xi32, #tpu.memory_space<vmem>> -> memref<128xi32, #tpu.memory_space<vmem>>
      %dma_wait3A_1084 = arith.constant 0 : i32
      %dma_wait3A_1085 = arith.constant 0 : i32
      %dma_wait3A_1086 = tpu.memref_slice %arg3[%dma_wait3A_1084, %dma_wait3A_1085] : memref<1000000x32xf32, #tpu.memory_space<hbm>> -> memref<1000000x32xf32, #tpu.memory_space<hbm>>
      %dma_wait3A_1087 = tpu.memref_slice %arg9[%dma_wait3A_1076] : memref<4x!tpu.dma_semaphore, #tpu.memory_space<semaphore_mem>> -> memref<1x!tpu.dma_semaphore, #tpu.memory_space<semaphore_mem>>
      %dma_wait3A_1088 = tpu.memref_squeeze %dma_wait3A_1087 : memref<1x!tpu.dma_semaphore, #tpu.memory_space<semaphore_mem>> -> memref<!tpu.dma_semaphore, #tpu.memory_space<semaphore_mem>>
      tpu.wait_indirect_dma semaphore(%dma_wait3A_1088 : memref<!tpu.dma_semaphore, #tpu.memory_space<semaphore_mem>>) src(%dma_wait3A_1086 : memref<1000000x32xf32, #tpu.memory_space<hbm>>) dst(%dma_wait3A_1080 : memref<128x32xf32, #tpu.memory_space<vmem>>)
      %ge3A_1089 = arith.constant 2 : i32
      %ge3A_1090 = arith.cmpi sge, %scan3A_896, %ge3A_1089 : i32
      %convert_element_type3A_1091 = arith.extui %ge3A_1090 : i1 to i32
      %cond3A_1092 = arith.constant 0 : i32
      %cond3A_1093 = arith.cmpi ne, %convert_element_type3A_1091, %cond3A_1092 : i32
      scf.if %cond3A_1093 {
        %dma_wait3A_1593 = arith.constant 1 : i32
        %dma_wait3A_1594 = arith.constant 1 : i32
        %dma_wait3A_1595 = arith.constant 0 : i32
        %dma_wait3A_1596 = arith.constant 0 : i32
        %dma_wait3A_1597 = arith.constant 0 : i32
        %dma_wait3A_1598 = tpu.memref_slice %arg7[%dma_wait3A_1593, %dma_wait3A_1595, %dma_wait3A_1596, %dma_wait3A_1597] : memref<4x4x8x128xf32, #tpu.memory_space<vmem>> -> memref<1x4x8x128xf32, #tpu.memory_space<vmem>>
        %dma_wait3A_1599 = tpu.memref_squeeze %dma_wait3A_1598 : memref<1x4x8x128xf32, #tpu.memory_space<vmem>> -> memref<4x8x128xf32, #tpu.memory_space<vmem>>
        %dma_wait3A_1600 = arith.constant 0 : i32
        %dma_wait3A_1601 = arith.constant 0 : i32
        %dma_wait3A_1602 = arith.constant 0 : i32
        %dma_wait3A_1603 = tpu.memref_slice %arg4[%sub3A_1073, %dma_wait3A_1600, %add3A, %dma_wait3A_1601, %dma_wait3A_1602] : memref<200x4x32x8x128xf32, #tpu.memory_space<hbm>> -> memref<1x4x1x8x128xf32, #tpu.memory_space<hbm>>
        %dma_wait3A_1604 = tpu.memref_squeeze %dma_wait3A_1603 : memref<1x4x1x8x128xf32, #tpu.memory_space<hbm>> -> memref<4x8x128xf32, #tpu.memory_space<hbm>>
        %dma_wait3A_1605 = tpu.memref_slice %arg10[%dma_wait3A_1594] : memref<4x!tpu.dma_semaphore, #tpu.memory_space<semaphore_mem>> -> memref<1x!tpu.dma_semaphore, #tpu.memory_space<semaphore_mem>>
        %dma_wait3A_1606 = tpu.memref_squeeze %dma_wait3A_1605 : memref<1x!tpu.dma_semaphore, #tpu.memory_space<semaphore_mem>> -> memref<!tpu.dma_semaphore, #tpu.memory_space<semaphore_mem>>
        %dma_wait3A_1607 = arith.constant 0 : i32
        %dma_wait3A_1608 = arith.constant 0 : i32
        %dma_wait3A_1609 = arith.constant 0 : i32
        %dma_wait3A_1610 = tpu.memref_slice %arg4[%sub3A_1073, %dma_wait3A_1607, %add3A, %dma_wait3A_1608, %dma_wait3A_1609] : memref<200x4x32x8x128xf32, #tpu.memory_space<hbm>> -> memref<1x4x1x8x128xf32, #tpu.memory_space<hbm>>
        %dma_wait3A_1611 = tpu.memref_squeeze %dma_wait3A_1610 : memref<1x4x1x8x128xf32, #tpu.memory_space<hbm>> -> memref<4x8x128xf32, #tpu.memory_space<hbm>>
        %dma_wait3A_1612 = arith.constant 0 : i32
        %dma_wait3A_1613 = arith.constant 0 : i32
        %dma_wait3A_1614 = arith.constant 0 : i32
        %dma_wait3A_1615 = tpu.memref_slice %arg7[%dma_wait3A_1593, %dma_wait3A_1612, %dma_wait3A_1613, %dma_wait3A_1614] : memref<4x4x8x128xf32, #tpu.memory_space<vmem>> -> memref<1x4x8x128xf32, #tpu.memory_space<vmem>>
        %dma_wait3A_1616 = tpu.memref_squeeze %dma_wait3A_1615 : memref<1x4x8x128xf32, #tpu.memory_space<vmem>> -> memref<4x8x128xf32, #tpu.memory_space<vmem>>
        tpu.wait_dma2 semaphore(%dma_wait3A_1606 : memref<!tpu.dma_semaphore, #tpu.memory_space<semaphore_mem>>) src(%dma_wait3A_1616 : memref<4x8x128xf32, #tpu.memory_space<vmem>>) dst(%dma_wait3A_1611 : memref<4x8x128xf32, #tpu.memory_space<hbm>>)
      } else {
      }
      %scan3A_1094 = arith.constant 0 : i32
      %scan3A_1095 = arith.constant 0 : i32
      %scan3A_1096 = arith.constant 32 : i32
      %scan3A_1097 = arith.addi %scan3A_1095, %scan3A_1096 : i32
      %scan3A_1098 = arith.constant 1 : i32
      scf.for %scan3A_1593 = %scan3A_1095 to %scan3A_1097 step %scan3A_1098  : i32 {
        %add3A_1594 = vector.broadcast %scan3A_1593 : i32 to vector<16xi32>
        %add3A_1595 = arith.addi %add3A_1594, %iota3A : vector<16xi32>
        %and3A = arith.constant 31 : i32
        %and3A_1596 = vector.broadcast %and3A : i32 to vector<16xi32>
        %and3A_1597 = arith.andi %add3A_1595, %and3A_1596 : vector<16xi32>
        %shift_right_logical3A = arith.constant 3 : i32
        %shift_right_logical3A_1598 = vector.broadcast %shift_right_logical3A : i32 to vector<16xi32>
        %shift_right_logical3A_1599 = arith.shrui %and3A_1597, %shift_right_logical3A_1598 : vector<16xi32>
        %and3A_1600 = arith.constant 7 : i32
        %and3A_1601 = vector.broadcast %and3A_1600 : i32 to vector<16xi32>
        %and3A_1602 = arith.andi %and3A_1597, %and3A_1601 : vector<16xi32>
        %add3A_1603 = arith.constant 0 : i32
        %add3A_1604 = vector.broadcast %add3A_1603 : i32 to vector<16xi32>
        %add3A_1605 = arith.addi %add3A_1604, %iota3A : vector<16xi32>
        %gather3A_1606 = arith.constant 1 : i32
        %gather3A_1607 = arith.constant 0 : i32
        %gather3A_1608 = arith.constant 0 : i32
        %gather3A_1609 = tpu.memref_slice %arg6[%gather3A_1606, %gather3A_1607, %gather3A_1608] : memref<4x128x32xf32, #tpu.memory_space<vmem>> -> memref<1x128x32xf32, #tpu.memory_space<vmem>>
        %gather3A_1610 = tpu.memref_squeeze %gather3A_1609 : memref<1x128x32xf32, #tpu.memory_space<vmem>> -> memref<128x32xf32, #tpu.memory_space<vmem>>
        %gather3A_1611 = tpu.vector_load_idx %gather3A_1610[%add3A_1605, %and3A_1597] : memref<128x32xf32, #tpu.memory_space<vmem>>[vector<16xi32>, vector<16xi32>], vector<16xf32>,
        %scatter3A = arith.constant 1 : i32
        %scatter3A_1612 = arith.constant 0 : i32
        %scatter3A_1613 = arith.constant 0 : i32
        %scatter3A_1614 = arith.constant 0 : i32
        %scatter3A_1615 = tpu.memref_slice %arg7[%scatter3A, %scatter3A_1612, %scatter3A_1613, %scatter3A_1614] : memref<4x4x8x128xf32, #tpu.memory_space<vmem>> -> memref<1x4x8x128xf32, #tpu.memory_space<vmem>>
        %scatter3A_1616 = tpu.memref_squeeze %scatter3A_1615 : memref<1x4x8x128xf32, #tpu.memory_space<vmem>> -> memref<4x8x128xf32, #tpu.memory_space<vmem>>
        tpu.vector_store_idx %scatter3A_1616[%shift_right_logical3A_1599, %and3A_1602, %add3A_1605], %gather3A_1611 : memref<4x8x128xf32, #tpu.memory_space<vmem>>[vector<16xi32>, vector<16xi32>, vector<16xi32>], vector<16xf32>,
        %add3A_1617 = arith.constant 16 : i32
        %add3A_1618 = vector.broadcast %add3A_1617 : i32 to vector<16xi32>
        %add3A_1619 = arith.addi %add3A_1618, %iota3A : vector<16xi32>
        %gather3A_1620 = arith.constant 1 : i32
        %gather3A_1621 = arith.constant 0 : i32
        %gather3A_1622 = arith.constant 0 : i32
        %gather3A_1623 = tpu.memref_slice %arg6[%gather3A_1620, %gather3A_1621, %gather3A_1622] : memref<4x128x32xf32, #tpu.memory_space<vmem>> -> memref<1x128x32xf32, #tpu.memory_space<vmem>>
        %gather3A_1624 = tpu.memref_squeeze %gather3A_1623 : memref<1x128x32xf32, #tpu.memory_space<vmem>> -> memref<128x32xf32, #tpu.memory_space<vmem>>
        %gather3A_1625 = tpu.vector_load_idx %gather3A_1624[%add3A_1619, %and3A_1597] : memref<128x32xf32, #tpu.memory_space<vmem>>[vector<16xi32>, vector<16xi32>], vector<16xf32>,
        %scatter3A_1626 = arith.constant 1 : i32
        %scatter3A_1627 = arith.constant 0 : i32
        %scatter3A_1628 = arith.constant 0 : i32
        %scatter3A_1629 = arith.constant 0 : i32
        %scatter3A_1630 = tpu.memref_slice %arg7[%scatter3A_1626, %scatter3A_1627, %scatter3A_1628, %scatter3A_1629] : memref<4x4x8x128xf32, #tpu.memory_space<vmem>> -> memref<1x4x8x128xf32, #tpu.memory_space<vmem>>
        %scatter3A_1631 = tpu.memref_squeeze %scatter3A_1630 : memref<1x4x8x128xf32, #tpu.memory_space<vmem>> -> memref<4x8x128xf32, #tpu.memory_space<vmem>>
        tpu.vector_store_idx %scatter3A_1631[%shift_right_logical3A_1599, %and3A_1602, %add3A_1619], %gather3A_1625 : memref<4x8x128xf32, #tpu.memory_space<vmem>>[vector<16xi32>, vector<16xi32>, vector<16xi32>], vector<16xf32>,
        %add3A_1632 = arith.constant 32 : i32
        %add3A_1633 = vector.broadcast %add3A_1632 : i32 to vector<16xi32>
        %add3A_1634 = arith.addi %add3A_1633, %iota3A : vector<16xi32>
        %gather3A_1635 = arith.constant 1 : i32
        %gather3A_1636 = arith.constant 0 : i32
        %gather3A_1637 = arith.constant 0 : i32
        %gather3A_1638 = tpu.memref_slice %arg6[%gather3A_1635, %gather3A_1636, %gather3A_1637] : memref<4x128x32xf32, #tpu.memory_space<vmem>> -> memref<1x128x32xf32, #tpu.memory_space<vmem>>
        %gather3A_1639 = tpu.memref_squeeze %gather3A_1638 : memref<1x128x32xf32, #tpu.memory_space<vmem>> -> memref<128x32xf32, #tpu.memory_space<vmem>>
        %gather3A_1640 = tpu.vector_load_idx %gather3A_1639[%add3A_1634, %and3A_1597] : memref<128x32xf32, #tpu.memory_space<vmem>>[vector<16xi32>, vector<16xi32>], vector<16xf32>,
        %scatter3A_1641 = arith.constant 1 : i32
        %scatter3A_1642 = arith.constant 0 : i32
        %scatter3A_1643 = arith.constant 0 : i32
        %scatter3A_1644 = arith.constant 0 : i32
        %scatter3A_1645 = tpu.memref_slice %arg7[%scatter3A_1641, %scatter3A_1642, %scatter3A_1643, %scatter3A_1644] : memref<4x4x8x128xf32, #tpu.memory_space<vmem>> -> memref<1x4x8x128xf32, #tpu.memory_space<vmem>>
        %scatter3A_1646 = tpu.memref_squeeze %scatter3A_1645 : memref<1x4x8x128xf32, #tpu.memory_space<vmem>> -> memref<4x8x128xf32, #tpu.memory_space<vmem>>
        tpu.vector_store_idx %scatter3A_1646[%shift_right_logical3A_1599, %and3A_1602, %add3A_1634], %gather3A_1640 : memref<4x8x128xf32, #tpu.memory_space<vmem>>[vector<16xi32>, vector<16xi32>, vector<16xi32>], vector<16xf32>,
        %add3A_1647 = arith.constant 48 : i32
        %add3A_1648 = vector.broadcast %add3A_1647 : i32 to vector<16xi32>
        %add3A_1649 = arith.addi %add3A_1648, %iota3A : vector<16xi32>
        %gather3A_1650 = arith.constant 1 : i32
        %gather3A_1651 = arith.constant 0 : i32
        %gather3A_1652 = arith.constant 0 : i32
        %gather3A_1653 = tpu.memref_slice %arg6[%gather3A_1650, %gather3A_1651, %gather3A_1652] : memref<4x128x32xf32, #tpu.memory_space<vmem>> -> memref<1x128x32xf32, #tpu.memory_space<vmem>>
        %gather3A_1654 = tpu.memref_squeeze %gather3A_1653 : memref<1x128x32xf32, #tpu.memory_space<vmem>> -> memref<128x32xf32, #tpu.memory_space<vmem>>
        %gather3A_1655 = tpu.vector_load_idx %gather3A_1654[%add3A_1649, %and3A_1597] : memref<128x32xf32, #tpu.memory_space<vmem>>[vector<16xi32>, vector<16xi32>], vector<16xf32>,
        %scatter3A_1656 = arith.constant 1 : i32
        %scatter3A_1657 = arith.constant 0 : i32
        %scatter3A_1658 = arith.constant 0 : i32
        %scatter3A_1659 = arith.constant 0 : i32
        %scatter3A_1660 = tpu.memref_slice %arg7[%scatter3A_1656, %scatter3A_1657, %scatter3A_1658, %scatter3A_1659] : memref<4x4x8x128xf32, #tpu.memory_space<vmem>> -> memref<1x4x8x128xf32, #tpu.memory_space<vmem>>
        %scatter3A_1661 = tpu.memref_squeeze %scatter3A_1660 : memref<1x4x8x128xf32, #tpu.memory_space<vmem>> -> memref<4x8x128xf32, #tpu.memory_space<vmem>>
        tpu.vector_store_idx %scatter3A_1661[%shift_right_logical3A_1599, %and3A_1602, %add3A_1649], %gather3A_1655 : memref<4x8x128xf32, #tpu.memory_space<vmem>>[vector<16xi32>, vector<16xi32>, vector<16xi32>], vector<16xf32>,
        %add3A_1662 = arith.constant 64 : i32
        %add3A_1663 = vector.broadcast %add3A_1662 : i32 to vector<16xi32>
        %add3A_1664 = arith.addi %add3A_1663, %iota3A : vector<16xi32>
        %gather3A_1665 = arith.constant 1 : i32
        %gather3A_1666 = arith.constant 0 : i32
        %gather3A_1667 = arith.constant 0 : i32
        %gather3A_1668 = tpu.memref_slice %arg6[%gather3A_1665, %gather3A_1666, %gather3A_1667] : memref<4x128x32xf32, #tpu.memory_space<vmem>> -> memref<1x128x32xf32, #tpu.memory_space<vmem>>
        %gather3A_1669 = tpu.memref_squeeze %gather3A_1668 : memref<1x128x32xf32, #tpu.memory_space<vmem>> -> memref<128x32xf32, #tpu.memory_space<vmem>>
        %gather3A_1670 = tpu.vector_load_idx %gather3A_1669[%add3A_1664, %and3A_1597] : memref<128x32xf32, #tpu.memory_space<vmem>>[vector<16xi32>, vector<16xi32>], vector<16xf32>,
        %scatter3A_1671 = arith.constant 1 : i32
        %scatter3A_1672 = arith.constant 0 : i32
        %scatter3A_1673 = arith.constant 0 : i32
        %scatter3A_1674 = arith.constant 0 : i32
        %scatter3A_1675 = tpu.memref_slice %arg7[%scatter3A_1671, %scatter3A_1672, %scatter3A_1673, %scatter3A_1674] : memref<4x4x8x128xf32, #tpu.memory_space<vmem>> -> memref<1x4x8x128xf32, #tpu.memory_space<vmem>>
        %scatter3A_1676 = tpu.memref_squeeze %scatter3A_1675 : memref<1x4x8x128xf32, #tpu.memory_space<vmem>> -> memref<4x8x128xf32, #tpu.memory_space<vmem>>
        tpu.vector_store_idx %scatter3A_1676[%shift_right_logical3A_1599, %and3A_1602, %add3A_1664], %gather3A_1670 : memref<4x8x128xf32, #tpu.memory_space<vmem>>[vector<16xi32>, vector<16xi32>, vector<16xi32>], vector<16xf32>,
        %add3A_1677 = arith.constant 80 : i32
        %add3A_1678 = vector.broadcast %add3A_1677 : i32 to vector<16xi32>
        %add3A_1679 = arith.addi %add3A_1678, %iota3A : vector<16xi32>
        %gather3A_1680 = arith.constant 1 : i32
        %gather3A_1681 = arith.constant 0 : i32
        %gather3A_1682 = arith.constant 0 : i32
        %gather3A_1683 = tpu.memref_slice %arg6[%gather3A_1680, %gather3A_1681, %gather3A_1682] : memref<4x128x32xf32, #tpu.memory_space<vmem>> -> memref<1x128x32xf32, #tpu.memory_space<vmem>>
        %gather3A_1684 = tpu.memref_squeeze %gather3A_1683 : memref<1x128x32xf32, #tpu.memory_space<vmem>> -> memref<128x32xf32, #tpu.memory_space<vmem>>
        %gather3A_1685 = tpu.vector_load_idx %gather3A_1684[%add3A_1679, %and3A_1597] : memref<128x32xf32, #tpu.memory_space<vmem>>[vector<16xi32>, vector<16xi32>], vector<16xf32>,
        %scatter3A_1686 = arith.constant 1 : i32
        %scatter3A_1687 = arith.constant 0 : i32
        %scatter3A_1688 = arith.constant 0 : i32
        %scatter3A_1689 = arith.constant 0 : i32
        %scatter3A_1690 = tpu.memref_slice %arg7[%scatter3A_1686, %scatter3A_1687, %scatter3A_1688, %scatter3A_1689] : memref<4x4x8x128xf32, #tpu.memory_space<vmem>> -> memref<1x4x8x128xf32, #tpu.memory_space<vmem>>
        %scatter3A_1691 = tpu.memref_squeeze %scatter3A_1690 : memref<1x4x8x128xf32, #tpu.memory_space<vmem>> -> memref<4x8x128xf32, #tpu.memory_space<vmem>>
        tpu.vector_store_idx %scatter3A_1691[%shift_right_logical3A_1599, %and3A_1602, %add3A_1679], %gather3A_1685 : memref<4x8x128xf32, #tpu.memory_space<vmem>>[vector<16xi32>, vector<16xi32>, vector<16xi32>], vector<16xf32>,
        %add3A_1692 = arith.constant 96 : i32
        %add3A_1693 = vector.broadcast %add3A_1692 : i32 to vector<16xi32>
        %add3A_1694 = arith.addi %add3A_1693, %iota3A : vector<16xi32>
        %gather3A_1695 = arith.constant 1 : i32
        %gather3A_1696 = arith.constant 0 : i32
        %gather3A_1697 = arith.constant 0 : i32
        %gather3A_1698 = tpu.memref_slice %arg6[%gather3A_1695, %gather3A_1696, %gather3A_1697] : memref<4x128x32xf32, #tpu.memory_space<vmem>> -> memref<1x128x32xf32, #tpu.memory_space<vmem>>
        %gather3A_1699 = tpu.memref_squeeze %gather3A_1698 : memref<1x128x32xf32, #tpu.memory_space<vmem>> -> memref<128x32xf32, #tpu.memory_space<vmem>>
        %gather3A_1700 = tpu.vector_load_idx %gather3A_1699[%add3A_1694, %and3A_1597] : memref<128x32xf32, #tpu.memory_space<vmem>>[vector<16xi32>, vector<16xi32>], vector<16xf32>,
        %scatter3A_1701 = arith.constant 1 : i32
        %scatter3A_1702 = arith.constant 0 : i32
        %scatter3A_1703 = arith.constant 0 : i32
        %scatter3A_1704 = arith.constant 0 : i32
        %scatter3A_1705 = tpu.memref_slice %arg7[%scatter3A_1701, %scatter3A_1702, %scatter3A_1703, %scatter3A_1704] : memref<4x4x8x128xf32, #tpu.memory_space<vmem>> -> memref<1x4x8x128xf32, #tpu.memory_space<vmem>>
        %scatter3A_1706 = tpu.memref_squeeze %scatter3A_1705 : memref<1x4x8x128xf32, #tpu.memory_space<vmem>> -> memref<4x8x128xf32, #tpu.memory_space<vmem>>
        tpu.vector_store_idx %scatter3A_1706[%shift_right_logical3A_1599, %and3A_1602, %add3A_1694], %gather3A_1700 : memref<4x8x128xf32, #tpu.memory_space<vmem>>[vector<16xi32>, vector<16xi32>, vector<16xi32>], vector<16xf32>,
        %add3A_1707 = arith.constant 112 : i32
        %add3A_1708 = vector.broadcast %add3A_1707 : i32 to vector<16xi32>
        %add3A_1709 = arith.addi %add3A_1708, %iota3A : vector<16xi32>
        %gather3A_1710 = arith.constant 1 : i32
        %gather3A_1711 = arith.constant 0 : i32
        %gather3A_1712 = arith.constant 0 : i32
        %gather3A_1713 = tpu.memref_slice %arg6[%gather3A_1710, %gather3A_1711, %gather3A_1712] : memref<4x128x32xf32, #tpu.memory_space<vmem>> -> memref<1x128x32xf32, #tpu.memory_space<vmem>>
        %gather3A_1714 = tpu.memref_squeeze %gather3A_1713 : memref<1x128x32xf32, #tpu.memory_space<vmem>> -> memref<128x32xf32, #tpu.memory_space<vmem>>
        %gather3A_1715 = tpu.vector_load_idx %gather3A_1714[%add3A_1709, %and3A_1597] : memref<128x32xf32, #tpu.memory_space<vmem>>[vector<16xi32>, vector<16xi32>], vector<16xf32>,
        %scatter3A_1716 = arith.constant 1 : i32
        %scatter3A_1717 = arith.constant 0 : i32
        %scatter3A_1718 = arith.constant 0 : i32
        %scatter3A_1719 = arith.constant 0 : i32
        %scatter3A_1720 = tpu.memref_slice %arg7[%scatter3A_1716, %scatter3A_1717, %scatter3A_1718, %scatter3A_1719] : memref<4x4x8x128xf32, #tpu.memory_space<vmem>> -> memref<1x4x8x128xf32, #tpu.memory_space<vmem>>
        %scatter3A_1721 = tpu.memref_squeeze %scatter3A_1720 : memref<1x4x8x128xf32, #tpu.memory_space<vmem>> -> memref<4x8x128xf32, #tpu.memory_space<vmem>>
        tpu.vector_store_idx %scatter3A_1721[%shift_right_logical3A_1599, %and3A_1602, %add3A_1709], %gather3A_1715 : memref<4x8x128xf32, #tpu.memory_space<vmem>>[vector<16xi32>, vector<16xi32>, vector<16xi32>], vector<16xf32>,
      }
      %scan3A_1099 = arith.constant 32 : i32
      %dma_start3A_1100 = arith.constant 1 : i32
      %dma_start3A_1101 = arith.constant 1 : i32
      %dma_start3A_1102 = arith.constant 0 : i32
      %dma_start3A_1103 = arith.constant 0 : i32
      %dma_start3A_1104 = arith.constant 0 : i32
      %dma_start3A_1105 = tpu.memref_slice %arg7[%dma_start3A_1100, %dma_start3A_1102, %dma_start3A_1103, %dma_start3A_1104] : memref<4x4x8x128xf32, #tpu.memory_space<vmem>> -> memref<1x4x8x128xf32, #tpu.memory_space<vmem>>
      %dma_start3A_1106 = tpu.memref_squeeze %dma_start3A_1105 : memref<1x4x8x128xf32, #tpu.memory_space<vmem>> -> memref<4x8x128xf32, #tpu.memory_space<vmem>>
      %dma_start3A_1107 = arith.constant 0 : i32
      %dma_start3A_1108 = arith.constant 0 : i32
      %dma_start3A_1109 = arith.constant 0 : i32
      %dma_start3A_1110 = tpu.memref_slice %arg4[%sub3A_1073, %dma_start3A_1107, %add3A, %dma_start3A_1108, %dma_start3A_1109] : memref<200x4x32x8x128xf32, #tpu.memory_space<hbm>> -> memref<1x4x1x8x128xf32, #tpu.memory_space<hbm>>
      %dma_start3A_1111 = tpu.memref_squeeze %dma_start3A_1110 : memref<1x4x1x8x128xf32, #tpu.memory_space<hbm>> -> memref<4x8x128xf32, #tpu.memory_space<hbm>>
      %dma_start3A_1112 = tpu.memref_slice %arg10[%dma_start3A_1101] : memref<4x!tpu.dma_semaphore, #tpu.memory_space<semaphore_mem>> -> memref<1x!tpu.dma_semaphore, #tpu.memory_space<semaphore_mem>>
      %dma_start3A_1113 = tpu.memref_squeeze %dma_start3A_1112 : memref<1x!tpu.dma_semaphore, #tpu.memory_space<semaphore_mem>> -> memref<!tpu.dma_semaphore, #tpu.memory_space<semaphore_mem>>
      %dma_start3A_1114 = arith.constant 0 : i32
      %dma_start3A_1115 = arith.constant 0 : i32
      %dma_start3A_1116 = arith.constant 0 : i32
      %dma_start3A_1117 = tpu.memref_slice %arg4[%sub3A_1073, %dma_start3A_1114, %add3A, %dma_start3A_1115, %dma_start3A_1116] : memref<200x4x32x8x128xf32, #tpu.memory_space<hbm>> -> memref<1x4x1x8x128xf32, #tpu.memory_space<hbm>>
      %dma_start3A_1118 = tpu.memref_squeeze %dma_start3A_1117 : memref<1x4x1x8x128xf32, #tpu.memory_space<hbm>> -> memref<4x8x128xf32, #tpu.memory_space<hbm>>
      %dma_start3A_1119 = arith.constant 0 : i32
      %dma_start3A_1120 = arith.constant 0 : i32
      %dma_start3A_1121 = arith.constant 0 : i32
      %dma_start3A_1122 = tpu.memref_slice %arg7[%dma_start3A_1100, %dma_start3A_1119, %dma_start3A_1120, %dma_start3A_1121] : memref<4x4x8x128xf32, #tpu.memory_space<vmem>> -> memref<1x4x8x128xf32, #tpu.memory_space<vmem>>
      %dma_start3A_1123 = tpu.memref_squeeze %dma_start3A_1122 : memref<1x4x8x128xf32, #tpu.memory_space<vmem>> -> memref<4x8x128xf32, #tpu.memory_space<vmem>>
      tpu.enqueue_dma source(%dma_start3A_1123 : memref<4x8x128xf32, #tpu.memory_space<vmem>>) target(%dma_start3A_1118 : memref<4x8x128xf32, #tpu.memory_space<hbm>>) target_semaphore(%dma_start3A_1113 : memref<!tpu.dma_semaphore, #tpu.memory_space<semaphore_mem>>)
      %add3A_1124 = arith.constant 0 : i32
      %add3A_1125 = vector.broadcast %add3A_1124 : i32 to vector<16xi32>
      %add3A_1126 = arith.addi %add3A_1125, %iota3A : vector<16xi32>
      %mul3A_1127 = arith.constant 200 : i32
      %mul3A_1128 = vector.broadcast %mul3A_1127 : i32 to vector<16xi32>
      %mul3A_1129 = arith.muli %add3A_1126, %mul3A_1128 : vector<16xi32>
      %add3A_1130 = vector.broadcast %add3A_1071 : i32 to vector<16xi32>
      %add3A_1131 = arith.addi %mul3A_1129, %add3A_1130 : vector<16xi32>
      %gather3A_1132 = tpu.vector_load_idx %arg5[%add3A_1131] : memref<25600xi32, #tpu.memory_space<vmem>>[vector<16xi32>], vector<16xi32>,
      %swap3A_1133 = arith.constant 1 : i32
      %swap3A_1134 = arith.index_cast %swap3A_1133 : i32 to index
      %swap3A_1135 = arith.constant 0 : index
      %swap3A_1136 = tpu.vector_load %arg8[%swap3A_1134, %swap3A_1135] {strides = array<i32>} : memref<4x128xi32, #tpu.memory_space<vmem>>, vector<16xi32>,
      tpu.vector_store %arg8[%swap3A_1134, %swap3A_1135], %gather3A_1132 {strides = array<i32>} : memref<4x128xi32, #tpu.memory_space<vmem>>, vector<16xi32>,
      %add3A_1137 = arith.constant 16 : i32
      %add3A_1138 = vector.broadcast %add3A_1137 : i32 to vector<16xi32>
      %add3A_1139 = arith.addi %add3A_1138, %iota3A : vector<16xi32>
      %mul3A_1140 = arith.constant 200 : i32
      %mul3A_1141 = vector.broadcast %mul3A_1140 : i32 to vector<16xi32>
      %mul3A_1142 = arith.muli %add3A_1139, %mul3A_1141 : vector<16xi32>
      %add3A_1143 = vector.broadcast %add3A_1071 : i32 to vector<16xi32>
      %add3A_1144 = arith.addi %mul3A_1142, %add3A_1143 : vector<16xi32>
      %gather3A_1145 = tpu.vector_load_idx %arg5[%add3A_1144] : memref<25600xi32, #tpu.memory_space<vmem>>[vector<16xi32>], vector<16xi32>,
      %swap3A_1146 = arith.constant 1 : i32
      %swap3A_1147 = arith.index_cast %swap3A_1146 : i32 to index
      %swap3A_1148 = arith.constant 16 : index
      %swap3A_1149 = tpu.vector_load %arg8[%swap3A_1147, %swap3A_1148] {strides = array<i32>} : memref<4x128xi32, #tpu.memory_space<vmem>>, vector<16xi32>,
      tpu.vector_store %arg8[%swap3A_1147, %swap3A_1148], %gather3A_1145 {strides = array<i32>} : memref<4x128xi32, #tpu.memory_space<vmem>>, vector<16xi32>,
      %add3A_1150 = arith.constant 32 : i32
      %add3A_1151 = vector.broadcast %add3A_1150 : i32 to vector<16xi32>
      %add3A_1152 = arith.addi %add3A_1151, %iota3A : vector<16xi32>
      %mul3A_1153 = arith.constant 200 : i32
      %mul3A_1154 = vector.broadcast %mul3A_1153 : i32 to vector<16xi32>
      %mul3A_1155 = arith.muli %add3A_1152, %mul3A_1154 : vector<16xi32>
      %add3A_1156 = vector.broadcast %add3A_1071 : i32 to vector<16xi32>
      %add3A_1157 = arith.addi %mul3A_1155, %add3A_1156 : vector<16xi32>
      %gather3A_1158 = tpu.vector_load_idx %arg5[%add3A_1157] : memref<25600xi32, #tpu.memory_space<vmem>>[vector<16xi32>], vector<16xi32>,
      %swap3A_1159 = arith.constant 1 : i32
      %swap3A_1160 = arith.index_cast %swap3A_1159 : i32 to index
      %swap3A_1161 = arith.constant 32 : index
      %swap3A_1162 = tpu.vector_load %arg8[%swap3A_1160, %swap3A_1161] {strides = array<i32>} : memref<4x128xi32, #tpu.memory_space<vmem>>, vector<16xi32>,
      tpu.vector_store %arg8[%swap3A_1160, %swap3A_1161], %gather3A_1158 {strides = array<i32>} : memref<4x128xi32, #tpu.memory_space<vmem>>, vector<16xi32>,
      %add3A_1163 = arith.constant 48 : i32
      %add3A_1164 = vector.broadcast %add3A_1163 : i32 to vector<16xi32>
      %add3A_1165 = arith.addi %add3A_1164, %iota3A : vector<16xi32>
      %mul3A_1166 = arith.constant 200 : i32
      %mul3A_1167 = vector.broadcast %mul3A_1166 : i32 to vector<16xi32>
      %mul3A_1168 = arith.muli %add3A_1165, %mul3A_1167 : vector<16xi32>
      %add3A_1169 = vector.broadcast %add3A_1071 : i32 to vector<16xi32>
      %add3A_1170 = arith.addi %mul3A_1168, %add3A_1169 : vector<16xi32>
      %gather3A_1171 = tpu.vector_load_idx %arg5[%add3A_1170] : memref<25600xi32, #tpu.memory_space<vmem>>[vector<16xi32>], vector<16xi32>,
      %swap3A_1172 = arith.constant 1 : i32
      %swap3A_1173 = arith.index_cast %swap3A_1172 : i32 to index
      %swap3A_1174 = arith.constant 48 : index
      %swap3A_1175 = tpu.vector_load %arg8[%swap3A_1173, %swap3A_1174] {strides = array<i32>} : memref<4x128xi32, #tpu.memory_space<vmem>>, vector<16xi32>,
      tpu.vector_store %arg8[%swap3A_1173, %swap3A_1174], %gather3A_1171 {strides = array<i32>} : memref<4x128xi32, #tpu.memory_space<vmem>>, vector<16xi32>,
      %add3A_1176 = arith.constant 64 : i32
      %add3A_1177 = vector.broadcast %add3A_1176 : i32 to vector<16xi32>
      %add3A_1178 = arith.addi %add3A_1177, %iota3A : vector<16xi32>
      %mul3A_1179 = arith.constant 200 : i32
      %mul3A_1180 = vector.broadcast %mul3A_1179 : i32 to vector<16xi32>
      %mul3A_1181 = arith.muli %add3A_1178, %mul3A_1180 : vector<16xi32>
      %add3A_1182 = vector.broadcast %add3A_1071 : i32 to vector<16xi32>
      %add3A_1183 = arith.addi %mul3A_1181, %add3A_1182 : vector<16xi32>
      %gather3A_1184 = tpu.vector_load_idx %arg5[%add3A_1183] : memref<25600xi32, #tpu.memory_space<vmem>>[vector<16xi32>], vector<16xi32>,
      %swap3A_1185 = arith.constant 1 : i32
      %swap3A_1186 = arith.index_cast %swap3A_1185 : i32 to index
      %swap3A_1187 = arith.constant 64 : index
      %swap3A_1188 = tpu.vector_load %arg8[%swap3A_1186, %swap3A_1187] {strides = array<i32>} : memref<4x128xi32, #tpu.memory_space<vmem>>, vector<16xi32>,
      tpu.vector_store %arg8[%swap3A_1186, %swap3A_1187], %gather3A_1184 {strides = array<i32>} : memref<4x128xi32, #tpu.memory_space<vmem>>, vector<16xi32>,
      %add3A_1189 = arith.constant 80 : i32
      %add3A_1190 = vector.broadcast %add3A_1189 : i32 to vector<16xi32>
      %add3A_1191 = arith.addi %add3A_1190, %iota3A : vector<16xi32>
      %mul3A_1192 = arith.constant 200 : i32
      %mul3A_1193 = vector.broadcast %mul3A_1192 : i32 to vector<16xi32>
      %mul3A_1194 = arith.muli %add3A_1191, %mul3A_1193 : vector<16xi32>
      %add3A_1195 = vector.broadcast %add3A_1071 : i32 to vector<16xi32>
      %add3A_1196 = arith.addi %mul3A_1194, %add3A_1195 : vector<16xi32>
      %gather3A_1197 = tpu.vector_load_idx %arg5[%add3A_1196] : memref<25600xi32, #tpu.memory_space<vmem>>[vector<16xi32>], vector<16xi32>,
      %swap3A_1198 = arith.constant 1 : i32
      %swap3A_1199 = arith.index_cast %swap3A_1198 : i32 to index
      %swap3A_1200 = arith.constant 80 : index
      %swap3A_1201 = tpu.vector_load %arg8[%swap3A_1199, %swap3A_1200] {strides = array<i32>} : memref<4x128xi32, #tpu.memory_space<vmem>>, vector<16xi32>,
      tpu.vector_store %arg8[%swap3A_1199, %swap3A_1200], %gather3A_1197 {strides = array<i32>} : memref<4x128xi32, #tpu.memory_space<vmem>>, vector<16xi32>,
      %add3A_1202 = arith.constant 96 : i32
      %add3A_1203 = vector.broadcast %add3A_1202 : i32 to vector<16xi32>
      %add3A_1204 = arith.addi %add3A_1203, %iota3A : vector<16xi32>
      %mul3A_1205 = arith.constant 200 : i32
      %mul3A_1206 = vector.broadcast %mul3A_1205 : i32 to vector<16xi32>
      %mul3A_1207 = arith.muli %add3A_1204, %mul3A_1206 : vector<16xi32>
      %add3A_1208 = vector.broadcast %add3A_1071 : i32 to vector<16xi32>
      %add3A_1209 = arith.addi %mul3A_1207, %add3A_1208 : vector<16xi32>
      %gather3A_1210 = tpu.vector_load_idx %arg5[%add3A_1209] : memref<25600xi32, #tpu.memory_space<vmem>>[vector<16xi32>], vector<16xi32>,
      %swap3A_1211 = arith.constant 1 : i32
      %swap3A_1212 = arith.index_cast %swap3A_1211 : i32 to index
      %swap3A_1213 = arith.constant 96 : index
      %swap3A_1214 = tpu.vector_load %arg8[%swap3A_1212, %swap3A_1213] {strides = array<i32>} : memref<4x128xi32, #tpu.memory_space<vmem>>, vector<16xi32>,
      tpu.vector_store %arg8[%swap3A_1212, %swap3A_1213], %gather3A_1210 {strides = array<i32>} : memref<4x128xi32, #tpu.memory_space<vmem>>, vector<16xi32>,
      %add3A_1215 = arith.constant 112 : i32
      %add3A_1216 = vector.broadcast %add3A_1215 : i32 to vector<16xi32>
      %add3A_1217 = arith.addi %add3A_1216, %iota3A : vector<16xi32>
      %mul3A_1218 = arith.constant 200 : i32
      %mul3A_1219 = vector.broadcast %mul3A_1218 : i32 to vector<16xi32>
      %mul3A_1220 = arith.muli %add3A_1217, %mul3A_1219 : vector<16xi32>
      %add3A_1221 = vector.broadcast %add3A_1071 : i32 to vector<16xi32>
      %add3A_1222 = arith.addi %mul3A_1220, %add3A_1221 : vector<16xi32>
      %gather3A_1223 = tpu.vector_load_idx %arg5[%add3A_1222] : memref<25600xi32, #tpu.memory_space<vmem>>[vector<16xi32>], vector<16xi32>,
      %swap3A_1224 = arith.constant 1 : i32
      %swap3A_1225 = arith.index_cast %swap3A_1224 : i32 to index
      %swap3A_1226 = arith.constant 112 : index
      %swap3A_1227 = tpu.vector_load %arg8[%swap3A_1225, %swap3A_1226] {strides = array<i32>} : memref<4x128xi32, #tpu.memory_space<vmem>>, vector<16xi32>,
      tpu.vector_store %arg8[%swap3A_1225, %swap3A_1226], %gather3A_1223 {strides = array<i32>} : memref<4x128xi32, #tpu.memory_space<vmem>>, vector<16xi32>,
      %dma_start3A_1228 = arith.constant 1 : i32
      %dma_start3A_1229 = arith.constant 1 : i32
      %dma_start3A_1230 = arith.constant 1 : i32
      %dma_start3A_1231 = arith.constant 0 : i32
      %dma_start3A_1232 = arith.constant 0 : i32
      %dma_start3A_1233 = tpu.memref_slice %arg6[%dma_start3A_1229, %dma_start3A_1231, %dma_start3A_1232] : memref<4x128x32xf32, #tpu.memory_space<vmem>> -> memref<1x128x32xf32, #tpu.memory_space<vmem>>
      %dma_start3A_1234 = tpu.memref_squeeze %dma_start3A_1233 : memref<1x128x32xf32, #tpu.memory_space<vmem>> -> memref<128x32xf32, #tpu.memory_space<vmem>>
      %dma_start3A_1235 = arith.constant 0 : i32
      %dma_start3A_1236 = tpu.memref_slice %arg8[%dma_start3A_1228, %dma_start3A_1235] : memref<4x128xi32, #tpu.memory_space<vmem>> -> memref<1x128xi32, #tpu.memory_space<vmem>>
      %dma_start3A_1237 = tpu.memref_squeeze %dma_start3A_1236 : memref<1x128xi32, #tpu.memory_space<vmem>> -> memref<128xi32, #tpu.memory_space<vmem>>
      %dma_start3A_1238 = arith.constant 0 : i32
      %dma_start3A_1239 = arith.constant 0 : i32
      %dma_start3A_1240 = tpu.memref_slice %arg3[%dma_start3A_1238, %dma_start3A_1239] : memref<1000000x32xf32, #tpu.memory_space<hbm>> -> memref<1000000x32xf32, #tpu.memory_space<hbm>>
      %dma_start3A_1241 = tpu.memref_slice %arg9[%dma_start3A_1230] : memref<4x!tpu.dma_semaphore, #tpu.memory_space<semaphore_mem>> -> memref<1x!tpu.dma_semaphore, #tpu.memory_space<semaphore_mem>>
      %dma_start3A_1242 = tpu.memref_squeeze %dma_start3A_1241 : memref<1x!tpu.dma_semaphore, #tpu.memory_space<semaphore_mem>> -> memref<!tpu.dma_semaphore, #tpu.memory_space<semaphore_mem>>
      tpu.enqueue_indirect_dma source(%dma_start3A_1240 : memref<1000000x32xf32, #tpu.memory_space<hbm>>) target(%dma_start3A_1234 : memref<128x32xf32, #tpu.memory_space<vmem>>) offsets(%dma_start3A_1237 : memref<128xi32, #tpu.memory_space<vmem>>) semaphore(%dma_start3A_1242 : memref<!tpu.dma_semaphore, #tpu.memory_space<semaphore_mem>>)
      %mul3A_1243 = arith.constant 4 : i32
      %mul3A_1244 = arith.muli %scan3A_896, %mul3A_1243 : i32
      %add3A_1245 = arith.constant 2 : i32
      %add3A_1246 = arith.addi %mul3A_1244, %add3A_1245 : i32
      %sub3A_1247 = arith.constant 4 : i32
      %sub3A_1248 = arith.subi %add3A_1246, %sub3A_1247 : i32
      %dma_wait3A_1249 = arith.constant 2 : i32
      %dma_wait3A_1250 = arith.constant 2 : i32
      %dma_wait3A_1251 = arith.constant 2 : i32
      %dma_wait3A_1252 = arith.constant 0 : i32
      %dma_wait3A_1253 = arith.constant 0 : i32
      %dma_wait3A_1254 = tpu.memref_slice %arg6[%dma_wait3A_1250, %dma_wait3A_1252, %dma_wait3A_1253] : memref<4x128x32xf32, #tpu.memory_space<vmem>> -> memref<1x128x32xf32, #tpu.memory_space<vmem>>
      %dma_wait3A_1255 = tpu.memref_squeeze %dma_wait3A_1254 : memref<1x128x32xf32, #tpu.memory_space<vmem>> -> memref<128x32xf32, #tpu.memory_space<vmem>>
      %dma_wait3A_1256 = arith.constant 0 : i32
      %dma_wait3A_1257 = tpu.memref_slice %arg8[%dma_wait3A_1249, %dma_wait3A_1256] : memref<4x128xi32, #tpu.memory_space<vmem>> -> memref<1x128xi32, #tpu.memory_space<vmem>>
      %dma_wait3A_1258 = tpu.memref_squeeze %dma_wait3A_1257 : memref<1x128xi32, #tpu.memory_space<vmem>> -> memref<128xi32, #tpu.memory_space<vmem>>
      %dma_wait3A_1259 = arith.constant 0 : i32
      %dma_wait3A_1260 = arith.constant 0 : i32
      %dma_wait3A_1261 = tpu.memref_slice %arg3[%dma_wait3A_1259, %dma_wait3A_1260] : memref<1000000x32xf32, #tpu.memory_space<hbm>> -> memref<1000000x32xf32, #tpu.memory_space<hbm>>
      %dma_wait3A_1262 = tpu.memref_slice %arg9[%dma_wait3A_1251] : memref<4x!tpu.dma_semaphore, #tpu.memory_space<semaphore_mem>> -> memref<1x!tpu.dma_semaphore, #tpu.memory_space<semaphore_mem>>
      %dma_wait3A_1263 = tpu.memref_squeeze %dma_wait3A_1262 : memref<1x!tpu.dma_semaphore, #tpu.memory_space<semaphore_mem>> -> memref<!tpu.dma_semaphore, #tpu.memory_space<semaphore_mem>>
      tpu.wait_indirect_dma semaphore(%dma_wait3A_1263 : memref<!tpu.dma_semaphore, #tpu.memory_space<semaphore_mem>>) src(%dma_wait3A_1261 : memref<1000000x32xf32, #tpu.memory_space<hbm>>) dst(%dma_wait3A_1255 : memref<128x32xf32, #tpu.memory_space<vmem>>)
      %ge3A_1264 = arith.constant 2 : i32
      %ge3A_1265 = arith.cmpi sge, %scan3A_896, %ge3A_1264 : i32
      %convert_element_type3A_1266 = arith.extui %ge3A_1265 : i1 to i32
      %cond3A_1267 = arith.constant 0 : i32
      %cond3A_1268 = arith.cmpi ne, %convert_element_type3A_1266, %cond3A_1267 : i32
      scf.if %cond3A_1268 {
        %dma_wait3A_1593 = arith.constant 2 : i32
        %dma_wait3A_1594 = arith.constant 2 : i32
        %dma_wait3A_1595 = arith.constant 0 : i32
        %dma_wait3A_1596 = arith.constant 0 : i32
        %dma_wait3A_1597 = arith.constant 0 : i32
        %dma_wait3A_1598 = tpu.memref_slice %arg7[%dma_wait3A_1593, %dma_wait3A_1595, %dma_wait3A_1596, %dma_wait3A_1597] : memref<4x4x8x128xf32, #tpu.memory_space<vmem>> -> memref<1x4x8x128xf32, #tpu.memory_space<vmem>>
        %dma_wait3A_1599 = tpu.memref_squeeze %dma_wait3A_1598 : memref<1x4x8x128xf32, #tpu.memory_space<vmem>> -> memref<4x8x128xf32, #tpu.memory_space<vmem>>
        %dma_wait3A_1600 = arith.constant 0 : i32
        %dma_wait3A_1601 = arith.constant 0 : i32
        %dma_wait3A_1602 = arith.constant 0 : i32
        %dma_wait3A_1603 = tpu.memref_slice %arg4[%sub3A_1248, %dma_wait3A_1600, %add3A, %dma_wait3A_1601, %dma_wait3A_1602] : memref<200x4x32x8x128xf32, #tpu.memory_space<hbm>> -> memref<1x4x1x8x128xf32, #tpu.memory_space<hbm>>
        %dma_wait3A_1604 = tpu.memref_squeeze %dma_wait3A_1603 : memref<1x4x1x8x128xf32, #tpu.memory_space<hbm>> -> memref<4x8x128xf32, #tpu.memory_space<hbm>>
        %dma_wait3A_1605 = tpu.memref_slice %arg10[%dma_wait3A_1594] : memref<4x!tpu.dma_semaphore, #tpu.memory_space<semaphore_mem>> -> memref<1x!tpu.dma_semaphore, #tpu.memory_space<semaphore_mem>>
        %dma_wait3A_1606 = tpu.memref_squeeze %dma_wait3A_1605 : memref<1x!tpu.dma_semaphore, #tpu.memory_space<semaphore_mem>> -> memref<!tpu.dma_semaphore, #tpu.memory_space<semaphore_mem>>
        %dma_wait3A_1607 = arith.constant 0 : i32
        %dma_wait3A_1608 = arith.constant 0 : i32
        %dma_wait3A_1609 = arith.constant 0 : i32
        %dma_wait3A_1610 = tpu.memref_slice %arg4[%sub3A_1248, %dma_wait3A_1607, %add3A, %dma_wait3A_1608, %dma_wait3A_1609] : memref<200x4x32x8x128xf32, #tpu.memory_space<hbm>> -> memref<1x4x1x8x128xf32, #tpu.memory_space<hbm>>
        %dma_wait3A_1611 = tpu.memref_squeeze %dma_wait3A_1610 : memref<1x4x1x8x128xf32, #tpu.memory_space<hbm>> -> memref<4x8x128xf32, #tpu.memory_space<hbm>>
        %dma_wait3A_1612 = arith.constant 0 : i32
        %dma_wait3A_1613 = arith.constant 0 : i32
        %dma_wait3A_1614 = arith.constant 0 : i32
        %dma_wait3A_1615 = tpu.memref_slice %arg7[%dma_wait3A_1593, %dma_wait3A_1612, %dma_wait3A_1613, %dma_wait3A_1614] : memref<4x4x8x128xf32, #tpu.memory_space<vmem>> -> memref<1x4x8x128xf32, #tpu.memory_space<vmem>>
        %dma_wait3A_1616 = tpu.memref_squeeze %dma_wait3A_1615 : memref<1x4x8x128xf32, #tpu.memory_space<vmem>> -> memref<4x8x128xf32, #tpu.memory_space<vmem>>
        tpu.wait_dma2 semaphore(%dma_wait3A_1606 : memref<!tpu.dma_semaphore, #tpu.memory_space<semaphore_mem>>) src(%dma_wait3A_1616 : memref<4x8x128xf32, #tpu.memory_space<vmem>>) dst(%dma_wait3A_1611 : memref<4x8x128xf32, #tpu.memory_space<hbm>>)
      } else {
      }
      %scan3A_1269 = arith.constant 0 : i32
      %scan3A_1270 = arith.constant 0 : i32
      %scan3A_1271 = arith.constant 32 : i32
      %scan3A_1272 = arith.addi %scan3A_1270, %scan3A_1271 : i32
      %scan3A_1273 = arith.constant 1 : i32
      scf.for %scan3A_1593 = %scan3A_1270 to %scan3A_1272 step %scan3A_1273  : i32 {
        %add3A_1594 = vector.broadcast %scan3A_1593 : i32 to vector<16xi32>
        %add3A_1595 = arith.addi %add3A_1594, %iota3A : vector<16xi32>
        %and3A = arith.constant 31 : i32
        %and3A_1596 = vector.broadcast %and3A : i32 to vector<16xi32>
        %and3A_1597 = arith.andi %add3A_1595, %and3A_1596 : vector<16xi32>
        %shift_right_logical3A = arith.constant 3 : i32
        %shift_right_logical3A_1598 = vector.broadcast %shift_right_logical3A : i32 to vector<16xi32>
        %shift_right_logical3A_1599 = arith.shrui %and3A_1597, %shift_right_logical3A_1598 : vector<16xi32>
        %and3A_1600 = arith.constant 7 : i32
        %and3A_1601 = vector.broadcast %and3A_1600 : i32 to vector<16xi32>
        %and3A_1602 = arith.andi %and3A_1597, %and3A_1601 : vector<16xi32>
        %add3A_1603 = arith.constant 0 : i32
        %add3A_1604 = vector.broadcast %add3A_1603 : i32 to vector<16xi32>
        %add3A_1605 = arith.addi %add3A_1604, %iota3A : vector<16xi32>
        %gather3A_1606 = arith.constant 2 : i32
        %gather3A_1607 = arith.constant 0 : i32
        %gather3A_1608 = arith.constant 0 : i32
        %gather3A_1609 = tpu.memref_slice %arg6[%gather3A_1606, %gather3A_1607, %gather3A_1608] : memref<4x128x32xf32, #tpu.memory_space<vmem>> -> memref<1x128x32xf32, #tpu.memory_space<vmem>>
        %gather3A_1610 = tpu.memref_squeeze %gather3A_1609 : memref<1x128x32xf32, #tpu.memory_space<vmem>> -> memref<128x32xf32, #tpu.memory_space<vmem>>
        %gather3A_1611 = tpu.vector_load_idx %gather3A_1610[%add3A_1605, %and3A_1597] : memref<128x32xf32, #tpu.memory_space<vmem>>[vector<16xi32>, vector<16xi32>], vector<16xf32>,
        %scatter3A = arith.constant 2 : i32
        %scatter3A_1612 = arith.constant 0 : i32
        %scatter3A_1613 = arith.constant 0 : i32
        %scatter3A_1614 = arith.constant 0 : i32
        %scatter3A_1615 = tpu.memref_slice %arg7[%scatter3A, %scatter3A_1612, %scatter3A_1613, %scatter3A_1614] : memref<4x4x8x128xf32, #tpu.memory_space<vmem>> -> memref<1x4x8x128xf32, #tpu.memory_space<vmem>>
        %scatter3A_1616 = tpu.memref_squeeze %scatter3A_1615 : memref<1x4x8x128xf32, #tpu.memory_space<vmem>> -> memref<4x8x128xf32, #tpu.memory_space<vmem>>
        tpu.vector_store_idx %scatter3A_1616[%shift_right_logical3A_1599, %and3A_1602, %add3A_1605], %gather3A_1611 : memref<4x8x128xf32, #tpu.memory_space<vmem>>[vector<16xi32>, vector<16xi32>, vector<16xi32>], vector<16xf32>,
        %add3A_1617 = arith.constant 16 : i32
        %add3A_1618 = vector.broadcast %add3A_1617 : i32 to vector<16xi32>
        %add3A_1619 = arith.addi %add3A_1618, %iota3A : vector<16xi32>
        %gather3A_1620 = arith.constant 2 : i32
        %gather3A_1621 = arith.constant 0 : i32
        %gather3A_1622 = arith.constant 0 : i32
        %gather3A_1623 = tpu.memref_slice %arg6[%gather3A_1620, %gather3A_1621, %gather3A_1622] : memref<4x128x32xf32, #tpu.memory_space<vmem>> -> memref<1x128x32xf32, #tpu.memory_space<vmem>>
        %gather3A_1624 = tpu.memref_squeeze %gather3A_1623 : memref<1x128x32xf32, #tpu.memory_space<vmem>> -> memref<128x32xf32, #tpu.memory_space<vmem>>
        %gather3A_1625 = tpu.vector_load_idx %gather3A_1624[%add3A_1619, %and3A_1597] : memref<128x32xf32, #tpu.memory_space<vmem>>[vector<16xi32>, vector<16xi32>], vector<16xf32>,
        %scatter3A_1626 = arith.constant 2 : i32
        %scatter3A_1627 = arith.constant 0 : i32
        %scatter3A_1628 = arith.constant 0 : i32
        %scatter3A_1629 = arith.constant 0 : i32
        %scatter3A_1630 = tpu.memref_slice %arg7[%scatter3A_1626, %scatter3A_1627, %scatter3A_1628, %scatter3A_1629] : memref<4x4x8x128xf32, #tpu.memory_space<vmem>> -> memref<1x4x8x128xf32, #tpu.memory_space<vmem>>
        %scatter3A_1631 = tpu.memref_squeeze %scatter3A_1630 : memref<1x4x8x128xf32, #tpu.memory_space<vmem>> -> memref<4x8x128xf32, #tpu.memory_space<vmem>>
        tpu.vector_store_idx %scatter3A_1631[%shift_right_logical3A_1599, %and3A_1602, %add3A_1619], %gather3A_1625 : memref<4x8x128xf32, #tpu.memory_space<vmem>>[vector<16xi32>, vector<16xi32>, vector<16xi32>], vector<16xf32>,
        %add3A_1632 = arith.constant 32 : i32
        %add3A_1633 = vector.broadcast %add3A_1632 : i32 to vector<16xi32>
        %add3A_1634 = arith.addi %add3A_1633, %iota3A : vector<16xi32>
        %gather3A_1635 = arith.constant 2 : i32
        %gather3A_1636 = arith.constant 0 : i32
        %gather3A_1637 = arith.constant 0 : i32
        %gather3A_1638 = tpu.memref_slice %arg6[%gather3A_1635, %gather3A_1636, %gather3A_1637] : memref<4x128x32xf32, #tpu.memory_space<vmem>> -> memref<1x128x32xf32, #tpu.memory_space<vmem>>
        %gather3A_1639 = tpu.memref_squeeze %gather3A_1638 : memref<1x128x32xf32, #tpu.memory_space<vmem>> -> memref<128x32xf32, #tpu.memory_space<vmem>>
        %gather3A_1640 = tpu.vector_load_idx %gather3A_1639[%add3A_1634, %and3A_1597] : memref<128x32xf32, #tpu.memory_space<vmem>>[vector<16xi32>, vector<16xi32>], vector<16xf32>,
        %scatter3A_1641 = arith.constant 2 : i32
        %scatter3A_1642 = arith.constant 0 : i32
        %scatter3A_1643 = arith.constant 0 : i32
        %scatter3A_1644 = arith.constant 0 : i32
        %scatter3A_1645 = tpu.memref_slice %arg7[%scatter3A_1641, %scatter3A_1642, %scatter3A_1643, %scatter3A_1644] : memref<4x4x8x128xf32, #tpu.memory_space<vmem>> -> memref<1x4x8x128xf32, #tpu.memory_space<vmem>>
        %scatter3A_1646 = tpu.memref_squeeze %scatter3A_1645 : memref<1x4x8x128xf32, #tpu.memory_space<vmem>> -> memref<4x8x128xf32, #tpu.memory_space<vmem>>
        tpu.vector_store_idx %scatter3A_1646[%shift_right_logical3A_1599, %and3A_1602, %add3A_1634], %gather3A_1640 : memref<4x8x128xf32, #tpu.memory_space<vmem>>[vector<16xi32>, vector<16xi32>, vector<16xi32>], vector<16xf32>,
        %add3A_1647 = arith.constant 48 : i32
        %add3A_1648 = vector.broadcast %add3A_1647 : i32 to vector<16xi32>
        %add3A_1649 = arith.addi %add3A_1648, %iota3A : vector<16xi32>
        %gather3A_1650 = arith.constant 2 : i32
        %gather3A_1651 = arith.constant 0 : i32
        %gather3A_1652 = arith.constant 0 : i32
        %gather3A_1653 = tpu.memref_slice %arg6[%gather3A_1650, %gather3A_1651, %gather3A_1652] : memref<4x128x32xf32, #tpu.memory_space<vmem>> -> memref<1x128x32xf32, #tpu.memory_space<vmem>>
        %gather3A_1654 = tpu.memref_squeeze %gather3A_1653 : memref<1x128x32xf32, #tpu.memory_space<vmem>> -> memref<128x32xf32, #tpu.memory_space<vmem>>
        %gather3A_1655 = tpu.vector_load_idx %gather3A_1654[%add3A_1649, %and3A_1597] : memref<128x32xf32, #tpu.memory_space<vmem>>[vector<16xi32>, vector<16xi32>], vector<16xf32>,
        %scatter3A_1656 = arith.constant 2 : i32
        %scatter3A_1657 = arith.constant 0 : i32
        %scatter3A_1658 = arith.constant 0 : i32
        %scatter3A_1659 = arith.constant 0 : i32
        %scatter3A_1660 = tpu.memref_slice %arg7[%scatter3A_1656, %scatter3A_1657, %scatter3A_1658, %scatter3A_1659] : memref<4x4x8x128xf32, #tpu.memory_space<vmem>> -> memref<1x4x8x128xf32, #tpu.memory_space<vmem>>
        %scatter3A_1661 = tpu.memref_squeeze %scatter3A_1660 : memref<1x4x8x128xf32, #tpu.memory_space<vmem>> -> memref<4x8x128xf32, #tpu.memory_space<vmem>>
        tpu.vector_store_idx %scatter3A_1661[%shift_right_logical3A_1599, %and3A_1602, %add3A_1649], %gather3A_1655 : memref<4x8x128xf32, #tpu.memory_space<vmem>>[vector<16xi32>, vector<16xi32>, vector<16xi32>], vector<16xf32>,
        %add3A_1662 = arith.constant 64 : i32
        %add3A_1663 = vector.broadcast %add3A_1662 : i32 to vector<16xi32>
        %add3A_1664 = arith.addi %add3A_1663, %iota3A : vector<16xi32>
        %gather3A_1665 = arith.constant 2 : i32
        %gather3A_1666 = arith.constant 0 : i32
        %gather3A_1667 = arith.constant 0 : i32
        %gather3A_1668 = tpu.memref_slice %arg6[%gather3A_1665, %gather3A_1666, %gather3A_1667] : memref<4x128x32xf32, #tpu.memory_space<vmem>> -> memref<1x128x32xf32, #tpu.memory_space<vmem>>
        %gather3A_1669 = tpu.memref_squeeze %gather3A_1668 : memref<1x128x32xf32, #tpu.memory_space<vmem>> -> memref<128x32xf32, #tpu.memory_space<vmem>>
        %gather3A_1670 = tpu.vector_load_idx %gather3A_1669[%add3A_1664, %and3A_1597] : memref<128x32xf32, #tpu.memory_space<vmem>>[vector<16xi32>, vector<16xi32>], vector<16xf32>,
        %scatter3A_1671 = arith.constant 2 : i32
        %scatter3A_1672 = arith.constant 0 : i32
        %scatter3A_1673 = arith.constant 0 : i32
        %scatter3A_1674 = arith.constant 0 : i32
        %scatter3A_1675 = tpu.memref_slice %arg7[%scatter3A_1671, %scatter3A_1672, %scatter3A_1673, %scatter3A_1674] : memref<4x4x8x128xf32, #tpu.memory_space<vmem>> -> memref<1x4x8x128xf32, #tpu.memory_space<vmem>>
        %scatter3A_1676 = tpu.memref_squeeze %scatter3A_1675 : memref<1x4x8x128xf32, #tpu.memory_space<vmem>> -> memref<4x8x128xf32, #tpu.memory_space<vmem>>
        tpu.vector_store_idx %scatter3A_1676[%shift_right_logical3A_1599, %and3A_1602, %add3A_1664], %gather3A_1670 : memref<4x8x128xf32, #tpu.memory_space<vmem>>[vector<16xi32>, vector<16xi32>, vector<16xi32>], vector<16xf32>,
        %add3A_1677 = arith.constant 80 : i32
        %add3A_1678 = vector.broadcast %add3A_1677 : i32 to vector<16xi32>
        %add3A_1679 = arith.addi %add3A_1678, %iota3A : vector<16xi32>
        %gather3A_1680 = arith.constant 2 : i32
        %gather3A_1681 = arith.constant 0 : i32
        %gather3A_1682 = arith.constant 0 : i32
        %gather3A_1683 = tpu.memref_slice %arg6[%gather3A_1680, %gather3A_1681, %gather3A_1682] : memref<4x128x32xf32, #tpu.memory_space<vmem>> -> memref<1x128x32xf32, #tpu.memory_space<vmem>>
        %gather3A_1684 = tpu.memref_squeeze %gather3A_1683 : memref<1x128x32xf32, #tpu.memory_space<vmem>> -> memref<128x32xf32, #tpu.memory_space<vmem>>
        %gather3A_1685 = tpu.vector_load_idx %gather3A_1684[%add3A_1679, %and3A_1597] : memref<128x32xf32, #tpu.memory_space<vmem>>[vector<16xi32>, vector<16xi32>], vector<16xf32>,
        %scatter3A_1686 = arith.constant 2 : i32
        %scatter3A_1687 = arith.constant 0 : i32
        %scatter3A_1688 = arith.constant 0 : i32
        %scatter3A_1689 = arith.constant 0 : i32
        %scatter3A_1690 = tpu.memref_slice %arg7[%scatter3A_1686, %scatter3A_1687, %scatter3A_1688, %scatter3A_1689] : memref<4x4x8x128xf32, #tpu.memory_space<vmem>> -> memref<1x4x8x128xf32, #tpu.memory_space<vmem>>
        %scatter3A_1691 = tpu.memref_squeeze %scatter3A_1690 : memref<1x4x8x128xf32, #tpu.memory_space<vmem>> -> memref<4x8x128xf32, #tpu.memory_space<vmem>>
        tpu.vector_store_idx %scatter3A_1691[%shift_right_logical3A_1599, %and3A_1602, %add3A_1679], %gather3A_1685 : memref<4x8x128xf32, #tpu.memory_space<vmem>>[vector<16xi32>, vector<16xi32>, vector<16xi32>], vector<16xf32>,
        %add3A_1692 = arith.constant 96 : i32
        %add3A_1693 = vector.broadcast %add3A_1692 : i32 to vector<16xi32>
        %add3A_1694 = arith.addi %add3A_1693, %iota3A : vector<16xi32>
        %gather3A_1695 = arith.constant 2 : i32
        %gather3A_1696 = arith.constant 0 : i32
        %gather3A_1697 = arith.constant 0 : i32
        %gather3A_1698 = tpu.memref_slice %arg6[%gather3A_1695, %gather3A_1696, %gather3A_1697] : memref<4x128x32xf32, #tpu.memory_space<vmem>> -> memref<1x128x32xf32, #tpu.memory_space<vmem>>
        %gather3A_1699 = tpu.memref_squeeze %gather3A_1698 : memref<1x128x32xf32, #tpu.memory_space<vmem>> -> memref<128x32xf32, #tpu.memory_space<vmem>>
        %gather3A_1700 = tpu.vector_load_idx %gather3A_1699[%add3A_1694, %and3A_1597] : memref<128x32xf32, #tpu.memory_space<vmem>>[vector<16xi32>, vector<16xi32>], vector<16xf32>,
        %scatter3A_1701 = arith.constant 2 : i32
        %scatter3A_1702 = arith.constant 0 : i32
        %scatter3A_1703 = arith.constant 0 : i32
        %scatter3A_1704 = arith.constant 0 : i32
        %scatter3A_1705 = tpu.memref_slice %arg7[%scatter3A_1701, %scatter3A_1702, %scatter3A_1703, %scatter3A_1704] : memref<4x4x8x128xf32, #tpu.memory_space<vmem>> -> memref<1x4x8x128xf32, #tpu.memory_space<vmem>>
        %scatter3A_1706 = tpu.memref_squeeze %scatter3A_1705 : memref<1x4x8x128xf32, #tpu.memory_space<vmem>> -> memref<4x8x128xf32, #tpu.memory_space<vmem>>
        tpu.vector_store_idx %scatter3A_1706[%shift_right_logical3A_1599, %and3A_1602, %add3A_1694], %gather3A_1700 : memref<4x8x128xf32, #tpu.memory_space<vmem>>[vector<16xi32>, vector<16xi32>, vector<16xi32>], vector<16xf32>,
        %add3A_1707 = arith.constant 112 : i32
        %add3A_1708 = vector.broadcast %add3A_1707 : i32 to vector<16xi32>
        %add3A_1709 = arith.addi %add3A_1708, %iota3A : vector<16xi32>
        %gather3A_1710 = arith.constant 2 : i32
        %gather3A_1711 = arith.constant 0 : i32
        %gather3A_1712 = arith.constant 0 : i32
        %gather3A_1713 = tpu.memref_slice %arg6[%gather3A_1710, %gather3A_1711, %gather3A_1712] : memref<4x128x32xf32, #tpu.memory_space<vmem>> -> memref<1x128x32xf32, #tpu.memory_space<vmem>>
        %gather3A_1714 = tpu.memref_squeeze %gather3A_1713 : memref<1x128x32xf32, #tpu.memory_space<vmem>> -> memref<128x32xf32, #tpu.memory_space<vmem>>
        %gather3A_1715 = tpu.vector_load_idx %gather3A_1714[%add3A_1709, %and3A_1597] : memref<128x32xf32, #tpu.memory_space<vmem>>[vector<16xi32>, vector<16xi32>], vector<16xf32>,
        %scatter3A_1716 = arith.constant 2 : i32
        %scatter3A_1717 = arith.constant 0 : i32
        %scatter3A_1718 = arith.constant 0 : i32
        %scatter3A_1719 = arith.constant 0 : i32
        %scatter3A_1720 = tpu.memref_slice %arg7[%scatter3A_1716, %scatter3A_1717, %scatter3A_1718, %scatter3A_1719] : memref<4x4x8x128xf32, #tpu.memory_space<vmem>> -> memref<1x4x8x128xf32, #tpu.memory_space<vmem>>
        %scatter3A_1721 = tpu.memref_squeeze %scatter3A_1720 : memref<1x4x8x128xf32, #tpu.memory_space<vmem>> -> memref<4x8x128xf32, #tpu.memory_space<vmem>>
        tpu.vector_store_idx %scatter3A_1721[%shift_right_logical3A_1599, %and3A_1602, %add3A_1709], %gather3A_1715 : memref<4x8x128xf32, #tpu.memory_space<vmem>>[vector<16xi32>, vector<16xi32>, vector<16xi32>], vector<16xf32>,
      }
      %scan3A_1274 = arith.constant 32 : i32
      %dma_start3A_1275 = arith.constant 2 : i32
      %dma_start3A_1276 = arith.constant 2 : i32
      %dma_start3A_1277 = arith.constant 0 : i32
      %dma_start3A_1278 = arith.constant 0 : i32
      %dma_start3A_1279 = arith.constant 0 : i32
      %dma_start3A_1280 = tpu.memref_slice %arg7[%dma_start3A_1275, %dma_start3A_1277, %dma_start3A_1278, %dma_start3A_1279] : memref<4x4x8x128xf32, #tpu.memory_space<vmem>> -> memref<1x4x8x128xf32, #tpu.memory_space<vmem>>
      %dma_start3A_1281 = tpu.memref_squeeze %dma_start3A_1280 : memref<1x4x8x128xf32, #tpu.memory_space<vmem>> -> memref<4x8x128xf32, #tpu.memory_space<vmem>>
      %dma_start3A_1282 = arith.constant 0 : i32
      %dma_start3A_1283 = arith.constant 0 : i32
      %dma_start3A_1284 = arith.constant 0 : i32
      %dma_start3A_1285 = tpu.memref_slice %arg4[%sub3A_1248, %dma_start3A_1282, %add3A, %dma_start3A_1283, %dma_start3A_1284] : memref<200x4x32x8x128xf32, #tpu.memory_space<hbm>> -> memref<1x4x1x8x128xf32, #tpu.memory_space<hbm>>
      %dma_start3A_1286 = tpu.memref_squeeze %dma_start3A_1285 : memref<1x4x1x8x128xf32, #tpu.memory_space<hbm>> -> memref<4x8x128xf32, #tpu.memory_space<hbm>>
      %dma_start3A_1287 = tpu.memref_slice %arg10[%dma_start3A_1276] : memref<4x!tpu.dma_semaphore, #tpu.memory_space<semaphore_mem>> -> memref<1x!tpu.dma_semaphore, #tpu.memory_space<semaphore_mem>>
      %dma_start3A_1288 = tpu.memref_squeeze %dma_start3A_1287 : memref<1x!tpu.dma_semaphore, #tpu.memory_space<semaphore_mem>> -> memref<!tpu.dma_semaphore, #tpu.memory_space<semaphore_mem>>
      %dma_start3A_1289 = arith.constant 0 : i32
      %dma_start3A_1290 = arith.constant 0 : i32
      %dma_start3A_1291 = arith.constant 0 : i32
      %dma_start3A_1292 = tpu.memref_slice %arg4[%sub3A_1248, %dma_start3A_1289, %add3A, %dma_start3A_1290, %dma_start3A_1291] : memref<200x4x32x8x128xf32, #tpu.memory_space<hbm>> -> memref<1x4x1x8x128xf32, #tpu.memory_space<hbm>>
      %dma_start3A_1293 = tpu.memref_squeeze %dma_start3A_1292 : memref<1x4x1x8x128xf32, #tpu.memory_space<hbm>> -> memref<4x8x128xf32, #tpu.memory_space<hbm>>
      %dma_start3A_1294 = arith.constant 0 : i32
      %dma_start3A_1295 = arith.constant 0 : i32
      %dma_start3A_1296 = arith.constant 0 : i32
      %dma_start3A_1297 = tpu.memref_slice %arg7[%dma_start3A_1275, %dma_start3A_1294, %dma_start3A_1295, %dma_start3A_1296] : memref<4x4x8x128xf32, #tpu.memory_space<vmem>> -> memref<1x4x8x128xf32, #tpu.memory_space<vmem>>
      %dma_start3A_1298 = tpu.memref_squeeze %dma_start3A_1297 : memref<1x4x8x128xf32, #tpu.memory_space<vmem>> -> memref<4x8x128xf32, #tpu.memory_space<vmem>>
      tpu.enqueue_dma source(%dma_start3A_1298 : memref<4x8x128xf32, #tpu.memory_space<vmem>>) target(%dma_start3A_1293 : memref<4x8x128xf32, #tpu.memory_space<hbm>>) target_semaphore(%dma_start3A_1288 : memref<!tpu.dma_semaphore, #tpu.memory_space<semaphore_mem>>)
      %add3A_1299 = arith.constant 0 : i32
      %add3A_1300 = vector.broadcast %add3A_1299 : i32 to vector<16xi32>
      %add3A_1301 = arith.addi %add3A_1300, %iota3A : vector<16xi32>
      %mul3A_1302 = arith.constant 200 : i32
      %mul3A_1303 = vector.broadcast %mul3A_1302 : i32 to vector<16xi32>
      %mul3A_1304 = arith.muli %add3A_1301, %mul3A_1303 : vector<16xi32>
      %add3A_1305 = vector.broadcast %add3A_1246 : i32 to vector<16xi32>
      %add3A_1306 = arith.addi %mul3A_1304, %add3A_1305 : vector<16xi32>
      %gather3A_1307 = tpu.vector_load_idx %arg5[%add3A_1306] : memref<25600xi32, #tpu.memory_space<vmem>>[vector<16xi32>], vector<16xi32>,
      %swap3A_1308 = arith.constant 2 : i32
      %swap3A_1309 = arith.index_cast %swap3A_1308 : i32 to index
      %swap3A_1310 = arith.constant 0 : index
      %swap3A_1311 = tpu.vector_load %arg8[%swap3A_1309, %swap3A_1310] {strides = array<i32>} : memref<4x128xi32, #tpu.memory_space<vmem>>, vector<16xi32>,
      tpu.vector_store %arg8[%swap3A_1309, %swap3A_1310], %gather3A_1307 {strides = array<i32>} : memref<4x128xi32, #tpu.memory_space<vmem>>, vector<16xi32>,
      %add3A_1312 = arith.constant 16 : i32
      %add3A_1313 = vector.broadcast %add3A_1312 : i32 to vector<16xi32>
      %add3A_1314 = arith.addi %add3A_1313, %iota3A : vector<16xi32>
      %mul3A_1315 = arith.constant 200 : i32
      %mul3A_1316 = vector.broadcast %mul3A_1315 : i32 to vector<16xi32>
      %mul3A_1317 = arith.muli %add3A_1314, %mul3A_1316 : vector<16xi32>
      %add3A_1318 = vector.broadcast %add3A_1246 : i32 to vector<16xi32>
      %add3A_1319 = arith.addi %mul3A_1317, %add3A_1318 : vector<16xi32>
      %gather3A_1320 = tpu.vector_load_idx %arg5[%add3A_1319] : memref<25600xi32, #tpu.memory_space<vmem>>[vector<16xi32>], vector<16xi32>,
      %swap3A_1321 = arith.constant 2 : i32
      %swap3A_1322 = arith.index_cast %swap3A_1321 : i32 to index
      %swap3A_1323 = arith.constant 16 : index
      %swap3A_1324 = tpu.vector_load %arg8[%swap3A_1322, %swap3A_1323] {strides = array<i32>} : memref<4x128xi32, #tpu.memory_space<vmem>>, vector<16xi32>,
      tpu.vector_store %arg8[%swap3A_1322, %swap3A_1323], %gather3A_1320 {strides = array<i32>} : memref<4x128xi32, #tpu.memory_space<vmem>>, vector<16xi32>,
      %add3A_1325 = arith.constant 32 : i32
      %add3A_1326 = vector.broadcast %add3A_1325 : i32 to vector<16xi32>
      %add3A_1327 = arith.addi %add3A_1326, %iota3A : vector<16xi32>
      %mul3A_1328 = arith.constant 200 : i32
      %mul3A_1329 = vector.broadcast %mul3A_1328 : i32 to vector<16xi32>
      %mul3A_1330 = arith.muli %add3A_1327, %mul3A_1329 : vector<16xi32>
      %add3A_1331 = vector.broadcast %add3A_1246 : i32 to vector<16xi32>
      %add3A_1332 = arith.addi %mul3A_1330, %add3A_1331 : vector<16xi32>
      %gather3A_1333 = tpu.vector_load_idx %arg5[%add3A_1332] : memref<25600xi32, #tpu.memory_space<vmem>>[vector<16xi32>], vector<16xi32>,
      %swap3A_1334 = arith.constant 2 : i32
      %swap3A_1335 = arith.index_cast %swap3A_1334 : i32 to index
      %swap3A_1336 = arith.constant 32 : index
      %swap3A_1337 = tpu.vector_load %arg8[%swap3A_1335, %swap3A_1336] {strides = array<i32>} : memref<4x128xi32, #tpu.memory_space<vmem>>, vector<16xi32>,
      tpu.vector_store %arg8[%swap3A_1335, %swap3A_1336], %gather3A_1333 {strides = array<i32>} : memref<4x128xi32, #tpu.memory_space<vmem>>, vector<16xi32>,
      %add3A_1338 = arith.constant 48 : i32
      %add3A_1339 = vector.broadcast %add3A_1338 : i32 to vector<16xi32>
      %add3A_1340 = arith.addi %add3A_1339, %iota3A : vector<16xi32>
      %mul3A_1341 = arith.constant 200 : i32
      %mul3A_1342 = vector.broadcast %mul3A_1341 : i32 to vector<16xi32>
      %mul3A_1343 = arith.muli %add3A_1340, %mul3A_1342 : vector<16xi32>
      %add3A_1344 = vector.broadcast %add3A_1246 : i32 to vector<16xi32>
      %add3A_1345 = arith.addi %mul3A_1343, %add3A_1344 : vector<16xi32>
      %gather3A_1346 = tpu.vector_load_idx %arg5[%add3A_1345] : memref<25600xi32, #tpu.memory_space<vmem>>[vector<16xi32>], vector<16xi32>,
      %swap3A_1347 = arith.constant 2 : i32
      %swap3A_1348 = arith.index_cast %swap3A_1347 : i32 to index
      %swap3A_1349 = arith.constant 48 : index
      %swap3A_1350 = tpu.vector_load %arg8[%swap3A_1348, %swap3A_1349] {strides = array<i32>} : memref<4x128xi32, #tpu.memory_space<vmem>>, vector<16xi32>,
      tpu.vector_store %arg8[%swap3A_1348, %swap3A_1349], %gather3A_1346 {strides = array<i32>} : memref<4x128xi32, #tpu.memory_space<vmem>>, vector<16xi32>,
      %add3A_1351 = arith.constant 64 : i32
      %add3A_1352 = vector.broadcast %add3A_1351 : i32 to vector<16xi32>
      %add3A_1353 = arith.addi %add3A_1352, %iota3A : vector<16xi32>
      %mul3A_1354 = arith.constant 200 : i32
      %mul3A_1355 = vector.broadcast %mul3A_1354 : i32 to vector<16xi32>
      %mul3A_1356 = arith.muli %add3A_1353, %mul3A_1355 : vector<16xi32>
      %add3A_1357 = vector.broadcast %add3A_1246 : i32 to vector<16xi32>
      %add3A_1358 = arith.addi %mul3A_1356, %add3A_1357 : vector<16xi32>
      %gather3A_1359 = tpu.vector_load_idx %arg5[%add3A_1358] : memref<25600xi32, #tpu.memory_space<vmem>>[vector<16xi32>], vector<16xi32>,
      %swap3A_1360 = arith.constant 2 : i32
      %swap3A_1361 = arith.index_cast %swap3A_1360 : i32 to index
      %swap3A_1362 = arith.constant 64 : index
      %swap3A_1363 = tpu.vector_load %arg8[%swap3A_1361, %swap3A_1362] {strides = array<i32>} : memref<4x128xi32, #tpu.memory_space<vmem>>, vector<16xi32>,
      tpu.vector_store %arg8[%swap3A_1361, %swap3A_1362], %gather3A_1359 {strides = array<i32>} : memref<4x128xi32, #tpu.memory_space<vmem>>, vector<16xi32>,
      %add3A_1364 = arith.constant 80 : i32
      %add3A_1365 = vector.broadcast %add3A_1364 : i32 to vector<16xi32>
      %add3A_1366 = arith.addi %add3A_1365, %iota3A : vector<16xi32>
      %mul3A_1367 = arith.constant 200 : i32
      %mul3A_1368 = vector.broadcast %mul3A_1367 : i32 to vector<16xi32>
      %mul3A_1369 = arith.muli %add3A_1366, %mul3A_1368 : vector<16xi32>
      %add3A_1370 = vector.broadcast %add3A_1246 : i32 to vector<16xi32>
      %add3A_1371 = arith.addi %mul3A_1369, %add3A_1370 : vector<16xi32>
      %gather3A_1372 = tpu.vector_load_idx %arg5[%add3A_1371] : memref<25600xi32, #tpu.memory_space<vmem>>[vector<16xi32>], vector<16xi32>,
      %swap3A_1373 = arith.constant 2 : i32
      %swap3A_1374 = arith.index_cast %swap3A_1373 : i32 to index
      %swap3A_1375 = arith.constant 80 : index
      %swap3A_1376 = tpu.vector_load %arg8[%swap3A_1374, %swap3A_1375] {strides = array<i32>} : memref<4x128xi32, #tpu.memory_space<vmem>>, vector<16xi32>,
      tpu.vector_store %arg8[%swap3A_1374, %swap3A_1375], %gather3A_1372 {strides = array<i32>} : memref<4x128xi32, #tpu.memory_space<vmem>>, vector<16xi32>,
      %add3A_1377 = arith.constant 96 : i32
      %add3A_1378 = vector.broadcast %add3A_1377 : i32 to vector<16xi32>
      %add3A_1379 = arith.addi %add3A_1378, %iota3A : vector<16xi32>
      %mul3A_1380 = arith.constant 200 : i32
      %mul3A_1381 = vector.broadcast %mul3A_1380 : i32 to vector<16xi32>
      %mul3A_1382 = arith.muli %add3A_1379, %mul3A_1381 : vector<16xi32>
      %add3A_1383 = vector.broadcast %add3A_1246 : i32 to vector<16xi32>
      %add3A_1384 = arith.addi %mul3A_1382, %add3A_1383 : vector<16xi32>
      %gather3A_1385 = tpu.vector_load_idx %arg5[%add3A_1384] : memref<25600xi32, #tpu.memory_space<vmem>>[vector<16xi32>], vector<16xi32>,
      %swap3A_1386 = arith.constant 2 : i32
      %swap3A_1387 = arith.index_cast %swap3A_1386 : i32 to index
      %swap3A_1388 = arith.constant 96 : index
      %swap3A_1389 = tpu.vector_load %arg8[%swap3A_1387, %swap3A_1388] {strides = array<i32>} : memref<4x128xi32, #tpu.memory_space<vmem>>, vector<16xi32>,
      tpu.vector_store %arg8[%swap3A_1387, %swap3A_1388], %gather3A_1385 {strides = array<i32>} : memref<4x128xi32, #tpu.memory_space<vmem>>, vector<16xi32>,
      %add3A_1390 = arith.constant 112 : i32
      %add3A_1391 = vector.broadcast %add3A_1390 : i32 to vector<16xi32>
      %add3A_1392 = arith.addi %add3A_1391, %iota3A : vector<16xi32>
      %mul3A_1393 = arith.constant 200 : i32
      %mul3A_1394 = vector.broadcast %mul3A_1393 : i32 to vector<16xi32>
      %mul3A_1395 = arith.muli %add3A_1392, %mul3A_1394 : vector<16xi32>
      %add3A_1396 = vector.broadcast %add3A_1246 : i32 to vector<16xi32>
      %add3A_1397 = arith.addi %mul3A_1395, %add3A_1396 : vector<16xi32>
      %gather3A_1398 = tpu.vector_load_idx %arg5[%add3A_1397] : memref<25600xi32, #tpu.memory_space<vmem>>[vector<16xi32>], vector<16xi32>,
      %swap3A_1399 = arith.constant 2 : i32
      %swap3A_1400 = arith.index_cast %swap3A_1399 : i32 to index
      %swap3A_1401 = arith.constant 112 : index
      %swap3A_1402 = tpu.vector_load %arg8[%swap3A_1400, %swap3A_1401] {strides = array<i32>} : memref<4x128xi32, #tpu.memory_space<vmem>>, vector<16xi32>,
      tpu.vector_store %arg8[%swap3A_1400, %swap3A_1401], %gather3A_1398 {strides = array<i32>} : memref<4x128xi32, #tpu.memory_space<vmem>>, vector<16xi32>,
      %dma_start3A_1403 = arith.constant 2 : i32
      %dma_start3A_1404 = arith.constant 2 : i32
      %dma_start3A_1405 = arith.constant 2 : i32
      %dma_start3A_1406 = arith.constant 0 : i32
      %dma_start3A_1407 = arith.constant 0 : i32
      %dma_start3A_1408 = tpu.memref_slice %arg6[%dma_start3A_1404, %dma_start3A_1406, %dma_start3A_1407] : memref<4x128x32xf32, #tpu.memory_space<vmem>> -> memref<1x128x32xf32, #tpu.memory_space<vmem>>
      %dma_start3A_1409 = tpu.memref_squeeze %dma_start3A_1408 : memref<1x128x32xf32, #tpu.memory_space<vmem>> -> memref<128x32xf32, #tpu.memory_space<vmem>>
      %dma_start3A_1410 = arith.constant 0 : i32
      %dma_start3A_1411 = tpu.memref_slice %arg8[%dma_start3A_1403, %dma_start3A_1410] : memref<4x128xi32, #tpu.memory_space<vmem>> -> memref<1x128xi32, #tpu.memory_space<vmem>>
      %dma_start3A_1412 = tpu.memref_squeeze %dma_start3A_1411 : memref<1x128xi32, #tpu.memory_space<vmem>> -> memref<128xi32, #tpu.memory_space<vmem>>
      %dma_start3A_1413 = arith.constant 0 : i32
      %dma_start3A_1414 = arith.constant 0 : i32
      %dma_start3A_1415 = tpu.memref_slice %arg3[%dma_start3A_1413, %dma_start3A_1414] : memref<1000000x32xf32, #tpu.memory_space<hbm>> -> memref<1000000x32xf32, #tpu.memory_space<hbm>>
      %dma_start3A_1416 = tpu.memref_slice %arg9[%dma_start3A_1405] : memref<4x!tpu.dma_semaphore, #tpu.memory_space<semaphore_mem>> -> memref<1x!tpu.dma_semaphore, #tpu.memory_space<semaphore_mem>>
      %dma_start3A_1417 = tpu.memref_squeeze %dma_start3A_1416 : memref<1x!tpu.dma_semaphore, #tpu.memory_space<semaphore_mem>> -> memref<!tpu.dma_semaphore, #tpu.memory_space<semaphore_mem>>
      tpu.enqueue_indirect_dma source(%dma_start3A_1415 : memref<1000000x32xf32, #tpu.memory_space<hbm>>) target(%dma_start3A_1409 : memref<128x32xf32, #tpu.memory_space<vmem>>) offsets(%dma_start3A_1412 : memref<128xi32, #tpu.memory_space<vmem>>) semaphore(%dma_start3A_1417 : memref<!tpu.dma_semaphore, #tpu.memory_space<semaphore_mem>>)
      %mul3A_1418 = arith.constant 4 : i32
      %mul3A_1419 = arith.muli %scan3A_896, %mul3A_1418 : i32
      %add3A_1420 = arith.constant 3 : i32
      %add3A_1421 = arith.addi %mul3A_1419, %add3A_1420 : i32
      %sub3A_1422 = arith.constant 4 : i32
      %sub3A_1423 = arith.subi %add3A_1421, %sub3A_1422 : i32
      %dma_wait3A_1424 = arith.constant 3 : i32
      %dma_wait3A_1425 = arith.constant 3 : i32
      %dma_wait3A_1426 = arith.constant 3 : i32
      %dma_wait3A_1427 = arith.constant 0 : i32
      %dma_wait3A_1428 = arith.constant 0 : i32
      %dma_wait3A_1429 = tpu.memref_slice %arg6[%dma_wait3A_1425, %dma_wait3A_1427, %dma_wait3A_1428] : memref<4x128x32xf32, #tpu.memory_space<vmem>> -> memref<1x128x32xf32, #tpu.memory_space<vmem>>
      %dma_wait3A_1430 = tpu.memref_squeeze %dma_wait3A_1429 : memref<1x128x32xf32, #tpu.memory_space<vmem>> -> memref<128x32xf32, #tpu.memory_space<vmem>>
      %dma_wait3A_1431 = arith.constant 0 : i32
      %dma_wait3A_1432 = tpu.memref_slice %arg8[%dma_wait3A_1424, %dma_wait3A_1431] : memref<4x128xi32, #tpu.memory_space<vmem>> -> memref<1x128xi32, #tpu.memory_space<vmem>>
      %dma_wait3A_1433 = tpu.memref_squeeze %dma_wait3A_1432 : memref<1x128xi32, #tpu.memory_space<vmem>> -> memref<128xi32, #tpu.memory_space<vmem>>
      %dma_wait3A_1434 = arith.constant 0 : i32
      %dma_wait3A_1435 = arith.constant 0 : i32
      %dma_wait3A_1436 = tpu.memref_slice %arg3[%dma_wait3A_1434, %dma_wait3A_1435] : memref<1000000x32xf32, #tpu.memory_space<hbm>> -> memref<1000000x32xf32, #tpu.memory_space<hbm>>
      %dma_wait3A_1437 = tpu.memref_slice %arg9[%dma_wait3A_1426] : memref<4x!tpu.dma_semaphore, #tpu.memory_space<semaphore_mem>> -> memref<1x!tpu.dma_semaphore, #tpu.memory_space<semaphore_mem>>
      %dma_wait3A_1438 = tpu.memref_squeeze %dma_wait3A_1437 : memref<1x!tpu.dma_semaphore, #tpu.memory_space<semaphore_mem>> -> memref<!tpu.dma_semaphore, #tpu.memory_space<semaphore_mem>>
      tpu.wait_indirect_dma semaphore(%dma_wait3A_1438 : memref<!tpu.dma_semaphore, #tpu.memory_space<semaphore_mem>>) src(%dma_wait3A_1436 : memref<1000000x32xf32, #tpu.memory_space<hbm>>) dst(%dma_wait3A_1430 : memref<128x32xf32, #tpu.memory_space<vmem>>)
      %ge3A_1439 = arith.constant 2 : i32
      %ge3A_1440 = arith.cmpi sge, %scan3A_896, %ge3A_1439 : i32
      %convert_element_type3A_1441 = arith.extui %ge3A_1440 : i1 to i32
      %cond3A_1442 = arith.constant 0 : i32
      %cond3A_1443 = arith.cmpi ne, %convert_element_type3A_1441, %cond3A_1442 : i32
      scf.if %cond3A_1443 {
        %dma_wait3A_1593 = arith.constant 3 : i32
        %dma_wait3A_1594 = arith.constant 3 : i32
        %dma_wait3A_1595 = arith.constant 0 : i32
        %dma_wait3A_1596 = arith.constant 0 : i32
        %dma_wait3A_1597 = arith.constant 0 : i32
        %dma_wait3A_1598 = tpu.memref_slice %arg7[%dma_wait3A_1593, %dma_wait3A_1595, %dma_wait3A_1596, %dma_wait3A_1597] : memref<4x4x8x128xf32, #tpu.memory_space<vmem>> -> memref<1x4x8x128xf32, #tpu.memory_space<vmem>>
        %dma_wait3A_1599 = tpu.memref_squeeze %dma_wait3A_1598 : memref<1x4x8x128xf32, #tpu.memory_space<vmem>> -> memref<4x8x128xf32, #tpu.memory_space<vmem>>
        %dma_wait3A_1600 = arith.constant 0 : i32
        %dma_wait3A_1601 = arith.constant 0 : i32
        %dma_wait3A_1602 = arith.constant 0 : i32
        %dma_wait3A_1603 = tpu.memref_slice %arg4[%sub3A_1423, %dma_wait3A_1600, %add3A, %dma_wait3A_1601, %dma_wait3A_1602] : memref<200x4x32x8x128xf32, #tpu.memory_space<hbm>> -> memref<1x4x1x8x128xf32, #tpu.memory_space<hbm>>
        %dma_wait3A_1604 = tpu.memref_squeeze %dma_wait3A_1603 : memref<1x4x1x8x128xf32, #tpu.memory_space<hbm>> -> memref<4x8x128xf32, #tpu.memory_space<hbm>>
        %dma_wait3A_1605 = tpu.memref_slice %arg10[%dma_wait3A_1594] : memref<4x!tpu.dma_semaphore, #tpu.memory_space<semaphore_mem>> -> memref<1x!tpu.dma_semaphore, #tpu.memory_space<semaphore_mem>>
        %dma_wait3A_1606 = tpu.memref_squeeze %dma_wait3A_1605 : memref<1x!tpu.dma_semaphore, #tpu.memory_space<semaphore_mem>> -> memref<!tpu.dma_semaphore, #tpu.memory_space<semaphore_mem>>
        %dma_wait3A_1607 = arith.constant 0 : i32
        %dma_wait3A_1608 = arith.constant 0 : i32
        %dma_wait3A_1609 = arith.constant 0 : i32
        %dma_wait3A_1610 = tpu.memref_slice %arg4[%sub3A_1423, %dma_wait3A_1607, %add3A, %dma_wait3A_1608, %dma_wait3A_1609] : memref<200x4x32x8x128xf32, #tpu.memory_space<hbm>> -> memref<1x4x1x8x128xf32, #tpu.memory_space<hbm>>
        %dma_wait3A_1611 = tpu.memref_squeeze %dma_wait3A_1610 : memref<1x4x1x8x128xf32, #tpu.memory_space<hbm>> -> memref<4x8x128xf32, #tpu.memory_space<hbm>>
        %dma_wait3A_1612 = arith.constant 0 : i32
        %dma_wait3A_1613 = arith.constant 0 : i32
        %dma_wait3A_1614 = arith.constant 0 : i32
        %dma_wait3A_1615 = tpu.memref_slice %arg7[%dma_wait3A_1593, %dma_wait3A_1612, %dma_wait3A_1613, %dma_wait3A_1614] : memref<4x4x8x128xf32, #tpu.memory_space<vmem>> -> memref<1x4x8x128xf32, #tpu.memory_space<vmem>>
        %dma_wait3A_1616 = tpu.memref_squeeze %dma_wait3A_1615 : memref<1x4x8x128xf32, #tpu.memory_space<vmem>> -> memref<4x8x128xf32, #tpu.memory_space<vmem>>
        tpu.wait_dma2 semaphore(%dma_wait3A_1606 : memref<!tpu.dma_semaphore, #tpu.memory_space<semaphore_mem>>) src(%dma_wait3A_1616 : memref<4x8x128xf32, #tpu.memory_space<vmem>>) dst(%dma_wait3A_1611 : memref<4x8x128xf32, #tpu.memory_space<hbm>>)
      } else {
      }
      %scan3A_1444 = arith.constant 0 : i32
      %scan3A_1445 = arith.constant 0 : i32
      %scan3A_1446 = arith.constant 32 : i32
      %scan3A_1447 = arith.addi %scan3A_1445, %scan3A_1446 : i32
      %scan3A_1448 = arith.constant 1 : i32
      scf.for %scan3A_1593 = %scan3A_1445 to %scan3A_1447 step %scan3A_1448  : i32 {
        %add3A_1594 = vector.broadcast %scan3A_1593 : i32 to vector<16xi32>
        %add3A_1595 = arith.addi %add3A_1594, %iota3A : vector<16xi32>
        %and3A = arith.constant 31 : i32
        %and3A_1596 = vector.broadcast %and3A : i32 to vector<16xi32>
        %and3A_1597 = arith.andi %add3A_1595, %and3A_1596 : vector<16xi32>
        %shift_right_logical3A = arith.constant 3 : i32
        %shift_right_logical3A_1598 = vector.broadcast %shift_right_logical3A : i32 to vector<16xi32>
        %shift_right_logical3A_1599 = arith.shrui %and3A_1597, %shift_right_logical3A_1598 : vector<16xi32>
        %and3A_1600 = arith.constant 7 : i32
        %and3A_1601 = vector.broadcast %and3A_1600 : i32 to vector<16xi32>
        %and3A_1602 = arith.andi %and3A_1597, %and3A_1601 : vector<16xi32>
        %add3A_1603 = arith.constant 0 : i32
        %add3A_1604 = vector.broadcast %add3A_1603 : i32 to vector<16xi32>
        %add3A_1605 = arith.addi %add3A_1604, %iota3A : vector<16xi32>
        %gather3A_1606 = arith.constant 3 : i32
        %gather3A_1607 = arith.constant 0 : i32
        %gather3A_1608 = arith.constant 0 : i32
        %gather3A_1609 = tpu.memref_slice %arg6[%gather3A_1606, %gather3A_1607, %gather3A_1608] : memref<4x128x32xf32, #tpu.memory_space<vmem>> -> memref<1x128x32xf32, #tpu.memory_space<vmem>>
        %gather3A_1610 = tpu.memref_squeeze %gather3A_1609 : memref<1x128x32xf32, #tpu.memory_space<vmem>> -> memref<128x32xf32, #tpu.memory_space<vmem>>
        %gather3A_1611 = tpu.vector_load_idx %gather3A_1610[%add3A_1605, %and3A_1597] : memref<128x32xf32, #tpu.memory_space<vmem>>[vector<16xi32>, vector<16xi32>], vector<16xf32>,
        %scatter3A = arith.constant 3 : i32
        %scatter3A_1612 = arith.constant 0 : i32
        %scatter3A_1613 = arith.constant 0 : i32
        %scatter3A_1614 = arith.constant 0 : i32
        %scatter3A_1615 = tpu.memref_slice %arg7[%scatter3A, %scatter3A_1612, %scatter3A_1613, %scatter3A_1614] : memref<4x4x8x128xf32, #tpu.memory_space<vmem>> -> memref<1x4x8x128xf32, #tpu.memory_space<vmem>>
        %scatter3A_1616 = tpu.memref_squeeze %scatter3A_1615 : memref<1x4x8x128xf32, #tpu.memory_space<vmem>> -> memref<4x8x128xf32, #tpu.memory_space<vmem>>
        tpu.vector_store_idx %scatter3A_1616[%shift_right_logical3A_1599, %and3A_1602, %add3A_1605], %gather3A_1611 : memref<4x8x128xf32, #tpu.memory_space<vmem>>[vector<16xi32>, vector<16xi32>, vector<16xi32>], vector<16xf32>,
        %add3A_1617 = arith.constant 16 : i32
        %add3A_1618 = vector.broadcast %add3A_1617 : i32 to vector<16xi32>
        %add3A_1619 = arith.addi %add3A_1618, %iota3A : vector<16xi32>
        %gather3A_1620 = arith.constant 3 : i32
        %gather3A_1621 = arith.constant 0 : i32
        %gather3A_1622 = arith.constant 0 : i32
        %gather3A_1623 = tpu.memref_slice %arg6[%gather3A_1620, %gather3A_1621, %gather3A_1622] : memref<4x128x32xf32, #tpu.memory_space<vmem>> -> memref<1x128x32xf32, #tpu.memory_space<vmem>>
        %gather3A_1624 = tpu.memref_squeeze %gather3A_1623 : memref<1x128x32xf32, #tpu.memory_space<vmem>> -> memref<128x32xf32, #tpu.memory_space<vmem>>
        %gather3A_1625 = tpu.vector_load_idx %gather3A_1624[%add3A_1619, %and3A_1597] : memref<128x32xf32, #tpu.memory_space<vmem>>[vector<16xi32>, vector<16xi32>], vector<16xf32>,
        %scatter3A_1626 = arith.constant 3 : i32
        %scatter3A_1627 = arith.constant 0 : i32
        %scatter3A_1628 = arith.constant 0 : i32
        %scatter3A_1629 = arith.constant 0 : i32
        %scatter3A_1630 = tpu.memref_slice %arg7[%scatter3A_1626, %scatter3A_1627, %scatter3A_1628, %scatter3A_1629] : memref<4x4x8x128xf32, #tpu.memory_space<vmem>> -> memref<1x4x8x128xf32, #tpu.memory_space<vmem>>
        %scatter3A_1631 = tpu.memref_squeeze %scatter3A_1630 : memref<1x4x8x128xf32, #tpu.memory_space<vmem>> -> memref<4x8x128xf32, #tpu.memory_space<vmem>>
        tpu.vector_store_idx %scatter3A_1631[%shift_right_logical3A_1599, %and3A_1602, %add3A_1619], %gather3A_1625 : memref<4x8x128xf32, #tpu.memory_space<vmem>>[vector<16xi32>, vector<16xi32>, vector<16xi32>], vector<16xf32>,
        %add3A_1632 = arith.constant 32 : i32
        %add3A_1633 = vector.broadcast %add3A_1632 : i32 to vector<16xi32>
        %add3A_1634 = arith.addi %add3A_1633, %iota3A : vector<16xi32>
        %gather3A_1635 = arith.constant 3 : i32
        %gather3A_1636 = arith.constant 0 : i32
        %gather3A_1637 = arith.constant 0 : i32
        %gather3A_1638 = tpu.memref_slice %arg6[%gather3A_1635, %gather3A_1636, %gather3A_1637] : memref<4x128x32xf32, #tpu.memory_space<vmem>> -> memref<1x128x32xf32, #tpu.memory_space<vmem>>
        %gather3A_1639 = tpu.memref_squeeze %gather3A_1638 : memref<1x128x32xf32, #tpu.memory_space<vmem>> -> memref<128x32xf32, #tpu.memory_space<vmem>>
        %gather3A_1640 = tpu.vector_load_idx %gather3A_1639[%add3A_1634, %and3A_1597] : memref<128x32xf32, #tpu.memory_space<vmem>>[vector<16xi32>, vector<16xi32>], vector<16xf32>,
        %scatter3A_1641 = arith.constant 3 : i32
        %scatter3A_1642 = arith.constant 0 : i32
        %scatter3A_1643 = arith.constant 0 : i32
        %scatter3A_1644 = arith.constant 0 : i32
        %scatter3A_1645 = tpu.memref_slice %arg7[%scatter3A_1641, %scatter3A_1642, %scatter3A_1643, %scatter3A_1644] : memref<4x4x8x128xf32, #tpu.memory_space<vmem>> -> memref<1x4x8x128xf32, #tpu.memory_space<vmem>>
        %scatter3A_1646 = tpu.memref_squeeze %scatter3A_1645 : memref<1x4x8x128xf32, #tpu.memory_space<vmem>> -> memref<4x8x128xf32, #tpu.memory_space<vmem>>
        tpu.vector_store_idx %scatter3A_1646[%shift_right_logical3A_1599, %and3A_1602, %add3A_1634], %gather3A_1640 : memref<4x8x128xf32, #tpu.memory_space<vmem>>[vector<16xi32>, vector<16xi32>, vector<16xi32>], vector<16xf32>,
        %add3A_1647 = arith.constant 48 : i32
        %add3A_1648 = vector.broadcast %add3A_1647 : i32 to vector<16xi32>
        %add3A_1649 = arith.addi %add3A_1648, %iota3A : vector<16xi32>
        %gather3A_1650 = arith.constant 3 : i32
        %gather3A_1651 = arith.constant 0 : i32
        %gather3A_1652 = arith.constant 0 : i32
        %gather3A_1653 = tpu.memref_slice %arg6[%gather3A_1650, %gather3A_1651, %gather3A_1652] : memref<4x128x32xf32, #tpu.memory_space<vmem>> -> memref<1x128x32xf32, #tpu.memory_space<vmem>>
        %gather3A_1654 = tpu.memref_squeeze %gather3A_1653 : memref<1x128x32xf32, #tpu.memory_space<vmem>> -> memref<128x32xf32, #tpu.memory_space<vmem>>
        %gather3A_1655 = tpu.vector_load_idx %gather3A_1654[%add3A_1649, %and3A_1597] : memref<128x32xf32, #tpu.memory_space<vmem>>[vector<16xi32>, vector<16xi32>], vector<16xf32>,
        %scatter3A_1656 = arith.constant 3 : i32
        %scatter3A_1657 = arith.constant 0 : i32
        %scatter3A_1658 = arith.constant 0 : i32
        %scatter3A_1659 = arith.constant 0 : i32
        %scatter3A_1660 = tpu.memref_slice %arg7[%scatter3A_1656, %scatter3A_1657, %scatter3A_1658, %scatter3A_1659] : memref<4x4x8x128xf32, #tpu.memory_space<vmem>> -> memref<1x4x8x128xf32, #tpu.memory_space<vmem>>
        %scatter3A_1661 = tpu.memref_squeeze %scatter3A_1660 : memref<1x4x8x128xf32, #tpu.memory_space<vmem>> -> memref<4x8x128xf32, #tpu.memory_space<vmem>>
        tpu.vector_store_idx %scatter3A_1661[%shift_right_logical3A_1599, %and3A_1602, %add3A_1649], %gather3A_1655 : memref<4x8x128xf32, #tpu.memory_space<vmem>>[vector<16xi32>, vector<16xi32>, vector<16xi32>], vector<16xf32>,
        %add3A_1662 = arith.constant 64 : i32
        %add3A_1663 = vector.broadcast %add3A_1662 : i32 to vector<16xi32>
        %add3A_1664 = arith.addi %add3A_1663, %iota3A : vector<16xi32>
        %gather3A_1665 = arith.constant 3 : i32
        %gather3A_1666 = arith.constant 0 : i32
        %gather3A_1667 = arith.constant 0 : i32
        %gather3A_1668 = tpu.memref_slice %arg6[%gather3A_1665, %gather3A_1666, %gather3A_1667] : memref<4x128x32xf32, #tpu.memory_space<vmem>> -> memref<1x128x32xf32, #tpu.memory_space<vmem>>
        %gather3A_1669 = tpu.memref_squeeze %gather3A_1668 : memref<1x128x32xf32, #tpu.memory_space<vmem>> -> memref<128x32xf32, #tpu.memory_space<vmem>>
        %gather3A_1670 = tpu.vector_load_idx %gather3A_1669[%add3A_1664, %and3A_1597] : memref<128x32xf32, #tpu.memory_space<vmem>>[vector<16xi32>, vector<16xi32>], vector<16xf32>,
        %scatter3A_1671 = arith.constant 3 : i32
        %scatter3A_1672 = arith.constant 0 : i32
        %scatter3A_1673 = arith.constant 0 : i32
        %scatter3A_1674 = arith.constant 0 : i32
        %scatter3A_1675 = tpu.memref_slice %arg7[%scatter3A_1671, %scatter3A_1672, %scatter3A_1673, %scatter3A_1674] : memref<4x4x8x128xf32, #tpu.memory_space<vmem>> -> memref<1x4x8x128xf32, #tpu.memory_space<vmem>>
        %scatter3A_1676 = tpu.memref_squeeze %scatter3A_1675 : memref<1x4x8x128xf32, #tpu.memory_space<vmem>> -> memref<4x8x128xf32, #tpu.memory_space<vmem>>
        tpu.vector_store_idx %scatter3A_1676[%shift_right_logical3A_1599, %and3A_1602, %add3A_1664], %gather3A_1670 : memref<4x8x128xf32, #tpu.memory_space<vmem>>[vector<16xi32>, vector<16xi32>, vector<16xi32>], vector<16xf32>,
        %add3A_1677 = arith.constant 80 : i32
        %add3A_1678 = vector.broadcast %add3A_1677 : i32 to vector<16xi32>
        %add3A_1679 = arith.addi %add3A_1678, %iota3A : vector<16xi32>
        %gather3A_1680 = arith.constant 3 : i32
        %gather3A_1681 = arith.constant 0 : i32
        %gather3A_1682 = arith.constant 0 : i32
        %gather3A_1683 = tpu.memref_slice %arg6[%gather3A_1680, %gather3A_1681, %gather3A_1682] : memref<4x128x32xf32, #tpu.memory_space<vmem>> -> memref<1x128x32xf32, #tpu.memory_space<vmem>>
        %gather3A_1684 = tpu.memref_squeeze %gather3A_1683 : memref<1x128x32xf32, #tpu.memory_space<vmem>> -> memref<128x32xf32, #tpu.memory_space<vmem>>
        %gather3A_1685 = tpu.vector_load_idx %gather3A_1684[%add3A_1679, %and3A_1597] : memref<128x32xf32, #tpu.memory_space<vmem>>[vector<16xi32>, vector<16xi32>], vector<16xf32>,
        %scatter3A_1686 = arith.constant 3 : i32
        %scatter3A_1687 = arith.constant 0 : i32
        %scatter3A_1688 = arith.constant 0 : i32
        %scatter3A_1689 = arith.constant 0 : i32
        %scatter3A_1690 = tpu.memref_slice %arg7[%scatter3A_1686, %scatter3A_1687, %scatter3A_1688, %scatter3A_1689] : memref<4x4x8x128xf32, #tpu.memory_space<vmem>> -> memref<1x4x8x128xf32, #tpu.memory_space<vmem>>
        %scatter3A_1691 = tpu.memref_squeeze %scatter3A_1690 : memref<1x4x8x128xf32, #tpu.memory_space<vmem>> -> memref<4x8x128xf32, #tpu.memory_space<vmem>>
        tpu.vector_store_idx %scatter3A_1691[%shift_right_logical3A_1599, %and3A_1602, %add3A_1679], %gather3A_1685 : memref<4x8x128xf32, #tpu.memory_space<vmem>>[vector<16xi32>, vector<16xi32>, vector<16xi32>], vector<16xf32>,
        %add3A_1692 = arith.constant 96 : i32
        %add3A_1693 = vector.broadcast %add3A_1692 : i32 to vector<16xi32>
        %add3A_1694 = arith.addi %add3A_1693, %iota3A : vector<16xi32>
        %gather3A_1695 = arith.constant 3 : i32
        %gather3A_1696 = arith.constant 0 : i32
        %gather3A_1697 = arith.constant 0 : i32
        %gather3A_1698 = tpu.memref_slice %arg6[%gather3A_1695, %gather3A_1696, %gather3A_1697] : memref<4x128x32xf32, #tpu.memory_space<vmem>> -> memref<1x128x32xf32, #tpu.memory_space<vmem>>
        %gather3A_1699 = tpu.memref_squeeze %gather3A_1698 : memref<1x128x32xf32, #tpu.memory_space<vmem>> -> memref<128x32xf32, #tpu.memory_space<vmem>>
        %gather3A_1700 = tpu.vector_load_idx %gather3A_1699[%add3A_1694, %and3A_1597] : memref<128x32xf32, #tpu.memory_space<vmem>>[vector<16xi32>, vector<16xi32>], vector<16xf32>,
        %scatter3A_1701 = arith.constant 3 : i32
        %scatter3A_1702 = arith.constant 0 : i32
        %scatter3A_1703 = arith.constant 0 : i32
        %scatter3A_1704 = arith.constant 0 : i32
        %scatter3A_1705 = tpu.memref_slice %arg7[%scatter3A_1701, %scatter3A_1702, %scatter3A_1703, %scatter3A_1704] : memref<4x4x8x128xf32, #tpu.memory_space<vmem>> -> memref<1x4x8x128xf32, #tpu.memory_space<vmem>>
        %scatter3A_1706 = tpu.memref_squeeze %scatter3A_1705 : memref<1x4x8x128xf32, #tpu.memory_space<vmem>> -> memref<4x8x128xf32, #tpu.memory_space<vmem>>
        tpu.vector_store_idx %scatter3A_1706[%shift_right_logical3A_1599, %and3A_1602, %add3A_1694], %gather3A_1700 : memref<4x8x128xf32, #tpu.memory_space<vmem>>[vector<16xi32>, vector<16xi32>, vector<16xi32>], vector<16xf32>,
        %add3A_1707 = arith.constant 112 : i32
        %add3A_1708 = vector.broadcast %add3A_1707 : i32 to vector<16xi32>
        %add3A_1709 = arith.addi %add3A_1708, %iota3A : vector<16xi32>
        %gather3A_1710 = arith.constant 3 : i32
        %gather3A_1711 = arith.constant 0 : i32
        %gather3A_1712 = arith.constant 0 : i32
        %gather3A_1713 = tpu.memref_slice %arg6[%gather3A_1710, %gather3A_1711, %gather3A_1712] : memref<4x128x32xf32, #tpu.memory_space<vmem>> -> memref<1x128x32xf32, #tpu.memory_space<vmem>>
        %gather3A_1714 = tpu.memref_squeeze %gather3A_1713 : memref<1x128x32xf32, #tpu.memory_space<vmem>> -> memref<128x32xf32, #tpu.memory_space<vmem>>
        %gather3A_1715 = tpu.vector_load_idx %gather3A_1714[%add3A_1709, %and3A_1597] : memref<128x32xf32, #tpu.memory_space<vmem>>[vector<16xi32>, vector<16xi32>], vector<16xf32>,
        %scatter3A_1716 = arith.constant 3 : i32
        %scatter3A_1717 = arith.constant 0 : i32
        %scatter3A_1718 = arith.constant 0 : i32
        %scatter3A_1719 = arith.constant 0 : i32
        %scatter3A_1720 = tpu.memref_slice %arg7[%scatter3A_1716, %scatter3A_1717, %scatter3A_1718, %scatter3A_1719] : memref<4x4x8x128xf32, #tpu.memory_space<vmem>> -> memref<1x4x8x128xf32, #tpu.memory_space<vmem>>
        %scatter3A_1721 = tpu.memref_squeeze %scatter3A_1720 : memref<1x4x8x128xf32, #tpu.memory_space<vmem>> -> memref<4x8x128xf32, #tpu.memory_space<vmem>>
        tpu.vector_store_idx %scatter3A_1721[%shift_right_logical3A_1599, %and3A_1602, %add3A_1709], %gather3A_1715 : memref<4x8x128xf32, #tpu.memory_space<vmem>>[vector<16xi32>, vector<16xi32>, vector<16xi32>], vector<16xf32>,
      }
      %scan3A_1449 = arith.constant 32 : i32
      %dma_start3A_1450 = arith.constant 3 : i32
      %dma_start3A_1451 = arith.constant 3 : i32
      %dma_start3A_1452 = arith.constant 0 : i32
      %dma_start3A_1453 = arith.constant 0 : i32
      %dma_start3A_1454 = arith.constant 0 : i32
      %dma_start3A_1455 = tpu.memref_slice %arg7[%dma_start3A_1450, %dma_start3A_1452, %dma_start3A_1453, %dma_start3A_1454] : memref<4x4x8x128xf32, #tpu.memory_space<vmem>> -> memref<1x4x8x128xf32, #tpu.memory_space<vmem>>
      %dma_start3A_1456 = tpu.memref_squeeze %dma_start3A_1455 : memref<1x4x8x128xf32, #tpu.memory_space<vmem>> -> memref<4x8x128xf32, #tpu.memory_space<vmem>>
      %dma_start3A_1457 = arith.constant 0 : i32
      %dma_start3A_1458 = arith.constant 0 : i32
      %dma_start3A_1459 = arith.constant 0 : i32
      %dma_start3A_1460 = tpu.memref_slice %arg4[%sub3A_1423, %dma_start3A_1457, %add3A, %dma_start3A_1458, %dma_start3A_1459] : memref<200x4x32x8x128xf32, #tpu.memory_space<hbm>> -> memref<1x4x1x8x128xf32, #tpu.memory_space<hbm>>
      %dma_start3A_1461 = tpu.memref_squeeze %dma_start3A_1460 : memref<1x4x1x8x128xf32, #tpu.memory_space<hbm>> -> memref<4x8x128xf32, #tpu.memory_space<hbm>>
      %dma_start3A_1462 = tpu.memref_slice %arg10[%dma_start3A_1451] : memref<4x!tpu.dma_semaphore, #tpu.memory_space<semaphore_mem>> -> memref<1x!tpu.dma_semaphore, #tpu.memory_space<semaphore_mem>>
      %dma_start3A_1463 = tpu.memref_squeeze %dma_start3A_1462 : memref<1x!tpu.dma_semaphore, #tpu.memory_space<semaphore_mem>> -> memref<!tpu.dma_semaphore, #tpu.memory_space<semaphore_mem>>
      %dma_start3A_1464 = arith.constant 0 : i32
      %dma_start3A_1465 = arith.constant 0 : i32
      %dma_start3A_1466 = arith.constant 0 : i32
      %dma_start3A_1467 = tpu.memref_slice %arg4[%sub3A_1423, %dma_start3A_1464, %add3A, %dma_start3A_1465, %dma_start3A_1466] : memref<200x4x32x8x128xf32, #tpu.memory_space<hbm>> -> memref<1x4x1x8x128xf32, #tpu.memory_space<hbm>>
      %dma_start3A_1468 = tpu.memref_squeeze %dma_start3A_1467 : memref<1x4x1x8x128xf32, #tpu.memory_space<hbm>> -> memref<4x8x128xf32, #tpu.memory_space<hbm>>
      %dma_start3A_1469 = arith.constant 0 : i32
      %dma_start3A_1470 = arith.constant 0 : i32
      %dma_start3A_1471 = arith.constant 0 : i32
      %dma_start3A_1472 = tpu.memref_slice %arg7[%dma_start3A_1450, %dma_start3A_1469, %dma_start3A_1470, %dma_start3A_1471] : memref<4x4x8x128xf32, #tpu.memory_space<vmem>> -> memref<1x4x8x128xf32, #tpu.memory_space<vmem>>
      %dma_start3A_1473 = tpu.memref_squeeze %dma_start3A_1472 : memref<1x4x8x128xf32, #tpu.memory_space<vmem>> -> memref<4x8x128xf32, #tpu.memory_space<vmem>>
      tpu.enqueue_dma source(%dma_start3A_1473 : memref<4x8x128xf32, #tpu.memory_space<vmem>>) target(%dma_start3A_1468 : memref<4x8x128xf32, #tpu.memory_space<hbm>>) target_semaphore(%dma_start3A_1463 : memref<!tpu.dma_semaphore, #tpu.memory_space<semaphore_mem>>)
      %add3A_1474 = arith.constant 0 : i32
      %add3A_1475 = vector.broadcast %add3A_1474 : i32 to vector<16xi32>
      %add3A_1476 = arith.addi %add3A_1475, %iota3A : vector<16xi32>
      %mul3A_1477 = arith.constant 200 : i32
      %mul3A_1478 = vector.broadcast %mul3A_1477 : i32 to vector<16xi32>
      %mul3A_1479 = arith.muli %add3A_1476, %mul3A_1478 : vector<16xi32>
      %add3A_1480 = vector.broadcast %add3A_1421 : i32 to vector<16xi32>
      %add3A_1481 = arith.addi %mul3A_1479, %add3A_1480 : vector<16xi32>
      %gather3A_1482 = tpu.vector_load_idx %arg5[%add3A_1481] : memref<25600xi32, #tpu.memory_space<vmem>>[vector<16xi32>], vector<16xi32>,
      %swap3A_1483 = arith.constant 3 : i32
      %swap3A_1484 = arith.index_cast %swap3A_1483 : i32 to index
      %swap3A_1485 = arith.constant 0 : index
      %swap3A_1486 = tpu.vector_load %arg8[%swap3A_1484, %swap3A_1485] {strides = array<i32>} : memref<4x128xi32, #tpu.memory_space<vmem>>, vector<16xi32>,
      tpu.vector_store %arg8[%swap3A_1484, %swap3A_1485], %gather3A_1482 {strides = array<i32>} : memref<4x128xi32, #tpu.memory_space<vmem>>, vector<16xi32>,
      %add3A_1487 = arith.constant 16 : i32
      %add3A_1488 = vector.broadcast %add3A_1487 : i32 to vector<16xi32>
      %add3A_1489 = arith.addi %add3A_1488, %iota3A : vector<16xi32>
      %mul3A_1490 = arith.constant 200 : i32
      %mul3A_1491 = vector.broadcast %mul3A_1490 : i32 to vector<16xi32>
      %mul3A_1492 = arith.muli %add3A_1489, %mul3A_1491 : vector<16xi32>
      %add3A_1493 = vector.broadcast %add3A_1421 : i32 to vector<16xi32>
      %add3A_1494 = arith.addi %mul3A_1492, %add3A_1493 : vector<16xi32>
      %gather3A_1495 = tpu.vector_load_idx %arg5[%add3A_1494] : memref<25600xi32, #tpu.memory_space<vmem>>[vector<16xi32>], vector<16xi32>,
      %swap3A_1496 = arith.constant 3 : i32
      %swap3A_1497 = arith.index_cast %swap3A_1496 : i32 to index
      %swap3A_1498 = arith.constant 16 : index
      %swap3A_1499 = tpu.vector_load %arg8[%swap3A_1497, %swap3A_1498] {strides = array<i32>} : memref<4x128xi32, #tpu.memory_space<vmem>>, vector<16xi32>,
      tpu.vector_store %arg8[%swap3A_1497, %swap3A_1498], %gather3A_1495 {strides = array<i32>} : memref<4x128xi32, #tpu.memory_space<vmem>>, vector<16xi32>,
      %add3A_1500 = arith.constant 32 : i32
      %add3A_1501 = vector.broadcast %add3A_1500 : i32 to vector<16xi32>
      %add3A_1502 = arith.addi %add3A_1501, %iota3A : vector<16xi32>
      %mul3A_1503 = arith.constant 200 : i32
      %mul3A_1504 = vector.broadcast %mul3A_1503 : i32 to vector<16xi32>
      %mul3A_1505 = arith.muli %add3A_1502, %mul3A_1504 : vector<16xi32>
      %add3A_1506 = vector.broadcast %add3A_1421 : i32 to vector<16xi32>
      %add3A_1507 = arith.addi %mul3A_1505, %add3A_1506 : vector<16xi32>
      %gather3A_1508 = tpu.vector_load_idx %arg5[%add3A_1507] : memref<25600xi32, #tpu.memory_space<vmem>>[vector<16xi32>], vector<16xi32>,
      %swap3A_1509 = arith.constant 3 : i32
      %swap3A_1510 = arith.index_cast %swap3A_1509 : i32 to index
      %swap3A_1511 = arith.constant 32 : index
      %swap3A_1512 = tpu.vector_load %arg8[%swap3A_1510, %swap3A_1511] {strides = array<i32>} : memref<4x128xi32, #tpu.memory_space<vmem>>, vector<16xi32>,
      tpu.vector_store %arg8[%swap3A_1510, %swap3A_1511], %gather3A_1508 {strides = array<i32>} : memref<4x128xi32, #tpu.memory_space<vmem>>, vector<16xi32>,
      %add3A_1513 = arith.constant 48 : i32
      %add3A_1514 = vector.broadcast %add3A_1513 : i32 to vector<16xi32>
      %add3A_1515 = arith.addi %add3A_1514, %iota3A : vector<16xi32>
      %mul3A_1516 = arith.constant 200 : i32
      %mul3A_1517 = vector.broadcast %mul3A_1516 : i32 to vector<16xi32>
      %mul3A_1518 = arith.muli %add3A_1515, %mul3A_1517 : vector<16xi32>
      %add3A_1519 = vector.broadcast %add3A_1421 : i32 to vector<16xi32>
      %add3A_1520 = arith.addi %mul3A_1518, %add3A_1519 : vector<16xi32>
      %gather3A_1521 = tpu.vector_load_idx %arg5[%add3A_1520] : memref<25600xi32, #tpu.memory_space<vmem>>[vector<16xi32>], vector<16xi32>,
      %swap3A_1522 = arith.constant 3 : i32
      %swap3A_1523 = arith.index_cast %swap3A_1522 : i32 to index
      %swap3A_1524 = arith.constant 48 : index
      %swap3A_1525 = tpu.vector_load %arg8[%swap3A_1523, %swap3A_1524] {strides = array<i32>} : memref<4x128xi32, #tpu.memory_space<vmem>>, vector<16xi32>,
      tpu.vector_store %arg8[%swap3A_1523, %swap3A_1524], %gather3A_1521 {strides = array<i32>} : memref<4x128xi32, #tpu.memory_space<vmem>>, vector<16xi32>,
      %add3A_1526 = arith.constant 64 : i32
      %add3A_1527 = vector.broadcast %add3A_1526 : i32 to vector<16xi32>
      %add3A_1528 = arith.addi %add3A_1527, %iota3A : vector<16xi32>
      %mul3A_1529 = arith.constant 200 : i32
      %mul3A_1530 = vector.broadcast %mul3A_1529 : i32 to vector<16xi32>
      %mul3A_1531 = arith.muli %add3A_1528, %mul3A_1530 : vector<16xi32>
      %add3A_1532 = vector.broadcast %add3A_1421 : i32 to vector<16xi32>
      %add3A_1533 = arith.addi %mul3A_1531, %add3A_1532 : vector<16xi32>
      %gather3A_1534 = tpu.vector_load_idx %arg5[%add3A_1533] : memref<25600xi32, #tpu.memory_space<vmem>>[vector<16xi32>], vector<16xi32>,
      %swap3A_1535 = arith.constant 3 : i32
      %swap3A_1536 = arith.index_cast %swap3A_1535 : i32 to index
      %swap3A_1537 = arith.constant 64 : index
      %swap3A_1538 = tpu.vector_load %arg8[%swap3A_1536, %swap3A_1537] {strides = array<i32>} : memref<4x128xi32, #tpu.memory_space<vmem>>, vector<16xi32>,
      tpu.vector_store %arg8[%swap3A_1536, %swap3A_1537], %gather3A_1534 {strides = array<i32>} : memref<4x128xi32, #tpu.memory_space<vmem>>, vector<16xi32>,
      %add3A_1539 = arith.constant 80 : i32
      %add3A_1540 = vector.broadcast %add3A_1539 : i32 to vector<16xi32>
      %add3A_1541 = arith.addi %add3A_1540, %iota3A : vector<16xi32>
      %mul3A_1542 = arith.constant 200 : i32
      %mul3A_1543 = vector.broadcast %mul3A_1542 : i32 to vector<16xi32>
      %mul3A_1544 = arith.muli %add3A_1541, %mul3A_1543 : vector<16xi32>
      %add3A_1545 = vector.broadcast %add3A_1421 : i32 to vector<16xi32>
      %add3A_1546 = arith.addi %mul3A_1544, %add3A_1545 : vector<16xi32>
      %gather3A_1547 = tpu.vector_load_idx %arg5[%add3A_1546] : memref<25600xi32, #tpu.memory_space<vmem>>[vector<16xi32>], vector<16xi32>,
      %swap3A_1548 = arith.constant 3 : i32
      %swap3A_1549 = arith.index_cast %swap3A_1548 : i32 to index
      %swap3A_1550 = arith.constant 80 : index
      %swap3A_1551 = tpu.vector_load %arg8[%swap3A_1549, %swap3A_1550] {strides = array<i32>} : memref<4x128xi32, #tpu.memory_space<vmem>>, vector<16xi32>,
      tpu.vector_store %arg8[%swap3A_1549, %swap3A_1550], %gather3A_1547 {strides = array<i32>} : memref<4x128xi32, #tpu.memory_space<vmem>>, vector<16xi32>,
      %add3A_1552 = arith.constant 96 : i32
      %add3A_1553 = vector.broadcast %add3A_1552 : i32 to vector<16xi32>
      %add3A_1554 = arith.addi %add3A_1553, %iota3A : vector<16xi32>
      %mul3A_1555 = arith.constant 200 : i32
      %mul3A_1556 = vector.broadcast %mul3A_1555 : i32 to vector<16xi32>
      %mul3A_1557 = arith.muli %add3A_1554, %mul3A_1556 : vector<16xi32>
      %add3A_1558 = vector.broadcast %add3A_1421 : i32 to vector<16xi32>
      %add3A_1559 = arith.addi %mul3A_1557, %add3A_1558 : vector<16xi32>
      %gather3A_1560 = tpu.vector_load_idx %arg5[%add3A_1559] : memref<25600xi32, #tpu.memory_space<vmem>>[vector<16xi32>], vector<16xi32>,
      %swap3A_1561 = arith.constant 3 : i32
      %swap3A_1562 = arith.index_cast %swap3A_1561 : i32 to index
      %swap3A_1563 = arith.constant 96 : index
      %swap3A_1564 = tpu.vector_load %arg8[%swap3A_1562, %swap3A_1563] {strides = array<i32>} : memref<4x128xi32, #tpu.memory_space<vmem>>, vector<16xi32>,
      tpu.vector_store %arg8[%swap3A_1562, %swap3A_1563], %gather3A_1560 {strides = array<i32>} : memref<4x128xi32, #tpu.memory_space<vmem>>, vector<16xi32>,
      %add3A_1565 = arith.constant 112 : i32
      %add3A_1566 = vector.broadcast %add3A_1565 : i32 to vector<16xi32>
      %add3A_1567 = arith.addi %add3A_1566, %iota3A : vector<16xi32>
      %mul3A_1568 = arith.constant 200 : i32
      %mul3A_1569 = vector.broadcast %mul3A_1568 : i32 to vector<16xi32>
      %mul3A_1570 = arith.muli %add3A_1567, %mul3A_1569 : vector<16xi32>
      %add3A_1571 = vector.broadcast %add3A_1421 : i32 to vector<16xi32>
      %add3A_1572 = arith.addi %mul3A_1570, %add3A_1571 : vector<16xi32>
      %gather3A_1573 = tpu.vector_load_idx %arg5[%add3A_1572] : memref<25600xi32, #tpu.memory_space<vmem>>[vector<16xi32>], vector<16xi32>,
      %swap3A_1574 = arith.constant 3 : i32
      %swap3A_1575 = arith.index_cast %swap3A_1574 : i32 to index
      %swap3A_1576 = arith.constant 112 : index
      %swap3A_1577 = tpu.vector_load %arg8[%swap3A_1575, %swap3A_1576] {strides = array<i32>} : memref<4x128xi32, #tpu.memory_space<vmem>>, vector<16xi32>,
      tpu.vector_store %arg8[%swap3A_1575, %swap3A_1576], %gather3A_1573 {strides = array<i32>} : memref<4x128xi32, #tpu.memory_space<vmem>>, vector<16xi32>,
      %dma_start3A_1578 = arith.constant 3 : i32
      %dma_start3A_1579 = arith.constant 3 : i32
      %dma_start3A_1580 = arith.constant 3 : i32
      %dma_start3A_1581 = arith.constant 0 : i32
      %dma_start3A_1582 = arith.constant 0 : i32
      %dma_start3A_1583 = tpu.memref_slice %arg6[%dma_start3A_1579, %dma_start3A_1581, %dma_start3A_1582] : memref<4x128x32xf32, #tpu.memory_space<vmem>> -> memref<1x128x32xf32, #tpu.memory_space<vmem>>
      %dma_start3A_1584 = tpu.memref_squeeze %dma_start3A_1583 : memref<1x128x32xf32, #tpu.memory_space<vmem>> -> memref<128x32xf32, #tpu.memory_space<vmem>>
      %dma_start3A_1585 = arith.constant 0 : i32
      %dma_start3A_1586 = tpu.memref_slice %arg8[%dma_start3A_1578, %dma_start3A_1585] : memref<4x128xi32, #tpu.memory_space<vmem>> -> memref<1x128xi32, #tpu.memory_space<vmem>>
      %dma_start3A_1587 = tpu.memref_squeeze %dma_start3A_1586 : memref<1x128xi32, #tpu.memory_space<vmem>> -> memref<128xi32, #tpu.memory_space<vmem>>
      %dma_start3A_1588 = arith.constant 0 : i32
      %dma_start3A_1589 = arith.constant 0 : i32
      %dma_start3A_1590 = tpu.memref_slice %arg3[%dma_start3A_1588, %dma_start3A_1589] : memref<1000000x32xf32, #tpu.memory_space<hbm>> -> memref<1000000x32xf32, #tpu.memory_space<hbm>>
      %dma_start3A_1591 = tpu.memref_slice %arg9[%dma_start3A_1580] : memref<4x!tpu.dma_semaphore, #tpu.memory_space<semaphore_mem>> -> memref<1x!tpu.dma_semaphore, #tpu.memory_space<semaphore_mem>>
      %dma_start3A_1592 = tpu.memref_squeeze %dma_start3A_1591 : memref<1x!tpu.dma_semaphore, #tpu.memory_space<semaphore_mem>> -> memref<!tpu.dma_semaphore, #tpu.memory_space<semaphore_mem>>
      tpu.enqueue_indirect_dma source(%dma_start3A_1590 : memref<1000000x32xf32, #tpu.memory_space<hbm>>) target(%dma_start3A_1584 : memref<128x32xf32, #tpu.memory_space<vmem>>) offsets(%dma_start3A_1587 : memref<128xi32, #tpu.memory_space<vmem>>) semaphore(%dma_start3A_1592 : memref<!tpu.dma_semaphore, #tpu.memory_space<semaphore_mem>>)
    }
    %scan3A_512 = arith.constant 49 : i32
    %dma_wait3A = arith.constant 0 : i32
    %dma_wait3A_513 = arith.constant 0 : i32
    %dma_wait3A_514 = arith.constant 0 : i32
    %dma_wait3A_515 = arith.constant 0 : i32
    %dma_wait3A_516 = arith.constant 0 : i32
    %dma_wait3A_517 = tpu.memref_slice %arg6[%dma_wait3A_513, %dma_wait3A_515, %dma_wait3A_516] : memref<4x128x32xf32, #tpu.memory_space<vmem>> -> memref<1x128x32xf32, #tpu.memory_space<vmem>>
    %dma_wait3A_518 = tpu.memref_squeeze %dma_wait3A_517 : memref<1x128x32xf32, #tpu.memory_space<vmem>> -> memref<128x32xf32, #tpu.memory_space<vmem>>
    %dma_wait3A_519 = arith.constant 0 : i32
    %dma_wait3A_520 = tpu.memref_slice %arg8[%dma_wait3A, %dma_wait3A_519] : memref<4x128xi32, #tpu.memory_space<vmem>> -> memref<1x128xi32, #tpu.memory_space<vmem>>
    %dma_wait3A_521 = tpu.memref_squeeze %dma_wait3A_520 : memref<1x128xi32, #tpu.memory_space<vmem>> -> memref<128xi32, #tpu.memory_space<vmem>>
    %dma_wait3A_522 = arith.constant 0 : i32
    %dma_wait3A_523 = arith.constant 0 : i32
    %dma_wait3A_524 = tpu.memref_slice %arg3[%dma_wait3A_522, %dma_wait3A_523] : memref<1000000x32xf32, #tpu.memory_space<hbm>> -> memref<1000000x32xf32, #tpu.memory_space<hbm>>
    %dma_wait3A_525 = tpu.memref_slice %arg9[%dma_wait3A_514] : memref<4x!tpu.dma_semaphore, #tpu.memory_space<semaphore_mem>> -> memref<1x!tpu.dma_semaphore, #tpu.memory_space<semaphore_mem>>
    %dma_wait3A_526 = tpu.memref_squeeze %dma_wait3A_525 : memref<1x!tpu.dma_semaphore, #tpu.memory_space<semaphore_mem>> -> memref<!tpu.dma_semaphore, #tpu.memory_space<semaphore_mem>>
    tpu.wait_indirect_dma semaphore(%dma_wait3A_526 : memref<!tpu.dma_semaphore, #tpu.memory_space<semaphore_mem>>) src(%dma_wait3A_524 : memref<1000000x32xf32, #tpu.memory_space<hbm>>) dst(%dma_wait3A_518 : memref<128x32xf32, #tpu.memory_space<vmem>>)
    %dma_wait3A_527 = arith.constant 0 : i32
    %dma_wait3A_528 = arith.constant 196 : i32
    %dma_wait3A_529 = arith.constant 0 : i32
    %dma_wait3A_530 = arith.constant 0 : i32
    %dma_wait3A_531 = arith.constant 0 : i32
    %dma_wait3A_532 = arith.constant 0 : i32
    %dma_wait3A_533 = tpu.memref_slice %arg7[%dma_wait3A_527, %dma_wait3A_530, %dma_wait3A_531, %dma_wait3A_532] : memref<4x4x8x128xf32, #tpu.memory_space<vmem>> -> memref<1x4x8x128xf32, #tpu.memory_space<vmem>>
    %dma_wait3A_534 = tpu.memref_squeeze %dma_wait3A_533 : memref<1x4x8x128xf32, #tpu.memory_space<vmem>> -> memref<4x8x128xf32, #tpu.memory_space<vmem>>
    %dma_wait3A_535 = arith.constant 0 : i32
    %dma_wait3A_536 = arith.constant 0 : i32
    %dma_wait3A_537 = arith.constant 0 : i32
    %dma_wait3A_538 = tpu.memref_slice %arg4[%dma_wait3A_528, %dma_wait3A_535, %add3A, %dma_wait3A_536, %dma_wait3A_537] : memref<200x4x32x8x128xf32, #tpu.memory_space<hbm>> -> memref<1x4x1x8x128xf32, #tpu.memory_space<hbm>>
    %dma_wait3A_539 = tpu.memref_squeeze %dma_wait3A_538 : memref<1x4x1x8x128xf32, #tpu.memory_space<hbm>> -> memref<4x8x128xf32, #tpu.memory_space<hbm>>
    %dma_wait3A_540 = tpu.memref_slice %arg10[%dma_wait3A_529] : memref<4x!tpu.dma_semaphore, #tpu.memory_space<semaphore_mem>> -> memref<1x!tpu.dma_semaphore, #tpu.memory_space<semaphore_mem>>
    %dma_wait3A_541 = tpu.memref_squeeze %dma_wait3A_540 : memref<1x!tpu.dma_semaphore, #tpu.memory_space<semaphore_mem>> -> memref<!tpu.dma_semaphore, #tpu.memory_space<semaphore_mem>>
    %dma_wait3A_542 = arith.constant 0 : i32
    %dma_wait3A_543 = arith.constant 0 : i32
    %dma_wait3A_544 = arith.constant 0 : i32
    %dma_wait3A_545 = tpu.memref_slice %arg4[%dma_wait3A_528, %dma_wait3A_542, %add3A, %dma_wait3A_543, %dma_wait3A_544] : memref<200x4x32x8x128xf32, #tpu.memory_space<hbm>> -> memref<1x4x1x8x128xf32, #tpu.memory_space<hbm>>
    %dma_wait3A_546 = tpu.memref_squeeze %dma_wait3A_545 : memref<1x4x1x8x128xf32, #tpu.memory_space<hbm>> -> memref<4x8x128xf32, #tpu.memory_space<hbm>>
    %dma_wait3A_547 = arith.constant 0 : i32
    %dma_wait3A_548 = arith.constant 0 : i32
    %dma_wait3A_549 = arith.constant 0 : i32
    %dma_wait3A_550 = tpu.memref_slice %arg7[%dma_wait3A_527, %dma_wait3A_547, %dma_wait3A_548, %dma_wait3A_549] : memref<4x4x8x128xf32, #tpu.memory_space<vmem>> -> memref<1x4x8x128xf32, #tpu.memory_space<vmem>>
    %dma_wait3A_551 = tpu.memref_squeeze %dma_wait3A_550 : memref<1x4x8x128xf32, #tpu.memory_space<vmem>> -> memref<4x8x128xf32, #tpu.memory_space<vmem>>
    tpu.wait_dma2 semaphore(%dma_wait3A_541 : memref<!tpu.dma_semaphore, #tpu.memory_space<semaphore_mem>>) src(%dma_wait3A_551 : memref<4x8x128xf32, #tpu.memory_space<vmem>>) dst(%dma_wait3A_546 : memref<4x8x128xf32, #tpu.memory_space<hbm>>)
    %scan3A_552 = arith.constant 0 : i32
    %scan3A_553 = arith.constant 0 : i32
    %scan3A_554 = arith.constant 32 : i32
    %scan3A_555 = arith.addi %scan3A_553, %scan3A_554 : i32
    %scan3A_556 = arith.constant 1 : i32
    scf.for %scan3A_896 = %scan3A_553 to %scan3A_555 step %scan3A_556  : i32 {
      %add3A_897 = vector.broadcast %scan3A_896 : i32 to vector<16xi32>
      %add3A_898 = arith.addi %add3A_897, %iota3A : vector<16xi32>
      %and3A = arith.constant 31 : i32
      %and3A_899 = vector.broadcast %and3A : i32 to vector<16xi32>
      %and3A_900 = arith.andi %add3A_898, %and3A_899 : vector<16xi32>
      %shift_right_logical3A = arith.constant 3 : i32
      %shift_right_logical3A_901 = vector.broadcast %shift_right_logical3A : i32 to vector<16xi32>
      %shift_right_logical3A_902 = arith.shrui %and3A_900, %shift_right_logical3A_901 : vector<16xi32>
      %and3A_903 = arith.constant 7 : i32
      %and3A_904 = vector.broadcast %and3A_903 : i32 to vector<16xi32>
      %and3A_905 = arith.andi %and3A_900, %and3A_904 : vector<16xi32>
      %add3A_906 = arith.constant 0 : i32
      %add3A_907 = vector.broadcast %add3A_906 : i32 to vector<16xi32>
      %add3A_908 = arith.addi %add3A_907, %iota3A : vector<16xi32>
      %gather3A_909 = arith.constant 0 : i32
      %gather3A_910 = arith.constant 0 : i32
      %gather3A_911 = arith.constant 0 : i32
      %gather3A_912 = tpu.memref_slice %arg6[%gather3A_909, %gather3A_910, %gather3A_911] : memref<4x128x32xf32, #tpu.memory_space<vmem>> -> memref<1x128x32xf32, #tpu.memory_space<vmem>>
      %gather3A_913 = tpu.memref_squeeze %gather3A_912 : memref<1x128x32xf32, #tpu.memory_space<vmem>> -> memref<128x32xf32, #tpu.memory_space<vmem>>
      %gather3A_914 = tpu.vector_load_idx %gather3A_913[%add3A_908, %and3A_900] : memref<128x32xf32, #tpu.memory_space<vmem>>[vector<16xi32>, vector<16xi32>], vector<16xf32>,
      %scatter3A = arith.constant 0 : i32
      %scatter3A_915 = arith.constant 0 : i32
      %scatter3A_916 = arith.constant 0 : i32
      %scatter3A_917 = arith.constant 0 : i32
      %scatter3A_918 = tpu.memref_slice %arg7[%scatter3A, %scatter3A_915, %scatter3A_916, %scatter3A_917] : memref<4x4x8x128xf32, #tpu.memory_space<vmem>> -> memref<1x4x8x128xf32, #tpu.memory_space<vmem>>
      %scatter3A_919 = tpu.memref_squeeze %scatter3A_918 : memref<1x4x8x128xf32, #tpu.memory_space<vmem>> -> memref<4x8x128xf32, #tpu.memory_space<vmem>>
      tpu.vector_store_idx %scatter3A_919[%shift_right_logical3A_902, %and3A_905, %add3A_908], %gather3A_914 : memref<4x8x128xf32, #tpu.memory_space<vmem>>[vector<16xi32>, vector<16xi32>, vector<16xi32>], vector<16xf32>,
      %add3A_920 = arith.constant 16 : i32
      %add3A_921 = vector.broadcast %add3A_920 : i32 to vector<16xi32>
      %add3A_922 = arith.addi %add3A_921, %iota3A : vector<16xi32>
      %gather3A_923 = arith.constant 0 : i32
      %gather3A_924 = arith.constant 0 : i32
      %gather3A_925 = arith.constant 0 : i32
      %gather3A_926 = tpu.memref_slice %arg6[%gather3A_923, %gather3A_924, %gather3A_925] : memref<4x128x32xf32, #tpu.memory_space<vmem>> -> memref<1x128x32xf32, #tpu.memory_space<vmem>>
      %gather3A_927 = tpu.memref_squeeze %gather3A_926 : memref<1x128x32xf32, #tpu.memory_space<vmem>> -> memref<128x32xf32, #tpu.memory_space<vmem>>
      %gather3A_928 = tpu.vector_load_idx %gather3A_927[%add3A_922, %and3A_900] : memref<128x32xf32, #tpu.memory_space<vmem>>[vector<16xi32>, vector<16xi32>], vector<16xf32>,
      %scatter3A_929 = arith.constant 0 : i32
      %scatter3A_930 = arith.constant 0 : i32
      %scatter3A_931 = arith.constant 0 : i32
      %scatter3A_932 = arith.constant 0 : i32
      %scatter3A_933 = tpu.memref_slice %arg7[%scatter3A_929, %scatter3A_930, %scatter3A_931, %scatter3A_932] : memref<4x4x8x128xf32, #tpu.memory_space<vmem>> -> memref<1x4x8x128xf32, #tpu.memory_space<vmem>>
      %scatter3A_934 = tpu.memref_squeeze %scatter3A_933 : memref<1x4x8x128xf32, #tpu.memory_space<vmem>> -> memref<4x8x128xf32, #tpu.memory_space<vmem>>
      tpu.vector_store_idx %scatter3A_934[%shift_right_logical3A_902, %and3A_905, %add3A_922], %gather3A_928 : memref<4x8x128xf32, #tpu.memory_space<vmem>>[vector<16xi32>, vector<16xi32>, vector<16xi32>], vector<16xf32>,
      %add3A_935 = arith.constant 32 : i32
      %add3A_936 = vector.broadcast %add3A_935 : i32 to vector<16xi32>
      %add3A_937 = arith.addi %add3A_936, %iota3A : vector<16xi32>
      %gather3A_938 = arith.constant 0 : i32
      %gather3A_939 = arith.constant 0 : i32
      %gather3A_940 = arith.constant 0 : i32
      %gather3A_941 = tpu.memref_slice %arg6[%gather3A_938, %gather3A_939, %gather3A_940] : memref<4x128x32xf32, #tpu.memory_space<vmem>> -> memref<1x128x32xf32, #tpu.memory_space<vmem>>
      %gather3A_942 = tpu.memref_squeeze %gather3A_941 : memref<1x128x32xf32, #tpu.memory_space<vmem>> -> memref<128x32xf32, #tpu.memory_space<vmem>>
      %gather3A_943 = tpu.vector_load_idx %gather3A_942[%add3A_937, %and3A_900] : memref<128x32xf32, #tpu.memory_space<vmem>>[vector<16xi32>, vector<16xi32>], vector<16xf32>,
      %scatter3A_944 = arith.constant 0 : i32
      %scatter3A_945 = arith.constant 0 : i32
      %scatter3A_946 = arith.constant 0 : i32
      %scatter3A_947 = arith.constant 0 : i32
      %scatter3A_948 = tpu.memref_slice %arg7[%scatter3A_944, %scatter3A_945, %scatter3A_946, %scatter3A_947] : memref<4x4x8x128xf32, #tpu.memory_space<vmem>> -> memref<1x4x8x128xf32, #tpu.memory_space<vmem>>
      %scatter3A_949 = tpu.memref_squeeze %scatter3A_948 : memref<1x4x8x128xf32, #tpu.memory_space<vmem>> -> memref<4x8x128xf32, #tpu.memory_space<vmem>>
      tpu.vector_store_idx %scatter3A_949[%shift_right_logical3A_902, %and3A_905, %add3A_937], %gather3A_943 : memref<4x8x128xf32, #tpu.memory_space<vmem>>[vector<16xi32>, vector<16xi32>, vector<16xi32>], vector<16xf32>,
      %add3A_950 = arith.constant 48 : i32
      %add3A_951 = vector.broadcast %add3A_950 : i32 to vector<16xi32>
      %add3A_952 = arith.addi %add3A_951, %iota3A : vector<16xi32>
      %gather3A_953 = arith.constant 0 : i32
      %gather3A_954 = arith.constant 0 : i32
      %gather3A_955 = arith.constant 0 : i32
      %gather3A_956 = tpu.memref_slice %arg6[%gather3A_953, %gather3A_954, %gather3A_955] : memref<4x128x32xf32, #tpu.memory_space<vmem>> -> memref<1x128x32xf32, #tpu.memory_space<vmem>>
      %gather3A_957 = tpu.memref_squeeze %gather3A_956 : memref<1x128x32xf32, #tpu.memory_space<vmem>> -> memref<128x32xf32, #tpu.memory_space<vmem>>
      %gather3A_958 = tpu.vector_load_idx %gather3A_957[%add3A_952, %and3A_900] : memref<128x32xf32, #tpu.memory_space<vmem>>[vector<16xi32>, vector<16xi32>], vector<16xf32>,
      %scatter3A_959 = arith.constant 0 : i32
      %scatter3A_960 = arith.constant 0 : i32
      %scatter3A_961 = arith.constant 0 : i32
      %scatter3A_962 = arith.constant 0 : i32
      %scatter3A_963 = tpu.memref_slice %arg7[%scatter3A_959, %scatter3A_960, %scatter3A_961, %scatter3A_962] : memref<4x4x8x128xf32, #tpu.memory_space<vmem>> -> memref<1x4x8x128xf32, #tpu.memory_space<vmem>>
      %scatter3A_964 = tpu.memref_squeeze %scatter3A_963 : memref<1x4x8x128xf32, #tpu.memory_space<vmem>> -> memref<4x8x128xf32, #tpu.memory_space<vmem>>
      tpu.vector_store_idx %scatter3A_964[%shift_right_logical3A_902, %and3A_905, %add3A_952], %gather3A_958 : memref<4x8x128xf32, #tpu.memory_space<vmem>>[vector<16xi32>, vector<16xi32>, vector<16xi32>], vector<16xf32>,
      %add3A_965 = arith.constant 64 : i32
      %add3A_966 = vector.broadcast %add3A_965 : i32 to vector<16xi32>
      %add3A_967 = arith.addi %add3A_966, %iota3A : vector<16xi32>
      %gather3A_968 = arith.constant 0 : i32
      %gather3A_969 = arith.constant 0 : i32
      %gather3A_970 = arith.constant 0 : i32
      %gather3A_971 = tpu.memref_slice %arg6[%gather3A_968, %gather3A_969, %gather3A_970] : memref<4x128x32xf32, #tpu.memory_space<vmem>> -> memref<1x128x32xf32, #tpu.memory_space<vmem>>
      %gather3A_972 = tpu.memref_squeeze %gather3A_971 : memref<1x128x32xf32, #tpu.memory_space<vmem>> -> memref<128x32xf32, #tpu.memory_space<vmem>>
      %gather3A_973 = tpu.vector_load_idx %gather3A_972[%add3A_967, %and3A_900] : memref<128x32xf32, #tpu.memory_space<vmem>>[vector<16xi32>, vector<16xi32>], vector<16xf32>,
      %scatter3A_974 = arith.constant 0 : i32
      %scatter3A_975 = arith.constant 0 : i32
      %scatter3A_976 = arith.constant 0 : i32
      %scatter3A_977 = arith.constant 0 : i32
      %scatter3A_978 = tpu.memref_slice %arg7[%scatter3A_974, %scatter3A_975, %scatter3A_976, %scatter3A_977] : memref<4x4x8x128xf32, #tpu.memory_space<vmem>> -> memref<1x4x8x128xf32, #tpu.memory_space<vmem>>
      %scatter3A_979 = tpu.memref_squeeze %scatter3A_978 : memref<1x4x8x128xf32, #tpu.memory_space<vmem>> -> memref<4x8x128xf32, #tpu.memory_space<vmem>>
      tpu.vector_store_idx %scatter3A_979[%shift_right_logical3A_902, %and3A_905, %add3A_967], %gather3A_973 : memref<4x8x128xf32, #tpu.memory_space<vmem>>[vector<16xi32>, vector<16xi32>, vector<16xi32>], vector<16xf32>,
      %add3A_980 = arith.constant 80 : i32
      %add3A_981 = vector.broadcast %add3A_980 : i32 to vector<16xi32>
      %add3A_982 = arith.addi %add3A_981, %iota3A : vector<16xi32>
      %gather3A_983 = arith.constant 0 : i32
      %gather3A_984 = arith.constant 0 : i32
      %gather3A_985 = arith.constant 0 : i32
      %gather3A_986 = tpu.memref_slice %arg6[%gather3A_983, %gather3A_984, %gather3A_985] : memref<4x128x32xf32, #tpu.memory_space<vmem>> -> memref<1x128x32xf32, #tpu.memory_space<vmem>>
      %gather3A_987 = tpu.memref_squeeze %gather3A_986 : memref<1x128x32xf32, #tpu.memory_space<vmem>> -> memref<128x32xf32, #tpu.memory_space<vmem>>
      %gather3A_988 = tpu.vector_load_idx %gather3A_987[%add3A_982, %and3A_900] : memref<128x32xf32, #tpu.memory_space<vmem>>[vector<16xi32>, vector<16xi32>], vector<16xf32>,
      %scatter3A_989 = arith.constant 0 : i32
      %scatter3A_990 = arith.constant 0 : i32
      %scatter3A_991 = arith.constant 0 : i32
      %scatter3A_992 = arith.constant 0 : i32
      %scatter3A_993 = tpu.memref_slice %arg7[%scatter3A_989, %scatter3A_990, %scatter3A_991, %scatter3A_992] : memref<4x4x8x128xf32, #tpu.memory_space<vmem>> -> memref<1x4x8x128xf32, #tpu.memory_space<vmem>>
      %scatter3A_994 = tpu.memref_squeeze %scatter3A_993 : memref<1x4x8x128xf32, #tpu.memory_space<vmem>> -> memref<4x8x128xf32, #tpu.memory_space<vmem>>
      tpu.vector_store_idx %scatter3A_994[%shift_right_logical3A_902, %and3A_905, %add3A_982], %gather3A_988 : memref<4x8x128xf32, #tpu.memory_space<vmem>>[vector<16xi32>, vector<16xi32>, vector<16xi32>], vector<16xf32>,
      %add3A_995 = arith.constant 96 : i32
      %add3A_996 = vector.broadcast %add3A_995 : i32 to vector<16xi32>
      %add3A_997 = arith.addi %add3A_996, %iota3A : vector<16xi32>
      %gather3A_998 = arith.constant 0 : i32
      %gather3A_999 = arith.constant 0 : i32
      %gather3A_1000 = arith.constant 0 : i32
      %gather3A_1001 = tpu.memref_slice %arg6[%gather3A_998, %gather3A_999, %gather3A_1000] : memref<4x128x32xf32, #tpu.memory_space<vmem>> -> memref<1x128x32xf32, #tpu.memory_space<vmem>>
      %gather3A_1002 = tpu.memref_squeeze %gather3A_1001 : memref<1x128x32xf32, #tpu.memory_space<vmem>> -> memref<128x32xf32, #tpu.memory_space<vmem>>
      %gather3A_1003 = tpu.vector_load_idx %gather3A_1002[%add3A_997, %and3A_900] : memref<128x32xf32, #tpu.memory_space<vmem>>[vector<16xi32>, vector<16xi32>], vector<16xf32>,
      %scatter3A_1004 = arith.constant 0 : i32
      %scatter3A_1005 = arith.constant 0 : i32
      %scatter3A_1006 = arith.constant 0 : i32
      %scatter3A_1007 = arith.constant 0 : i32
      %scatter3A_1008 = tpu.memref_slice %arg7[%scatter3A_1004, %scatter3A_1005, %scatter3A_1006, %scatter3A_1007] : memref<4x4x8x128xf32, #tpu.memory_space<vmem>> -> memref<1x4x8x128xf32, #tpu.memory_space<vmem>>
      %scatter3A_1009 = tpu.memref_squeeze %scatter3A_1008 : memref<1x4x8x128xf32, #tpu.memory_space<vmem>> -> memref<4x8x128xf32, #tpu.memory_space<vmem>>
      tpu.vector_store_idx %scatter3A_1009[%shift_right_logical3A_902, %and3A_905, %add3A_997], %gather3A_1003 : memref<4x8x128xf32, #tpu.memory_space<vmem>>[vector<16xi32>, vector<16xi32>, vector<16xi32>], vector<16xf32>,
      %add3A_1010 = arith.constant 112 : i32
      %add3A_1011 = vector.broadcast %add3A_1010 : i32 to vector<16xi32>
      %add3A_1012 = arith.addi %add3A_1011, %iota3A : vector<16xi32>
      %gather3A_1013 = arith.constant 0 : i32
      %gather3A_1014 = arith.constant 0 : i32
      %gather3A_1015 = arith.constant 0 : i32
      %gather3A_1016 = tpu.memref_slice %arg6[%gather3A_1013, %gather3A_1014, %gather3A_1015] : memref<4x128x32xf32, #tpu.memory_space<vmem>> -> memref<1x128x32xf32, #tpu.memory_space<vmem>>
      %gather3A_1017 = tpu.memref_squeeze %gather3A_1016 : memref<1x128x32xf32, #tpu.memory_space<vmem>> -> memref<128x32xf32, #tpu.memory_space<vmem>>
      %gather3A_1018 = tpu.vector_load_idx %gather3A_1017[%add3A_1012, %and3A_900] : memref<128x32xf32, #tpu.memory_space<vmem>>[vector<16xi32>, vector<16xi32>], vector<16xf32>,
      %scatter3A_1019 = arith.constant 0 : i32
      %scatter3A_1020 = arith.constant 0 : i32
      %scatter3A_1021 = arith.constant 0 : i32
      %scatter3A_1022 = arith.constant 0 : i32
      %scatter3A_1023 = tpu.memref_slice %arg7[%scatter3A_1019, %scatter3A_1020, %scatter3A_1021, %scatter3A_1022] : memref<4x4x8x128xf32, #tpu.memory_space<vmem>> -> memref<1x4x8x128xf32, #tpu.memory_space<vmem>>
      %scatter3A_1024 = tpu.memref_squeeze %scatter3A_1023 : memref<1x4x8x128xf32, #tpu.memory_space<vmem>> -> memref<4x8x128xf32, #tpu.memory_space<vmem>>
      tpu.vector_store_idx %scatter3A_1024[%shift_right_logical3A_902, %and3A_905, %add3A_1012], %gather3A_1018 : memref<4x8x128xf32, #tpu.memory_space<vmem>>[vector<16xi32>, vector<16xi32>, vector<16xi32>], vector<16xf32>,
    }
    %scan3A_557 = arith.constant 32 : i32
    %dma_start3A_558 = arith.constant 0 : i32
    %dma_start3A_559 = arith.constant 196 : i32
    %dma_start3A_560 = arith.constant 0 : i32
    %dma_start3A_561 = arith.constant 0 : i32
    %dma_start3A_562 = arith.constant 0 : i32
    %dma_start3A_563 = arith.constant 0 : i32
    %dma_start3A_564 = tpu.memref_slice %arg7[%dma_start3A_558, %dma_start3A_561, %dma_start3A_562, %dma_start3A_563] : memref<4x4x8x128xf32, #tpu.memory_space<vmem>> -> memref<1x4x8x128xf32, #tpu.memory_space<vmem>>
    %dma_start3A_565 = tpu.memref_squeeze %dma_start3A_564 : memref<1x4x8x128xf32, #tpu.memory_space<vmem>> -> memref<4x8x128xf32, #tpu.memory_space<vmem>>
    %dma_start3A_566 = arith.constant 0 : i32
    %dma_start3A_567 = arith.constant 0 : i32
    %dma_start3A_568 = arith.constant 0 : i32
    %dma_start3A_569 = tpu.memref_slice %arg4[%dma_start3A_559, %dma_start3A_566, %add3A, %dma_start3A_567, %dma_start3A_568] : memref<200x4x32x8x128xf32, #tpu.memory_space<hbm>> -> memref<1x4x1x8x128xf32, #tpu.memory_space<hbm>>
    %dma_start3A_570 = tpu.memref_squeeze %dma_start3A_569 : memref<1x4x1x8x128xf32, #tpu.memory_space<hbm>> -> memref<4x8x128xf32, #tpu.memory_space<hbm>>
    %dma_start3A_571 = tpu.memref_slice %arg10[%dma_start3A_560] : memref<4x!tpu.dma_semaphore, #tpu.memory_space<semaphore_mem>> -> memref<1x!tpu.dma_semaphore, #tpu.memory_space<semaphore_mem>>
    %dma_start3A_572 = tpu.memref_squeeze %dma_start3A_571 : memref<1x!tpu.dma_semaphore, #tpu.memory_space<semaphore_mem>> -> memref<!tpu.dma_semaphore, #tpu.memory_space<semaphore_mem>>
    %dma_start3A_573 = arith.constant 0 : i32
    %dma_start3A_574 = arith.constant 0 : i32
    %dma_start3A_575 = arith.constant 0 : i32
    %dma_start3A_576 = tpu.memref_slice %arg4[%dma_start3A_559, %dma_start3A_573, %add3A, %dma_start3A_574, %dma_start3A_575] : memref<200x4x32x8x128xf32, #tpu.memory_space<hbm>> -> memref<1x4x1x8x128xf32, #tpu.memory_space<hbm>>
    %dma_start3A_577 = tpu.memref_squeeze %dma_start3A_576 : memref<1x4x1x8x128xf32, #tpu.memory_space<hbm>> -> memref<4x8x128xf32, #tpu.memory_space<hbm>>
    %dma_start3A_578 = arith.constant 0 : i32
    %dma_start3A_579 = arith.constant 0 : i32
    %dma_start3A_580 = arith.constant 0 : i32
    %dma_start3A_581 = tpu.memref_slice %arg7[%dma_start3A_558, %dma_start3A_578, %dma_start3A_579, %dma_start3A_580] : memref<4x4x8x128xf32, #tpu.memory_space<vmem>> -> memref<1x4x8x128xf32, #tpu.memory_space<vmem>>
    %dma_start3A_582 = tpu.memref_squeeze %dma_start3A_581 : memref<1x4x8x128xf32, #tpu.memory_space<vmem>> -> memref<4x8x128xf32, #tpu.memory_space<vmem>>
    tpu.enqueue_dma source(%dma_start3A_582 : memref<4x8x128xf32, #tpu.memory_space<vmem>>) target(%dma_start3A_577 : memref<4x8x128xf32, #tpu.memory_space<hbm>>) target_semaphore(%dma_start3A_572 : memref<!tpu.dma_semaphore, #tpu.memory_space<semaphore_mem>>)
    %dma_wait3A_583 = arith.constant 1 : i32
    %dma_wait3A_584 = arith.constant 1 : i32
    %dma_wait3A_585 = arith.constant 1 : i32
    %dma_wait3A_586 = arith.constant 0 : i32
    %dma_wait3A_587 = arith.constant 0 : i32
    %dma_wait3A_588 = tpu.memref_slice %arg6[%dma_wait3A_584, %dma_wait3A_586, %dma_wait3A_587] : memref<4x128x32xf32, #tpu.memory_space<vmem>> -> memref<1x128x32xf32, #tpu.memory_space<vmem>>
    %dma_wait3A_589 = tpu.memref_squeeze %dma_wait3A_588 : memref<1x128x32xf32, #tpu.memory_space<vmem>> -> memref<128x32xf32, #tpu.memory_space<vmem>>
    %dma_wait3A_590 = arith.constant 0 : i32
    %dma_wait3A_591 = tpu.memref_slice %arg8[%dma_wait3A_583, %dma_wait3A_590] : memref<4x128xi32, #tpu.memory_space<vmem>> -> memref<1x128xi32, #tpu.memory_space<vmem>>
    %dma_wait3A_592 = tpu.memref_squeeze %dma_wait3A_591 : memref<1x128xi32, #tpu.memory_space<vmem>> -> memref<128xi32, #tpu.memory_space<vmem>>
    %dma_wait3A_593 = arith.constant 0 : i32
    %dma_wait3A_594 = arith.constant 0 : i32
    %dma_wait3A_595 = tpu.memref_slice %arg3[%dma_wait3A_593, %dma_wait3A_594] : memref<1000000x32xf32, #tpu.memory_space<hbm>> -> memref<1000000x32xf32, #tpu.memory_space<hbm>>
    %dma_wait3A_596 = tpu.memref_slice %arg9[%dma_wait3A_585] : memref<4x!tpu.dma_semaphore, #tpu.memory_space<semaphore_mem>> -> memref<1x!tpu.dma_semaphore, #tpu.memory_space<semaphore_mem>>
    %dma_wait3A_597 = tpu.memref_squeeze %dma_wait3A_596 : memref<1x!tpu.dma_semaphore, #tpu.memory_space<semaphore_mem>> -> memref<!tpu.dma_semaphore, #tpu.memory_space<semaphore_mem>>
    tpu.wait_indirect_dma semaphore(%dma_wait3A_597 : memref<!tpu.dma_semaphore, #tpu.memory_space<semaphore_mem>>) src(%dma_wait3A_595 : memref<1000000x32xf32, #tpu.memory_space<hbm>>) dst(%dma_wait3A_589 : memref<128x32xf32, #tpu.memory_space<vmem>>)
    %dma_wait3A_598 = arith.constant 1 : i32
    %dma_wait3A_599 = arith.constant 197 : i32
    %dma_wait3A_600 = arith.constant 1 : i32
    %dma_wait3A_601 = arith.constant 0 : i32
    %dma_wait3A_602 = arith.constant 0 : i32
    %dma_wait3A_603 = arith.constant 0 : i32
    %dma_wait3A_604 = tpu.memref_slice %arg7[%dma_wait3A_598, %dma_wait3A_601, %dma_wait3A_602, %dma_wait3A_603] : memref<4x4x8x128xf32, #tpu.memory_space<vmem>> -> memref<1x4x8x128xf32, #tpu.memory_space<vmem>>
    %dma_wait3A_605 = tpu.memref_squeeze %dma_wait3A_604 : memref<1x4x8x128xf32, #tpu.memory_space<vmem>> -> memref<4x8x128xf32, #tpu.memory_space<vmem>>
    %dma_wait3A_606 = arith.constant 0 : i32
    %dma_wait3A_607 = arith.constant 0 : i32
    %dma_wait3A_608 = arith.constant 0 : i32
    %dma_wait3A_609 = tpu.memref_slice %arg4[%dma_wait3A_599, %dma_wait3A_606, %add3A, %dma_wait3A_607, %dma_wait3A_608] : memref<200x4x32x8x128xf32, #tpu.memory_space<hbm>> -> memref<1x4x1x8x128xf32, #tpu.memory_space<hbm>>
    %dma_wait3A_610 = tpu.memref_squeeze %dma_wait3A_609 : memref<1x4x1x8x128xf32, #tpu.memory_space<hbm>> -> memref<4x8x128xf32, #tpu.memory_space<hbm>>
    %dma_wait3A_611 = tpu.memref_slice %arg10[%dma_wait3A_600] : memref<4x!tpu.dma_semaphore, #tpu.memory_space<semaphore_mem>> -> memref<1x!tpu.dma_semaphore, #tpu.memory_space<semaphore_mem>>
    %dma_wait3A_612 = tpu.memref_squeeze %dma_wait3A_611 : memref<1x!tpu.dma_semaphore, #tpu.memory_space<semaphore_mem>> -> memref<!tpu.dma_semaphore, #tpu.memory_space<semaphore_mem>>
    %dma_wait3A_613 = arith.constant 0 : i32
    %dma_wait3A_614 = arith.constant 0 : i32
    %dma_wait3A_615 = arith.constant 0 : i32
    %dma_wait3A_616 = tpu.memref_slice %arg4[%dma_wait3A_599, %dma_wait3A_613, %add3A, %dma_wait3A_614, %dma_wait3A_615] : memref<200x4x32x8x128xf32, #tpu.memory_space<hbm>> -> memref<1x4x1x8x128xf32, #tpu.memory_space<hbm>>
    %dma_wait3A_617 = tpu.memref_squeeze %dma_wait3A_616 : memref<1x4x1x8x128xf32, #tpu.memory_space<hbm>> -> memref<4x8x128xf32, #tpu.memory_space<hbm>>
    %dma_wait3A_618 = arith.constant 0 : i32
    %dma_wait3A_619 = arith.constant 0 : i32
    %dma_wait3A_620 = arith.constant 0 : i32
    %dma_wait3A_621 = tpu.memref_slice %arg7[%dma_wait3A_598, %dma_wait3A_618, %dma_wait3A_619, %dma_wait3A_620] : memref<4x4x8x128xf32, #tpu.memory_space<vmem>> -> memref<1x4x8x128xf32, #tpu.memory_space<vmem>>
    %dma_wait3A_622 = tpu.memref_squeeze %dma_wait3A_621 : memref<1x4x8x128xf32, #tpu.memory_space<vmem>> -> memref<4x8x128xf32, #tpu.memory_space<vmem>>
    tpu.wait_dma2 semaphore(%dma_wait3A_612 : memref<!tpu.dma_semaphore, #tpu.memory_space<semaphore_mem>>) src(%dma_wait3A_622 : memref<4x8x128xf32, #tpu.memory_space<vmem>>) dst(%dma_wait3A_617 : memref<4x8x128xf32, #tpu.memory_space<hbm>>)
    %scan3A_623 = arith.constant 0 : i32
    %scan3A_624 = arith.constant 0 : i32
    %scan3A_625 = arith.constant 32 : i32
    %scan3A_626 = arith.addi %scan3A_624, %scan3A_625 : i32
    %scan3A_627 = arith.constant 1 : i32
    scf.for %scan3A_896 = %scan3A_624 to %scan3A_626 step %scan3A_627  : i32 {
      %add3A_897 = vector.broadcast %scan3A_896 : i32 to vector<16xi32>
      %add3A_898 = arith.addi %add3A_897, %iota3A : vector<16xi32>
      %and3A = arith.constant 31 : i32
      %and3A_899 = vector.broadcast %and3A : i32 to vector<16xi32>
      %and3A_900 = arith.andi %add3A_898, %and3A_899 : vector<16xi32>
      %shift_right_logical3A = arith.constant 3 : i32
      %shift_right_logical3A_901 = vector.broadcast %shift_right_logical3A : i32 to vector<16xi32>
      %shift_right_logical3A_902 = arith.shrui %and3A_900, %shift_right_logical3A_901 : vector<16xi32>
      %and3A_903 = arith.constant 7 : i32
      %and3A_904 = vector.broadcast %and3A_903 : i32 to vector<16xi32>
      %and3A_905 = arith.andi %and3A_900, %and3A_904 : vector<16xi32>
      %add3A_906 = arith.constant 0 : i32
      %add3A_907 = vector.broadcast %add3A_906 : i32 to vector<16xi32>
      %add3A_908 = arith.addi %add3A_907, %iota3A : vector<16xi32>
      %gather3A_909 = arith.constant 1 : i32
      %gather3A_910 = arith.constant 0 : i32
      %gather3A_911 = arith.constant 0 : i32
      %gather3A_912 = tpu.memref_slice %arg6[%gather3A_909, %gather3A_910, %gather3A_911] : memref<4x128x32xf32, #tpu.memory_space<vmem>> -> memref<1x128x32xf32, #tpu.memory_space<vmem>>
      %gather3A_913 = tpu.memref_squeeze %gather3A_912 : memref<1x128x32xf32, #tpu.memory_space<vmem>> -> memref<128x32xf32, #tpu.memory_space<vmem>>
      %gather3A_914 = tpu.vector_load_idx %gather3A_913[%add3A_908, %and3A_900] : memref<128x32xf32, #tpu.memory_space<vmem>>[vector<16xi32>, vector<16xi32>], vector<16xf32>,
      %scatter3A = arith.constant 1 : i32
      %scatter3A_915 = arith.constant 0 : i32
      %scatter3A_916 = arith.constant 0 : i32
      %scatter3A_917 = arith.constant 0 : i32
      %scatter3A_918 = tpu.memref_slice %arg7[%scatter3A, %scatter3A_915, %scatter3A_916, %scatter3A_917] : memref<4x4x8x128xf32, #tpu.memory_space<vmem>> -> memref<1x4x8x128xf32, #tpu.memory_space<vmem>>
      %scatter3A_919 = tpu.memref_squeeze %scatter3A_918 : memref<1x4x8x128xf32, #tpu.memory_space<vmem>> -> memref<4x8x128xf32, #tpu.memory_space<vmem>>
      tpu.vector_store_idx %scatter3A_919[%shift_right_logical3A_902, %and3A_905, %add3A_908], %gather3A_914 : memref<4x8x128xf32, #tpu.memory_space<vmem>>[vector<16xi32>, vector<16xi32>, vector<16xi32>], vector<16xf32>,
      %add3A_920 = arith.constant 16 : i32
      %add3A_921 = vector.broadcast %add3A_920 : i32 to vector<16xi32>
      %add3A_922 = arith.addi %add3A_921, %iota3A : vector<16xi32>
      %gather3A_923 = arith.constant 1 : i32
      %gather3A_924 = arith.constant 0 : i32
      %gather3A_925 = arith.constant 0 : i32
      %gather3A_926 = tpu.memref_slice %arg6[%gather3A_923, %gather3A_924, %gather3A_925] : memref<4x128x32xf32, #tpu.memory_space<vmem>> -> memref<1x128x32xf32, #tpu.memory_space<vmem>>
      %gather3A_927 = tpu.memref_squeeze %gather3A_926 : memref<1x128x32xf32, #tpu.memory_space<vmem>> -> memref<128x32xf32, #tpu.memory_space<vmem>>
      %gather3A_928 = tpu.vector_load_idx %gather3A_927[%add3A_922, %and3A_900] : memref<128x32xf32, #tpu.memory_space<vmem>>[vector<16xi32>, vector<16xi32>], vector<16xf32>,
      %scatter3A_929 = arith.constant 1 : i32
      %scatter3A_930 = arith.constant 0 : i32
      %scatter3A_931 = arith.constant 0 : i32
      %scatter3A_932 = arith.constant 0 : i32
      %scatter3A_933 = tpu.memref_slice %arg7[%scatter3A_929, %scatter3A_930, %scatter3A_931, %scatter3A_932] : memref<4x4x8x128xf32, #tpu.memory_space<vmem>> -> memref<1x4x8x128xf32, #tpu.memory_space<vmem>>
      %scatter3A_934 = tpu.memref_squeeze %scatter3A_933 : memref<1x4x8x128xf32, #tpu.memory_space<vmem>> -> memref<4x8x128xf32, #tpu.memory_space<vmem>>
      tpu.vector_store_idx %scatter3A_934[%shift_right_logical3A_902, %and3A_905, %add3A_922], %gather3A_928 : memref<4x8x128xf32, #tpu.memory_space<vmem>>[vector<16xi32>, vector<16xi32>, vector<16xi32>], vector<16xf32>,
      %add3A_935 = arith.constant 32 : i32
      %add3A_936 = vector.broadcast %add3A_935 : i32 to vector<16xi32>
      %add3A_937 = arith.addi %add3A_936, %iota3A : vector<16xi32>
      %gather3A_938 = arith.constant 1 : i32
      %gather3A_939 = arith.constant 0 : i32
      %gather3A_940 = arith.constant 0 : i32
      %gather3A_941 = tpu.memref_slice %arg6[%gather3A_938, %gather3A_939, %gather3A_940] : memref<4x128x32xf32, #tpu.memory_space<vmem>> -> memref<1x128x32xf32, #tpu.memory_space<vmem>>
      %gather3A_942 = tpu.memref_squeeze %gather3A_941 : memref<1x128x32xf32, #tpu.memory_space<vmem>> -> memref<128x32xf32, #tpu.memory_space<vmem>>
      %gather3A_943 = tpu.vector_load_idx %gather3A_942[%add3A_937, %and3A_900] : memref<128x32xf32, #tpu.memory_space<vmem>>[vector<16xi32>, vector<16xi32>], vector<16xf32>,
      %scatter3A_944 = arith.constant 1 : i32
      %scatter3A_945 = arith.constant 0 : i32
      %scatter3A_946 = arith.constant 0 : i32
      %scatter3A_947 = arith.constant 0 : i32
      %scatter3A_948 = tpu.memref_slice %arg7[%scatter3A_944, %scatter3A_945, %scatter3A_946, %scatter3A_947] : memref<4x4x8x128xf32, #tpu.memory_space<vmem>> -> memref<1x4x8x128xf32, #tpu.memory_space<vmem>>
      %scatter3A_949 = tpu.memref_squeeze %scatter3A_948 : memref<1x4x8x128xf32, #tpu.memory_space<vmem>> -> memref<4x8x128xf32, #tpu.memory_space<vmem>>
      tpu.vector_store_idx %scatter3A_949[%shift_right_logical3A_902, %and3A_905, %add3A_937], %gather3A_943 : memref<4x8x128xf32, #tpu.memory_space<vmem>>[vector<16xi32>, vector<16xi32>, vector<16xi32>], vector<16xf32>,
      %add3A_950 = arith.constant 48 : i32
      %add3A_951 = vector.broadcast %add3A_950 : i32 to vector<16xi32>
      %add3A_952 = arith.addi %add3A_951, %iota3A : vector<16xi32>
      %gather3A_953 = arith.constant 1 : i32
      %gather3A_954 = arith.constant 0 : i32
      %gather3A_955 = arith.constant 0 : i32
      %gather3A_956 = tpu.memref_slice %arg6[%gather3A_953, %gather3A_954, %gather3A_955] : memref<4x128x32xf32, #tpu.memory_space<vmem>> -> memref<1x128x32xf32, #tpu.memory_space<vmem>>
      %gather3A_957 = tpu.memref_squeeze %gather3A_956 : memref<1x128x32xf32, #tpu.memory_space<vmem>> -> memref<128x32xf32, #tpu.memory_space<vmem>>
      %gather3A_958 = tpu.vector_load_idx %gather3A_957[%add3A_952, %and3A_900] : memref<128x32xf32, #tpu.memory_space<vmem>>[vector<16xi32>, vector<16xi32>], vector<16xf32>,
      %scatter3A_959 = arith.constant 1 : i32
      %scatter3A_960 = arith.constant 0 : i32
      %scatter3A_961 = arith.constant 0 : i32
      %scatter3A_962 = arith.constant 0 : i32
      %scatter3A_963 = tpu.memref_slice %arg7[%scatter3A_959, %scatter3A_960, %scatter3A_961, %scatter3A_962] : memref<4x4x8x128xf32, #tpu.memory_space<vmem>> -> memref<1x4x8x128xf32, #tpu.memory_space<vmem>>
      %scatter3A_964 = tpu.memref_squeeze %scatter3A_963 : memref<1x4x8x128xf32, #tpu.memory_space<vmem>> -> memref<4x8x128xf32, #tpu.memory_space<vmem>>
      tpu.vector_store_idx %scatter3A_964[%shift_right_logical3A_902, %and3A_905, %add3A_952], %gather3A_958 : memref<4x8x128xf32, #tpu.memory_space<vmem>>[vector<16xi32>, vector<16xi32>, vector<16xi32>], vector<16xf32>,
      %add3A_965 = arith.constant 64 : i32
      %add3A_966 = vector.broadcast %add3A_965 : i32 to vector<16xi32>
      %add3A_967 = arith.addi %add3A_966, %iota3A : vector<16xi32>
      %gather3A_968 = arith.constant 1 : i32
      %gather3A_969 = arith.constant 0 : i32
      %gather3A_970 = arith.constant 0 : i32
      %gather3A_971 = tpu.memref_slice %arg6[%gather3A_968, %gather3A_969, %gather3A_970] : memref<4x128x32xf32, #tpu.memory_space<vmem>> -> memref<1x128x32xf32, #tpu.memory_space<vmem>>
      %gather3A_972 = tpu.memref_squeeze %gather3A_971 : memref<1x128x32xf32, #tpu.memory_space<vmem>> -> memref<128x32xf32, #tpu.memory_space<vmem>>
      %gather3A_973 = tpu.vector_load_idx %gather3A_972[%add3A_967, %and3A_900] : memref<128x32xf32, #tpu.memory_space<vmem>>[vector<16xi32>, vector<16xi32>], vector<16xf32>,
      %scatter3A_974 = arith.constant 1 : i32
      %scatter3A_975 = arith.constant 0 : i32
      %scatter3A_976 = arith.constant 0 : i32
      %scatter3A_977 = arith.constant 0 : i32
      %scatter3A_978 = tpu.memref_slice %arg7[%scatter3A_974, %scatter3A_975, %scatter3A_976, %scatter3A_977] : memref<4x4x8x128xf32, #tpu.memory_space<vmem>> -> memref<1x4x8x128xf32, #tpu.memory_space<vmem>>
      %scatter3A_979 = tpu.memref_squeeze %scatter3A_978 : memref<1x4x8x128xf32, #tpu.memory_space<vmem>> -> memref<4x8x128xf32, #tpu.memory_space<vmem>>
      tpu.vector_store_idx %scatter3A_979[%shift_right_logical3A_902, %and3A_905, %add3A_967], %gather3A_973 : memref<4x8x128xf32, #tpu.memory_space<vmem>>[vector<16xi32>, vector<16xi32>, vector<16xi32>], vector<16xf32>,
      %add3A_980 = arith.constant 80 : i32
      %add3A_981 = vector.broadcast %add3A_980 : i32 to vector<16xi32>
      %add3A_982 = arith.addi %add3A_981, %iota3A : vector<16xi32>
      %gather3A_983 = arith.constant 1 : i32
      %gather3A_984 = arith.constant 0 : i32
      %gather3A_985 = arith.constant 0 : i32
      %gather3A_986 = tpu.memref_slice %arg6[%gather3A_983, %gather3A_984, %gather3A_985] : memref<4x128x32xf32, #tpu.memory_space<vmem>> -> memref<1x128x32xf32, #tpu.memory_space<vmem>>
      %gather3A_987 = tpu.memref_squeeze %gather3A_986 : memref<1x128x32xf32, #tpu.memory_space<vmem>> -> memref<128x32xf32, #tpu.memory_space<vmem>>
      %gather3A_988 = tpu.vector_load_idx %gather3A_987[%add3A_982, %and3A_900] : memref<128x32xf32, #tpu.memory_space<vmem>>[vector<16xi32>, vector<16xi32>], vector<16xf32>,
      %scatter3A_989 = arith.constant 1 : i32
      %scatter3A_990 = arith.constant 0 : i32
      %scatter3A_991 = arith.constant 0 : i32
      %scatter3A_992 = arith.constant 0 : i32
      %scatter3A_993 = tpu.memref_slice %arg7[%scatter3A_989, %scatter3A_990, %scatter3A_991, %scatter3A_992] : memref<4x4x8x128xf32, #tpu.memory_space<vmem>> -> memref<1x4x8x128xf32, #tpu.memory_space<vmem>>
      %scatter3A_994 = tpu.memref_squeeze %scatter3A_993 : memref<1x4x8x128xf32, #tpu.memory_space<vmem>> -> memref<4x8x128xf32, #tpu.memory_space<vmem>>
      tpu.vector_store_idx %scatter3A_994[%shift_right_logical3A_902, %and3A_905, %add3A_982], %gather3A_988 : memref<4x8x128xf32, #tpu.memory_space<vmem>>[vector<16xi32>, vector<16xi32>, vector<16xi32>], vector<16xf32>,
      %add3A_995 = arith.constant 96 : i32
      %add3A_996 = vector.broadcast %add3A_995 : i32 to vector<16xi32>
      %add3A_997 = arith.addi %add3A_996, %iota3A : vector<16xi32>
      %gather3A_998 = arith.constant 1 : i32
      %gather3A_999 = arith.constant 0 : i32
      %gather3A_1000 = arith.constant 0 : i32
      %gather3A_1001 = tpu.memref_slice %arg6[%gather3A_998, %gather3A_999, %gather3A_1000] : memref<4x128x32xf32, #tpu.memory_space<vmem>> -> memref<1x128x32xf32, #tpu.memory_space<vmem>>
      %gather3A_1002 = tpu.memref_squeeze %gather3A_1001 : memref<1x128x32xf32, #tpu.memory_space<vmem>> -> memref<128x32xf32, #tpu.memory_space<vmem>>
      %gather3A_1003 = tpu.vector_load_idx %gather3A_1002[%add3A_997, %and3A_900] : memref<128x32xf32, #tpu.memory_space<vmem>>[vector<16xi32>, vector<16xi32>], vector<16xf32>,
      %scatter3A_1004 = arith.constant 1 : i32
      %scatter3A_1005 = arith.constant 0 : i32
      %scatter3A_1006 = arith.constant 0 : i32
      %scatter3A_1007 = arith.constant 0 : i32
      %scatter3A_1008 = tpu.memref_slice %arg7[%scatter3A_1004, %scatter3A_1005, %scatter3A_1006, %scatter3A_1007] : memref<4x4x8x128xf32, #tpu.memory_space<vmem>> -> memref<1x4x8x128xf32, #tpu.memory_space<vmem>>
      %scatter3A_1009 = tpu.memref_squeeze %scatter3A_1008 : memref<1x4x8x128xf32, #tpu.memory_space<vmem>> -> memref<4x8x128xf32, #tpu.memory_space<vmem>>
      tpu.vector_store_idx %scatter3A_1009[%shift_right_logical3A_902, %and3A_905, %add3A_997], %gather3A_1003 : memref<4x8x128xf32, #tpu.memory_space<vmem>>[vector<16xi32>, vector<16xi32>, vector<16xi32>], vector<16xf32>,
      %add3A_1010 = arith.constant 112 : i32
      %add3A_1011 = vector.broadcast %add3A_1010 : i32 to vector<16xi32>
      %add3A_1012 = arith.addi %add3A_1011, %iota3A : vector<16xi32>
      %gather3A_1013 = arith.constant 1 : i32
      %gather3A_1014 = arith.constant 0 : i32
      %gather3A_1015 = arith.constant 0 : i32
      %gather3A_1016 = tpu.memref_slice %arg6[%gather3A_1013, %gather3A_1014, %gather3A_1015] : memref<4x128x32xf32, #tpu.memory_space<vmem>> -> memref<1x128x32xf32, #tpu.memory_space<vmem>>
      %gather3A_1017 = tpu.memref_squeeze %gather3A_1016 : memref<1x128x32xf32, #tpu.memory_space<vmem>> -> memref<128x32xf32, #tpu.memory_space<vmem>>
      %gather3A_1018 = tpu.vector_load_idx %gather3A_1017[%add3A_1012, %and3A_900] : memref<128x32xf32, #tpu.memory_space<vmem>>[vector<16xi32>, vector<16xi32>], vector<16xf32>,
      %scatter3A_1019 = arith.constant 1 : i32
      %scatter3A_1020 = arith.constant 0 : i32
      %scatter3A_1021 = arith.constant 0 : i32
      %scatter3A_1022 = arith.constant 0 : i32
      %scatter3A_1023 = tpu.memref_slice %arg7[%scatter3A_1019, %scatter3A_1020, %scatter3A_1021, %scatter3A_1022] : memref<4x4x8x128xf32, #tpu.memory_space<vmem>> -> memref<1x4x8x128xf32, #tpu.memory_space<vmem>>
      %scatter3A_1024 = tpu.memref_squeeze %scatter3A_1023 : memref<1x4x8x128xf32, #tpu.memory_space<vmem>> -> memref<4x8x128xf32, #tpu.memory_space<vmem>>
      tpu.vector_store_idx %scatter3A_1024[%shift_right_logical3A_902, %and3A_905, %add3A_1012], %gather3A_1018 : memref<4x8x128xf32, #tpu.memory_space<vmem>>[vector<16xi32>, vector<16xi32>, vector<16xi32>], vector<16xf32>,
    }
    %scan3A_628 = arith.constant 32 : i32
    %dma_start3A_629 = arith.constant 1 : i32
    %dma_start3A_630 = arith.constant 197 : i32
    %dma_start3A_631 = arith.constant 1 : i32
    %dma_start3A_632 = arith.constant 0 : i32
    %dma_start3A_633 = arith.constant 0 : i32
    %dma_start3A_634 = arith.constant 0 : i32
    %dma_start3A_635 = tpu.memref_slice %arg7[%dma_start3A_629, %dma_start3A_632, %dma_start3A_633, %dma_start3A_634] : memref<4x4x8x128xf32, #tpu.memory_space<vmem>> -> memref<1x4x8x128xf32, #tpu.memory_space<vmem>>
    %dma_start3A_636 = tpu.memref_squeeze %dma_start3A_635 : memref<1x4x8x128xf32, #tpu.memory_space<vmem>> -> memref<4x8x128xf32, #tpu.memory_space<vmem>>
    %dma_start3A_637 = arith.constant 0 : i32
    %dma_start3A_638 = arith.constant 0 : i32
    %dma_start3A_639 = arith.constant 0 : i32
    %dma_start3A_640 = tpu.memref_slice %arg4[%dma_start3A_630, %dma_start3A_637, %add3A, %dma_start3A_638, %dma_start3A_639] : memref<200x4x32x8x128xf32, #tpu.memory_space<hbm>> -> memref<1x4x1x8x128xf32, #tpu.memory_space<hbm>>
    %dma_start3A_641 = tpu.memref_squeeze %dma_start3A_640 : memref<1x4x1x8x128xf32, #tpu.memory_space<hbm>> -> memref<4x8x128xf32, #tpu.memory_space<hbm>>
    %dma_start3A_642 = tpu.memref_slice %arg10[%dma_start3A_631] : memref<4x!tpu.dma_semaphore, #tpu.memory_space<semaphore_mem>> -> memref<1x!tpu.dma_semaphore, #tpu.memory_space<semaphore_mem>>
    %dma_start3A_643 = tpu.memref_squeeze %dma_start3A_642 : memref<1x!tpu.dma_semaphore, #tpu.memory_space<semaphore_mem>> -> memref<!tpu.dma_semaphore, #tpu.memory_space<semaphore_mem>>
    %dma_start3A_644 = arith.constant 0 : i32
    %dma_start3A_645 = arith.constant 0 : i32
    %dma_start3A_646 = arith.constant 0 : i32
    %dma_start3A_647 = tpu.memref_slice %arg4[%dma_start3A_630, %dma_start3A_644, %add3A, %dma_start3A_645, %dma_start3A_646] : memref<200x4x32x8x128xf32, #tpu.memory_space<hbm>> -> memref<1x4x1x8x128xf32, #tpu.memory_space<hbm>>
    %dma_start3A_648 = tpu.memref_squeeze %dma_start3A_647 : memref<1x4x1x8x128xf32, #tpu.memory_space<hbm>> -> memref<4x8x128xf32, #tpu.memory_space<hbm>>
    %dma_start3A_649 = arith.constant 0 : i32
    %dma_start3A_650 = arith.constant 0 : i32
    %dma_start3A_651 = arith.constant 0 : i32
    %dma_start3A_652 = tpu.memref_slice %arg7[%dma_start3A_629, %dma_start3A_649, %dma_start3A_650, %dma_start3A_651] : memref<4x4x8x128xf32, #tpu.memory_space<vmem>> -> memref<1x4x8x128xf32, #tpu.memory_space<vmem>>
    %dma_start3A_653 = tpu.memref_squeeze %dma_start3A_652 : memref<1x4x8x128xf32, #tpu.memory_space<vmem>> -> memref<4x8x128xf32, #tpu.memory_space<vmem>>
    tpu.enqueue_dma source(%dma_start3A_653 : memref<4x8x128xf32, #tpu.memory_space<vmem>>) target(%dma_start3A_648 : memref<4x8x128xf32, #tpu.memory_space<hbm>>) target_semaphore(%dma_start3A_643 : memref<!tpu.dma_semaphore, #tpu.memory_space<semaphore_mem>>)
    %dma_wait3A_654 = arith.constant 2 : i32
    %dma_wait3A_655 = arith.constant 2 : i32
    %dma_wait3A_656 = arith.constant 2 : i32
    %dma_wait3A_657 = arith.constant 0 : i32
    %dma_wait3A_658 = arith.constant 0 : i32
    %dma_wait3A_659 = tpu.memref_slice %arg6[%dma_wait3A_655, %dma_wait3A_657, %dma_wait3A_658] : memref<4x128x32xf32, #tpu.memory_space<vmem>> -> memref<1x128x32xf32, #tpu.memory_space<vmem>>
    %dma_wait3A_660 = tpu.memref_squeeze %dma_wait3A_659 : memref<1x128x32xf32, #tpu.memory_space<vmem>> -> memref<128x32xf32, #tpu.memory_space<vmem>>
    %dma_wait3A_661 = arith.constant 0 : i32
    %dma_wait3A_662 = tpu.memref_slice %arg8[%dma_wait3A_654, %dma_wait3A_661] : memref<4x128xi32, #tpu.memory_space<vmem>> -> memref<1x128xi32, #tpu.memory_space<vmem>>
    %dma_wait3A_663 = tpu.memref_squeeze %dma_wait3A_662 : memref<1x128xi32, #tpu.memory_space<vmem>> -> memref<128xi32, #tpu.memory_space<vmem>>
    %dma_wait3A_664 = arith.constant 0 : i32
    %dma_wait3A_665 = arith.constant 0 : i32
    %dma_wait3A_666 = tpu.memref_slice %arg3[%dma_wait3A_664, %dma_wait3A_665] : memref<1000000x32xf32, #tpu.memory_space<hbm>> -> memref<1000000x32xf32, #tpu.memory_space<hbm>>
    %dma_wait3A_667 = tpu.memref_slice %arg9[%dma_wait3A_656] : memref<4x!tpu.dma_semaphore, #tpu.memory_space<semaphore_mem>> -> memref<1x!tpu.dma_semaphore, #tpu.memory_space<semaphore_mem>>
    %dma_wait3A_668 = tpu.memref_squeeze %dma_wait3A_667 : memref<1x!tpu.dma_semaphore, #tpu.memory_space<semaphore_mem>> -> memref<!tpu.dma_semaphore, #tpu.memory_space<semaphore_mem>>
    tpu.wait_indirect_dma semaphore(%dma_wait3A_668 : memref<!tpu.dma_semaphore, #tpu.memory_space<semaphore_mem>>) src(%dma_wait3A_666 : memref<1000000x32xf32, #tpu.memory_space<hbm>>) dst(%dma_wait3A_660 : memref<128x32xf32, #tpu.memory_space<vmem>>)
    %dma_wait3A_669 = arith.constant 2 : i32
    %dma_wait3A_670 = arith.constant 198 : i32
    %dma_wait3A_671 = arith.constant 2 : i32
    %dma_wait3A_672 = arith.constant 0 : i32
    %dma_wait3A_673 = arith.constant 0 : i32
    %dma_wait3A_674 = arith.constant 0 : i32
    %dma_wait3A_675 = tpu.memref_slice %arg7[%dma_wait3A_669, %dma_wait3A_672, %dma_wait3A_673, %dma_wait3A_674] : memref<4x4x8x128xf32, #tpu.memory_space<vmem>> -> memref<1x4x8x128xf32, #tpu.memory_space<vmem>>
    %dma_wait3A_676 = tpu.memref_squeeze %dma_wait3A_675 : memref<1x4x8x128xf32, #tpu.memory_space<vmem>> -> memref<4x8x128xf32, #tpu.memory_space<vmem>>
    %dma_wait3A_677 = arith.constant 0 : i32
    %dma_wait3A_678 = arith.constant 0 : i32
    %dma_wait3A_679 = arith.constant 0 : i32
    %dma_wait3A_680 = tpu.memref_slice %arg4[%dma_wait3A_670, %dma_wait3A_677, %add3A, %dma_wait3A_678, %dma_wait3A_679] : memref<200x4x32x8x128xf32, #tpu.memory_space<hbm>> -> memref<1x4x1x8x128xf32, #tpu.memory_space<hbm>>
    %dma_wait3A_681 = tpu.memref_squeeze %dma_wait3A_680 : memref<1x4x1x8x128xf32, #tpu.memory_space<hbm>> -> memref<4x8x128xf32, #tpu.memory_space<hbm>>
    %dma_wait3A_682 = tpu.memref_slice %arg10[%dma_wait3A_671] : memref<4x!tpu.dma_semaphore, #tpu.memory_space<semaphore_mem>> -> memref<1x!tpu.dma_semaphore, #tpu.memory_space<semaphore_mem>>
    %dma_wait3A_683 = tpu.memref_squeeze %dma_wait3A_682 : memref<1x!tpu.dma_semaphore, #tpu.memory_space<semaphore_mem>> -> memref<!tpu.dma_semaphore, #tpu.memory_space<semaphore_mem>>
    %dma_wait3A_684 = arith.constant 0 : i32
    %dma_wait3A_685 = arith.constant 0 : i32
    %dma_wait3A_686 = arith.constant 0 : i32
    %dma_wait3A_687 = tpu.memref_slice %arg4[%dma_wait3A_670, %dma_wait3A_684, %add3A, %dma_wait3A_685, %dma_wait3A_686] : memref<200x4x32x8x128xf32, #tpu.memory_space<hbm>> -> memref<1x4x1x8x128xf32, #tpu.memory_space<hbm>>
    %dma_wait3A_688 = tpu.memref_squeeze %dma_wait3A_687 : memref<1x4x1x8x128xf32, #tpu.memory_space<hbm>> -> memref<4x8x128xf32, #tpu.memory_space<hbm>>
    %dma_wait3A_689 = arith.constant 0 : i32
    %dma_wait3A_690 = arith.constant 0 : i32
    %dma_wait3A_691 = arith.constant 0 : i32
    %dma_wait3A_692 = tpu.memref_slice %arg7[%dma_wait3A_669, %dma_wait3A_689, %dma_wait3A_690, %dma_wait3A_691] : memref<4x4x8x128xf32, #tpu.memory_space<vmem>> -> memref<1x4x8x128xf32, #tpu.memory_space<vmem>>
    %dma_wait3A_693 = tpu.memref_squeeze %dma_wait3A_692 : memref<1x4x8x128xf32, #tpu.memory_space<vmem>> -> memref<4x8x128xf32, #tpu.memory_space<vmem>>
    tpu.wait_dma2 semaphore(%dma_wait3A_683 : memref<!tpu.dma_semaphore, #tpu.memory_space<semaphore_mem>>) src(%dma_wait3A_693 : memref<4x8x128xf32, #tpu.memory_space<vmem>>) dst(%dma_wait3A_688 : memref<4x8x128xf32, #tpu.memory_space<hbm>>)
    %scan3A_694 = arith.constant 0 : i32
    %scan3A_695 = arith.constant 0 : i32
    %scan3A_696 = arith.constant 32 : i32
    %scan3A_697 = arith.addi %scan3A_695, %scan3A_696 : i32
    %scan3A_698 = arith.constant 1 : i32
    scf.for %scan3A_896 = %scan3A_695 to %scan3A_697 step %scan3A_698  : i32 {
      %add3A_897 = vector.broadcast %scan3A_896 : i32 to vector<16xi32>
      %add3A_898 = arith.addi %add3A_897, %iota3A : vector<16xi32>
      %and3A = arith.constant 31 : i32
      %and3A_899 = vector.broadcast %and3A : i32 to vector<16xi32>
      %and3A_900 = arith.andi %add3A_898, %and3A_899 : vector<16xi32>
      %shift_right_logical3A = arith.constant 3 : i32
      %shift_right_logical3A_901 = vector.broadcast %shift_right_logical3A : i32 to vector<16xi32>
      %shift_right_logical3A_902 = arith.shrui %and3A_900, %shift_right_logical3A_901 : vector<16xi32>
      %and3A_903 = arith.constant 7 : i32
      %and3A_904 = vector.broadcast %and3A_903 : i32 to vector<16xi32>
      %and3A_905 = arith.andi %and3A_900, %and3A_904 : vector<16xi32>
      %add3A_906 = arith.constant 0 : i32
      %add3A_907 = vector.broadcast %add3A_906 : i32 to vector<16xi32>
      %add3A_908 = arith.addi %add3A_907, %iota3A : vector<16xi32>
      %gather3A_909 = arith.constant 2 : i32
      %gather3A_910 = arith.constant 0 : i32
      %gather3A_911 = arith.constant 0 : i32
      %gather3A_912 = tpu.memref_slice %arg6[%gather3A_909, %gather3A_910, %gather3A_911] : memref<4x128x32xf32, #tpu.memory_space<vmem>> -> memref<1x128x32xf32, #tpu.memory_space<vmem>>
      %gather3A_913 = tpu.memref_squeeze %gather3A_912 : memref<1x128x32xf32, #tpu.memory_space<vmem>> -> memref<128x32xf32, #tpu.memory_space<vmem>>
      %gather3A_914 = tpu.vector_load_idx %gather3A_913[%add3A_908, %and3A_900] : memref<128x32xf32, #tpu.memory_space<vmem>>[vector<16xi32>, vector<16xi32>], vector<16xf32>,
      %scatter3A = arith.constant 2 : i32
      %scatter3A_915 = arith.constant 0 : i32
      %scatter3A_916 = arith.constant 0 : i32
      %scatter3A_917 = arith.constant 0 : i32
      %scatter3A_918 = tpu.memref_slice %arg7[%scatter3A, %scatter3A_915, %scatter3A_916, %scatter3A_917] : memref<4x4x8x128xf32, #tpu.memory_space<vmem>> -> memref<1x4x8x128xf32, #tpu.memory_space<vmem>>
      %scatter3A_919 = tpu.memref_squeeze %scatter3A_918 : memref<1x4x8x128xf32, #tpu.memory_space<vmem>> -> memref<4x8x128xf32, #tpu.memory_space<vmem>>
      tpu.vector_store_idx %scatter3A_919[%shift_right_logical3A_902, %and3A_905, %add3A_908], %gather3A_914 : memref<4x8x128xf32, #tpu.memory_space<vmem>>[vector<16xi32>, vector<16xi32>, vector<16xi32>], vector<16xf32>,
      %add3A_920 = arith.constant 16 : i32
      %add3A_921 = vector.broadcast %add3A_920 : i32 to vector<16xi32>
      %add3A_922 = arith.addi %add3A_921, %iota3A : vector<16xi32>
      %gather3A_923 = arith.constant 2 : i32
      %gather3A_924 = arith.constant 0 : i32
      %gather3A_925 = arith.constant 0 : i32
      %gather3A_926 = tpu.memref_slice %arg6[%gather3A_923, %gather3A_924, %gather3A_925] : memref<4x128x32xf32, #tpu.memory_space<vmem>> -> memref<1x128x32xf32, #tpu.memory_space<vmem>>
      %gather3A_927 = tpu.memref_squeeze %gather3A_926 : memref<1x128x32xf32, #tpu.memory_space<vmem>> -> memref<128x32xf32, #tpu.memory_space<vmem>>
      %gather3A_928 = tpu.vector_load_idx %gather3A_927[%add3A_922, %and3A_900] : memref<128x32xf32, #tpu.memory_space<vmem>>[vector<16xi32>, vector<16xi32>], vector<16xf32>,
      %scatter3A_929 = arith.constant 2 : i32
      %scatter3A_930 = arith.constant 0 : i32
      %scatter3A_931 = arith.constant 0 : i32
      %scatter3A_932 = arith.constant 0 : i32
      %scatter3A_933 = tpu.memref_slice %arg7[%scatter3A_929, %scatter3A_930, %scatter3A_931, %scatter3A_932] : memref<4x4x8x128xf32, #tpu.memory_space<vmem>> -> memref<1x4x8x128xf32, #tpu.memory_space<vmem>>
      %scatter3A_934 = tpu.memref_squeeze %scatter3A_933 : memref<1x4x8x128xf32, #tpu.memory_space<vmem>> -> memref<4x8x128xf32, #tpu.memory_space<vmem>>
      tpu.vector_store_idx %scatter3A_934[%shift_right_logical3A_902, %and3A_905, %add3A_922], %gather3A_928 : memref<4x8x128xf32, #tpu.memory_space<vmem>>[vector<16xi32>, vector<16xi32>, vector<16xi32>], vector<16xf32>,
      %add3A_935 = arith.constant 32 : i32
      %add3A_936 = vector.broadcast %add3A_935 : i32 to vector<16xi32>
      %add3A_937 = arith.addi %add3A_936, %iota3A : vector<16xi32>
      %gather3A_938 = arith.constant 2 : i32
      %gather3A_939 = arith.constant 0 : i32
      %gather3A_940 = arith.constant 0 : i32
      %gather3A_941 = tpu.memref_slice %arg6[%gather3A_938, %gather3A_939, %gather3A_940] : memref<4x128x32xf32, #tpu.memory_space<vmem>> -> memref<1x128x32xf32, #tpu.memory_space<vmem>>
      %gather3A_942 = tpu.memref_squeeze %gather3A_941 : memref<1x128x32xf32, #tpu.memory_space<vmem>> -> memref<128x32xf32, #tpu.memory_space<vmem>>
      %gather3A_943 = tpu.vector_load_idx %gather3A_942[%add3A_937, %and3A_900] : memref<128x32xf32, #tpu.memory_space<vmem>>[vector<16xi32>, vector<16xi32>], vector<16xf32>,
      %scatter3A_944 = arith.constant 2 : i32
      %scatter3A_945 = arith.constant 0 : i32
      %scatter3A_946 = arith.constant 0 : i32
      %scatter3A_947 = arith.constant 0 : i32
      %scatter3A_948 = tpu.memref_slice %arg7[%scatter3A_944, %scatter3A_945, %scatter3A_946, %scatter3A_947] : memref<4x4x8x128xf32, #tpu.memory_space<vmem>> -> memref<1x4x8x128xf32, #tpu.memory_space<vmem>>
      %scatter3A_949 = tpu.memref_squeeze %scatter3A_948 : memref<1x4x8x128xf32, #tpu.memory_space<vmem>> -> memref<4x8x128xf32, #tpu.memory_space<vmem>>
      tpu.vector_store_idx %scatter3A_949[%shift_right_logical3A_902, %and3A_905, %add3A_937], %gather3A_943 : memref<4x8x128xf32, #tpu.memory_space<vmem>>[vector<16xi32>, vector<16xi32>, vector<16xi32>], vector<16xf32>,
      %add3A_950 = arith.constant 48 : i32
      %add3A_951 = vector.broadcast %add3A_950 : i32 to vector<16xi32>
      %add3A_952 = arith.addi %add3A_951, %iota3A : vector<16xi32>
      %gather3A_953 = arith.constant 2 : i32
      %gather3A_954 = arith.constant 0 : i32
      %gather3A_955 = arith.constant 0 : i32
      %gather3A_956 = tpu.memref_slice %arg6[%gather3A_953, %gather3A_954, %gather3A_955] : memref<4x128x32xf32, #tpu.memory_space<vmem>> -> memref<1x128x32xf32, #tpu.memory_space<vmem>>
      %gather3A_957 = tpu.memref_squeeze %gather3A_956 : memref<1x128x32xf32, #tpu.memory_space<vmem>> -> memref<128x32xf32, #tpu.memory_space<vmem>>
      %gather3A_958 = tpu.vector_load_idx %gather3A_957[%add3A_952, %and3A_900] : memref<128x32xf32, #tpu.memory_space<vmem>>[vector<16xi32>, vector<16xi32>], vector<16xf32>,
      %scatter3A_959 = arith.constant 2 : i32
      %scatter3A_960 = arith.constant 0 : i32
      %scatter3A_961 = arith.constant 0 : i32
      %scatter3A_962 = arith.constant 0 : i32
      %scatter3A_963 = tpu.memref_slice %arg7[%scatter3A_959, %scatter3A_960, %scatter3A_961, %scatter3A_962] : memref<4x4x8x128xf32, #tpu.memory_space<vmem>> -> memref<1x4x8x128xf32, #tpu.memory_space<vmem>>
      %scatter3A_964 = tpu.memref_squeeze %scatter3A_963 : memref<1x4x8x128xf32, #tpu.memory_space<vmem>> -> memref<4x8x128xf32, #tpu.memory_space<vmem>>
      tpu.vector_store_idx %scatter3A_964[%shift_right_logical3A_902, %and3A_905, %add3A_952], %gather3A_958 : memref<4x8x128xf32, #tpu.memory_space<vmem>>[vector<16xi32>, vector<16xi32>, vector<16xi32>], vector<16xf32>,
      %add3A_965 = arith.constant 64 : i32
      %add3A_966 = vector.broadcast %add3A_965 : i32 to vector<16xi32>
      %add3A_967 = arith.addi %add3A_966, %iota3A : vector<16xi32>
      %gather3A_968 = arith.constant 2 : i32
      %gather3A_969 = arith.constant 0 : i32
      %gather3A_970 = arith.constant 0 : i32
      %gather3A_971 = tpu.memref_slice %arg6[%gather3A_968, %gather3A_969, %gather3A_970] : memref<4x128x32xf32, #tpu.memory_space<vmem>> -> memref<1x128x32xf32, #tpu.memory_space<vmem>>
      %gather3A_972 = tpu.memref_squeeze %gather3A_971 : memref<1x128x32xf32, #tpu.memory_space<vmem>> -> memref<128x32xf32, #tpu.memory_space<vmem>>
      %gather3A_973 = tpu.vector_load_idx %gather3A_972[%add3A_967, %and3A_900] : memref<128x32xf32, #tpu.memory_space<vmem>>[vector<16xi32>, vector<16xi32>], vector<16xf32>,
      %scatter3A_974 = arith.constant 2 : i32
      %scatter3A_975 = arith.constant 0 : i32
      %scatter3A_976 = arith.constant 0 : i32
      %scatter3A_977 = arith.constant 0 : i32
      %scatter3A_978 = tpu.memref_slice %arg7[%scatter3A_974, %scatter3A_975, %scatter3A_976, %scatter3A_977] : memref<4x4x8x128xf32, #tpu.memory_space<vmem>> -> memref<1x4x8x128xf32, #tpu.memory_space<vmem>>
      %scatter3A_979 = tpu.memref_squeeze %scatter3A_978 : memref<1x4x8x128xf32, #tpu.memory_space<vmem>> -> memref<4x8x128xf32, #tpu.memory_space<vmem>>
      tpu.vector_store_idx %scatter3A_979[%shift_right_logical3A_902, %and3A_905, %add3A_967], %gather3A_973 : memref<4x8x128xf32, #tpu.memory_space<vmem>>[vector<16xi32>, vector<16xi32>, vector<16xi32>], vector<16xf32>,
      %add3A_980 = arith.constant 80 : i32
      %add3A_981 = vector.broadcast %add3A_980 : i32 to vector<16xi32>
      %add3A_982 = arith.addi %add3A_981, %iota3A : vector<16xi32>
      %gather3A_983 = arith.constant 2 : i32
      %gather3A_984 = arith.constant 0 : i32
      %gather3A_985 = arith.constant 0 : i32
      %gather3A_986 = tpu.memref_slice %arg6[%gather3A_983, %gather3A_984, %gather3A_985] : memref<4x128x32xf32, #tpu.memory_space<vmem>> -> memref<1x128x32xf32, #tpu.memory_space<vmem>>
      %gather3A_987 = tpu.memref_squeeze %gather3A_986 : memref<1x128x32xf32, #tpu.memory_space<vmem>> -> memref<128x32xf32, #tpu.memory_space<vmem>>
      %gather3A_988 = tpu.vector_load_idx %gather3A_987[%add3A_982, %and3A_900] : memref<128x32xf32, #tpu.memory_space<vmem>>[vector<16xi32>, vector<16xi32>], vector<16xf32>,
      %scatter3A_989 = arith.constant 2 : i32
      %scatter3A_990 = arith.constant 0 : i32
      %scatter3A_991 = arith.constant 0 : i32
      %scatter3A_992 = arith.constant 0 : i32
      %scatter3A_993 = tpu.memref_slice %arg7[%scatter3A_989, %scatter3A_990, %scatter3A_991, %scatter3A_992] : memref<4x4x8x128xf32, #tpu.memory_space<vmem>> -> memref<1x4x8x128xf32, #tpu.memory_space<vmem>>
      %scatter3A_994 = tpu.memref_squeeze %scatter3A_993 : memref<1x4x8x128xf32, #tpu.memory_space<vmem>> -> memref<4x8x128xf32, #tpu.memory_space<vmem>>
      tpu.vector_store_idx %scatter3A_994[%shift_right_logical3A_902, %and3A_905, %add3A_982], %gather3A_988 : memref<4x8x128xf32, #tpu.memory_space<vmem>>[vector<16xi32>, vector<16xi32>, vector<16xi32>], vector<16xf32>,
      %add3A_995 = arith.constant 96 : i32
      %add3A_996 = vector.broadcast %add3A_995 : i32 to vector<16xi32>
      %add3A_997 = arith.addi %add3A_996, %iota3A : vector<16xi32>
      %gather3A_998 = arith.constant 2 : i32
      %gather3A_999 = arith.constant 0 : i32
      %gather3A_1000 = arith.constant 0 : i32
      %gather3A_1001 = tpu.memref_slice %arg6[%gather3A_998, %gather3A_999, %gather3A_1000] : memref<4x128x32xf32, #tpu.memory_space<vmem>> -> memref<1x128x32xf32, #tpu.memory_space<vmem>>
      %gather3A_1002 = tpu.memref_squeeze %gather3A_1001 : memref<1x128x32xf32, #tpu.memory_space<vmem>> -> memref<128x32xf32, #tpu.memory_space<vmem>>
      %gather3A_1003 = tpu.vector_load_idx %gather3A_1002[%add3A_997, %and3A_900] : memref<128x32xf32, #tpu.memory_space<vmem>>[vector<16xi32>, vector<16xi32>], vector<16xf32>,
      %scatter3A_1004 = arith.constant 2 : i32
      %scatter3A_1005 = arith.constant 0 : i32
      %scatter3A_1006 = arith.constant 0 : i32
      %scatter3A_1007 = arith.constant 0 : i32
      %scatter3A_1008 = tpu.memref_slice %arg7[%scatter3A_1004, %scatter3A_1005, %scatter3A_1006, %scatter3A_1007] : memref<4x4x8x128xf32, #tpu.memory_space<vmem>> -> memref<1x4x8x128xf32, #tpu.memory_space<vmem>>
      %scatter3A_1009 = tpu.memref_squeeze %scatter3A_1008 : memref<1x4x8x128xf32, #tpu.memory_space<vmem>> -> memref<4x8x128xf32, #tpu.memory_space<vmem>>
      tpu.vector_store_idx %scatter3A_1009[%shift_right_logical3A_902, %and3A_905, %add3A_997], %gather3A_1003 : memref<4x8x128xf32, #tpu.memory_space<vmem>>[vector<16xi32>, vector<16xi32>, vector<16xi32>], vector<16xf32>,
      %add3A_1010 = arith.constant 112 : i32
      %add3A_1011 = vector.broadcast %add3A_1010 : i32 to vector<16xi32>
      %add3A_1012 = arith.addi %add3A_1011, %iota3A : vector<16xi32>
      %gather3A_1013 = arith.constant 2 : i32
      %gather3A_1014 = arith.constant 0 : i32
      %gather3A_1015 = arith.constant 0 : i32
      %gather3A_1016 = tpu.memref_slice %arg6[%gather3A_1013, %gather3A_1014, %gather3A_1015] : memref<4x128x32xf32, #tpu.memory_space<vmem>> -> memref<1x128x32xf32, #tpu.memory_space<vmem>>
      %gather3A_1017 = tpu.memref_squeeze %gather3A_1016 : memref<1x128x32xf32, #tpu.memory_space<vmem>> -> memref<128x32xf32, #tpu.memory_space<vmem>>
      %gather3A_1018 = tpu.vector_load_idx %gather3A_1017[%add3A_1012, %and3A_900] : memref<128x32xf32, #tpu.memory_space<vmem>>[vector<16xi32>, vector<16xi32>], vector<16xf32>,
      %scatter3A_1019 = arith.constant 2 : i32
      %scatter3A_1020 = arith.constant 0 : i32
      %scatter3A_1021 = arith.constant 0 : i32
      %scatter3A_1022 = arith.constant 0 : i32
      %scatter3A_1023 = tpu.memref_slice %arg7[%scatter3A_1019, %scatter3A_1020, %scatter3A_1021, %scatter3A_1022] : memref<4x4x8x128xf32, #tpu.memory_space<vmem>> -> memref<1x4x8x128xf32, #tpu.memory_space<vmem>>
      %scatter3A_1024 = tpu.memref_squeeze %scatter3A_1023 : memref<1x4x8x128xf32, #tpu.memory_space<vmem>> -> memref<4x8x128xf32, #tpu.memory_space<vmem>>
      tpu.vector_store_idx %scatter3A_1024[%shift_right_logical3A_902, %and3A_905, %add3A_1012], %gather3A_1018 : memref<4x8x128xf32, #tpu.memory_space<vmem>>[vector<16xi32>, vector<16xi32>, vector<16xi32>], vector<16xf32>,
    }
    %scan3A_699 = arith.constant 32 : i32
    %dma_start3A_700 = arith.constant 2 : i32
    %dma_start3A_701 = arith.constant 198 : i32
    %dma_start3A_702 = arith.constant 2 : i32
    %dma_start3A_703 = arith.constant 0 : i32
    %dma_start3A_704 = arith.constant 0 : i32
    %dma_start3A_705 = arith.constant 0 : i32
    %dma_start3A_706 = tpu.memref_slice %arg7[%dma_start3A_700, %dma_start3A_703, %dma_start3A_704, %dma_start3A_705] : memref<4x4x8x128xf32, #tpu.memory_space<vmem>> -> memref<1x4x8x128xf32, #tpu.memory_space<vmem>>
    %dma_start3A_707 = tpu.memref_squeeze %dma_start3A_706 : memref<1x4x8x128xf32, #tpu.memory_space<vmem>> -> memref<4x8x128xf32, #tpu.memory_space<vmem>>
    %dma_start3A_708 = arith.constant 0 : i32
    %dma_start3A_709 = arith.constant 0 : i32
    %dma_start3A_710 = arith.constant 0 : i32
    %dma_start3A_711 = tpu.memref_slice %arg4[%dma_start3A_701, %dma_start3A_708, %add3A, %dma_start3A_709, %dma_start3A_710] : memref<200x4x32x8x128xf32, #tpu.memory_space<hbm>> -> memref<1x4x1x8x128xf32, #tpu.memory_space<hbm>>
    %dma_start3A_712 = tpu.memref_squeeze %dma_start3A_711 : memref<1x4x1x8x128xf32, #tpu.memory_space<hbm>> -> memref<4x8x128xf32, #tpu.memory_space<hbm>>
    %dma_start3A_713 = tpu.memref_slice %arg10[%dma_start3A_702] : memref<4x!tpu.dma_semaphore, #tpu.memory_space<semaphore_mem>> -> memref<1x!tpu.dma_semaphore, #tpu.memory_space<semaphore_mem>>
    %dma_start3A_714 = tpu.memref_squeeze %dma_start3A_713 : memref<1x!tpu.dma_semaphore, #tpu.memory_space<semaphore_mem>> -> memref<!tpu.dma_semaphore, #tpu.memory_space<semaphore_mem>>
    %dma_start3A_715 = arith.constant 0 : i32
    %dma_start3A_716 = arith.constant 0 : i32
    %dma_start3A_717 = arith.constant 0 : i32
    %dma_start3A_718 = tpu.memref_slice %arg4[%dma_start3A_701, %dma_start3A_715, %add3A, %dma_start3A_716, %dma_start3A_717] : memref<200x4x32x8x128xf32, #tpu.memory_space<hbm>> -> memref<1x4x1x8x128xf32, #tpu.memory_space<hbm>>
    %dma_start3A_719 = tpu.memref_squeeze %dma_start3A_718 : memref<1x4x1x8x128xf32, #tpu.memory_space<hbm>> -> memref<4x8x128xf32, #tpu.memory_space<hbm>>
    %dma_start3A_720 = arith.constant 0 : i32
    %dma_start3A_721 = arith.constant 0 : i32
    %dma_start3A_722 = arith.constant 0 : i32
    %dma_start3A_723 = tpu.memref_slice %arg7[%dma_start3A_700, %dma_start3A_720, %dma_start3A_721, %dma_start3A_722] : memref<4x4x8x128xf32, #tpu.memory_space<vmem>> -> memref<1x4x8x128xf32, #tpu.memory_space<vmem>>
    %dma_start3A_724 = tpu.memref_squeeze %dma_start3A_723 : memref<1x4x8x128xf32, #tpu.memory_space<vmem>> -> memref<4x8x128xf32, #tpu.memory_space<vmem>>
    tpu.enqueue_dma source(%dma_start3A_724 : memref<4x8x128xf32, #tpu.memory_space<vmem>>) target(%dma_start3A_719 : memref<4x8x128xf32, #tpu.memory_space<hbm>>) target_semaphore(%dma_start3A_714 : memref<!tpu.dma_semaphore, #tpu.memory_space<semaphore_mem>>)
    %dma_wait3A_725 = arith.constant 3 : i32
    %dma_wait3A_726 = arith.constant 3 : i32
    %dma_wait3A_727 = arith.constant 3 : i32
    %dma_wait3A_728 = arith.constant 0 : i32
    %dma_wait3A_729 = arith.constant 0 : i32
    %dma_wait3A_730 = tpu.memref_slice %arg6[%dma_wait3A_726, %dma_wait3A_728, %dma_wait3A_729] : memref<4x128x32xf32, #tpu.memory_space<vmem>> -> memref<1x128x32xf32, #tpu.memory_space<vmem>>
    %dma_wait3A_731 = tpu.memref_squeeze %dma_wait3A_730 : memref<1x128x32xf32, #tpu.memory_space<vmem>> -> memref<128x32xf32, #tpu.memory_space<vmem>>
    %dma_wait3A_732 = arith.constant 0 : i32
    %dma_wait3A_733 = tpu.memref_slice %arg8[%dma_wait3A_725, %dma_wait3A_732] : memref<4x128xi32, #tpu.memory_space<vmem>> -> memref<1x128xi32, #tpu.memory_space<vmem>>
    %dma_wait3A_734 = tpu.memref_squeeze %dma_wait3A_733 : memref<1x128xi32, #tpu.memory_space<vmem>> -> memref<128xi32, #tpu.memory_space<vmem>>
    %dma_wait3A_735 = arith.constant 0 : i32
    %dma_wait3A_736 = arith.constant 0 : i32
    %dma_wait3A_737 = tpu.memref_slice %arg3[%dma_wait3A_735, %dma_wait3A_736] : memref<1000000x32xf32, #tpu.memory_space<hbm>> -> memref<1000000x32xf32, #tpu.memory_space<hbm>>
    %dma_wait3A_738 = tpu.memref_slice %arg9[%dma_wait3A_727] : memref<4x!tpu.dma_semaphore, #tpu.memory_space<semaphore_mem>> -> memref<1x!tpu.dma_semaphore, #tpu.memory_space<semaphore_mem>>
    %dma_wait3A_739 = tpu.memref_squeeze %dma_wait3A_738 : memref<1x!tpu.dma_semaphore, #tpu.memory_space<semaphore_mem>> -> memref<!tpu.dma_semaphore, #tpu.memory_space<semaphore_mem>>
    tpu.wait_indirect_dma semaphore(%dma_wait3A_739 : memref<!tpu.dma_semaphore, #tpu.memory_space<semaphore_mem>>) src(%dma_wait3A_737 : memref<1000000x32xf32, #tpu.memory_space<hbm>>) dst(%dma_wait3A_731 : memref<128x32xf32, #tpu.memory_space<vmem>>)
    %dma_wait3A_740 = arith.constant 3 : i32
    %dma_wait3A_741 = arith.constant 199 : i32
    %dma_wait3A_742 = arith.constant 3 : i32
    %dma_wait3A_743 = arith.constant 0 : i32
    %dma_wait3A_744 = arith.constant 0 : i32
    %dma_wait3A_745 = arith.constant 0 : i32
    %dma_wait3A_746 = tpu.memref_slice %arg7[%dma_wait3A_740, %dma_wait3A_743, %dma_wait3A_744, %dma_wait3A_745] : memref<4x4x8x128xf32, #tpu.memory_space<vmem>> -> memref<1x4x8x128xf32, #tpu.memory_space<vmem>>
    %dma_wait3A_747 = tpu.memref_squeeze %dma_wait3A_746 : memref<1x4x8x128xf32, #tpu.memory_space<vmem>> -> memref<4x8x128xf32, #tpu.memory_space<vmem>>
    %dma_wait3A_748 = arith.constant 0 : i32
    %dma_wait3A_749 = arith.constant 0 : i32
    %dma_wait3A_750 = arith.constant 0 : i32
    %dma_wait3A_751 = tpu.memref_slice %arg4[%dma_wait3A_741, %dma_wait3A_748, %add3A, %dma_wait3A_749, %dma_wait3A_750] : memref<200x4x32x8x128xf32, #tpu.memory_space<hbm>> -> memref<1x4x1x8x128xf32, #tpu.memory_space<hbm>>
    %dma_wait3A_752 = tpu.memref_squeeze %dma_wait3A_751 : memref<1x4x1x8x128xf32, #tpu.memory_space<hbm>> -> memref<4x8x128xf32, #tpu.memory_space<hbm>>
    %dma_wait3A_753 = tpu.memref_slice %arg10[%dma_wait3A_742] : memref<4x!tpu.dma_semaphore, #tpu.memory_space<semaphore_mem>> -> memref<1x!tpu.dma_semaphore, #tpu.memory_space<semaphore_mem>>
    %dma_wait3A_754 = tpu.memref_squeeze %dma_wait3A_753 : memref<1x!tpu.dma_semaphore, #tpu.memory_space<semaphore_mem>> -> memref<!tpu.dma_semaphore, #tpu.memory_space<semaphore_mem>>
    %dma_wait3A_755 = arith.constant 0 : i32
    %dma_wait3A_756 = arith.constant 0 : i32
    %dma_wait3A_757 = arith.constant 0 : i32
    %dma_wait3A_758 = tpu.memref_slice %arg4[%dma_wait3A_741, %dma_wait3A_755, %add3A, %dma_wait3A_756, %dma_wait3A_757] : memref<200x4x32x8x128xf32, #tpu.memory_space<hbm>> -> memref<1x4x1x8x128xf32, #tpu.memory_space<hbm>>
    %dma_wait3A_759 = tpu.memref_squeeze %dma_wait3A_758 : memref<1x4x1x8x128xf32, #tpu.memory_space<hbm>> -> memref<4x8x128xf32, #tpu.memory_space<hbm>>
    %dma_wait3A_760 = arith.constant 0 : i32
    %dma_wait3A_761 = arith.constant 0 : i32
    %dma_wait3A_762 = arith.constant 0 : i32
    %dma_wait3A_763 = tpu.memref_slice %arg7[%dma_wait3A_740, %dma_wait3A_760, %dma_wait3A_761, %dma_wait3A_762] : memref<4x4x8x128xf32, #tpu.memory_space<vmem>> -> memref<1x4x8x128xf32, #tpu.memory_space<vmem>>
    %dma_wait3A_764 = tpu.memref_squeeze %dma_wait3A_763 : memref<1x4x8x128xf32, #tpu.memory_space<vmem>> -> memref<4x8x128xf32, #tpu.memory_space<vmem>>
    tpu.wait_dma2 semaphore(%dma_wait3A_754 : memref<!tpu.dma_semaphore, #tpu.memory_space<semaphore_mem>>) src(%dma_wait3A_764 : memref<4x8x128xf32, #tpu.memory_space<vmem>>) dst(%dma_wait3A_759 : memref<4x8x128xf32, #tpu.memory_space<hbm>>)
    %scan3A_765 = arith.constant 0 : i32
    %scan3A_766 = arith.constant 0 : i32
    %scan3A_767 = arith.constant 32 : i32
    %scan3A_768 = arith.addi %scan3A_766, %scan3A_767 : i32
    %scan3A_769 = arith.constant 1 : i32
    scf.for %scan3A_896 = %scan3A_766 to %scan3A_768 step %scan3A_769  : i32 {
      %add3A_897 = vector.broadcast %scan3A_896 : i32 to vector<16xi32>
      %add3A_898 = arith.addi %add3A_897, %iota3A : vector<16xi32>
      %and3A = arith.constant 31 : i32
      %and3A_899 = vector.broadcast %and3A : i32 to vector<16xi32>
      %and3A_900 = arith.andi %add3A_898, %and3A_899 : vector<16xi32>
      %shift_right_logical3A = arith.constant 3 : i32
      %shift_right_logical3A_901 = vector.broadcast %shift_right_logical3A : i32 to vector<16xi32>
      %shift_right_logical3A_902 = arith.shrui %and3A_900, %shift_right_logical3A_901 : vector<16xi32>
      %and3A_903 = arith.constant 7 : i32
      %and3A_904 = vector.broadcast %and3A_903 : i32 to vector<16xi32>
      %and3A_905 = arith.andi %and3A_900, %and3A_904 : vector<16xi32>
      %add3A_906 = arith.constant 0 : i32
      %add3A_907 = vector.broadcast %add3A_906 : i32 to vector<16xi32>
      %add3A_908 = arith.addi %add3A_907, %iota3A : vector<16xi32>
      %gather3A_909 = arith.constant 3 : i32
      %gather3A_910 = arith.constant 0 : i32
      %gather3A_911 = arith.constant 0 : i32
      %gather3A_912 = tpu.memref_slice %arg6[%gather3A_909, %gather3A_910, %gather3A_911] : memref<4x128x32xf32, #tpu.memory_space<vmem>> -> memref<1x128x32xf32, #tpu.memory_space<vmem>>
      %gather3A_913 = tpu.memref_squeeze %gather3A_912 : memref<1x128x32xf32, #tpu.memory_space<vmem>> -> memref<128x32xf32, #tpu.memory_space<vmem>>
      %gather3A_914 = tpu.vector_load_idx %gather3A_913[%add3A_908, %and3A_900] : memref<128x32xf32, #tpu.memory_space<vmem>>[vector<16xi32>, vector<16xi32>], vector<16xf32>,
      %scatter3A = arith.constant 3 : i32
      %scatter3A_915 = arith.constant 0 : i32
      %scatter3A_916 = arith.constant 0 : i32
      %scatter3A_917 = arith.constant 0 : i32
      %scatter3A_918 = tpu.memref_slice %arg7[%scatter3A, %scatter3A_915, %scatter3A_916, %scatter3A_917] : memref<4x4x8x128xf32, #tpu.memory_space<vmem>> -> memref<1x4x8x128xf32, #tpu.memory_space<vmem>>
      %scatter3A_919 = tpu.memref_squeeze %scatter3A_918 : memref<1x4x8x128xf32, #tpu.memory_space<vmem>> -> memref<4x8x128xf32, #tpu.memory_space<vmem>>
      tpu.vector_store_idx %scatter3A_919[%shift_right_logical3A_902, %and3A_905, %add3A_908], %gather3A_914 : memref<4x8x128xf32, #tpu.memory_space<vmem>>[vector<16xi32>, vector<16xi32>, vector<16xi32>], vector<16xf32>,
      %add3A_920 = arith.constant 16 : i32
      %add3A_921 = vector.broadcast %add3A_920 : i32 to vector<16xi32>
      %add3A_922 = arith.addi %add3A_921, %iota3A : vector<16xi32>
      %gather3A_923 = arith.constant 3 : i32
      %gather3A_924 = arith.constant 0 : i32
      %gather3A_925 = arith.constant 0 : i32
      %gather3A_926 = tpu.memref_slice %arg6[%gather3A_923, %gather3A_924, %gather3A_925] : memref<4x128x32xf32, #tpu.memory_space<vmem>> -> memref<1x128x32xf32, #tpu.memory_space<vmem>>
      %gather3A_927 = tpu.memref_squeeze %gather3A_926 : memref<1x128x32xf32, #tpu.memory_space<vmem>> -> memref<128x32xf32, #tpu.memory_space<vmem>>
      %gather3A_928 = tpu.vector_load_idx %gather3A_927[%add3A_922, %and3A_900] : memref<128x32xf32, #tpu.memory_space<vmem>>[vector<16xi32>, vector<16xi32>], vector<16xf32>,
      %scatter3A_929 = arith.constant 3 : i32
      %scatter3A_930 = arith.constant 0 : i32
      %scatter3A_931 = arith.constant 0 : i32
      %scatter3A_932 = arith.constant 0 : i32
      %scatter3A_933 = tpu.memref_slice %arg7[%scatter3A_929, %scatter3A_930, %scatter3A_931, %scatter3A_932] : memref<4x4x8x128xf32, #tpu.memory_space<vmem>> -> memref<1x4x8x128xf32, #tpu.memory_space<vmem>>
      %scatter3A_934 = tpu.memref_squeeze %scatter3A_933 : memref<1x4x8x128xf32, #tpu.memory_space<vmem>> -> memref<4x8x128xf32, #tpu.memory_space<vmem>>
      tpu.vector_store_idx %scatter3A_934[%shift_right_logical3A_902, %and3A_905, %add3A_922], %gather3A_928 : memref<4x8x128xf32, #tpu.memory_space<vmem>>[vector<16xi32>, vector<16xi32>, vector<16xi32>], vector<16xf32>,
      %add3A_935 = arith.constant 32 : i32
      %add3A_936 = vector.broadcast %add3A_935 : i32 to vector<16xi32>
      %add3A_937 = arith.addi %add3A_936, %iota3A : vector<16xi32>
      %gather3A_938 = arith.constant 3 : i32
      %gather3A_939 = arith.constant 0 : i32
      %gather3A_940 = arith.constant 0 : i32
      %gather3A_941 = tpu.memref_slice %arg6[%gather3A_938, %gather3A_939, %gather3A_940] : memref<4x128x32xf32, #tpu.memory_space<vmem>> -> memref<1x128x32xf32, #tpu.memory_space<vmem>>
      %gather3A_942 = tpu.memref_squeeze %gather3A_941 : memref<1x128x32xf32, #tpu.memory_space<vmem>> -> memref<128x32xf32, #tpu.memory_space<vmem>>
      %gather3A_943 = tpu.vector_load_idx %gather3A_942[%add3A_937, %and3A_900] : memref<128x32xf32, #tpu.memory_space<vmem>>[vector<16xi32>, vector<16xi32>], vector<16xf32>,
      %scatter3A_944 = arith.constant 3 : i32
      %scatter3A_945 = arith.constant 0 : i32
      %scatter3A_946 = arith.constant 0 : i32
      %scatter3A_947 = arith.constant 0 : i32
      %scatter3A_948 = tpu.memref_slice %arg7[%scatter3A_944, %scatter3A_945, %scatter3A_946, %scatter3A_947] : memref<4x4x8x128xf32, #tpu.memory_space<vmem>> -> memref<1x4x8x128xf32, #tpu.memory_space<vmem>>
      %scatter3A_949 = tpu.memref_squeeze %scatter3A_948 : memref<1x4x8x128xf32, #tpu.memory_space<vmem>> -> memref<4x8x128xf32, #tpu.memory_space<vmem>>
      tpu.vector_store_idx %scatter3A_949[%shift_right_logical3A_902, %and3A_905, %add3A_937], %gather3A_943 : memref<4x8x128xf32, #tpu.memory_space<vmem>>[vector<16xi32>, vector<16xi32>, vector<16xi32>], vector<16xf32>,
      %add3A_950 = arith.constant 48 : i32
      %add3A_951 = vector.broadcast %add3A_950 : i32 to vector<16xi32>
      %add3A_952 = arith.addi %add3A_951, %iota3A : vector<16xi32>
      %gather3A_953 = arith.constant 3 : i32
      %gather3A_954 = arith.constant 0 : i32
      %gather3A_955 = arith.constant 0 : i32
      %gather3A_956 = tpu.memref_slice %arg6[%gather3A_953, %gather3A_954, %gather3A_955] : memref<4x128x32xf32, #tpu.memory_space<vmem>> -> memref<1x128x32xf32, #tpu.memory_space<vmem>>
      %gather3A_957 = tpu.memref_squeeze %gather3A_956 : memref<1x128x32xf32, #tpu.memory_space<vmem>> -> memref<128x32xf32, #tpu.memory_space<vmem>>
      %gather3A_958 = tpu.vector_load_idx %gather3A_957[%add3A_952, %and3A_900] : memref<128x32xf32, #tpu.memory_space<vmem>>[vector<16xi32>, vector<16xi32>], vector<16xf32>,
      %scatter3A_959 = arith.constant 3 : i32
      %scatter3A_960 = arith.constant 0 : i32
      %scatter3A_961 = arith.constant 0 : i32
      %scatter3A_962 = arith.constant 0 : i32
      %scatter3A_963 = tpu.memref_slice %arg7[%scatter3A_959, %scatter3A_960, %scatter3A_961, %scatter3A_962] : memref<4x4x8x128xf32, #tpu.memory_space<vmem>> -> memref<1x4x8x128xf32, #tpu.memory_space<vmem>>
      %scatter3A_964 = tpu.memref_squeeze %scatter3A_963 : memref<1x4x8x128xf32, #tpu.memory_space<vmem>> -> memref<4x8x128xf32, #tpu.memory_space<vmem>>
      tpu.vector_store_idx %scatter3A_964[%shift_right_logical3A_902, %and3A_905, %add3A_952], %gather3A_958 : memref<4x8x128xf32, #tpu.memory_space<vmem>>[vector<16xi32>, vector<16xi32>, vector<16xi32>], vector<16xf32>,
      %add3A_965 = arith.constant 64 : i32
      %add3A_966 = vector.broadcast %add3A_965 : i32 to vector<16xi32>
      %add3A_967 = arith.addi %add3A_966, %iota3A : vector<16xi32>
      %gather3A_968 = arith.constant 3 : i32
      %gather3A_969 = arith.constant 0 : i32
      %gather3A_970 = arith.constant 0 : i32
      %gather3A_971 = tpu.memref_slice %arg6[%gather3A_968, %gather3A_969, %gather3A_970] : memref<4x128x32xf32, #tpu.memory_space<vmem>> -> memref<1x128x32xf32, #tpu.memory_space<vmem>>
      %gather3A_972 = tpu.memref_squeeze %gather3A_971 : memref<1x128x32xf32, #tpu.memory_space<vmem>> -> memref<128x32xf32, #tpu.memory_space<vmem>>
      %gather3A_973 = tpu.vector_load_idx %gather3A_972[%add3A_967, %and3A_900] : memref<128x32xf32, #tpu.memory_space<vmem>>[vector<16xi32>, vector<16xi32>], vector<16xf32>,
      %scatter3A_974 = arith.constant 3 : i32
      %scatter3A_975 = arith.constant 0 : i32
      %scatter3A_976 = arith.constant 0 : i32
      %scatter3A_977 = arith.constant 0 : i32
      %scatter3A_978 = tpu.memref_slice %arg7[%scatter3A_974, %scatter3A_975, %scatter3A_976, %scatter3A_977] : memref<4x4x8x128xf32, #tpu.memory_space<vmem>> -> memref<1x4x8x128xf32, #tpu.memory_space<vmem>>
      %scatter3A_979 = tpu.memref_squeeze %scatter3A_978 : memref<1x4x8x128xf32, #tpu.memory_space<vmem>> -> memref<4x8x128xf32, #tpu.memory_space<vmem>>
      tpu.vector_store_idx %scatter3A_979[%shift_right_logical3A_902, %and3A_905, %add3A_967], %gather3A_973 : memref<4x8x128xf32, #tpu.memory_space<vmem>>[vector<16xi32>, vector<16xi32>, vector<16xi32>], vector<16xf32>,
      %add3A_980 = arith.constant 80 : i32
      %add3A_981 = vector.broadcast %add3A_980 : i32 to vector<16xi32>
      %add3A_982 = arith.addi %add3A_981, %iota3A : vector<16xi32>
      %gather3A_983 = arith.constant 3 : i32
      %gather3A_984 = arith.constant 0 : i32
      %gather3A_985 = arith.constant 0 : i32
      %gather3A_986 = tpu.memref_slice %arg6[%gather3A_983, %gather3A_984, %gather3A_985] : memref<4x128x32xf32, #tpu.memory_space<vmem>> -> memref<1x128x32xf32, #tpu.memory_space<vmem>>
      %gather3A_987 = tpu.memref_squeeze %gather3A_986 : memref<1x128x32xf32, #tpu.memory_space<vmem>> -> memref<128x32xf32, #tpu.memory_space<vmem>>
      %gather3A_988 = tpu.vector_load_idx %gather3A_987[%add3A_982, %and3A_900] : memref<128x32xf32, #tpu.memory_space<vmem>>[vector<16xi32>, vector<16xi32>], vector<16xf32>,
      %scatter3A_989 = arith.constant 3 : i32
      %scatter3A_990 = arith.constant 0 : i32
      %scatter3A_991 = arith.constant 0 : i32
      %scatter3A_992 = arith.constant 0 : i32
      %scatter3A_993 = tpu.memref_slice %arg7[%scatter3A_989, %scatter3A_990, %scatter3A_991, %scatter3A_992] : memref<4x4x8x128xf32, #tpu.memory_space<vmem>> -> memref<1x4x8x128xf32, #tpu.memory_space<vmem>>
      %scatter3A_994 = tpu.memref_squeeze %scatter3A_993 : memref<1x4x8x128xf32, #tpu.memory_space<vmem>> -> memref<4x8x128xf32, #tpu.memory_space<vmem>>
      tpu.vector_store_idx %scatter3A_994[%shift_right_logical3A_902, %and3A_905, %add3A_982], %gather3A_988 : memref<4x8x128xf32, #tpu.memory_space<vmem>>[vector<16xi32>, vector<16xi32>, vector<16xi32>], vector<16xf32>,
      %add3A_995 = arith.constant 96 : i32
      %add3A_996 = vector.broadcast %add3A_995 : i32 to vector<16xi32>
      %add3A_997 = arith.addi %add3A_996, %iota3A : vector<16xi32>
      %gather3A_998 = arith.constant 3 : i32
      %gather3A_999 = arith.constant 0 : i32
      %gather3A_1000 = arith.constant 0 : i32
      %gather3A_1001 = tpu.memref_slice %arg6[%gather3A_998, %gather3A_999, %gather3A_1000] : memref<4x128x32xf32, #tpu.memory_space<vmem>> -> memref<1x128x32xf32, #tpu.memory_space<vmem>>
      %gather3A_1002 = tpu.memref_squeeze %gather3A_1001 : memref<1x128x32xf32, #tpu.memory_space<vmem>> -> memref<128x32xf32, #tpu.memory_space<vmem>>
      %gather3A_1003 = tpu.vector_load_idx %gather3A_1002[%add3A_997, %and3A_900] : memref<128x32xf32, #tpu.memory_space<vmem>>[vector<16xi32>, vector<16xi32>], vector<16xf32>,
      %scatter3A_1004 = arith.constant 3 : i32
      %scatter3A_1005 = arith.constant 0 : i32
      %scatter3A_1006 = arith.constant 0 : i32
      %scatter3A_1007 = arith.constant 0 : i32
      %scatter3A_1008 = tpu.memref_slice %arg7[%scatter3A_1004, %scatter3A_1005, %scatter3A_1006, %scatter3A_1007] : memref<4x4x8x128xf32, #tpu.memory_space<vmem>> -> memref<1x4x8x128xf32, #tpu.memory_space<vmem>>
      %scatter3A_1009 = tpu.memref_squeeze %scatter3A_1008 : memref<1x4x8x128xf32, #tpu.memory_space<vmem>> -> memref<4x8x128xf32, #tpu.memory_space<vmem>>
      tpu.vector_store_idx %scatter3A_1009[%shift_right_logical3A_902, %and3A_905, %add3A_997], %gather3A_1003 : memref<4x8x128xf32, #tpu.memory_space<vmem>>[vector<16xi32>, vector<16xi32>, vector<16xi32>], vector<16xf32>,
      %add3A_1010 = arith.constant 112 : i32
      %add3A_1011 = vector.broadcast %add3A_1010 : i32 to vector<16xi32>
      %add3A_1012 = arith.addi %add3A_1011, %iota3A : vector<16xi32>
      %gather3A_1013 = arith.constant 3 : i32
      %gather3A_1014 = arith.constant 0 : i32
      %gather3A_1015 = arith.constant 0 : i32
      %gather3A_1016 = tpu.memref_slice %arg6[%gather3A_1013, %gather3A_1014, %gather3A_1015] : memref<4x128x32xf32, #tpu.memory_space<vmem>> -> memref<1x128x32xf32, #tpu.memory_space<vmem>>
      %gather3A_1017 = tpu.memref_squeeze %gather3A_1016 : memref<1x128x32xf32, #tpu.memory_space<vmem>> -> memref<128x32xf32, #tpu.memory_space<vmem>>
      %gather3A_1018 = tpu.vector_load_idx %gather3A_1017[%add3A_1012, %and3A_900] : memref<128x32xf32, #tpu.memory_space<vmem>>[vector<16xi32>, vector<16xi32>], vector<16xf32>,
      %scatter3A_1019 = arith.constant 3 : i32
      %scatter3A_1020 = arith.constant 0 : i32
      %scatter3A_1021 = arith.constant 0 : i32
      %scatter3A_1022 = arith.constant 0 : i32
      %scatter3A_1023 = tpu.memref_slice %arg7[%scatter3A_1019, %scatter3A_1020, %scatter3A_1021, %scatter3A_1022] : memref<4x4x8x128xf32, #tpu.memory_space<vmem>> -> memref<1x4x8x128xf32, #tpu.memory_space<vmem>>
      %scatter3A_1024 = tpu.memref_squeeze %scatter3A_1023 : memref<1x4x8x128xf32, #tpu.memory_space<vmem>> -> memref<4x8x128xf32, #tpu.memory_space<vmem>>
      tpu.vector_store_idx %scatter3A_1024[%shift_right_logical3A_902, %and3A_905, %add3A_1012], %gather3A_1018 : memref<4x8x128xf32, #tpu.memory_space<vmem>>[vector<16xi32>, vector<16xi32>, vector<16xi32>], vector<16xf32>,
    }
    %scan3A_770 = arith.constant 32 : i32
    %dma_start3A_771 = arith.constant 3 : i32
    %dma_start3A_772 = arith.constant 199 : i32
    %dma_start3A_773 = arith.constant 3 : i32
    %dma_start3A_774 = arith.constant 0 : i32
    %dma_start3A_775 = arith.constant 0 : i32
    %dma_start3A_776 = arith.constant 0 : i32
    %dma_start3A_777 = tpu.memref_slice %arg7[%dma_start3A_771, %dma_start3A_774, %dma_start3A_775, %dma_start3A_776] : memref<4x4x8x128xf32, #tpu.memory_space<vmem>> -> memref<1x4x8x128xf32, #tpu.memory_space<vmem>>
    %dma_start3A_778 = tpu.memref_squeeze %dma_start3A_777 : memref<1x4x8x128xf32, #tpu.memory_space<vmem>> -> memref<4x8x128xf32, #tpu.memory_space<vmem>>
    %dma_start3A_779 = arith.constant 0 : i32
    %dma_start3A_780 = arith.constant 0 : i32
    %dma_start3A_781 = arith.constant 0 : i32
    %dma_start3A_782 = tpu.memref_slice %arg4[%dma_start3A_772, %dma_start3A_779, %add3A, %dma_start3A_780, %dma_start3A_781] : memref<200x4x32x8x128xf32, #tpu.memory_space<hbm>> -> memref<1x4x1x8x128xf32, #tpu.memory_space<hbm>>
    %dma_start3A_783 = tpu.memref_squeeze %dma_start3A_782 : memref<1x4x1x8x128xf32, #tpu.memory_space<hbm>> -> memref<4x8x128xf32, #tpu.memory_space<hbm>>
    %dma_start3A_784 = tpu.memref_slice %arg10[%dma_start3A_773] : memref<4x!tpu.dma_semaphore, #tpu.memory_space<semaphore_mem>> -> memref<1x!tpu.dma_semaphore, #tpu.memory_space<semaphore_mem>>
    %dma_start3A_785 = tpu.memref_squeeze %dma_start3A_784 : memref<1x!tpu.dma_semaphore, #tpu.memory_space<semaphore_mem>> -> memref<!tpu.dma_semaphore, #tpu.memory_space<semaphore_mem>>
    %dma_start3A_786 = arith.constant 0 : i32
    %dma_start3A_787 = arith.constant 0 : i32
    %dma_start3A_788 = arith.constant 0 : i32
    %dma_start3A_789 = tpu.memref_slice %arg4[%dma_start3A_772, %dma_start3A_786, %add3A, %dma_start3A_787, %dma_start3A_788] : memref<200x4x32x8x128xf32, #tpu.memory_space<hbm>> -> memref<1x4x1x8x128xf32, #tpu.memory_space<hbm>>
    %dma_start3A_790 = tpu.memref_squeeze %dma_start3A_789 : memref<1x4x1x8x128xf32, #tpu.memory_space<hbm>> -> memref<4x8x128xf32, #tpu.memory_space<hbm>>
    %dma_start3A_791 = arith.constant 0 : i32
    %dma_start3A_792 = arith.constant 0 : i32
    %dma_start3A_793 = arith.constant 0 : i32
    %dma_start3A_794 = tpu.memref_slice %arg7[%dma_start3A_771, %dma_start3A_791, %dma_start3A_792, %dma_start3A_793] : memref<4x4x8x128xf32, #tpu.memory_space<vmem>> -> memref<1x4x8x128xf32, #tpu.memory_space<vmem>>
    %dma_start3A_795 = tpu.memref_squeeze %dma_start3A_794 : memref<1x4x8x128xf32, #tpu.memory_space<vmem>> -> memref<4x8x128xf32, #tpu.memory_space<vmem>>
    tpu.enqueue_dma source(%dma_start3A_795 : memref<4x8x128xf32, #tpu.memory_space<vmem>>) target(%dma_start3A_790 : memref<4x8x128xf32, #tpu.memory_space<hbm>>) target_semaphore(%dma_start3A_785 : memref<!tpu.dma_semaphore, #tpu.memory_space<semaphore_mem>>)
    %dma_wait3A_796 = arith.constant 0 : i32
    %dma_wait3A_797 = arith.constant 196 : i32
    %dma_wait3A_798 = arith.constant 0 : i32
    %dma_wait3A_799 = arith.constant 0 : i32
    %dma_wait3A_800 = arith.constant 0 : i32
    %dma_wait3A_801 = arith.constant 0 : i32
    %dma_wait3A_802 = tpu.memref_slice %arg7[%dma_wait3A_796, %dma_wait3A_799, %dma_wait3A_800, %dma_wait3A_801] : memref<4x4x8x128xf32, #tpu.memory_space<vmem>> -> memref<1x4x8x128xf32, #tpu.memory_space<vmem>>
    %dma_wait3A_803 = tpu.memref_squeeze %dma_wait3A_802 : memref<1x4x8x128xf32, #tpu.memory_space<vmem>> -> memref<4x8x128xf32, #tpu.memory_space<vmem>>
    %dma_wait3A_804 = arith.constant 0 : i32
    %dma_wait3A_805 = arith.constant 0 : i32
    %dma_wait3A_806 = arith.constant 0 : i32
    %dma_wait3A_807 = tpu.memref_slice %arg4[%dma_wait3A_797, %dma_wait3A_804, %add3A, %dma_wait3A_805, %dma_wait3A_806] : memref<200x4x32x8x128xf32, #tpu.memory_space<hbm>> -> memref<1x4x1x8x128xf32, #tpu.memory_space<hbm>>
    %dma_wait3A_808 = tpu.memref_squeeze %dma_wait3A_807 : memref<1x4x1x8x128xf32, #tpu.memory_space<hbm>> -> memref<4x8x128xf32, #tpu.memory_space<hbm>>
    %dma_wait3A_809 = tpu.memref_slice %arg10[%dma_wait3A_798] : memref<4x!tpu.dma_semaphore, #tpu.memory_space<semaphore_mem>> -> memref<1x!tpu.dma_semaphore, #tpu.memory_space<semaphore_mem>>
    %dma_wait3A_810 = tpu.memref_squeeze %dma_wait3A_809 : memref<1x!tpu.dma_semaphore, #tpu.memory_space<semaphore_mem>> -> memref<!tpu.dma_semaphore, #tpu.memory_space<semaphore_mem>>
    %dma_wait3A_811 = arith.constant 0 : i32
    %dma_wait3A_812 = arith.constant 0 : i32
    %dma_wait3A_813 = arith.constant 0 : i32
    %dma_wait3A_814 = tpu.memref_slice %arg4[%dma_wait3A_797, %dma_wait3A_811, %add3A, %dma_wait3A_812, %dma_wait3A_813] : memref<200x4x32x8x128xf32, #tpu.memory_space<hbm>> -> memref<1x4x1x8x128xf32, #tpu.memory_space<hbm>>
    %dma_wait3A_815 = tpu.memref_squeeze %dma_wait3A_814 : memref<1x4x1x8x128xf32, #tpu.memory_space<hbm>> -> memref<4x8x128xf32, #tpu.memory_space<hbm>>
    %dma_wait3A_816 = arith.constant 0 : i32
    %dma_wait3A_817 = arith.constant 0 : i32
    %dma_wait3A_818 = arith.constant 0 : i32
    %dma_wait3A_819 = tpu.memref_slice %arg7[%dma_wait3A_796, %dma_wait3A_816, %dma_wait3A_817, %dma_wait3A_818] : memref<4x4x8x128xf32, #tpu.memory_space<vmem>> -> memref<1x4x8x128xf32, #tpu.memory_space<vmem>>
    %dma_wait3A_820 = tpu.memref_squeeze %dma_wait3A_819 : memref<1x4x8x128xf32, #tpu.memory_space<vmem>> -> memref<4x8x128xf32, #tpu.memory_space<vmem>>
    tpu.wait_dma2 semaphore(%dma_wait3A_810 : memref<!tpu.dma_semaphore, #tpu.memory_space<semaphore_mem>>) src(%dma_wait3A_820 : memref<4x8x128xf32, #tpu.memory_space<vmem>>) dst(%dma_wait3A_815 : memref<4x8x128xf32, #tpu.memory_space<hbm>>)
    %dma_wait3A_821 = arith.constant 1 : i32
    %dma_wait3A_822 = arith.constant 197 : i32
    %dma_wait3A_823 = arith.constant 1 : i32
    %dma_wait3A_824 = arith.constant 0 : i32
    %dma_wait3A_825 = arith.constant 0 : i32
    %dma_wait3A_826 = arith.constant 0 : i32
    %dma_wait3A_827 = tpu.memref_slice %arg7[%dma_wait3A_821, %dma_wait3A_824, %dma_wait3A_825, %dma_wait3A_826] : memref<4x4x8x128xf32, #tpu.memory_space<vmem>> -> memref<1x4x8x128xf32, #tpu.memory_space<vmem>>
    %dma_wait3A_828 = tpu.memref_squeeze %dma_wait3A_827 : memref<1x4x8x128xf32, #tpu.memory_space<vmem>> -> memref<4x8x128xf32, #tpu.memory_space<vmem>>
    %dma_wait3A_829 = arith.constant 0 : i32
    %dma_wait3A_830 = arith.constant 0 : i32
    %dma_wait3A_831 = arith.constant 0 : i32
    %dma_wait3A_832 = tpu.memref_slice %arg4[%dma_wait3A_822, %dma_wait3A_829, %add3A, %dma_wait3A_830, %dma_wait3A_831] : memref<200x4x32x8x128xf32, #tpu.memory_space<hbm>> -> memref<1x4x1x8x128xf32, #tpu.memory_space<hbm>>
    %dma_wait3A_833 = tpu.memref_squeeze %dma_wait3A_832 : memref<1x4x1x8x128xf32, #tpu.memory_space<hbm>> -> memref<4x8x128xf32, #tpu.memory_space<hbm>>
    %dma_wait3A_834 = tpu.memref_slice %arg10[%dma_wait3A_823] : memref<4x!tpu.dma_semaphore, #tpu.memory_space<semaphore_mem>> -> memref<1x!tpu.dma_semaphore, #tpu.memory_space<semaphore_mem>>
    %dma_wait3A_835 = tpu.memref_squeeze %dma_wait3A_834 : memref<1x!tpu.dma_semaphore, #tpu.memory_space<semaphore_mem>> -> memref<!tpu.dma_semaphore, #tpu.memory_space<semaphore_mem>>
    %dma_wait3A_836 = arith.constant 0 : i32
    %dma_wait3A_837 = arith.constant 0 : i32
    %dma_wait3A_838 = arith.constant 0 : i32
    %dma_wait3A_839 = tpu.memref_slice %arg4[%dma_wait3A_822, %dma_wait3A_836, %add3A, %dma_wait3A_837, %dma_wait3A_838] : memref<200x4x32x8x128xf32, #tpu.memory_space<hbm>> -> memref<1x4x1x8x128xf32, #tpu.memory_space<hbm>>
    %dma_wait3A_840 = tpu.memref_squeeze %dma_wait3A_839 : memref<1x4x1x8x128xf32, #tpu.memory_space<hbm>> -> memref<4x8x128xf32, #tpu.memory_space<hbm>>
    %dma_wait3A_841 = arith.constant 0 : i32
    %dma_wait3A_842 = arith.constant 0 : i32
    %dma_wait3A_843 = arith.constant 0 : i32
    %dma_wait3A_844 = tpu.memref_slice %arg7[%dma_wait3A_821, %dma_wait3A_841, %dma_wait3A_842, %dma_wait3A_843] : memref<4x4x8x128xf32, #tpu.memory_space<vmem>> -> memref<1x4x8x128xf32, #tpu.memory_space<vmem>>
    %dma_wait3A_845 = tpu.memref_squeeze %dma_wait3A_844 : memref<1x4x8x128xf32, #tpu.memory_space<vmem>> -> memref<4x8x128xf32, #tpu.memory_space<vmem>>
    tpu.wait_dma2 semaphore(%dma_wait3A_835 : memref<!tpu.dma_semaphore, #tpu.memory_space<semaphore_mem>>) src(%dma_wait3A_845 : memref<4x8x128xf32, #tpu.memory_space<vmem>>) dst(%dma_wait3A_840 : memref<4x8x128xf32, #tpu.memory_space<hbm>>)
    %dma_wait3A_846 = arith.constant 2 : i32
    %dma_wait3A_847 = arith.constant 198 : i32
    %dma_wait3A_848 = arith.constant 2 : i32
    %dma_wait3A_849 = arith.constant 0 : i32
    %dma_wait3A_850 = arith.constant 0 : i32
    %dma_wait3A_851 = arith.constant 0 : i32
    %dma_wait3A_852 = tpu.memref_slice %arg7[%dma_wait3A_846, %dma_wait3A_849, %dma_wait3A_850, %dma_wait3A_851] : memref<4x4x8x128xf32, #tpu.memory_space<vmem>> -> memref<1x4x8x128xf32, #tpu.memory_space<vmem>>
    %dma_wait3A_853 = tpu.memref_squeeze %dma_wait3A_852 : memref<1x4x8x128xf32, #tpu.memory_space<vmem>> -> memref<4x8x128xf32, #tpu.memory_space<vmem>>
    %dma_wait3A_854 = arith.constant 0 : i32
    %dma_wait3A_855 = arith.constant 0 : i32
    %dma_wait3A_856 = arith.constant 0 : i32
    %dma_wait3A_857 = tpu.memref_slice %arg4[%dma_wait3A_847, %dma_wait3A_854, %add3A, %dma_wait3A_855, %dma_wait3A_856] : memref<200x4x32x8x128xf32, #tpu.memory_space<hbm>> -> memref<1x4x1x8x128xf32, #tpu.memory_space<hbm>>
    %dma_wait3A_858 = tpu.memref_squeeze %dma_wait3A_857 : memref<1x4x1x8x128xf32, #tpu.memory_space<hbm>> -> memref<4x8x128xf32, #tpu.memory_space<hbm>>
    %dma_wait3A_859 = tpu.memref_slice %arg10[%dma_wait3A_848] : memref<4x!tpu.dma_semaphore, #tpu.memory_space<semaphore_mem>> -> memref<1x!tpu.dma_semaphore, #tpu.memory_space<semaphore_mem>>
    %dma_wait3A_860 = tpu.memref_squeeze %dma_wait3A_859 : memref<1x!tpu.dma_semaphore, #tpu.memory_space<semaphore_mem>> -> memref<!tpu.dma_semaphore, #tpu.memory_space<semaphore_mem>>
    %dma_wait3A_861 = arith.constant 0 : i32
    %dma_wait3A_862 = arith.constant 0 : i32
    %dma_wait3A_863 = arith.constant 0 : i32
    %dma_wait3A_864 = tpu.memref_slice %arg4[%dma_wait3A_847, %dma_wait3A_861, %add3A, %dma_wait3A_862, %dma_wait3A_863] : memref<200x4x32x8x128xf32, #tpu.memory_space<hbm>> -> memref<1x4x1x8x128xf32, #tpu.memory_space<hbm>>
    %dma_wait3A_865 = tpu.memref_squeeze %dma_wait3A_864 : memref<1x4x1x8x128xf32, #tpu.memory_space<hbm>> -> memref<4x8x128xf32, #tpu.memory_space<hbm>>
    %dma_wait3A_866 = arith.constant 0 : i32
    %dma_wait3A_867 = arith.constant 0 : i32
    %dma_wait3A_868 = arith.constant 0 : i32
    %dma_wait3A_869 = tpu.memref_slice %arg7[%dma_wait3A_846, %dma_wait3A_866, %dma_wait3A_867, %dma_wait3A_868] : memref<4x4x8x128xf32, #tpu.memory_space<vmem>> -> memref<1x4x8x128xf32, #tpu.memory_space<vmem>>
    %dma_wait3A_870 = tpu.memref_squeeze %dma_wait3A_869 : memref<1x4x8x128xf32, #tpu.memory_space<vmem>> -> memref<4x8x128xf32, #tpu.memory_space<vmem>>
    tpu.wait_dma2 semaphore(%dma_wait3A_860 : memref<!tpu.dma_semaphore, #tpu.memory_space<semaphore_mem>>) src(%dma_wait3A_870 : memref<4x8x128xf32, #tpu.memory_space<vmem>>) dst(%dma_wait3A_865 : memref<4x8x128xf32, #tpu.memory_space<hbm>>)
    %dma_wait3A_871 = arith.constant 3 : i32
    %dma_wait3A_872 = arith.constant 199 : i32
    %dma_wait3A_873 = arith.constant 3 : i32
    %dma_wait3A_874 = arith.constant 0 : i32
    %dma_wait3A_875 = arith.constant 0 : i32
    %dma_wait3A_876 = arith.constant 0 : i32
    %dma_wait3A_877 = tpu.memref_slice %arg7[%dma_wait3A_871, %dma_wait3A_874, %dma_wait3A_875, %dma_wait3A_876] : memref<4x4x8x128xf32, #tpu.memory_space<vmem>> -> memref<1x4x8x128xf32, #tpu.memory_space<vmem>>
    %dma_wait3A_878 = tpu.memref_squeeze %dma_wait3A_877 : memref<1x4x8x128xf32, #tpu.memory_space<vmem>> -> memref<4x8x128xf32, #tpu.memory_space<vmem>>
    %dma_wait3A_879 = arith.constant 0 : i32
    %dma_wait3A_880 = arith.constant 0 : i32
    %dma_wait3A_881 = arith.constant 0 : i32
    %dma_wait3A_882 = tpu.memref_slice %arg4[%dma_wait3A_872, %dma_wait3A_879, %add3A, %dma_wait3A_880, %dma_wait3A_881] : memref<200x4x32x8x128xf32, #tpu.memory_space<hbm>> -> memref<1x4x1x8x128xf32, #tpu.memory_space<hbm>>
    %dma_wait3A_883 = tpu.memref_squeeze %dma_wait3A_882 : memref<1x4x1x8x128xf32, #tpu.memory_space<hbm>> -> memref<4x8x128xf32, #tpu.memory_space<hbm>>
    %dma_wait3A_884 = tpu.memref_slice %arg10[%dma_wait3A_873] : memref<4x!tpu.dma_semaphore, #tpu.memory_space<semaphore_mem>> -> memref<1x!tpu.dma_semaphore, #tpu.memory_space<semaphore_mem>>
    %dma_wait3A_885 = tpu.memref_squeeze %dma_wait3A_884 : memref<1x!tpu.dma_semaphore, #tpu.memory_space<semaphore_mem>> -> memref<!tpu.dma_semaphore, #tpu.memory_space<semaphore_mem>>
    %dma_wait3A_886 = arith.constant 0 : i32
    %dma_wait3A_887 = arith.constant 0 : i32
    %dma_wait3A_888 = arith.constant 0 : i32
    %dma_wait3A_889 = tpu.memref_slice %arg4[%dma_wait3A_872, %dma_wait3A_886, %add3A, %dma_wait3A_887, %dma_wait3A_888] : memref<200x4x32x8x128xf32, #tpu.memory_space<hbm>> -> memref<1x4x1x8x128xf32, #tpu.memory_space<hbm>>
    %dma_wait3A_890 = tpu.memref_squeeze %dma_wait3A_889 : memref<1x4x1x8x128xf32, #tpu.memory_space<hbm>> -> memref<4x8x128xf32, #tpu.memory_space<hbm>>
    %dma_wait3A_891 = arith.constant 0 : i32
    %dma_wait3A_892 = arith.constant 0 : i32
    %dma_wait3A_893 = arith.constant 0 : i32
    %dma_wait3A_894 = tpu.memref_slice %arg7[%dma_wait3A_871, %dma_wait3A_891, %dma_wait3A_892, %dma_wait3A_893] : memref<4x4x8x128xf32, #tpu.memory_space<vmem>> -> memref<1x4x8x128xf32, #tpu.memory_space<vmem>>
    %dma_wait3A_895 = tpu.memref_squeeze %dma_wait3A_894 : memref<1x4x8x128xf32, #tpu.memory_space<vmem>> -> memref<4x8x128xf32, #tpu.memory_space<vmem>>
    tpu.wait_dma2 semaphore(%dma_wait3A_885 : memref<!tpu.dma_semaphore, #tpu.memory_space<semaphore_mem>>) src(%dma_wait3A_895 : memref<4x8x128xf32, #tpu.memory_space<vmem>>) dst(%dma_wait3A_890 : memref<4x8x128xf32, #tpu.memory_space<hbm>>)
    return
  }
}

</mosaic_0001>

<sc_bundles>
// kernel: kernel.3.cloned.1.call-start
scs
__scs_entry_jumppad:
0x0: {  	(pc) =	sbr.rel $0x88, $3  }
0x1: {  	(tag) =	ssettag $0x0;
	lr =	simm.s32 $0x1  }
0x2: {  	[smem:$0x3F9F] =	sst lr;
	_ =	strace $0xD0000000  }
0x3: {  	_ = 	snop  }
0x4: {  	_ = 	snop  }
0x5: {  	_ = 	snop  }
0x6: {  	_ = 	snop  }
0x7: {  	_ = 	snop  }
__scs_overlays_trampoline_lowered:
0x8: {  	[smem:$0x3FAE] =	sst s0  }
0x9: {  	[smem:$0x3FAF] =	sst s1  }
0xa: {  	[smem:$0x3FB0] =	sst s2  }
0xb: {  	[smem:$0x3FB1] =	sst s3  }
0xc: {  	[smem:$0x3FB2] =	sst s4  }
0xd: {  	[smem:$0x3FB3] =	sst s5  }
0xe: {  	[smem:$0x3FB4] =	sst s6  }
0xf: {  	[smem:$0x3FB5] =	sst s7  }
0x10: {  	[smem:$0x3FB6] =	sst s8  }
0x11: {  	[smem:$0x3FB7] =	sst s9;
	s0 =	simm.s32 @!p0 $0x0  }
0x12: {  	s1 =	sld [smem:$0x3F9D];
	s0 =	simm.s32 @p0 $0x1  }
0x13: {  	[smem:$0x3FB8] =	sst s0;
	s0 =	simm.s32 @!p1 $0x0  }
0x14: {  	s2 =	sld [smem:$0x3F9C];
	s0 =	simm.s32 @p1 $0x1  }
0x15: {  	[smem:$0x3FB9] =	sst s0;
	s0 =	simm.s32 @!p2 $0x0  }
0x16: {  	s3 =	sld [smem:$0x3FDB];
	s0 =	simm.s32 @p2 $0x1  }
0x17: {  	s4 =	simm.s32 $0x1BF5;
	[smem:$0x3FBB] =	sst s0  }
0x18: {  	s0 =	sld [smem:$0x3F9E];
	_ =	swait.ge [sflag:s4], $0x0  }
0x19: {  	s7 =	sld [smem:$0x3F9F]  }
0x1a: {  	s8 =	sadd.s32 $0xFFFFE003, lr  }
0x1b: {  	s9 =	sadd.s32 $0xFFFFFEF7, lr;
	s5 =	simm.s32 $0xFFFFFFFF;
	p2 =	slt.u32 s8, $0xFFFFF086  }
0x1c: {  	p1 =	slt.u32 s9, $0xF7A;
	s5 =	simm.s32 @!p2 $0x0  }
0x1d: {  	s5 =	simm.s32 @p1 $0x1;
	p0 =	seq.s32 s7, s2  }
0x1e: {  	s7 =	smul.u32 @!p0 $0xF7A, s2;
	p2 =	seq.s32 @!p0 s5, $0x0  }
0x1f: {  	s9 =	smul.u32 $0xF7A, s1;
	s8 =	simm.s32 @!p0 $0x1BF5;
	p2 =	por !p2, p0  }
0x20: {  	[sflag:s8] =	ssyncset.s32 @!p0 $0xFFFFF086;
	s6 =	sadd.s32 @!p0 s3, s7;
	s7 =	simm.s32 @!p0 $0x108  }
0x21: {  	s3 =	sadd.s32 s3, s9;
	s6 =	sadd.s32 @!p0 $0x88, s6;
	s7 =	simm.s32 @p2 $0x1082  }
0x22: {  	[simem:s7], [sflag:s8] =	dma.local @!p0 [hbm:s6], $0xF7A  }
0x23: {  	s9 =	sor.u32 $0xD0000000, s2;
	s6 =	simm.s32 $0x108;
	_ =	swait.ge @!p0 [sflag:s8], $0x0  }
0x24: {  	s3 =	sadd.s32 $0x88, s3;
	s6 =	simm.s32 @!p1 $0x1082;
	[sflag:s4] =	ssyncset.s32 $0xFFFFF086  }
0x25: {  	[simem:s6], [sflag:s4] =	dma.local [hbm:s3], $0xF7A  }
0x26: {  	[smem:$0x3F9F] =	sst s1;
	(tag) =	ssettag s2;
	_ =	strace s9  }
0x27: {  	s1 =	sld [smem:$0x3FAF]  }
0x28: {  	s2 =	sld [smem:$0x3FB0]  }
0x29: {  	s4 =	sld [smem:$0x3FB2]  }
0x2a: {  	p0 =	seq.s32 s5, $0x0;
	s5 =	sld [smem:$0x3FB3]  }
0x2b: {  	s6 =	sld [smem:$0x3FB4]  }
0x2c: {  	s7 =	sld [smem:$0x3FB5]  }
0x2d: {  	s3 =	simm.s32 $0x108;
	s8 =	sld [smem:$0x3FB6]  }
0x2e: {  	s3 =	simm.s32 @!p0 $0x1082;
	s9 =	sld [smem:$0x3FB7]  }
0x2f: {  	lr =	sadd.s32 s0, s3;
	s0 =	sld [smem:$0x3FAE]  }
0x30: {  	s3 =	sld [smem:$0x3FB1]  }
0x31: {  	[smem:$0x3FBA] =	sst s10  }
0x32: {  	s10 =	sld [smem:$0x3FB8];
	_ =	sdelay $0x3  }
0x33: {  	p0 =	seq.s32 s10, $0x1;
	s10 =	sld [smem:$0x3FBA];
	_ =	sdelay $0x3  }
0x34: {  	[smem:$0x3FBA] =	sst s10  }
0x35: {  	s10 =	sld [smem:$0x3FB9];
	_ =	sdelay $0x3  }
0x36: {  	p1 =	seq.s32 s10, $0x1;
	s10 =	sld [smem:$0x3FBA];
	_ =	sdelay $0x3  }
0x37: {  	[smem:$0x3FBA] =	sst s10  }
0x38: {  	s10 =	sld [smem:$0x3FBB]  }
0x39: {  	_ = 	snop;
	(pc) =	sbr.ind lr, $3  }
0x3a: {  	_ = 	snop  }
0x3b: {  	_ = 	snop  }
0x3c: {  	p2 =	seq.s32 s10, $0x1;
	s10 =	sld [smem:$0x3FBA]  }
0x3d: {  	_ =	shalt  }
0x3e: {  	_ =	shalt  }
0x3f: {  	_ =	shalt  }
0x40: {  	_ =	shalt  }
0x41: {  	_ =	shalt  }
0x42: {  	_ =	shalt  }
0x43: {  	_ =	shalt  }
0x44: {  	_ =	shalt  }
0x45: {  	_ =	shalt  }
0x46: {  	_ =	shalt  }
0x47: {  	_ =	shalt  }
0x48: {  	_ =	shalt  }
0x49: {  	_ =	shalt  }
0x4a: {  	_ =	shalt  }
0x4b: {  	_ =	shalt  }
0x4c: {  	_ =	shalt  }
0x4d: {  	_ =	shalt  }
0x4e: {  	_ =	shalt  }
0x4f: {  	_ =	shalt  }
0x50: {  	_ =	shalt  }
0x51: {  	_ =	shalt  }
0x52: {  	_ =	shalt  }
0x53: {  	_ =	shalt  }
0x54: {  	_ =	shalt  }
0x55: {  	_ =	shalt  }
0x56: {  	_ =	shalt  }
0x57: {  	_ =	shalt  }
0x58: {  	_ =	shalt  }
0x59: {  	_ =	shalt  }
0x5a: {  	_ =	shalt  }
0x5b: {  	_ =	shalt  }
0x5c: {  	_ =	shalt  }
0x5d: {  	_ =	shalt  }
0x5e: {  	_ =	shalt  }
0x5f: {  	_ =	shalt  }
0x60: {  	_ =	shalt  }
0x61: {  	_ =	shalt  }
0x62: {  	_ =	shalt  }
0x63: {  	_ =	shalt  }
0x64: {  	_ =	shalt  }
0x65: {  	_ =	shalt  }
0x66: {  	_ =	shalt  }
0x67: {  	_ =	shalt  }
0x68: {  	_ =	shalt  }
0x69: {  	_ =	shalt  }
0x6a: {  	_ =	shalt  }
0x6b: {  	_ =	shalt  }
0x6c: {  	_ =	shalt  }
0x6d: {  	_ =	shalt  }
0x6e: {  	_ =	shalt  }
0x6f: {  	_ =	shalt  }
0x70: {  	_ =	shalt  }
0x71: {  	_ =	shalt  }
0x72: {  	_ =	shalt  }
0x73: {  	_ =	shalt  }
0x74: {  	_ =	shalt  }
0x75: {  	_ =	shalt  }
0x76: {  	_ =	shalt  }
0x77: {  	_ =	shalt  }
0x78: {  	_ =	shalt  }
0x79: {  	_ =	shalt  }
0x7a: {  	_ =	shalt  }
0x7b: {  	_ =	shalt  }
0x7c: {  	_ =	shalt  }
0x7d: {  	_ =	shalt  }
0x7e: {  	_ =	shalt  }
0x7f: {  	_ =	shalt  }
0x80: {  	_ =	shalt  }
0x81: {  	_ =	shalt  }
0x82: {  	_ =	shalt  }
0x83: {  	_ =	shalt  }
0x84: {  	_ =	shalt  }
0x85: {  	_ =	shalt  }
0x86: {  	_ =	shalt  }
0x87: {  	_ =	shalt  }
.Lfunc_end0:
.L_simem_size_0:
called_computation_lowered:
.L_overlay_start_0:
0x88: {  	s2 =	sld [smem:$0x3FD9]  }
0x89: {  	s3 =	sld [smem:$0x3FFE];
	_ =	sdelay $0x1  }
0x8a: {  	s1 =	srdreg.scid  }
0x8b: {  	s0 =	sand.u32 $0x1, s1  }
0x8c: {  	s17 =	sshll.u32 s0, $0xA;
	s2 =	sadd.s32 s3, s2  }
0x8d: {  	s2 =	sadd.s32 s2, s17  }
0x8e: {  	[smem:$0x3FC6] =	sst s2  }
0x8f: {  	_ = 	snop  }
0x90: {  	s2 =	sld [smem:$0x3FD0];
	(tm) =	ssettm $0x1  }
0x91: {  	s18 =	sld [smem:$0x3FFB];
	_ =	sdelay $0x3  }
0x92: {  	_ =	strace s18  }
0x93: {  	s3 =	sld [smem:$0x3FFC];
	_ =	sdelay $0x3  }
0x94: {  	_ =	strace s3  }
0x95: {  	s3 =	sld [smem:$0x3FFD];
	_ =	sdelay $0x3  }
0x96: {  	_ =	strace s3  }
0x97: {  	_ =	strace $0x8FFFFFFF  }
0x98: {  	s19 =	sld [smem:$0x3FDB];
	_ =	sdelay $0x1  }
0x99: {  	s4 =	simm.s32 $_scs_section_size  }
0x9a: {  	s5 =	simm.s32 $_size__tile_overlayer_lowered;
	s6 =	simm.s32 $_tile_overlayer_lowered  }
0x9b: {  	s22 =	simm.s32 $0x1BFF;
	s21 =	sshll.u32 s6, $0x1;
	s3 =	sadd.s32 s4, s19  }
0x9c: {  	s7 =	simm.s32 $0x0;
	s20 =	sshll.u32 s5, $0x1;
	s5 =	sadd.s32 s21, s3  }
0x9d: {  	[timem:s7], [sflag:s22] =	dma.local [hbm:s5], s20  }
0x9e: {  	_ =	swait.ge [sflag:s22], s20  }
0x9f: {  	s4 =	ssub.s32 $0x0, s20;
	[sflag:s22] =	ssyncset.done $0x0  }
0xa0: {  	[sflag:s22] =	ssyncadd.s32 s4;
	_ =	sdelay $0x1  }
0xa1: {  	s23 =	simm.s32 $0x1B8B  }
0xa2: {  	_ =	swait.ge [sflag:s23], $0x1  }
0xa3: {  	[sflag:s23] =	ssyncset.done $0x0  }
0xa4: {  	s25 =	simm.s32 $0x1B8E;
	s24 =	sld [smem:$0x3FFE];
	[sflag:s23] =	ssyncadd.s32 $0xFFFFFFFF  }
0xa5: {  	s26 =	simm.s32 $execute0_lowered;
	[smem:$0x3FD2] =	sst s25  }
0xa6: {  	s5 =	sshll.u32 s26, $0x1;
	_ =	strace $0x80000046;
	[dreg:$0x1] =	wrdreg $0xFFFFFFFF  }
0xa7: {  	s28 =	simm.s32 $_size_execute0_lowered;
	s3 =	sadd.s32 s3, s5;
	[dreg:$0x0] =	wrdreg $0x0  }
0xa8: {  	s5 =	sshll.u32 s28, $0x1;
	[dreg:$0x2] =	wrdreg s3  }
0xa9: {  	[dreg:$0x3] =	wrdreg s5  }
0xaa: {  	[dreg:$0x4] =	wrdreg $0xC0  }
0xab: {  	_ =	task [dreg:s7], $0x5FFFF  }
0xac: {  	[dreg:$0x1] =	wrdreg $0xFFFFFFFF  }
0xad: {  	[dreg:$0x0] =	wrdreg $0x60  }
0xae: {  	[dreg:$0x2] =	wrdreg s24  }
0xaf: {  	[dreg:$0x3] =	wrdreg s2  }
0xb0: {  	[dreg:$0x4] =	wrdreg $0x9  }
0xb1: {  	_ =	task.clear_ibuf [dreg:s7], $0x5FFFF;
	_ =	strace $0x90000046  }
0xb2: {  	s29 =	simm.s32 $0x9;
	_ =	strace $0x80000048  }
0xb3: {  	_ =	swait.ge [sflag:s29], $0x1  }
0xb4: {  	[sflag:s29] =	ssyncadd.s32 $0xFFFFFFFF  }
0xb5: {  	_ =	strace $0x90000048  }
0xb6: {  	_ =	sfence  }
0xb7: {  	s30 =	sld [smem:$0x0];
	_ =	sdelay $0x2  }
0xb8: {  	s31 =	sshll.u32 s1, $0xD;
	s1 =	sshrl.u32 s1, $0x2  }
0xb9: {  	s3 =	sand.u32 $0x4000, s31;
	s1 =	sadd.s32 s1, s30  }
0xba: {  	s0 =	sor.u32 s3, s0;
	s1 =	sshll.u32 s1, $0x11  }
0xbb: {  	s0 =	sor.u32 s1, s0  }
0xbc: {  	s0 =	sadd.s32 $0x8F2B, s0  }
0xbd: {  	[sflag:s0] =	ssyncadd.remote.s32 $0x1  }
0xbe: {  	_ =	sfence.sel $0xFFFF  }
0xbf: {  	[dreg:$0x0] =	wrdreg $0xFFFFFFFF;
	(pc) =	sbr.abs _section_cstart, $3  }
0xc0: {  	[dreg:$0x1] =	wrdreg $0xFFFFFFFF  }
0xc1: {  	_ =	task.clear_ibuf [dreg:s7], $0x2FFFF;
	_ =	strace $0x9FFFFFFF  }
0xc2: {  	(tm) =	ssettm $0x7FFFFFFF  }
0xc3: {  	_ =	shalt  }
tec
execute0_lowered:
.L_overlay_start_1:
0x0: {  	(tag) =	ssettag $0x1  }
0x1: {  	s0 =	rddreg [dreg:$0x0];
	s1 =	srdreg.scid  }
0x2: {  	s3 =	stileid.u32;
	s2 =	rddreg [dreg:$0x1]  }
0x3: {  	v0 =	vlaneseq.u32;
	s16 =	simm.s32 $0x80;
	s17 =	simm.s32 $0xE400;
	s18 =	simm.s32 $0x6400  }
0x4: {  	s19 =	simm.s32 $0xE480;
	s20 =	simm.s32 $0x7400;
	s28 =	simm.s32 $0x400;
	v1 =	vmul.u32 $0xC8, v0;
	v29 =	vmul.u32 $0x20, v0  }
0x5: {  	s29 =	simm.s32 $0x8000;
	s30 =	simm.s32 $0x2;
	s31 =	simm.s32 $0xB400;
	v35 =	vor.u32 $0x10, v0;
	v37 =	vor.u32 $0x20, v0;
	v39 =	vor.u32 $0x30, v0  }
0x6: {  	s10 =	simm.s32 $0xD400;
	s1 =	sand.u32 $0x1, s1;
	s4 =	sshll.u32 s3, $0x1;
	v41 =	vor.u32 $0x40, v0;
	v43 =	vor.u32 $0x50, v0;
	v45 =	vor.u32 $0x60, v0  }
0x7: {  	s13 =	simm.s32 $0x0;
	s3 =	simm.s32 $0x0;
	v47 =	vor.u32 $0x70, v0;
	s5 =	sor.u32 s1, s4;
	v2 =	vadd.s32 $0xC80, v1;
	v3 =	vadd.s32 $0x1900, v1  }
0x8: {  	[smem:$0x7FF] =	sst s3;
	s1 =	ssub.s32 $0x2, s1;
	s4 =	smul.u32 $0xC80, s5;
	v4 =	vadd.s32 $0x2580, v1;
	v5 =	vadd.s32 $0x3200, v1;
	v6 =	vadd.s32 $0x3E80, v1  }
0x9: {  	_ =	strace $0x80000047;
	s21 =	sshrl.u32 s1, $0x1;
	v7 =	vadd.s32 $0x4B00, v1;
	v8 =	vadd.s32 $0x5780, v1;
	s23 =	sshll.u32 s5, $0xA;
	v9 =	vor.u32 $0x1, v1  }
0xa: {  	v10 =	vadd.s32 $0xC81, v1;
	v11 =	vadd.s32 $0x1901, v1;
	s5 =	sshll.u32 s5, $0x7;
	v12 =	vadd.s32 $0x2581, v1;
	s7 =	sor.u32 $0xFFFA0000, s23;
	s8 =	sor.u32 $0xFFFC0000, s23  }
0xb: {  	v13 =	vadd.s32 $0x3201, v1;
	v14 =	vadd.s32 $0x3E81, v1;
	v15 =	vadd.s32 $0x4B01, v1;
	s9 =	sor.u32 $0xFFFE0000, s23;
	s24 =	sadd.s32 s5, s2;
	s6 =	sadd.s32 s4, s0  }
0xc: {  	v16 =	vadd.s32 $0x5781, v1;
	v17 =	vor.u32 $0x2, v1;
	v18 =	vadd.s32 $0xC82, v1;
	s4 =	sadd.s32 $0xF42A00, s0;
	s0 =	ssub.s32 s1, s21;
	s5 =	sadd.s32 $0x310000, s24  }
0xd: {  	v19 =	vadd.s32 $0x1902, v1;
	v20 =	vadd.s32 $0x2582, v1;
	v21 =	vadd.s32 $0x3202, v1;
	s25 =	sadd.s32 $0x314000, s24;
	s26 =	sadd.s32 $0x318000, s24;
	[dreg:$0x4] =	wrdreg s5  }
0xe: {  	v22 =	vadd.s32 $0x3E82, v1;
	v23 =	vadd.s32 $0x4B02, v1;
	v24 =	vadd.s32 $0x5782, v1;
	s1 =	sadd.s32 $0x31C000, s24;
	s21 =	simm.s32 $0xE500;
	[dreg:$0x5] =	wrdreg s25  }
0xf: {  	v25 =	vor.u32 $0x3, v1;
	v26 =	vadd.s32 $0xC83, v1;
	v27 =	vadd.s32 $0x1903, v1;
	s24 =	simm.s32 $0x9400;
	s22 =	sadd.s32 $0x600, s6;
	[dreg:$0x6] =	wrdreg s26  }
0x10: {  	v28 =	vadd.s32 $0x2583, v1;
	v30 =	vadd.s32 $0x3203, v1;
	v31 =	vadd.s32 $0x3E83, v1;
	s6 =	sor.u32 $0xFFF80000, s23;
	[dreg:$0x7] =	wrdreg s1;
	s0 =	smax.u32 s0, $0x1  }
0x11: {  	v32 =	vadd.s32 $0x4B03, v1;
	v33 =	vadd.s32 $0x5783, v1;
	v34 =	vor.u32 $0x200, v29;
	s23 =	simm.s32 $0xE580;
	s25 =	simm.s32 $0x1;
	s26 =	simm.s32 $0xA400  }
0x12: {  	v36 =	vor.u32 $0x400, v29;
	v38 =	vor.u32 $0x600, v29;
	v40 =	vor.u32 $0x800, v29;
	s1 =	simm.s32 $0x3;
	s5 =	simm.s32 $0x4;
	[dreg:$0x3] =	wrdreg s22  }
0x13: {  	v42 =	vor.u32 $0xA00, v29;
	v44 =	vor.u32 $0xC00, v29;
	v46 =	vor.u32 $0xE00, v29;
	[dreg:$0x8] =	wrdreg s0;
	s22 =	simm.s32 $0x8400;
	s0 =	simm.s32 $0xC400  }
.LBB2_1:
0x14: {  	[dreg:$0x9] =	wrdreg s13  }
0x15: {  	s11 =	rddreg [dreg:$0x3];
	s15 =	simm.s32 $0x9  }
0x16: {  	[tilespmem:s3], [sflag:$0x9] =	stream.linear.gather [hbm4b:s11+s3], $0x6400, $0x38;
	[tilespmem:$0xE600] =	vst v63  }
0x17: {  	_ =	swait.ge [sflag:s15], $0x6400  }
0x18: {  	[sflag:s15] =	ssyncset.done $0x0  }
0x19: {  	[sflag:s15] =	ssyncadd.s32 $0xFFFF9C00  }
0x1a: {  	v48 =	vld.idx.msk [tilespmem:v1+s3+$0x0], $0xffff;
	_ =	sdelay $0x4  }
0x1b: {  	[tilespmem:$0xE400] =	vst v48  }
0x1c: {  	v48 =	vld.idx.msk [tilespmem:v2+s3+$0x0], $0xffff;
	_ =	sdelay $0x4  }
0x1d: {  	[tilespmem:$0xE410] =	vst v48  }
0x1e: {  	v48 =	vld.idx.msk [tilespmem:v3+s3+$0x0], $0xffff;
	_ =	sdelay $0x4  }
0x1f: {  	[tilespmem:$0xE420] =	vst v48  }
0x20: {  	v48 =	vld.idx.msk [tilespmem:v4+s3+$0x0], $0xffff;
	_ =	sdelay $0x4  }
0x21: {  	[tilespmem:$0xE430] =	vst v48  }
0x22: {  	v48 =	vld.idx.msk [tilespmem:v5+s3+$0x0], $0xffff;
	_ =	sdelay $0x4  }
0x23: {  	[tilespmem:$0xE440] =	vst v48  }
0x24: {  	v48 =	vld.idx.msk [tilespmem:v6+s3+$0x0], $0xffff;
	_ =	sdelay $0x4  }
0x25: {  	[tilespmem:$0xE450] =	vst v48  }
0x26: {  	v48 =	vld.idx.msk [tilespmem:v7+s3+$0x0], $0xffff;
	_ =	sdelay $0x4  }
0x27: {  	[tilespmem:$0xE460] =	vst v48  }
0x28: {  	v48 =	vld.idx.msk [tilespmem:v8+s3+$0x0], $0xffff;
	_ =	sdelay $0x4  }
0x29: {  	[tilespmem:$0xE470] =	vst v48  }
0x2a: {  	[tilespmem:s18], [sflag:$0x1] =	stream.indirect.gather [hbm4b:s4+s16], $0x20, s17, s16, $0xb8;
	[tilespmem:$0xE600] =	vst v63  }
0x2b: {  	v48 =	vld.idx.msk [tilespmem:v9+s3+$0x0], $0xffff;
	_ =	sdelay $0x4  }
0x2c: {  	[tilespmem:$0xE480] =	vst v48  }
0x2d: {  	v48 =	vld.idx.msk [tilespmem:v10+s3+$0x0], $0xffff;
	_ =	sdelay $0x4  }
0x2e: {  	[tilespmem:$0xE490] =	vst v48  }
0x2f: {  	v48 =	vld.idx.msk [tilespmem:v11+s3+$0x0], $0xffff;
	_ =	sdelay $0x4  }
0x30: {  	[tilespmem:$0xE4A0] =	vst v48  }
0x31: {  	v48 =	vld.idx.msk [tilespmem:v12+s3+$0x0], $0xffff;
	_ =	sdelay $0x4  }
0x32: {  	[tilespmem:$0xE4B0] =	vst v48  }
0x33: {  	v48 =	vld.idx.msk [tilespmem:v13+s3+$0x0], $0xffff;
	_ =	sdelay $0x4  }
0x34: {  	[tilespmem:$0xE4C0] =	vst v48  }
0x35: {  	v48 =	vld.idx.msk [tilespmem:v14+s3+$0x0], $0xffff;
	_ =	sdelay $0x4  }
0x36: {  	[tilespmem:$0xE4D0] =	vst v48  }
0x37: {  	v48 =	vld.idx.msk [tilespmem:v15+s3+$0x0], $0xffff;
	_ =	sdelay $0x4  }
0x38: {  	[tilespmem:$0xE4E0] =	vst v48  }
0x39: {  	v48 =	vld.idx.msk [tilespmem:v16+s3+$0x0], $0xffff;
	_ =	sdelay $0x4  }
0x3a: {  	[tilespmem:$0xE4F0] =	vst v48  }
0x3b: {  	[tilespmem:s20], [sflag:$0x2] =	stream.indirect.gather [hbm4b:s4+s16], $0x20, s19, s16, $0xb8;
	[tilespmem:$0xE600] =	vst v63  }
0x3c: {  	v48 =	vld.idx.msk [tilespmem:v17+s3+$0x0], $0xffff;
	_ =	sdelay $0x4  }
0x3d: {  	[tilespmem:$0xE500] =	vst v48  }
0x3e: {  	v48 =	vld.idx.msk [tilespmem:v18+s3+$0x0], $0xffff;
	_ =	sdelay $0x4  }
0x3f: {  	[tilespmem:$0xE510] =	vst v48  }
0x40: {  	v48 =	vld.idx.msk [tilespmem:v19+s3+$0x0], $0xffff;
	_ =	sdelay $0x4  }
0x41: {  	[tilespmem:$0xE520] =	vst v48  }
0x42: {  	v48 =	vld.idx.msk [tilespmem:v20+s3+$0x0], $0xffff;
	_ =	sdelay $0x4  }
0x43: {  	[tilespmem:$0xE530] =	vst v48  }
0x44: {  	v48 =	vld.idx.msk [tilespmem:v21+s3+$0x0], $0xffff;
	_ =	sdelay $0x4  }
0x45: {  	[tilespmem:$0xE540] =	vst v48  }
0x46: {  	v48 =	vld.idx.msk [tilespmem:v22+s3+$0x0], $0xffff;
	_ =	sdelay $0x4  }
0x47: {  	[tilespmem:$0xE550] =	vst v48  }
0x48: {  	v48 =	vld.idx.msk [tilespmem:v23+s3+$0x0], $0xffff;
	_ =	sdelay $0x4  }
0x49: {  	[tilespmem:$0xE560] =	vst v48  }
0x4a: {  	v48 =	vld.idx.msk [tilespmem:v24+s3+$0x0], $0xffff;
	_ =	sdelay $0x4  }
0x4b: {  	[tilespmem:$0xE570] =	vst v48  }
0x4c: {  	[tilespmem:s22], [sflag:$0x3] =	stream.indirect.gather [hbm4b:s4+s16], $0x20, s21, s16, $0xb8;
	[tilespmem:$0xE600] =	vst v63  }
0x4d: {  	v48 =	vld.idx.msk [tilespmem:v25+s3+$0x0], $0xffff;
	_ =	sdelay $0x4  }
0x4e: {  	[tilespmem:$0xE580] =	vst v48  }
0x4f: {  	v48 =	vld.idx.msk [tilespmem:v26+s3+$0x0], $0xffff;
	_ =	sdelay $0x4  }
0x50: {  	[tilespmem:$0xE590] =	vst v48  }
0x51: {  	v48 =	vld.idx.msk [tilespmem:v27+s3+$0x0], $0xffff;
	_ =	sdelay $0x4  }
0x52: {  	[tilespmem:$0xE5A0] =	vst v48  }
0x53: {  	v48 =	vld.idx.msk [tilespmem:v28+s3+$0x0], $0xffff;
	_ =	sdelay $0x4  }
0x54: {  	[tilespmem:$0xE5B0] =	vst v48  }
0x55: {  	v48 =	vld.idx.msk [tilespmem:v30+s3+$0x0], $0xffff;
	_ =	sdelay $0x4  }
0x56: {  	[tilespmem:$0xE5C0] =	vst v48  }
0x57: {  	v48 =	vld.idx.msk [tilespmem:v31+s3+$0x0], $0xffff;
	_ =	sdelay $0x4  }
0x58: {  	[tilespmem:$0xE5D0] =	vst v48  }
0x59: {  	v48 =	vld.idx.msk [tilespmem:v32+s3+$0x0], $0xffff;
	_ =	sdelay $0x4  }
0x5a: {  	[tilespmem:$0xE5E0] =	vst v48  }
0x5b: {  	v48 =	vld.idx.msk [tilespmem:v33+s3+$0x0], $0xffff;
	_ =	sdelay $0x4  }
0x5c: {  	s11 =	simm.s32 $0x1;
	[tilespmem:$0xE5F0] =	vst v48  }
0x5d: {  	[tilespmem:s24], [sflag:$0x4] =	stream.indirect.gather [hbm4b:s4+s16], $0x20, s23, s16, $0xb8;
	[tilespmem:$0xE600] =	vst v63  }
.LBB2_2:
0x5e: {  	s12 =	simm.s32 $0x0  }
0x5f: {  	v48 =	vadd.s32 s12, v0  }
0x60: {  	_ =	swait.ge [sflag:s25], $0x1000;
	v49 =	vand.u32 $0x1F, v48  }
0x61: {  	p0 =	slt.u32 s11, $0x2;
	[sflag:s25] =	ssyncset.done $0x0;
	v50 =	vor.u32 v29, v49  }
0x62: {  	s12 =	simm.s32 @!p0 $0x5;
	[sflag:s25] =	ssyncadd.s32 $0xFFFFF000  }
0x63: {  	_ =	swait.ge @!p0 [sflag:s12], $0x1000  }
0x64: {  	v48 =	vshll.u32 v48, $0x7;
	[sflag:s12] =	ssyncset.done @!p0 $0x0  }
0x65: {  	v48 =	vand.u32 $0xF80, v48;
	[sflag:s12] =	ssyncadd.s32 @!p0 $0xFFFFF000  }
0x66: {  	v51 =	vor.u32 v0, v48;
	v50 =	vld.idx.msk [tilespmem:v50+s18+$0x0], $0xffff  }
0x67: {  	v52 =	vor.u32 v34, v49;
	_ =	sdelay $0x3  }
0x68: {  	[tilespmem:v51+s26+$0x0] =	vst.idx.msk $0xffff, v50  }
0x69: {  	v60 =	vor.u32 v35, v48;
	v50 =	vld.idx.msk [tilespmem:v52+s18+$0x0], $0xffff  }
0x6a: {  	v61 =	vor.u32 v36, v49;
	_ =	sdelay $0x3  }
0x6b: {  	[tilespmem:v60+s26+$0x0] =	vst.idx.msk $0xffff, v50  }
0x6c: {  	v62 =	vor.u32 v37, v48;
	v50 =	vld.idx.msk [tilespmem:v61+s18+$0x0], $0xffff  }
0x6d: {  	v63 =	vor.u32 v38, v49;
	_ =	sdelay $0x3  }
0x6e: {  	[tilespmem:v62+s26+$0x0] =	vst.idx.msk $0xffff, v50  }
0x6f: {  	v56 =	vor.u32 v39, v48;
	v50 =	vld.idx.msk [tilespmem:v63+s18+$0x0], $0xffff  }
0x70: {  	v57 =	vor.u32 v40, v49;
	_ =	sdelay $0x3  }
0x71: {  	[tilespmem:v56+s26+$0x0] =	vst.idx.msk $0xffff, v50  }
0x72: {  	v58 =	vor.u32 v41, v48;
	v50 =	vld.idx.msk [tilespmem:v57+s18+$0x0], $0xffff  }
0x73: {  	v59 =	vor.u32 v42, v49;
	_ =	sdelay $0x3  }
0x74: {  	[tilespmem:v58+s26+$0x0] =	vst.idx.msk $0xffff, v50  }
0x75: {  	v60 =	vor.u32 v43, v48;
	v50 =	vld.idx.msk [tilespmem:v59+s18+$0x0], $0xffff  }
0x76: {  	v61 =	vor.u32 v44, v49;
	_ =	sdelay $0x3  }
0x77: {  	[tilespmem:v60+s26+$0x0] =	vst.idx.msk $0xffff, v50  }
0x78: {  	v62 =	vor.u32 v45, v48;
	v50 =	vld.idx.msk [tilespmem:v61+s18+$0x0], $0xffff  }
0x79: {  	v63 =	vor.u32 v46, v49;
	_ =	sdelay $0x3  }
0x7a: {  	s13 =	simm.s32 $0x1;
	[tilespmem:v62+s26+$0x0] =	vst.idx.msk $0xffff, v50  }
0x7b: {  	s12 =	sshll.u32 s11, $0x2;
	v49 =	vadd.s32 s13, v0;
	s13 =	simm.s32 $0x2;
	v50 =	vld.idx.msk [tilespmem:v63+s18+$0x0], $0xffff  }
.LBB2_3:
0x7c: {  	p1 =	sne.s32 s13, $0x1F;
	v51 =	vand.u32 $0x1F, v49;
	v48 =	vor.u32 v47, v48  }
0x7d: {  	v52 =	vor.u32 v29, v51;
	_ =	sdelay $0x3  }
0x7e: {  	v49 =	vshll.u32 v49, $0x7;
	[tilespmem:v48+s26+$0x0] =	vst.idx.msk $0xffff, v50  }
0x7f: {  	v48 =	vand.u32 $0xF80, v49;
	v50 =	vld.idx.msk [tilespmem:v52+s18+$0x0], $0xffff  }
0x80: {  	v49 =	vor.u32 v0, v48  }
0x81: {  	v52 =	vor.u32 v34, v51;
	_ =	sdelay $0x3  }
0x82: {  	[tilespmem:v49+s26+$0x0] =	vst.idx.msk $0xffff, v50  }
0x83: {  	v49 =	vld.idx.msk [tilespmem:v52+s18+$0x0], $0xffff  }
0x84: {  	v50 =	vor.u32 v35, v48  }
0x85: {  	v52 =	vor.u32 v36, v51;
	_ =	sdelay $0x3  }
0x86: {  	[tilespmem:v50+s26+$0x0] =	vst.idx.msk $0xffff, v49  }
0x87: {  	v49 =	vld.idx.msk [tilespmem:v52+s18+$0x0], $0xffff  }
0x88: {  	v50 =	vor.u32 v37, v48  }
0x89: {  	v52 =	vor.u32 v38, v51;
	_ =	sdelay $0x3  }
0x8a: {  	[tilespmem:v50+s26+$0x0] =	vst.idx.msk $0xffff, v49  }
0x8b: {  	v49 =	vld.idx.msk [tilespmem:v52+s18+$0x0], $0xffff  }
0x8c: {  	v50 =	vor.u32 v39, v48  }
0x8d: {  	v52 =	vor.u32 v40, v51;
	_ =	sdelay $0x3  }
0x8e: {  	[tilespmem:v50+s26+$0x0] =	vst.idx.msk $0xffff, v49  }
0x8f: {  	v49 =	vld.idx.msk [tilespmem:v52+s18+$0x0], $0xffff  }
0x90: {  	v50 =	vor.u32 v41, v48  }
0x91: {  	v52 =	vor.u32 v42, v51;
	_ =	sdelay $0x3  }
0x92: {  	[tilespmem:v50+s26+$0x0] =	vst.idx.msk $0xffff, v49  }
0x93: {  	v49 =	vld.idx.msk [tilespmem:v52+s18+$0x0], $0xffff  }
0x94: {  	v50 =	vor.u32 v43, v48  }
0x95: {  	v52 =	vor.u32 v44, v51;
	_ =	sdelay $0x3  }
0x96: {  	[tilespmem:v50+s26+$0x0] =	vst.idx.msk $0xffff, v49  }
0x97: {  	v49 =	vld.idx.msk [tilespmem:v52+s18+$0x0], $0xffff  }
0x98: {  	v50 =	vor.u32 v45, v48  }
0x99: {  	v51 =	vor.u32 v46, v51  }
.Ltmp0:
0x9a: {  	(pc) =	sbr.rel @p1 .LBB2_3-.Ltmp0, $3  }
0x9b: {  	_ =	sdelay $0x1  }
0x9c: {  	[tilespmem:v50+s26+$0x0] =	vst.idx.msk $0xffff, v49  }
0x9d: {  	v49 =	vadd.s32 s13, v0;
	s13 =	sadd.s32 $0x1, s13;
	v50 =	vld.idx.msk [tilespmem:v51+s18+$0x0], $0xffff  }
0x9e: {  	v51 =	vand.u32 $0x1F, v49;
	v48 =	vor.u32 v47, v48  }
0x9f: {  	v52 =	vor.u32 v29, v51;
	_ =	sdelay $0x2  }
0xa0: {  	v60 =	vshll.u32 v49, $0x7  }
0xa1: {  	[tilespmem:v48+s26+$0x0] =	vst.idx.msk $0xffff, v50;
	v48 =	vand.u32 $0xF80, v60  }
0xa2: {  	v61 =	vld.idx.msk [tilespmem:v52+s18+$0x0], $0xffff;
	v62 =	vor.u32 v0, v48  }
0xa3: {  	v63 =	vor.u32 v34, v51;
	_ =	sdelay $0x3  }
0xa4: {  	[tilespmem:v62+s26+$0x0] =	vst.idx.msk $0xffff, v61  }
0xa5: {  	v56 =	vor.u32 v35, v48;
	v49 =	vld.idx.msk [tilespmem:v63+s18+$0x0], $0xffff  }
0xa6: {  	v57 =	vor.u32 v36, v51;
	_ =	sdelay $0x3  }
0xa7: {  	[tilespmem:v56+s26+$0x0] =	vst.idx.msk $0xffff, v49  }
0xa8: {  	v58 =	vor.u32 v37, v48;
	v49 =	vld.idx.msk [tilespmem:v57+s18+$0x0], $0xffff  }
0xa9: {  	v59 =	vor.u32 v38, v51;
	_ =	sdelay $0x3  }
0xaa: {  	[tilespmem:v58+s26+$0x0] =	vst.idx.msk $0xffff, v49  }
0xab: {  	v60 =	vor.u32 v39, v48;
	v49 =	vld.idx.msk [tilespmem:v59+s18+$0x0], $0xffff  }
0xac: {  	v61 =	vor.u32 v40, v51;
	_ =	sdelay $0x3  }
0xad: {  	[tilespmem:v60+s26+$0x0] =	vst.idx.msk $0xffff, v49  }
0xae: {  	v62 =	vor.u32 v41, v48;
	v49 =	vld.idx.msk [tilespmem:v61+s18+$0x0], $0xffff  }
0xaf: {  	v63 =	vor.u32 v42, v51;
	_ =	sdelay $0x3  }
0xb0: {  	[tilespmem:v62+s26+$0x0] =	vst.idx.msk $0xffff, v49  }
0xb1: {  	v56 =	vor.u32 v43, v48;
	v49 =	vld.idx.msk [tilespmem:v63+s18+$0x0], $0xffff  }
0xb2: {  	v57 =	vor.u32 v44, v51;
	_ =	sdelay $0x3  }
0xb3: {  	[tilespmem:v56+s26+$0x0] =	vst.idx.msk $0xffff, v49  }
0xb4: {  	v58 =	vor.u32 v45, v48;
	v49 =	vld.idx.msk [tilespmem:v57+s18+$0x0], $0xffff  }
0xb5: {  	v51 =	vor.u32 v46, v51;
	_ =	sdelay $0x3  }
0xb6: {  	[tilespmem:v58+s26+$0x0] =	vst.idx.msk $0xffff, v49  }
0xb7: {  	v48 =	vor.u32 v47, v48;
	v59 =	vmov s12;
	v60 =	vadd.s32 s12, v1;
	v49 =	vld.idx.msk [tilespmem:v51+s18+$0x0], $0xffff  }
0xb8: {  	v50 =	vand.u32 $0x4, v59;
	v51 =	vand.u32 $0x1FF8, v60  }
0xb9: {  	s13 =	sshll.u32 s11, $0x13;
	v51 =	vor.u32 v50, v51  }
0xba: {  	s14 =	sadd.s32 s6, s13  }
0xbb: {  	s14 =	sshrl.u32 s14, $0x3  }
0xbc: {  	s14 =	sadd.s32 s2, s14;
	[tilespmem:v48+s26+$0x0] =	vst.idx.msk $0xffff, v49  }
0xbd: {  	v61 =	vadd.s32 s12, v2;
	[hbm4b:s14+s28] =	stream.strided.scatter [tilespmem:s26], [sflag:$0x5], $0x1000, s29, s28, $0x38;
	[tilespmem:$0xE600] =	vst v63  }
0xbe: {  	v48 =	vand.u32 $0x3FF8, v61;
	v49 =	vld.idx.msk [tilespmem:v51+s3+$0x0], $0xffff  }
0xbf: {  	v48 =	vor.u32 v50, v48;
	_ =	sdelay $0x3  }
0xc0: {  	v62 =	vadd.s32 s12, v3;
	[tilespmem:$0xE400] =	vst v49  }
0xc1: {  	v49 =	vand.u32 $0x7FF8, v62;
	v48 =	vld.idx.msk [tilespmem:v48+s3+$0x0], $0xffff  }
0xc2: {  	v49 =	vor.u32 v50, v49;
	_ =	sdelay $0x3  }
0xc3: {  	v63 =	vadd.s32 s12, v4;
	[tilespmem:$0xE410] =	vst v48  }
0xc4: {  	v48 =	vand.u32 $0x7FF8, v63;
	v49 =	vld.idx.msk [tilespmem:v49+s3+$0x0], $0xffff  }
0xc5: {  	v48 =	vor.u32 v50, v48;
	_ =	sdelay $0x3  }
0xc6: {  	v52 =	vadd.s32 s12, v5;
	[tilespmem:$0xE420] =	vst v49  }
0xc7: {  	v49 =	vand.u32 $0x7FF8, v52;
	v48 =	vld.idx.msk [tilespmem:v48+s3+$0x0], $0xffff  }
0xc8: {  	v49 =	vor.u32 v50, v49;
	_ =	sdelay $0x3  }
0xc9: {  	v53 =	vadd.s32 s12, v6;
	[tilespmem:$0xE430] =	vst v48  }
0xca: {  	v48 =	vand.u32 $0xFFF8, v53;
	v49 =	vld.idx.msk [tilespmem:v49+s3+$0x0], $0xffff  }
0xcb: {  	v48 =	vor.u32 v50, v48;
	_ =	sdelay $0x3  }
0xcc: {  	v54 =	vadd.s32 s12, v7;
	[tilespmem:$0xE440] =	vst v49  }
0xcd: {  	v49 =	vand.u32 $0x7FF8, v54;
	v48 =	vld.idx.msk [tilespmem:v48+s3+$0x0], $0xffff  }
0xce: {  	v49 =	vor.u32 v50, v49;
	_ =	sdelay $0x3  }
0xcf: {  	v55 =	vadd.s32 s12, v8;
	[tilespmem:$0xE450] =	vst v48  }
0xd0: {  	v48 =	vand.u32 $0xFFF8, v55;
	v49 =	vld.idx.msk [tilespmem:v49+s3+$0x0], $0xffff  }
0xd1: {  	v48 =	vor.u32 v50, v48;
	_ =	sdelay $0x3  }
0xd2: {  	[tilespmem:$0xE460] =	vst v49  }
0xd3: {  	v48 =	vld.idx.msk [tilespmem:v48+s3+$0x0], $0xffff;
	_ =	sdelay $0x4  }
0xd4: {  	s15 =	simm.s32 $0x0;
	[tilespmem:$0xE470] =	vst v48  }
0xd5: {  	v56 =	vadd.s32 s15, v0;
	[tilespmem:s18], [sflag:$0x1] =	stream.indirect.gather [hbm4b:s4+s16], $0x20, s17, s16, $0xb8;
	[tilespmem:$0xE600] =	vst v63  }
0xd6: {  	v49 =	vand.u32 $0x1F, v56;
	_ =	swait.ge [sflag:s30], $0x1000  }
0xd7: {  	v57 =	vor.u32 v29, v49;
	[sflag:s30] =	ssyncset.done $0x0  }
0xd8: {  	s14 =	simm.s32 @!p0 $0x6;
	[sflag:s30] =	ssyncadd.s32 $0xFFFFF000  }
0xd9: {  	_ =	swait.ge @!p0 [sflag:s14], $0x1000  }
0xda: {  	v48 =	vshll.u32 v56, $0x7;
	[sflag:s14] =	ssyncset.done @!p0 $0x0  }
0xdb: {  	v48 =	vand.u32 $0xF80, v48;
	[sflag:s14] =	ssyncadd.s32 @!p0 $0xFFFFF000  }
0xdc: {  	v58 =	vor.u32 v0, v48;
	v50 =	vld.idx.msk [tilespmem:v57+s20+$0x0], $0xffff  }
0xdd: {  	v59 =	vor.u32 v34, v49;
	_ =	sdelay $0x3  }
0xde: {  	[tilespmem:v58+s31+$0x0] =	vst.idx.msk $0xffff, v50  }
0xdf: {  	v60 =	vor.u32 v35, v48;
	v50 =	vld.idx.msk [tilespmem:v59+s20+$0x0], $0xffff  }
0xe0: {  	v61 =	vor.u32 v36, v49;
	_ =	sdelay $0x3  }
0xe1: {  	[tilespmem:v60+s31+$0x0] =	vst.idx.msk $0xffff, v50  }
0xe2: {  	v62 =	vor.u32 v37, v48;
	v50 =	vld.idx.msk [tilespmem:v61+s20+$0x0], $0xffff  }
0xe3: {  	v63 =	vor.u32 v38, v49;
	_ =	sdelay $0x3  }
0xe4: {  	[tilespmem:v62+s31+$0x0] =	vst.idx.msk $0xffff, v50  }
0xe5: {  	v56 =	vor.u32 v39, v48;
	v50 =	vld.idx.msk [tilespmem:v63+s20+$0x0], $0xffff  }
0xe6: {  	v57 =	vor.u32 v40, v49;
	_ =	sdelay $0x3  }
0xe7: {  	[tilespmem:v56+s31+$0x0] =	vst.idx.msk $0xffff, v50  }
0xe8: {  	v58 =	vor.u32 v41, v48;
	v50 =	vld.idx.msk [tilespmem:v57+s20+$0x0], $0xffff  }
0xe9: {  	v59 =	vor.u32 v42, v49;
	_ =	sdelay $0x3  }
0xea: {  	[tilespmem:v58+s31+$0x0] =	vst.idx.msk $0xffff, v50  }
0xeb: {  	v60 =	vor.u32 v43, v48;
	v50 =	vld.idx.msk [tilespmem:v59+s20+$0x0], $0xffff  }
0xec: {  	v61 =	vor.u32 v44, v49;
	_ =	sdelay $0x3  }
0xed: {  	[tilespmem:v60+s31+$0x0] =	vst.idx.msk $0xffff, v50  }
0xee: {  	v62 =	vor.u32 v45, v48;
	v50 =	vld.idx.msk [tilespmem:v61+s20+$0x0], $0xffff  }
0xef: {  	v63 =	vor.u32 v46, v49;
	_ =	sdelay $0x3  }
0xf0: {  	s15 =	simm.s32 $0x1;
	[tilespmem:v62+s31+$0x0] =	vst.idx.msk $0xffff, v50  }
0xf1: {  	s14 =	sor.u32 $0x1, s12;
	v49 =	vadd.s32 s15, v0;
	s15 =	simm.s32 $0x2;
	v50 =	vld.idx.msk [tilespmem:v63+s20+$0x0], $0xffff  }
.LBB2_5:
0xf2: {  	p1 =	sne.s32 s15, $0x1F;
	v51 =	vand.u32 $0x1F, v49;
	v48 =	vor.u32 v47, v48  }
0xf3: {  	v52 =	vor.u32 v29, v51;
	_ =	sdelay $0x3  }
0xf4: {  	v49 =	vshll.u32 v49, $0x7;
	[tilespmem:v48+s31+$0x0] =	vst.idx.msk $0xffff, v50  }
0xf5: {  	v48 =	vand.u32 $0xF80, v49;
	v50 =	vld.idx.msk [tilespmem:v52+s20+$0x0], $0xffff  }
0xf6: {  	v49 =	vor.u32 v0, v48  }
0xf7: {  	v52 =	vor.u32 v34, v51;
	_ =	sdelay $0x3  }
0xf8: {  	[tilespmem:v49+s31+$0x0] =	vst.idx.msk $0xffff, v50  }
0xf9: {  	v49 =	vld.idx.msk [tilespmem:v52+s20+$0x0], $0xffff  }
0xfa: {  	v50 =	vor.u32 v35, v48  }
0xfb: {  	v52 =	vor.u32 v36, v51;
	_ =	sdelay $0x3  }
0xfc: {  	[tilespmem:v50+s31+$0x0] =	vst.idx.msk $0xffff, v49  }
0xfd: {  	v49 =	vld.idx.msk [tilespmem:v52+s20+$0x0], $0xffff  }
0xfe: {  	v50 =	vor.u32 v37, v48  }
0xff: {  	v52 =	vor.u32 v38, v51;
	_ =	sdelay $0x3  }
0x100: {  	[tilespmem:v50+s31+$0x0] =	vst.idx.msk $0xffff, v49  }
0x101: {  	v49 =	vld.idx.msk [tilespmem:v52+s20+$0x0], $0xffff  }
0x102: {  	v50 =	vor.u32 v39, v48  }
0x103: {  	v52 =	vor.u32 v40, v51;
	_ =	sdelay $0x3  }
0x104: {  	[tilespmem:v50+s31+$0x0] =	vst.idx.msk $0xffff, v49  }
0x105: {  	v49 =	vld.idx.msk [tilespmem:v52+s20+$0x0], $0xffff  }
0x106: {  	v50 =	vor.u32 v41, v48  }
0x107: {  	v52 =	vor.u32 v42, v51;
	_ =	sdelay $0x3  }
0x108: {  	[tilespmem:v50+s31+$0x0] =	vst.idx.msk $0xffff, v49  }
0x109: {  	v49 =	vld.idx.msk [tilespmem:v52+s20+$0x0], $0xffff  }
0x10a: {  	v50 =	vor.u32 v43, v48  }
0x10b: {  	v52 =	vor.u32 v44, v51;
	_ =	sdelay $0x3  }
0x10c: {  	[tilespmem:v50+s31+$0x0] =	vst.idx.msk $0xffff, v49  }
0x10d: {  	v49 =	vld.idx.msk [tilespmem:v52+s20+$0x0], $0xffff  }
0x10e: {  	v50 =	vor.u32 v45, v48  }
0x10f: {  	v51 =	vor.u32 v46, v51  }
.Ltmp1:
0x110: {  	(pc) =	sbr.rel @p1 .LBB2_5-.Ltmp1, $3  }
0x111: {  	_ =	sdelay $0x1  }
0x112: {  	[tilespmem:v50+s31+$0x0] =	vst.idx.msk $0xffff, v49  }
0x113: {  	v49 =	vadd.s32 s15, v0;
	s15 =	sadd.s32 $0x1, s15;
	v50 =	vld.idx.msk [tilespmem:v51+s20+$0x0], $0xffff  }
0x114: {  	v51 =	vand.u32 $0x1F, v49;
	v48 =	vor.u32 v47, v48  }
0x115: {  	v52 =	vor.u32 v29, v51;
	_ =	sdelay $0x2  }
0x116: {  	v60 =	vshll.u32 v49, $0x7  }
0x117: {  	[tilespmem:v48+s31+$0x0] =	vst.idx.msk $0xffff, v50;
	v48 =	vand.u32 $0xF80, v60  }
0x118: {  	v61 =	vld.idx.msk [tilespmem:v52+s20+$0x0], $0xffff;
	v62 =	vor.u32 v0, v48  }
0x119: {  	v63 =	vor.u32 v34, v51;
	_ =	sdelay $0x3  }
0x11a: {  	[tilespmem:v62+s31+$0x0] =	vst.idx.msk $0xffff, v61  }
0x11b: {  	v56 =	vor.u32 v35, v48;
	v49 =	vld.idx.msk [tilespmem:v63+s20+$0x0], $0xffff  }
0x11c: {  	v57 =	vor.u32 v36, v51;
	_ =	sdelay $0x3  }
0x11d: {  	[tilespmem:v56+s31+$0x0] =	vst.idx.msk $0xffff, v49  }
0x11e: {  	v58 =	vor.u32 v37, v48;
	v49 =	vld.idx.msk [tilespmem:v57+s20+$0x0], $0xffff  }
0x11f: {  	v59 =	vor.u32 v38, v51;
	_ =	sdelay $0x3  }
0x120: {  	[tilespmem:v58+s31+$0x0] =	vst.idx.msk $0xffff, v49  }
0x121: {  	v60 =	vor.u32 v39, v48;
	v49 =	vld.idx.msk [tilespmem:v59+s20+$0x0], $0xffff  }
0x122: {  	v61 =	vor.u32 v40, v51;
	_ =	sdelay $0x3  }
0x123: {  	[tilespmem:v60+s31+$0x0] =	vst.idx.msk $0xffff, v49  }
0x124: {  	v62 =	vor.u32 v41, v48;
	v49 =	vld.idx.msk [tilespmem:v61+s20+$0x0], $0xffff  }
0x125: {  	v63 =	vor.u32 v42, v51;
	_ =	sdelay $0x3  }
0x126: {  	[tilespmem:v62+s31+$0x0] =	vst.idx.msk $0xffff, v49  }
0x127: {  	v56 =	vor.u32 v43, v48;
	v49 =	vld.idx.msk [tilespmem:v63+s20+$0x0], $0xffff  }
0x128: {  	v57 =	vor.u32 v44, v51;
	_ =	sdelay $0x3  }
0x129: {  	[tilespmem:v56+s31+$0x0] =	vst.idx.msk $0xffff, v49  }
0x12a: {  	v58 =	vor.u32 v45, v48;
	v49 =	vld.idx.msk [tilespmem:v57+s20+$0x0], $0xffff  }
0x12b: {  	v51 =	vor.u32 v46, v51;
	_ =	sdelay $0x3  }
0x12c: {  	[tilespmem:v58+s31+$0x0] =	vst.idx.msk $0xffff, v49  }
0x12d: {  	v48 =	vor.u32 v47, v48;
	v59 =	vmov s14;
	v60 =	vadd.s32 s14, v1;
	v49 =	vld.idx.msk [tilespmem:v51+s20+$0x0], $0xffff  }
0x12e: {  	v50 =	vand.u32 $0x5, v59;
	v51 =	vand.u32 $0x1FF8, v60  }
0x12f: {  	v51 =	vor.u32 v50, v51  }
0x130: {  	s15 =	sadd.s32 s7, s13  }
0x131: {  	s15 =	sshrl.u32 s15, $0x3  }
0x132: {  	s15 =	sadd.s32 s2, s15;
	[tilespmem:v48+s31+$0x0] =	vst.idx.msk $0xffff, v49  }
0x133: {  	v61 =	vadd.s32 s14, v2;
	[hbm4b:s15+s28] =	stream.strided.scatter [tilespmem:s31], [sflag:$0x6], $0x1000, s29, s28, $0x38;
	[tilespmem:$0xE600] =	vst v63  }
0x134: {  	v48 =	vand.u32 $0x3FF8, v61;
	v49 =	vld.idx.msk [tilespmem:v51+s3+$0x0], $0xffff  }
0x135: {  	v48 =	vor.u32 v50, v48;
	_ =	sdelay $0x3  }
0x136: {  	v62 =	vadd.s32 s14, v3;
	[tilespmem:$0xE480] =	vst v49  }
0x137: {  	v49 =	vand.u32 $0x7FF8, v62;
	v48 =	vld.idx.msk [tilespmem:v48+s3+$0x0], $0xffff  }
0x138: {  	v49 =	vor.u32 v50, v49;
	_ =	sdelay $0x3  }
0x139: {  	v63 =	vadd.s32 s14, v4;
	[tilespmem:$0xE490] =	vst v48  }
0x13a: {  	v48 =	vand.u32 $0x7FF8, v63;
	v49 =	vld.idx.msk [tilespmem:v49+s3+$0x0], $0xffff  }
0x13b: {  	v48 =	vor.u32 v50, v48;
	_ =	sdelay $0x3  }
0x13c: {  	v52 =	vadd.s32 s14, v5;
	[tilespmem:$0xE4A0] =	vst v49  }
0x13d: {  	v49 =	vand.u32 $0x7FF8, v52;
	v48 =	vld.idx.msk [tilespmem:v48+s3+$0x0], $0xffff  }
0x13e: {  	v49 =	vor.u32 v50, v49;
	_ =	sdelay $0x3  }
0x13f: {  	v53 =	vadd.s32 s14, v6;
	[tilespmem:$0xE4B0] =	vst v48  }
0x140: {  	v48 =	vand.u32 $0xFFF8, v53;
	v49 =	vld.idx.msk [tilespmem:v49+s3+$0x0], $0xffff  }
0x141: {  	v48 =	vor.u32 v50, v48;
	_ =	sdelay $0x3  }
0x142: {  	v54 =	vadd.s32 s14, v7;
	[tilespmem:$0xE4C0] =	vst v49  }
0x143: {  	v49 =	vand.u32 $0x7FF8, v54;
	v48 =	vld.idx.msk [tilespmem:v48+s3+$0x0], $0xffff  }
0x144: {  	v49 =	vor.u32 v50, v49;
	_ =	sdelay $0x3  }
0x145: {  	v55 =	vadd.s32 s14, v8;
	[tilespmem:$0xE4D0] =	vst v48  }
0x146: {  	v48 =	vand.u32 $0xFFF8, v55;
	v49 =	vld.idx.msk [tilespmem:v49+s3+$0x0], $0xffff  }
0x147: {  	v48 =	vor.u32 v50, v48;
	_ =	sdelay $0x3  }
0x148: {  	[tilespmem:$0xE4E0] =	vst v49  }
0x149: {  	v48 =	vld.idx.msk [tilespmem:v48+s3+$0x0], $0xffff;
	_ =	sdelay $0x4  }
0x14a: {  	s15 =	simm.s32 $0x0;
	[tilespmem:$0xE4F0] =	vst v48  }
0x14b: {  	v56 =	vadd.s32 s15, v0;
	[tilespmem:s20], [sflag:$0x2] =	stream.indirect.gather [hbm4b:s4+s16], $0x20, s19, s16, $0xb8;
	[tilespmem:$0xE600] =	vst v63  }
0x14c: {  	v49 =	vand.u32 $0x1F, v56;
	_ =	swait.ge [sflag:s1], $0x1000  }
0x14d: {  	v57 =	vor.u32 v29, v49;
	[sflag:s1] =	ssyncset.done $0x0  }
0x14e: {  	s14 =	simm.s32 @!p0 $0x7;
	[sflag:s1] =	ssyncadd.s32 $0xFFFFF000  }
0x14f: {  	_ =	swait.ge @!p0 [sflag:s14], $0x1000  }
0x150: {  	v48 =	vshll.u32 v56, $0x7;
	[sflag:s14] =	ssyncset.done @!p0 $0x0  }
0x151: {  	v48 =	vand.u32 $0xF80, v48;
	[sflag:s14] =	ssyncadd.s32 @!p0 $0xFFFFF000  }
0x152: {  	v58 =	vor.u32 v0, v48;
	v50 =	vld.idx.msk [tilespmem:v57+s22+$0x0], $0xffff  }
0x153: {  	v59 =	vor.u32 v34, v49;
	_ =	sdelay $0x3  }
0x154: {  	[tilespmem:v58+s0+$0x0] =	vst.idx.msk $0xffff, v50  }
0x155: {  	v60 =	vor.u32 v35, v48;
	v50 =	vld.idx.msk [tilespmem:v59+s22+$0x0], $0xffff  }
0x156: {  	v61 =	vor.u32 v36, v49;
	_ =	sdelay $0x3  }
0x157: {  	[tilespmem:v60+s0+$0x0] =	vst.idx.msk $0xffff, v50  }
0x158: {  	v62 =	vor.u32 v37, v48;
	v50 =	vld.idx.msk [tilespmem:v61+s22+$0x0], $0xffff  }
0x159: {  	v63 =	vor.u32 v38, v49;
	_ =	sdelay $0x3  }
0x15a: {  	[tilespmem:v62+s0+$0x0] =	vst.idx.msk $0xffff, v50  }
0x15b: {  	v56 =	vor.u32 v39, v48;
	v50 =	vld.idx.msk [tilespmem:v63+s22+$0x0], $0xffff  }
0x15c: {  	v57 =	vor.u32 v40, v49;
	_ =	sdelay $0x3  }
0x15d: {  	[tilespmem:v56+s0+$0x0] =	vst.idx.msk $0xffff, v50  }
0x15e: {  	v58 =	vor.u32 v41, v48;
	v50 =	vld.idx.msk [tilespmem:v57+s22+$0x0], $0xffff  }
0x15f: {  	v59 =	vor.u32 v42, v49;
	_ =	sdelay $0x3  }
0x160: {  	[tilespmem:v58+s0+$0x0] =	vst.idx.msk $0xffff, v50  }
0x161: {  	v60 =	vor.u32 v43, v48;
	v50 =	vld.idx.msk [tilespmem:v59+s22+$0x0], $0xffff  }
0x162: {  	v61 =	vor.u32 v44, v49;
	_ =	sdelay $0x3  }
0x163: {  	[tilespmem:v60+s0+$0x0] =	vst.idx.msk $0xffff, v50  }
0x164: {  	v62 =	vor.u32 v45, v48;
	v50 =	vld.idx.msk [tilespmem:v61+s22+$0x0], $0xffff  }
0x165: {  	v63 =	vor.u32 v46, v49;
	_ =	sdelay $0x3  }
0x166: {  	s15 =	simm.s32 $0x1;
	[tilespmem:v62+s0+$0x0] =	vst.idx.msk $0xffff, v50  }
0x167: {  	s14 =	sor.u32 $0x2, s12;
	v49 =	vadd.s32 s15, v0;
	s15 =	simm.s32 $0x2;
	v50 =	vld.idx.msk [tilespmem:v63+s22+$0x0], $0xffff  }
.LBB2_7:
0x168: {  	p1 =	sne.s32 s15, $0x1F;
	v51 =	vand.u32 $0x1F, v49;
	v48 =	vor.u32 v47, v48  }
0x169: {  	v52 =	vor.u32 v29, v51;
	_ =	sdelay $0x3  }
0x16a: {  	v49 =	vshll.u32 v49, $0x7;
	[tilespmem:v48+s0+$0x0] =	vst.idx.msk $0xffff, v50  }
0x16b: {  	v48 =	vand.u32 $0xF80, v49;
	v50 =	vld.idx.msk [tilespmem:v52+s22+$0x0], $0xffff  }
0x16c: {  	v49 =	vor.u32 v0, v48  }
0x16d: {  	v52 =	vor.u32 v34, v51;
	_ =	sdelay $0x3  }
0x16e: {  	[tilespmem:v49+s0+$0x0] =	vst.idx.msk $0xffff, v50  }
0x16f: {  	v49 =	vld.idx.msk [tilespmem:v52+s22+$0x0], $0xffff  }
0x170: {  	v50 =	vor.u32 v35, v48  }
0x171: {  	v52 =	vor.u32 v36, v51;
	_ =	sdelay $0x3  }
0x172: {  	[tilespmem:v50+s0+$0x0] =	vst.idx.msk $0xffff, v49  }
0x173: {  	v49 =	vld.idx.msk [tilespmem:v52+s22+$0x0], $0xffff  }
0x174: {  	v50 =	vor.u32 v37, v48  }
0x175: {  	v52 =	vor.u32 v38, v51;
	_ =	sdelay $0x3  }
0x176: {  	[tilespmem:v50+s0+$0x0] =	vst.idx.msk $0xffff, v49  }
0x177: {  	v49 =	vld.idx.msk [tilespmem:v52+s22+$0x0], $0xffff  }
0x178: {  	v50 =	vor.u32 v39, v48  }
0x179: {  	v52 =	vor.u32 v40, v51;
	_ =	sdelay $0x3  }
0x17a: {  	[tilespmem:v50+s0+$0x0] =	vst.idx.msk $0xffff, v49  }
0x17b: {  	v49 =	vld.idx.msk [tilespmem:v52+s22+$0x0], $0xffff  }
0x17c: {  	v50 =	vor.u32 v41, v48  }
0x17d: {  	v52 =	vor.u32 v42, v51;
	_ =	sdelay $0x3  }
0x17e: {  	[tilespmem:v50+s0+$0x0] =	vst.idx.msk $0xffff, v49  }
0x17f: {  	v49 =	vld.idx.msk [tilespmem:v52+s22+$0x0], $0xffff  }
0x180: {  	v50 =	vor.u32 v43, v48  }
0x181: {  	v52 =	vor.u32 v44, v51;
	_ =	sdelay $0x3  }
0x182: {  	[tilespmem:v50+s0+$0x0] =	vst.idx.msk $0xffff, v49  }
0x183: {  	v49 =	vld.idx.msk [tilespmem:v52+s22+$0x0], $0xffff  }
0x184: {  	v50 =	vor.u32 v45, v48  }
0x185: {  	v51 =	vor.u32 v46, v51  }
.Ltmp2:
0x186: {  	(pc) =	sbr.rel @p1 .LBB2_7-.Ltmp2, $3  }
0x187: {  	_ =	sdelay $0x1  }
0x188: {  	[tilespmem:v50+s0+$0x0] =	vst.idx.msk $0xffff, v49  }
0x189: {  	v49 =	vadd.s32 s15, v0;
	s15 =	sadd.s32 $0x1, s15;
	v50 =	vld.idx.msk [tilespmem:v51+s22+$0x0], $0xffff  }
0x18a: {  	v51 =	vand.u32 $0x1F, v49;
	v48 =	vor.u32 v47, v48  }
0x18b: {  	v52 =	vor.u32 v29, v51;
	_ =	sdelay $0x2  }
0x18c: {  	v60 =	vshll.u32 v49, $0x7  }
0x18d: {  	[tilespmem:v48+s0+$0x0] =	vst.idx.msk $0xffff, v50;
	v48 =	vand.u32 $0xF80, v60  }
0x18e: {  	v61 =	vld.idx.msk [tilespmem:v52+s22+$0x0], $0xffff;
	v62 =	vor.u32 v0, v48  }
0x18f: {  	v63 =	vor.u32 v34, v51;
	_ =	sdelay $0x3  }
0x190: {  	[tilespmem:v62+s0+$0x0] =	vst.idx.msk $0xffff, v61  }
0x191: {  	v56 =	vor.u32 v35, v48;
	v49 =	vld.idx.msk [tilespmem:v63+s22+$0x0], $0xffff  }
0x192: {  	v57 =	vor.u32 v36, v51;
	_ =	sdelay $0x3  }
0x193: {  	[tilespmem:v56+s0+$0x0] =	vst.idx.msk $0xffff, v49  }
0x194: {  	v58 =	vor.u32 v37, v48;
	v49 =	vld.idx.msk [tilespmem:v57+s22+$0x0], $0xffff  }
0x195: {  	v59 =	vor.u32 v38, v51;
	_ =	sdelay $0x3  }
0x196: {  	[tilespmem:v58+s0+$0x0] =	vst.idx.msk $0xffff, v49  }
0x197: {  	v60 =	vor.u32 v39, v48;
	v49 =	vld.idx.msk [tilespmem:v59+s22+$0x0], $0xffff  }
0x198: {  	v61 =	vor.u32 v40, v51;
	_ =	sdelay $0x3  }
0x199: {  	[tilespmem:v60+s0+$0x0] =	vst.idx.msk $0xffff, v49  }
0x19a: {  	v62 =	vor.u32 v41, v48;
	v49 =	vld.idx.msk [tilespmem:v61+s22+$0x0], $0xffff  }
0x19b: {  	v63 =	vor.u32 v42, v51;
	_ =	sdelay $0x3  }
0x19c: {  	[tilespmem:v62+s0+$0x0] =	vst.idx.msk $0xffff, v49  }
0x19d: {  	v56 =	vor.u32 v43, v48;
	v49 =	vld.idx.msk [tilespmem:v63+s22+$0x0], $0xffff  }
0x19e: {  	v57 =	vor.u32 v44, v51;
	_ =	sdelay $0x3  }
0x19f: {  	[tilespmem:v56+s0+$0x0] =	vst.idx.msk $0xffff, v49  }
0x1a0: {  	v58 =	vor.u32 v45, v48;
	v49 =	vld.idx.msk [tilespmem:v57+s22+$0x0], $0xffff  }
0x1a1: {  	v51 =	vor.u32 v46, v51;
	_ =	sdelay $0x3  }
0x1a2: {  	[tilespmem:v58+s0+$0x0] =	vst.idx.msk $0xffff, v49  }
0x1a3: {  	v48 =	vor.u32 v47, v48;
	v59 =	vmov s14;
	v60 =	vadd.s32 s14, v1;
	v49 =	vld.idx.msk [tilespmem:v51+s22+$0x0], $0xffff  }
0x1a4: {  	v50 =	vand.u32 $0x6, v59;
	v51 =	vand.u32 $0x1FF8, v60  }
0x1a5: {  	v51 =	vor.u32 v50, v51  }
0x1a6: {  	s15 =	sadd.s32 s8, s13  }
0x1a7: {  	s15 =	sshrl.u32 s15, $0x3  }
0x1a8: {  	s15 =	sadd.s32 s2, s15;
	[tilespmem:v48+s0+$0x0] =	vst.idx.msk $0xffff, v49  }
0x1a9: {  	v61 =	vadd.s32 s14, v2;
	[hbm4b:s15+s28] =	stream.strided.scatter [tilespmem:s0], [sflag:$0x7], $0x1000, s29, s28, $0x38;
	[tilespmem:$0xE600] =	vst v63  }
0x1aa: {  	v48 =	vand.u32 $0x3FF8, v61;
	v49 =	vld.idx.msk [tilespmem:v51+s3+$0x0], $0xffff  }
0x1ab: {  	v48 =	vor.u32 v50, v48;
	_ =	sdelay $0x3  }
0x1ac: {  	v62 =	vadd.s32 s14, v3;
	[tilespmem:$0xE500] =	vst v49  }
0x1ad: {  	v49 =	vand.u32 $0x7FF8, v62;
	v48 =	vld.idx.msk [tilespmem:v48+s3+$0x0], $0xffff  }
0x1ae: {  	v49 =	vor.u32 v50, v49;
	_ =	sdelay $0x3  }
0x1af: {  	v63 =	vadd.s32 s14, v4;
	[tilespmem:$0xE510] =	vst v48  }
0x1b0: {  	v48 =	vand.u32 $0x7FF8, v63;
	v49 =	vld.idx.msk [tilespmem:v49+s3+$0x0], $0xffff  }
0x1b1: {  	v48 =	vor.u32 v50, v48;
	_ =	sdelay $0x3  }
0x1b2: {  	v52 =	vadd.s32 s14, v5;
	[tilespmem:$0xE520] =	vst v49  }
0x1b3: {  	v49 =	vand.u32 $0x7FF8, v52;
	v48 =	vld.idx.msk [tilespmem:v48+s3+$0x0], $0xffff  }
0x1b4: {  	v49 =	vor.u32 v50, v49;
	_ =	sdelay $0x3  }
0x1b5: {  	v53 =	vadd.s32 s14, v6;
	[tilespmem:$0xE530] =	vst v48  }
0x1b6: {  	v48 =	vand.u32 $0xFFF8, v53;
	v49 =	vld.idx.msk [tilespmem:v49+s3+$0x0], $0xffff  }
0x1b7: {  	v48 =	vor.u32 v50, v48;
	_ =	sdelay $0x3  }
0x1b8: {  	v54 =	vadd.s32 s14, v7;
	[tilespmem:$0xE540] =	vst v49  }
0x1b9: {  	v49 =	vand.u32 $0x7FF8, v54;
	v48 =	vld.idx.msk [tilespmem:v48+s3+$0x0], $0xffff  }
0x1ba: {  	v49 =	vor.u32 v50, v49;
	_ =	sdelay $0x3  }
0x1bb: {  	v55 =	vadd.s32 s14, v8;
	[tilespmem:$0xE550] =	vst v48  }
0x1bc: {  	v48 =	vand.u32 $0xFFF8, v55;
	v49 =	vld.idx.msk [tilespmem:v49+s3+$0x0], $0xffff  }
0x1bd: {  	v48 =	vor.u32 v50, v48;
	_ =	sdelay $0x3  }
0x1be: {  	[tilespmem:$0xE560] =	vst v49  }
0x1bf: {  	v48 =	vld.idx.msk [tilespmem:v48+s3+$0x0], $0xffff;
	_ =	sdelay $0x4  }
0x1c0: {  	s15 =	simm.s32 $0x0;
	[tilespmem:$0xE570] =	vst v48  }
0x1c1: {  	v56 =	vadd.s32 s15, v0;
	[tilespmem:s22], [sflag:$0x3] =	stream.indirect.gather [hbm4b:s4+s16], $0x20, s21, s16, $0xb8;
	[tilespmem:$0xE600] =	vst v63  }
0x1c2: {  	v49 =	vand.u32 $0x1F, v56;
	_ =	swait.ge [sflag:s5], $0x1000  }
0x1c3: {  	v57 =	vor.u32 v29, v49;
	[sflag:s5] =	ssyncset.done $0x0  }
0x1c4: {  	s14 =	simm.s32 @!p0 $0x8;
	[sflag:s5] =	ssyncadd.s32 $0xFFFFF000  }
0x1c5: {  	_ =	swait.ge @!p0 [sflag:s14], $0x1000  }
0x1c6: {  	v48 =	vshll.u32 v56, $0x7;
	[sflag:s14] =	ssyncset.done @!p0 $0x0  }
0x1c7: {  	v48 =	vand.u32 $0xF80, v48;
	[sflag:s14] =	ssyncadd.s32 @!p0 $0xFFFFF000  }
0x1c8: {  	v58 =	vor.u32 v0, v48;
	v50 =	vld.idx.msk [tilespmem:v57+s24+$0x0], $0xffff  }
0x1c9: {  	v59 =	vor.u32 v34, v49;
	_ =	sdelay $0x3  }
0x1ca: {  	[tilespmem:v58+s10+$0x0] =	vst.idx.msk $0xffff, v50  }
0x1cb: {  	v60 =	vor.u32 v35, v48;
	v50 =	vld.idx.msk [tilespmem:v59+s24+$0x0], $0xffff  }
0x1cc: {  	v61 =	vor.u32 v36, v49;
	_ =	sdelay $0x3  }
0x1cd: {  	[tilespmem:v60+s10+$0x0] =	vst.idx.msk $0xffff, v50  }
0x1ce: {  	v62 =	vor.u32 v37, v48;
	v50 =	vld.idx.msk [tilespmem:v61+s24+$0x0], $0xffff  }
0x1cf: {  	v63 =	vor.u32 v38, v49;
	_ =	sdelay $0x3  }
0x1d0: {  	[tilespmem:v62+s10+$0x0] =	vst.idx.msk $0xffff, v50  }
0x1d1: {  	v56 =	vor.u32 v39, v48;
	v50 =	vld.idx.msk [tilespmem:v63+s24+$0x0], $0xffff  }
0x1d2: {  	v57 =	vor.u32 v40, v49;
	_ =	sdelay $0x3  }
0x1d3: {  	[tilespmem:v56+s10+$0x0] =	vst.idx.msk $0xffff, v50  }
0x1d4: {  	v58 =	vor.u32 v41, v48;
	v50 =	vld.idx.msk [tilespmem:v57+s24+$0x0], $0xffff  }
0x1d5: {  	v59 =	vor.u32 v42, v49;
	_ =	sdelay $0x3  }
0x1d6: {  	[tilespmem:v58+s10+$0x0] =	vst.idx.msk $0xffff, v50  }
0x1d7: {  	v60 =	vor.u32 v43, v48;
	v50 =	vld.idx.msk [tilespmem:v59+s24+$0x0], $0xffff  }
0x1d8: {  	v61 =	vor.u32 v44, v49;
	_ =	sdelay $0x3  }
0x1d9: {  	[tilespmem:v60+s10+$0x0] =	vst.idx.msk $0xffff, v50  }
0x1da: {  	v62 =	vor.u32 v45, v48;
	v50 =	vld.idx.msk [tilespmem:v61+s24+$0x0], $0xffff  }
0x1db: {  	v63 =	vor.u32 v46, v49;
	_ =	sdelay $0x3  }
0x1dc: {  	s15 =	simm.s32 $0x1;
	[tilespmem:v62+s10+$0x0] =	vst.idx.msk $0xffff, v50  }
0x1dd: {  	s12 =	sor.u32 $0x3, s12;
	s14 =	simm.s32 $0x2;
	v49 =	vadd.s32 s15, v0;
	v50 =	vld.idx.msk [tilespmem:v63+s24+$0x0], $0xffff  }
.LBB2_9:
0x1de: {  	p0 =	sne.s32 s14, $0x1F;
	v51 =	vand.u32 $0x1F, v49;
	v48 =	vor.u32 v47, v48  }
0x1df: {  	v52 =	vor.u32 v29, v51;
	_ =	sdelay $0x3  }
0x1e0: {  	v49 =	vshll.u32 v49, $0x7;
	[tilespmem:v48+s10+$0x0] =	vst.idx.msk $0xffff, v50  }
0x1e1: {  	v48 =	vand.u32 $0xF80, v49;
	v50 =	vld.idx.msk [tilespmem:v52+s24+$0x0], $0xffff  }
0x1e2: {  	v49 =	vor.u32 v0, v48  }
0x1e3: {  	v52 =	vor.u32 v34, v51;
	_ =	sdelay $0x3  }
0x1e4: {  	[tilespmem:v49+s10+$0x0] =	vst.idx.msk $0xffff, v50  }
0x1e5: {  	v49 =	vld.idx.msk [tilespmem:v52+s24+$0x0], $0xffff  }
0x1e6: {  	v50 =	vor.u32 v35, v48  }
0x1e7: {  	v52 =	vor.u32 v36, v51;
	_ =	sdelay $0x3  }
0x1e8: {  	[tilespmem:v50+s10+$0x0] =	vst.idx.msk $0xffff, v49  }
0x1e9: {  	v49 =	vld.idx.msk [tilespmem:v52+s24+$0x0], $0xffff  }
0x1ea: {  	v50 =	vor.u32 v37, v48  }
0x1eb: {  	v52 =	vor.u32 v38, v51;
	_ =	sdelay $0x3  }
0x1ec: {  	[tilespmem:v50+s10+$0x0] =	vst.idx.msk $0xffff, v49  }
0x1ed: {  	v49 =	vld.idx.msk [tilespmem:v52+s24+$0x0], $0xffff  }
0x1ee: {  	v50 =	vor.u32 v39, v48  }
0x1ef: {  	v52 =	vor.u32 v40, v51;
	_ =	sdelay $0x3  }
0x1f0: {  	[tilespmem:v50+s10+$0x0] =	vst.idx.msk $0xffff, v49  }
0x1f1: {  	v49 =	vld.idx.msk [tilespmem:v52+s24+$0x0], $0xffff  }
0x1f2: {  	v50 =	vor.u32 v41, v48  }
0x1f3: {  	v52 =	vor.u32 v42, v51;
	_ =	sdelay $0x3  }
0x1f4: {  	[tilespmem:v50+s10+$0x0] =	vst.idx.msk $0xffff, v49  }
0x1f5: {  	v49 =	vld.idx.msk [tilespmem:v52+s24+$0x0], $0xffff  }
0x1f6: {  	v50 =	vor.u32 v43, v48  }
0x1f7: {  	v52 =	vor.u32 v44, v51;
	_ =	sdelay $0x3  }
0x1f8: {  	[tilespmem:v50+s10+$0x0] =	vst.idx.msk $0xffff, v49  }
0x1f9: {  	v49 =	vld.idx.msk [tilespmem:v52+s24+$0x0], $0xffff  }
0x1fa: {  	v50 =	vor.u32 v45, v48  }
0x1fb: {  	v51 =	vor.u32 v46, v51  }
.Ltmp3:
0x1fc: {  	(pc) =	sbr.rel @p0 .LBB2_9-.Ltmp3, $3  }
0x1fd: {  	_ =	sdelay $0x1  }
0x1fe: {  	[tilespmem:v50+s10+$0x0] =	vst.idx.msk $0xffff, v49  }
0x1ff: {  	v49 =	vadd.s32 s14, v0;
	s14 =	sadd.s32 $0x1, s14;
	v50 =	vld.idx.msk [tilespmem:v51+s24+$0x0], $0xffff  }
0x200: {  	v51 =	vand.u32 $0x1F, v49;
	v48 =	vor.u32 v47, v48  }
0x201: {  	v52 =	vor.u32 v29, v51;
	_ =	sdelay $0x2  }
0x202: {  	v58 =	vshll.u32 v49, $0x7  }
0x203: {  	[tilespmem:v48+s10+$0x0] =	vst.idx.msk $0xffff, v50;
	v48 =	vand.u32 $0xF80, v58  }
0x204: {  	v59 =	vld.idx.msk [tilespmem:v52+s24+$0x0], $0xffff;
	v60 =	vor.u32 v0, v48  }
0x205: {  	v61 =	vor.u32 v34, v51;
	_ =	sdelay $0x3  }
0x206: {  	[tilespmem:v60+s10+$0x0] =	vst.idx.msk $0xffff, v59  }
0x207: {  	v62 =	vor.u32 v35, v48;
	v49 =	vld.idx.msk [tilespmem:v61+s24+$0x0], $0xffff  }
0x208: {  	v63 =	vor.u32 v36, v51;
	_ =	sdelay $0x3  }
0x209: {  	[tilespmem:v62+s10+$0x0] =	vst.idx.msk $0xffff, v49  }
0x20a: {  	v56 =	vor.u32 v37, v48;
	v49 =	vld.idx.msk [tilespmem:v63+s24+$0x0], $0xffff  }
0x20b: {  	v57 =	vor.u32 v38, v51;
	_ =	sdelay $0x3  }
0x20c: {  	[tilespmem:v56+s10+$0x0] =	vst.idx.msk $0xffff, v49  }
0x20d: {  	v58 =	vor.u32 v39, v48;
	v49 =	vld.idx.msk [tilespmem:v57+s24+$0x0], $0xffff  }
0x20e: {  	v59 =	vor.u32 v40, v51;
	_ =	sdelay $0x3  }
0x20f: {  	[tilespmem:v58+s10+$0x0] =	vst.idx.msk $0xffff, v49  }
0x210: {  	v60 =	vor.u32 v41, v48;
	v49 =	vld.idx.msk [tilespmem:v59+s24+$0x0], $0xffff  }
0x211: {  	v61 =	vor.u32 v42, v51;
	_ =	sdelay $0x3  }
0x212: {  	[tilespmem:v60+s10+$0x0] =	vst.idx.msk $0xffff, v49  }
0x213: {  	v62 =	vor.u32 v43, v48;
	v49 =	vld.idx.msk [tilespmem:v61+s24+$0x0], $0xffff  }
0x214: {  	v63 =	vor.u32 v44, v51;
	_ =	sdelay $0x3  }
0x215: {  	[tilespmem:v62+s10+$0x0] =	vst.idx.msk $0xffff, v49  }
0x216: {  	v55 =	vor.u32 v45, v48;
	v49 =	vld.idx.msk [tilespmem:v63+s24+$0x0], $0xffff  }
0x217: {  	v51 =	vor.u32 v46, v51;
	_ =	sdelay $0x3  }
0x218: {  	[tilespmem:v55+s10+$0x0] =	vst.idx.msk $0xffff, v49  }
0x219: {  	v48 =	vor.u32 v47, v48;
	v49 =	vld.idx.msk [tilespmem:v51+s24+$0x0], $0xffff;
	_ =	sdelay $0x1  }
0x21a: {  	v56 =	vadd.s32 s12, v1  }
0x21b: {  	s13 =	sadd.s32 s9, s13  }
0x21c: {  	s13 =	sshrl.u32 s13, $0x3  }
0x21d: {  	s13 =	sadd.s32 s2, s13;
	[tilespmem:v48+s10+$0x0] =	vst.idx.msk $0xffff, v49  }
0x21e: {  	[hbm4b:s13+s28] =	stream.strided.scatter [tilespmem:s10], [sflag:$0x8], $0x1000, s29, s28, $0x38;
	[tilespmem:$0xE600] =	vst v63  }
0x21f: {  	v48 =	vld.idx.msk [tilespmem:v56+s3+$0x0], $0xffff  }
0x220: {  	v57 =	vadd.s32 s12, v2;
	_ =	sdelay $0x3  }
0x221: {  	[tilespmem:$0xE580] =	vst v48  }
0x222: {  	v48 =	vld.idx.msk [tilespmem:v57+s3+$0x0], $0xffff  }
0x223: {  	v58 =	vadd.s32 s12, v3;
	_ =	sdelay $0x3  }
0x224: {  	[tilespmem:$0xE590] =	vst v48  }
0x225: {  	v48 =	vld.idx.msk [tilespmem:v58+s3+$0x0], $0xffff  }
0x226: {  	v59 =	vadd.s32 s12, v4;
	_ =	sdelay $0x3  }
0x227: {  	[tilespmem:$0xE5A0] =	vst v48  }
0x228: {  	v48 =	vld.idx.msk [tilespmem:v59+s3+$0x0], $0xffff  }
0x229: {  	v60 =	vadd.s32 s12, v5;
	_ =	sdelay $0x3  }
0x22a: {  	[tilespmem:$0xE5B0] =	vst v48  }
0x22b: {  	v48 =	vld.idx.msk [tilespmem:v60+s3+$0x0], $0xffff  }
0x22c: {  	v61 =	vadd.s32 s12, v6;
	_ =	sdelay $0x3  }
0x22d: {  	[tilespmem:$0xE5C0] =	vst v48  }
0x22e: {  	v48 =	vld.idx.msk [tilespmem:v61+s3+$0x0], $0xffff  }
0x22f: {  	v62 =	vadd.s32 s12, v7;
	_ =	sdelay $0x3  }
0x230: {  	[tilespmem:$0xE5D0] =	vst v48  }
0x231: {  	v48 =	vld.idx.msk [tilespmem:v62+s3+$0x0], $0xffff  }
0x232: {  	v63 =	vadd.s32 s12, v8;
	_ =	sdelay $0x3  }
0x233: {  	[tilespmem:$0xE5E0] =	vst v48  }
0x234: {  	s11 =	sadd.s32 $0x1, s11;
	v48 =	vld.idx.msk [tilespmem:v63+s3+$0x0], $0xffff  }
0x235: {  	p0 =	sne.s32 s11, $0x32  }
.Ltmp4:
0x236: {  	_ = 	snop;
	(pc) =	sbr.rel @p0 .LBB2_2-.Ltmp4, $3  }
0x237: {  	_ =	sdelay $0x1  }
0x238: {  	[tilespmem:$0xE5F0] =	vst v48  }
0x239: {  	[tilespmem:s24], [sflag:$0x4] =	stream.indirect.gather [hbm4b:s4+s16], $0x20, s23, s16, $0xb8;
	[tilespmem:$0xE600] =	vst v63  }
0x23a: {  	s11 =	simm.s32 $0x0  }
0x23b: {  	v48 =	vadd.s32 s11, v0  }
0x23c: {  	_ =	swait.ge [sflag:s25], $0x1000;
	v49 =	vand.u32 $0x1F, v48  }
0x23d: {  	[sflag:s25] =	ssyncset.done $0x0;
	v50 =	vor.u32 v29, v49  }
0x23e: {  	s13 =	simm.s32 $0x5;
	[sflag:s25] =	ssyncadd.s32 $0xFFFFF000  }
0x23f: {  	_ =	swait.ge [sflag:s13], $0x1000  }
0x240: {  	v48 =	vshll.u32 v48, $0x7;
	[sflag:s13] =	ssyncset.done $0x0  }
0x241: {  	v48 =	vand.u32 $0xF80, v48;
	[sflag:s13] =	ssyncadd.s32 $0xFFFFF000  }
0x242: {  	v51 =	vor.u32 v0, v48;
	v50 =	vld.idx.msk [tilespmem:v50+s18+$0x0], $0xffff  }
0x243: {  	v52 =	vor.u32 v34, v49;
	_ =	sdelay $0x3  }
0x244: {  	[tilespmem:v51+s26+$0x0] =	vst.idx.msk $0xffff, v50  }
0x245: {  	v60 =	vor.u32 v35, v48;
	v50 =	vld.idx.msk [tilespmem:v52+s18+$0x0], $0xffff  }
0x246: {  	v61 =	vor.u32 v36, v49;
	_ =	sdelay $0x3  }
0x247: {  	[tilespmem:v60+s26+$0x0] =	vst.idx.msk $0xffff, v50  }
0x248: {  	v62 =	vor.u32 v37, v48;
	v50 =	vld.idx.msk [tilespmem:v61+s18+$0x0], $0xffff  }
0x249: {  	v63 =	vor.u32 v38, v49;
	_ =	sdelay $0x3  }
0x24a: {  	[tilespmem:v62+s26+$0x0] =	vst.idx.msk $0xffff, v50  }
0x24b: {  	v56 =	vor.u32 v39, v48;
	v50 =	vld.idx.msk [tilespmem:v63+s18+$0x0], $0xffff  }
0x24c: {  	v57 =	vor.u32 v40, v49;
	_ =	sdelay $0x3  }
0x24d: {  	[tilespmem:v56+s26+$0x0] =	vst.idx.msk $0xffff, v50  }
0x24e: {  	v58 =	vor.u32 v41, v48;
	v50 =	vld.idx.msk [tilespmem:v57+s18+$0x0], $0xffff  }
0x24f: {  	v59 =	vor.u32 v42, v49;
	_ =	sdelay $0x3  }
0x250: {  	[tilespmem:v58+s26+$0x0] =	vst.idx.msk $0xffff, v50  }
0x251: {  	v60 =	vor.u32 v43, v48;
	v50 =	vld.idx.msk [tilespmem:v59+s18+$0x0], $0xffff  }
0x252: {  	v61 =	vor.u32 v44, v49;
	_ =	sdelay $0x3  }
0x253: {  	[tilespmem:v60+s26+$0x0] =	vst.idx.msk $0xffff, v50  }
0x254: {  	v62 =	vor.u32 v45, v48;
	v50 =	vld.idx.msk [tilespmem:v61+s18+$0x0], $0xffff  }
0x255: {  	v63 =	vor.u32 v46, v49;
	_ =	sdelay $0x3  }
0x256: {  	s15 =	simm.s32 $0x1;
	[tilespmem:v62+s26+$0x0] =	vst.idx.msk $0xffff, v50  }
0x257: {  	s11 =	simm.s32 $0x2;
	v49 =	vadd.s32 s15, v0;
	v50 =	vld.idx.msk [tilespmem:v63+s18+$0x0], $0xffff  }
.LBB2_12:
0x258: {  	p0 =	sne.s32 s11, $0x1F;
	v51 =	vand.u32 $0x1F, v49;
	v48 =	vor.u32 v47, v48  }
0x259: {  	v52 =	vor.u32 v29, v51;
	_ =	sdelay $0x3  }
0x25a: {  	v49 =	vshll.u32 v49, $0x7;
	[tilespmem:v48+s26+$0x0] =	vst.idx.msk $0xffff, v50  }
0x25b: {  	v48 =	vand.u32 $0xF80, v49;
	v50 =	vld.idx.msk [tilespmem:v52+s18+$0x0], $0xffff  }
0x25c: {  	v49 =	vor.u32 v0, v48  }
0x25d: {  	v52 =	vor.u32 v34, v51;
	_ =	sdelay $0x3  }
0x25e: {  	[tilespmem:v49+s26+$0x0] =	vst.idx.msk $0xffff, v50  }
0x25f: {  	v49 =	vld.idx.msk [tilespmem:v52+s18+$0x0], $0xffff  }
0x260: {  	v50 =	vor.u32 v35, v48  }
0x261: {  	v52 =	vor.u32 v36, v51;
	_ =	sdelay $0x3  }
0x262: {  	[tilespmem:v50+s26+$0x0] =	vst.idx.msk $0xffff, v49  }
0x263: {  	v49 =	vld.idx.msk [tilespmem:v52+s18+$0x0], $0xffff  }
0x264: {  	v50 =	vor.u32 v37, v48  }
0x265: {  	v52 =	vor.u32 v38, v51;
	_ =	sdelay $0x3  }
0x266: {  	[tilespmem:v50+s26+$0x0] =	vst.idx.msk $0xffff, v49  }
0x267: {  	v49 =	vld.idx.msk [tilespmem:v52+s18+$0x0], $0xffff  }
0x268: {  	v50 =	vor.u32 v39, v48  }
0x269: {  	v52 =	vor.u32 v40, v51;
	_ =	sdelay $0x3  }
0x26a: {  	[tilespmem:v50+s26+$0x0] =	vst.idx.msk $0xffff, v49  }
0x26b: {  	v49 =	vld.idx.msk [tilespmem:v52+s18+$0x0], $0xffff  }
0x26c: {  	v50 =	vor.u32 v41, v48  }
0x26d: {  	v52 =	vor.u32 v42, v51;
	_ =	sdelay $0x3  }
0x26e: {  	[tilespmem:v50+s26+$0x0] =	vst.idx.msk $0xffff, v49  }
0x26f: {  	v49 =	vld.idx.msk [tilespmem:v52+s18+$0x0], $0xffff  }
0x270: {  	v50 =	vor.u32 v43, v48  }
0x271: {  	v52 =	vor.u32 v44, v51;
	_ =	sdelay $0x3  }
0x272: {  	[tilespmem:v50+s26+$0x0] =	vst.idx.msk $0xffff, v49  }
0x273: {  	v49 =	vld.idx.msk [tilespmem:v52+s18+$0x0], $0xffff  }
0x274: {  	v50 =	vor.u32 v45, v48  }
0x275: {  	v51 =	vor.u32 v46, v51  }
.Ltmp5:
0x276: {  	(pc) =	sbr.rel @p0 .LBB2_12-.Ltmp5, $3  }
0x277: {  	_ =	sdelay $0x1  }
0x278: {  	[tilespmem:v50+s26+$0x0] =	vst.idx.msk $0xffff, v49  }
0x279: {  	v49 =	vadd.s32 s11, v0;
	s11 =	sadd.s32 $0x1, s11;
	v50 =	vld.idx.msk [tilespmem:v51+s18+$0x0], $0xffff  }
0x27a: {  	v51 =	vand.u32 $0x1F, v49;
	v48 =	vor.u32 v47, v48  }
0x27b: {  	v52 =	vor.u32 v29, v51;
	_ =	sdelay $0x2  }
0x27c: {  	v58 =	vshll.u32 v49, $0x7  }
0x27d: {  	[tilespmem:v48+s26+$0x0] =	vst.idx.msk $0xffff, v50;
	v48 =	vand.u32 $0xF80, v58  }
0x27e: {  	v59 =	vld.idx.msk [tilespmem:v52+s18+$0x0], $0xffff;
	v60 =	vor.u32 v0, v48  }
0x27f: {  	v61 =	vor.u32 v34, v51;
	_ =	sdelay $0x3  }
0x280: {  	[tilespmem:v60+s26+$0x0] =	vst.idx.msk $0xffff, v59  }
0x281: {  	v62 =	vor.u32 v35, v48;
	v49 =	vld.idx.msk [tilespmem:v61+s18+$0x0], $0xffff  }
0x282: {  	v63 =	vor.u32 v36, v51;
	_ =	sdelay $0x3  }
0x283: {  	[tilespmem:v62+s26+$0x0] =	vst.idx.msk $0xffff, v49  }
0x284: {  	v56 =	vor.u32 v37, v48;
	v49 =	vld.idx.msk [tilespmem:v63+s18+$0x0], $0xffff  }
0x285: {  	v57 =	vor.u32 v38, v51;
	_ =	sdelay $0x3  }
0x286: {  	[tilespmem:v56+s26+$0x0] =	vst.idx.msk $0xffff, v49  }
0x287: {  	v58 =	vor.u32 v39, v48;
	v49 =	vld.idx.msk [tilespmem:v57+s18+$0x0], $0xffff  }
0x288: {  	v59 =	vor.u32 v40, v51;
	_ =	sdelay $0x3  }
0x289: {  	[tilespmem:v58+s26+$0x0] =	vst.idx.msk $0xffff, v49  }
0x28a: {  	v60 =	vor.u32 v41, v48;
	v49 =	vld.idx.msk [tilespmem:v59+s18+$0x0], $0xffff  }
0x28b: {  	v61 =	vor.u32 v42, v51;
	_ =	sdelay $0x3  }
0x28c: {  	[tilespmem:v60+s26+$0x0] =	vst.idx.msk $0xffff, v49  }
0x28d: {  	v62 =	vor.u32 v43, v48;
	v49 =	vld.idx.msk [tilespmem:v61+s18+$0x0], $0xffff  }
0x28e: {  	v63 =	vor.u32 v44, v51;
	_ =	sdelay $0x3  }
0x28f: {  	[tilespmem:v62+s26+$0x0] =	vst.idx.msk $0xffff, v49  }
0x290: {  	v55 =	vor.u32 v45, v48;
	v49 =	vld.idx.msk [tilespmem:v63+s18+$0x0], $0xffff  }
0x291: {  	v51 =	vor.u32 v46, v51;
	_ =	sdelay $0x3  }
0x292: {  	[tilespmem:v55+s26+$0x0] =	vst.idx.msk $0xffff, v49  }
0x293: {  	v48 =	vor.u32 v47, v48;
	v49 =	vld.idx.msk [tilespmem:v51+s18+$0x0], $0xffff;
	_ =	sdelay $0x4  }
0x294: {  	s11 =	simm.s32 $0x0;
	s12 =	rddreg [dreg:$0x4];
	[tilespmem:v48+s26+$0x0] =	vst.idx.msk $0xffff, v49  }
0x295: {  	v56 =	vadd.s32 s11, v0;
	[hbm4b:s12+s28] =	stream.strided.scatter [tilespmem:s26], [sflag:$0x5], $0x1000, s29, s28, $0x38;
	[tilespmem:$0xE600] =	vst v63  }
0x296: {  	v49 =	vand.u32 $0x1F, v56;
	_ =	swait.ge [sflag:s30], $0x1000  }
0x297: {  	v57 =	vor.u32 v29, v49;
	[sflag:s30] =	ssyncset.done $0x0  }
0x298: {  	s14 =	simm.s32 $0x6;
	[sflag:s30] =	ssyncadd.s32 $0xFFFFF000  }
0x299: {  	_ =	swait.ge [sflag:s14], $0x1000  }
0x29a: {  	v48 =	vshll.u32 v56, $0x7;
	[sflag:s14] =	ssyncset.done $0x0  }
0x29b: {  	v48 =	vand.u32 $0xF80, v48;
	[sflag:s14] =	ssyncadd.s32 $0xFFFFF000  }
0x29c: {  	v58 =	vor.u32 v0, v48;
	v50 =	vld.idx.msk [tilespmem:v57+s20+$0x0], $0xffff  }
0x29d: {  	v59 =	vor.u32 v34, v49;
	_ =	sdelay $0x3  }
0x29e: {  	[tilespmem:v58+s31+$0x0] =	vst.idx.msk $0xffff, v50  }
0x29f: {  	v60 =	vor.u32 v35, v48;
	v50 =	vld.idx.msk [tilespmem:v59+s20+$0x0], $0xffff  }
0x2a0: {  	v61 =	vor.u32 v36, v49;
	_ =	sdelay $0x3  }
0x2a1: {  	[tilespmem:v60+s31+$0x0] =	vst.idx.msk $0xffff, v50  }
0x2a2: {  	v62 =	vor.u32 v37, v48;
	v50 =	vld.idx.msk [tilespmem:v61+s20+$0x0], $0xffff  }
0x2a3: {  	v63 =	vor.u32 v38, v49;
	_ =	sdelay $0x3  }
0x2a4: {  	[tilespmem:v62+s31+$0x0] =	vst.idx.msk $0xffff, v50  }
0x2a5: {  	v56 =	vor.u32 v39, v48;
	v50 =	vld.idx.msk [tilespmem:v63+s20+$0x0], $0xffff  }
0x2a6: {  	v57 =	vor.u32 v40, v49;
	_ =	sdelay $0x3  }
0x2a7: {  	[tilespmem:v56+s31+$0x0] =	vst.idx.msk $0xffff, v50  }
0x2a8: {  	v58 =	vor.u32 v41, v48;
	v50 =	vld.idx.msk [tilespmem:v57+s20+$0x0], $0xffff  }
0x2a9: {  	v59 =	vor.u32 v42, v49;
	_ =	sdelay $0x3  }
0x2aa: {  	[tilespmem:v58+s31+$0x0] =	vst.idx.msk $0xffff, v50  }
0x2ab: {  	v60 =	vor.u32 v43, v48;
	v50 =	vld.idx.msk [tilespmem:v59+s20+$0x0], $0xffff  }
0x2ac: {  	v61 =	vor.u32 v44, v49;
	_ =	sdelay $0x3  }
0x2ad: {  	[tilespmem:v60+s31+$0x0] =	vst.idx.msk $0xffff, v50  }
0x2ae: {  	v62 =	vor.u32 v45, v48;
	v50 =	vld.idx.msk [tilespmem:v61+s20+$0x0], $0xffff  }
0x2af: {  	v63 =	vor.u32 v46, v49;
	_ =	sdelay $0x3  }
0x2b0: {  	s15 =	simm.s32 $0x1;
	[tilespmem:v62+s31+$0x0] =	vst.idx.msk $0xffff, v50  }
0x2b1: {  	s11 =	simm.s32 $0x2;
	v49 =	vadd.s32 s15, v0;
	v50 =	vld.idx.msk [tilespmem:v63+s20+$0x0], $0xffff  }
.LBB2_14:
0x2b2: {  	p0 =	sne.s32 s11, $0x1F;
	v51 =	vand.u32 $0x1F, v49;
	v48 =	vor.u32 v47, v48  }
0x2b3: {  	v52 =	vor.u32 v29, v51;
	_ =	sdelay $0x3  }
0x2b4: {  	v49 =	vshll.u32 v49, $0x7;
	[tilespmem:v48+s31+$0x0] =	vst.idx.msk $0xffff, v50  }
0x2b5: {  	v48 =	vand.u32 $0xF80, v49;
	v50 =	vld.idx.msk [tilespmem:v52+s20+$0x0], $0xffff  }
0x2b6: {  	v49 =	vor.u32 v0, v48  }
0x2b7: {  	v52 =	vor.u32 v34, v51;
	_ =	sdelay $0x3  }
0x2b8: {  	[tilespmem:v49+s31+$0x0] =	vst.idx.msk $0xffff, v50  }
0x2b9: {  	v49 =	vld.idx.msk [tilespmem:v52+s20+$0x0], $0xffff  }
0x2ba: {  	v50 =	vor.u32 v35, v48  }
0x2bb: {  	v52 =	vor.u32 v36, v51;
	_ =	sdelay $0x3  }
0x2bc: {  	[tilespmem:v50+s31+$0x0] =	vst.idx.msk $0xffff, v49  }
0x2bd: {  	v49 =	vld.idx.msk [tilespmem:v52+s20+$0x0], $0xffff  }
0x2be: {  	v50 =	vor.u32 v37, v48  }
0x2bf: {  	v52 =	vor.u32 v38, v51;
	_ =	sdelay $0x3  }
0x2c0: {  	[tilespmem:v50+s31+$0x0] =	vst.idx.msk $0xffff, v49  }
0x2c1: {  	v49 =	vld.idx.msk [tilespmem:v52+s20+$0x0], $0xffff  }
0x2c2: {  	v50 =	vor.u32 v39, v48  }
0x2c3: {  	v52 =	vor.u32 v40, v51;
	_ =	sdelay $0x3  }
0x2c4: {  	[tilespmem:v50+s31+$0x0] =	vst.idx.msk $0xffff, v49  }
0x2c5: {  	v49 =	vld.idx.msk [tilespmem:v52+s20+$0x0], $0xffff  }
0x2c6: {  	v50 =	vor.u32 v41, v48  }
0x2c7: {  	v52 =	vor.u32 v42, v51;
	_ =	sdelay $0x3  }
0x2c8: {  	[tilespmem:v50+s31+$0x0] =	vst.idx.msk $0xffff, v49  }
0x2c9: {  	v49 =	vld.idx.msk [tilespmem:v52+s20+$0x0], $0xffff  }
0x2ca: {  	v50 =	vor.u32 v43, v48  }
0x2cb: {  	v52 =	vor.u32 v44, v51;
	_ =	sdelay $0x3  }
0x2cc: {  	[tilespmem:v50+s31+$0x0] =	vst.idx.msk $0xffff, v49  }
0x2cd: {  	v49 =	vld.idx.msk [tilespmem:v52+s20+$0x0], $0xffff  }
0x2ce: {  	v50 =	vor.u32 v45, v48  }
0x2cf: {  	v51 =	vor.u32 v46, v51  }
.Ltmp6:
0x2d0: {  	(pc) =	sbr.rel @p0 .LBB2_14-.Ltmp6, $3  }
0x2d1: {  	_ =	sdelay $0x1  }
0x2d2: {  	[tilespmem:v50+s31+$0x0] =	vst.idx.msk $0xffff, v49  }
0x2d3: {  	v49 =	vadd.s32 s11, v0;
	s11 =	sadd.s32 $0x1, s11;
	v50 =	vld.idx.msk [tilespmem:v51+s20+$0x0], $0xffff  }
0x2d4: {  	v51 =	vand.u32 $0x1F, v49;
	v48 =	vor.u32 v47, v48  }
0x2d5: {  	v52 =	vor.u32 v29, v51;
	_ =	sdelay $0x2  }
0x2d6: {  	v58 =	vshll.u32 v49, $0x7  }
0x2d7: {  	[tilespmem:v48+s31+$0x0] =	vst.idx.msk $0xffff, v50;
	v48 =	vand.u32 $0xF80, v58  }
0x2d8: {  	v59 =	vld.idx.msk [tilespmem:v52+s20+$0x0], $0xffff;
	v60 =	vor.u32 v0, v48  }
0x2d9: {  	v61 =	vor.u32 v34, v51;
	_ =	sdelay $0x3  }
0x2da: {  	[tilespmem:v60+s31+$0x0] =	vst.idx.msk $0xffff, v59  }
0x2db: {  	v62 =	vor.u32 v35, v48;
	v49 =	vld.idx.msk [tilespmem:v61+s20+$0x0], $0xffff  }
0x2dc: {  	v63 =	vor.u32 v36, v51;
	_ =	sdelay $0x3  }
0x2dd: {  	[tilespmem:v62+s31+$0x0] =	vst.idx.msk $0xffff, v49  }
0x2de: {  	v56 =	vor.u32 v37, v48;
	v49 =	vld.idx.msk [tilespmem:v63+s20+$0x0], $0xffff  }
0x2df: {  	v57 =	vor.u32 v38, v51;
	_ =	sdelay $0x3  }
0x2e0: {  	[tilespmem:v56+s31+$0x0] =	vst.idx.msk $0xffff, v49  }
0x2e1: {  	v58 =	vor.u32 v39, v48;
	v49 =	vld.idx.msk [tilespmem:v57+s20+$0x0], $0xffff  }
0x2e2: {  	v59 =	vor.u32 v40, v51;
	_ =	sdelay $0x3  }
0x2e3: {  	[tilespmem:v58+s31+$0x0] =	vst.idx.msk $0xffff, v49  }
0x2e4: {  	v60 =	vor.u32 v41, v48;
	v49 =	vld.idx.msk [tilespmem:v59+s20+$0x0], $0xffff  }
0x2e5: {  	v61 =	vor.u32 v42, v51;
	_ =	sdelay $0x3  }
0x2e6: {  	[tilespmem:v60+s31+$0x0] =	vst.idx.msk $0xffff, v49  }
0x2e7: {  	v62 =	vor.u32 v43, v48;
	v49 =	vld.idx.msk [tilespmem:v61+s20+$0x0], $0xffff  }
0x2e8: {  	v63 =	vor.u32 v44, v51;
	_ =	sdelay $0x3  }
0x2e9: {  	[tilespmem:v62+s31+$0x0] =	vst.idx.msk $0xffff, v49  }
0x2ea: {  	v55 =	vor.u32 v45, v48;
	v49 =	vld.idx.msk [tilespmem:v63+s20+$0x0], $0xffff  }
0x2eb: {  	v51 =	vor.u32 v46, v51;
	_ =	sdelay $0x3  }
0x2ec: {  	[tilespmem:v55+s31+$0x0] =	vst.idx.msk $0xffff, v49  }
0x2ed: {  	v48 =	vor.u32 v47, v48;
	v49 =	vld.idx.msk [tilespmem:v51+s20+$0x0], $0xffff;
	_ =	sdelay $0x4  }
0x2ee: {  	s11 =	simm.s32 $0x0;
	s12 =	rddreg [dreg:$0x5];
	[tilespmem:v48+s31+$0x0] =	vst.idx.msk $0xffff, v49  }
0x2ef: {  	v56 =	vadd.s32 s11, v0;
	[hbm4b:s12+s28] =	stream.strided.scatter [tilespmem:s31], [sflag:$0x6], $0x1000, s29, s28, $0x38;
	[tilespmem:$0xE600] =	vst v63  }
0x2f0: {  	v49 =	vand.u32 $0x1F, v56;
	_ =	swait.ge [sflag:s1], $0x1000  }
0x2f1: {  	v57 =	vor.u32 v29, v49;
	[sflag:s1] =	ssyncset.done $0x0  }
0x2f2: {  	s12 =	simm.s32 $0x7;
	[sflag:s1] =	ssyncadd.s32 $0xFFFFF000  }
0x2f3: {  	_ =	swait.ge [sflag:s12], $0x1000  }
0x2f4: {  	v48 =	vshll.u32 v56, $0x7;
	[sflag:s12] =	ssyncset.done $0x0  }
0x2f5: {  	v48 =	vand.u32 $0xF80, v48;
	[sflag:s12] =	ssyncadd.s32 $0xFFFFF000  }
0x2f6: {  	v58 =	vor.u32 v0, v48;
	v50 =	vld.idx.msk [tilespmem:v57+s22+$0x0], $0xffff  }
0x2f7: {  	v59 =	vor.u32 v34, v49;
	_ =	sdelay $0x3  }
0x2f8: {  	[tilespmem:v58+s0+$0x0] =	vst.idx.msk $0xffff, v50  }
0x2f9: {  	v60 =	vor.u32 v35, v48;
	v50 =	vld.idx.msk [tilespmem:v59+s22+$0x0], $0xffff  }
0x2fa: {  	v61 =	vor.u32 v36, v49;
	_ =	sdelay $0x3  }
0x2fb: {  	[tilespmem:v60+s0+$0x0] =	vst.idx.msk $0xffff, v50  }
0x2fc: {  	v62 =	vor.u32 v37, v48;
	v50 =	vld.idx.msk [tilespmem:v61+s22+$0x0], $0xffff  }
0x2fd: {  	v63 =	vor.u32 v38, v49;
	_ =	sdelay $0x3  }
0x2fe: {  	[tilespmem:v62+s0+$0x0] =	vst.idx.msk $0xffff, v50  }
0x2ff: {  	v56 =	vor.u32 v39, v48;
	v50 =	vld.idx.msk [tilespmem:v63+s22+$0x0], $0xffff  }
0x300: {  	v57 =	vor.u32 v40, v49;
	_ =	sdelay $0x3  }
0x301: {  	[tilespmem:v56+s0+$0x0] =	vst.idx.msk $0xffff, v50  }
0x302: {  	v58 =	vor.u32 v41, v48;
	v50 =	vld.idx.msk [tilespmem:v57+s22+$0x0], $0xffff  }
0x303: {  	v59 =	vor.u32 v42, v49;
	_ =	sdelay $0x3  }
0x304: {  	[tilespmem:v58+s0+$0x0] =	vst.idx.msk $0xffff, v50  }
0x305: {  	v60 =	vor.u32 v43, v48;
	v50 =	vld.idx.msk [tilespmem:v59+s22+$0x0], $0xffff  }
0x306: {  	v61 =	vor.u32 v44, v49;
	_ =	sdelay $0x3  }
0x307: {  	[tilespmem:v60+s0+$0x0] =	vst.idx.msk $0xffff, v50  }
0x308: {  	v62 =	vor.u32 v45, v48;
	v50 =	vld.idx.msk [tilespmem:v61+s22+$0x0], $0xffff  }
0x309: {  	v63 =	vor.u32 v46, v49;
	_ =	sdelay $0x3  }
0x30a: {  	s15 =	simm.s32 $0x1;
	[tilespmem:v62+s0+$0x0] =	vst.idx.msk $0xffff, v50  }
0x30b: {  	s11 =	simm.s32 $0x2;
	v49 =	vadd.s32 s15, v0;
	v50 =	vld.idx.msk [tilespmem:v63+s22+$0x0], $0xffff  }
.LBB2_16:
0x30c: {  	p0 =	sne.s32 s11, $0x1F;
	v51 =	vand.u32 $0x1F, v49;
	v48 =	vor.u32 v47, v48  }
0x30d: {  	v52 =	vor.u32 v29, v51;
	_ =	sdelay $0x3  }
0x30e: {  	v49 =	vshll.u32 v49, $0x7;
	[tilespmem:v48+s0+$0x0] =	vst.idx.msk $0xffff, v50  }
0x30f: {  	v48 =	vand.u32 $0xF80, v49;
	v50 =	vld.idx.msk [tilespmem:v52+s22+$0x0], $0xffff  }
0x310: {  	v49 =	vor.u32 v0, v48  }
0x311: {  	v52 =	vor.u32 v34, v51;
	_ =	sdelay $0x3  }
0x312: {  	[tilespmem:v49+s0+$0x0] =	vst.idx.msk $0xffff, v50  }
0x313: {  	v49 =	vld.idx.msk [tilespmem:v52+s22+$0x0], $0xffff  }
0x314: {  	v50 =	vor.u32 v35, v48  }
0x315: {  	v52 =	vor.u32 v36, v51;
	_ =	sdelay $0x3  }
0x316: {  	[tilespmem:v50+s0+$0x0] =	vst.idx.msk $0xffff, v49  }
0x317: {  	v49 =	vld.idx.msk [tilespmem:v52+s22+$0x0], $0xffff  }
0x318: {  	v50 =	vor.u32 v37, v48  }
0x319: {  	v52 =	vor.u32 v38, v51;
	_ =	sdelay $0x3  }
0x31a: {  	[tilespmem:v50+s0+$0x0] =	vst.idx.msk $0xffff, v49  }
0x31b: {  	v49 =	vld.idx.msk [tilespmem:v52+s22+$0x0], $0xffff  }
0x31c: {  	v50 =	vor.u32 v39, v48  }
0x31d: {  	v52 =	vor.u32 v40, v51;
	_ =	sdelay $0x3  }
0x31e: {  	[tilespmem:v50+s0+$0x0] =	vst.idx.msk $0xffff, v49  }
0x31f: {  	v49 =	vld.idx.msk [tilespmem:v52+s22+$0x0], $0xffff  }
0x320: {  	v50 =	vor.u32 v41, v48  }
0x321: {  	v52 =	vor.u32 v42, v51;
	_ =	sdelay $0x3  }
0x322: {  	[tilespmem:v50+s0+$0x0] =	vst.idx.msk $0xffff, v49  }
0x323: {  	v49 =	vld.idx.msk [tilespmem:v52+s22+$0x0], $0xffff  }
0x324: {  	v50 =	vor.u32 v43, v48  }
0x325: {  	v52 =	vor.u32 v44, v51;
	_ =	sdelay $0x3  }
0x326: {  	[tilespmem:v50+s0+$0x0] =	vst.idx.msk $0xffff, v49  }
0x327: {  	v49 =	vld.idx.msk [tilespmem:v52+s22+$0x0], $0xffff  }
0x328: {  	v50 =	vor.u32 v45, v48  }
0x329: {  	v51 =	vor.u32 v46, v51  }
.Ltmp7:
0x32a: {  	(pc) =	sbr.rel @p0 .LBB2_16-.Ltmp7, $3  }
0x32b: {  	_ =	sdelay $0x1  }
0x32c: {  	[tilespmem:v50+s0+$0x0] =	vst.idx.msk $0xffff, v49  }
0x32d: {  	v49 =	vadd.s32 s11, v0;
	s11 =	sadd.s32 $0x1, s11;
	v50 =	vld.idx.msk [tilespmem:v51+s22+$0x0], $0xffff  }
0x32e: {  	v51 =	vand.u32 $0x1F, v49;
	v48 =	vor.u32 v47, v48  }
0x32f: {  	v52 =	vor.u32 v29, v51;
	_ =	sdelay $0x2  }
0x330: {  	v58 =	vshll.u32 v49, $0x7  }
0x331: {  	[tilespmem:v48+s0+$0x0] =	vst.idx.msk $0xffff, v50;
	v48 =	vand.u32 $0xF80, v58  }
0x332: {  	v59 =	vld.idx.msk [tilespmem:v52+s22+$0x0], $0xffff;
	v60 =	vor.u32 v0, v48  }
0x333: {  	v61 =	vor.u32 v34, v51;
	_ =	sdelay $0x3  }
0x334: {  	[tilespmem:v60+s0+$0x0] =	vst.idx.msk $0xffff, v59  }
0x335: {  	v62 =	vor.u32 v35, v48;
	v49 =	vld.idx.msk [tilespmem:v61+s22+$0x0], $0xffff  }
0x336: {  	v63 =	vor.u32 v36, v51;
	_ =	sdelay $0x3  }
0x337: {  	[tilespmem:v62+s0+$0x0] =	vst.idx.msk $0xffff, v49  }
0x338: {  	v56 =	vor.u32 v37, v48;
	v49 =	vld.idx.msk [tilespmem:v63+s22+$0x0], $0xffff  }
0x339: {  	v57 =	vor.u32 v38, v51;
	_ =	sdelay $0x3  }
0x33a: {  	[tilespmem:v56+s0+$0x0] =	vst.idx.msk $0xffff, v49  }
0x33b: {  	v58 =	vor.u32 v39, v48;
	v49 =	vld.idx.msk [tilespmem:v57+s22+$0x0], $0xffff  }
0x33c: {  	v59 =	vor.u32 v40, v51;
	_ =	sdelay $0x3  }
0x33d: {  	[tilespmem:v58+s0+$0x0] =	vst.idx.msk $0xffff, v49  }
0x33e: {  	v60 =	vor.u32 v41, v48;
	v49 =	vld.idx.msk [tilespmem:v59+s22+$0x0], $0xffff  }
0x33f: {  	v61 =	vor.u32 v42, v51;
	_ =	sdelay $0x3  }
0x340: {  	[tilespmem:v60+s0+$0x0] =	vst.idx.msk $0xffff, v49  }
0x341: {  	v62 =	vor.u32 v43, v48;
	v49 =	vld.idx.msk [tilespmem:v61+s22+$0x0], $0xffff  }
0x342: {  	v63 =	vor.u32 v44, v51;
	_ =	sdelay $0x3  }
0x343: {  	[tilespmem:v62+s0+$0x0] =	vst.idx.msk $0xffff, v49  }
0x344: {  	v55 =	vor.u32 v45, v48;
	v49 =	vld.idx.msk [tilespmem:v63+s22+$0x0], $0xffff  }
0x345: {  	v51 =	vor.u32 v46, v51;
	_ =	sdelay $0x3  }
0x346: {  	[tilespmem:v55+s0+$0x0] =	vst.idx.msk $0xffff, v49  }
0x347: {  	v48 =	vor.u32 v47, v48;
	v49 =	vld.idx.msk [tilespmem:v51+s22+$0x0], $0xffff;
	_ =	sdelay $0x4  }
0x348: {  	s11 =	simm.s32 $0x0;
	s12 =	rddreg [dreg:$0x6];
	[tilespmem:v48+s0+$0x0] =	vst.idx.msk $0xffff, v49  }
0x349: {  	v56 =	vadd.s32 s11, v0;
	[hbm4b:s12+s28] =	stream.strided.scatter [tilespmem:s0], [sflag:$0x7], $0x1000, s29, s28, $0x38;
	[tilespmem:$0xE600] =	vst v63  }
0x34a: {  	v49 =	vand.u32 $0x1F, v56;
	_ =	swait.ge [sflag:s5], $0x1000  }
0x34b: {  	v57 =	vor.u32 v29, v49;
	[sflag:s5] =	ssyncset.done $0x0  }
0x34c: {  	s12 =	simm.s32 $0x8;
	[sflag:s5] =	ssyncadd.s32 $0xFFFFF000  }
0x34d: {  	_ =	swait.ge [sflag:s12], $0x1000  }
0x34e: {  	v48 =	vshll.u32 v56, $0x7;
	[sflag:s12] =	ssyncset.done $0x0  }
0x34f: {  	v48 =	vand.u32 $0xF80, v48;
	[sflag:s12] =	ssyncadd.s32 $0xFFFFF000  }
0x350: {  	v58 =	vor.u32 v0, v48;
	v50 =	vld.idx.msk [tilespmem:v57+s24+$0x0], $0xffff  }
0x351: {  	v59 =	vor.u32 v34, v49;
	_ =	sdelay $0x3  }
0x352: {  	[tilespmem:v58+s10+$0x0] =	vst.idx.msk $0xffff, v50  }
0x353: {  	v60 =	vor.u32 v35, v48;
	v50 =	vld.idx.msk [tilespmem:v59+s24+$0x0], $0xffff  }
0x354: {  	v61 =	vor.u32 v36, v49;
	_ =	sdelay $0x3  }
0x355: {  	[tilespmem:v60+s10+$0x0] =	vst.idx.msk $0xffff, v50  }
0x356: {  	v62 =	vor.u32 v37, v48;
	v50 =	vld.idx.msk [tilespmem:v61+s24+$0x0], $0xffff  }
0x357: {  	v63 =	vor.u32 v38, v49;
	_ =	sdelay $0x3  }
0x358: {  	[tilespmem:v62+s10+$0x0] =	vst.idx.msk $0xffff, v50  }
0x359: {  	v56 =	vor.u32 v39, v48;
	v50 =	vld.idx.msk [tilespmem:v63+s24+$0x0], $0xffff  }
0x35a: {  	v57 =	vor.u32 v40, v49;
	_ =	sdelay $0x3  }
0x35b: {  	[tilespmem:v56+s10+$0x0] =	vst.idx.msk $0xffff, v50  }
0x35c: {  	v58 =	vor.u32 v41, v48;
	v50 =	vld.idx.msk [tilespmem:v57+s24+$0x0], $0xffff  }
0x35d: {  	v59 =	vor.u32 v42, v49;
	_ =	sdelay $0x3  }
0x35e: {  	[tilespmem:v58+s10+$0x0] =	vst.idx.msk $0xffff, v50  }
0x35f: {  	v60 =	vor.u32 v43, v48;
	v50 =	vld.idx.msk [tilespmem:v59+s24+$0x0], $0xffff  }
0x360: {  	v61 =	vor.u32 v44, v49;
	_ =	sdelay $0x3  }
0x361: {  	[tilespmem:v60+s10+$0x0] =	vst.idx.msk $0xffff, v50  }
0x362: {  	v62 =	vor.u32 v45, v48;
	v50 =	vld.idx.msk [tilespmem:v61+s24+$0x0], $0xffff  }
0x363: {  	v63 =	vor.u32 v46, v49;
	_ =	sdelay $0x3  }
0x364: {  	s15 =	simm.s32 $0x1;
	[tilespmem:v62+s10+$0x0] =	vst.idx.msk $0xffff, v50  }
0x365: {  	s11 =	simm.s32 $0x2;
	v49 =	vadd.s32 s15, v0;
	v50 =	vld.idx.msk [tilespmem:v63+s24+$0x0], $0xffff  }
.LBB2_18:
0x366: {  	p0 =	sne.s32 s11, $0x1F;
	v51 =	vand.u32 $0x1F, v49;
	v48 =	vor.u32 v47, v48  }
0x367: {  	v52 =	vor.u32 v29, v51;
	_ =	sdelay $0x3  }
0x368: {  	v49 =	vshll.u32 v49, $0x7;
	[tilespmem:v48+s10+$0x0] =	vst.idx.msk $0xffff, v50  }
0x369: {  	v48 =	vand.u32 $0xF80, v49;
	v50 =	vld.idx.msk [tilespmem:v52+s24+$0x0], $0xffff  }
0x36a: {  	v49 =	vor.u32 v0, v48  }
0x36b: {  	v52 =	vor.u32 v34, v51;
	_ =	sdelay $0x3  }
0x36c: {  	[tilespmem:v49+s10+$0x0] =	vst.idx.msk $0xffff, v50  }
0x36d: {  	v49 =	vld.idx.msk [tilespmem:v52+s24+$0x0], $0xffff  }
0x36e: {  	v50 =	vor.u32 v35, v48  }
0x36f: {  	v52 =	vor.u32 v36, v51;
	_ =	sdelay $0x3  }
0x370: {  	[tilespmem:v50+s10+$0x0] =	vst.idx.msk $0xffff, v49  }
0x371: {  	v49 =	vld.idx.msk [tilespmem:v52+s24+$0x0], $0xffff  }
0x372: {  	v50 =	vor.u32 v37, v48  }
0x373: {  	v52 =	vor.u32 v38, v51;
	_ =	sdelay $0x3  }
0x374: {  	[tilespmem:v50+s10+$0x0] =	vst.idx.msk $0xffff, v49  }
0x375: {  	v49 =	vld.idx.msk [tilespmem:v52+s24+$0x0], $0xffff  }
0x376: {  	v50 =	vor.u32 v39, v48  }
0x377: {  	v52 =	vor.u32 v40, v51;
	_ =	sdelay $0x3  }
0x378: {  	[tilespmem:v50+s10+$0x0] =	vst.idx.msk $0xffff, v49  }
0x379: {  	v49 =	vld.idx.msk [tilespmem:v52+s24+$0x0], $0xffff  }
0x37a: {  	v50 =	vor.u32 v41, v48  }
0x37b: {  	v52 =	vor.u32 v42, v51;
	_ =	sdelay $0x3  }
0x37c: {  	[tilespmem:v50+s10+$0x0] =	vst.idx.msk $0xffff, v49  }
0x37d: {  	v49 =	vld.idx.msk [tilespmem:v52+s24+$0x0], $0xffff  }
0x37e: {  	v50 =	vor.u32 v43, v48  }
0x37f: {  	v52 =	vor.u32 v44, v51;
	_ =	sdelay $0x3  }
0x380: {  	[tilespmem:v50+s10+$0x0] =	vst.idx.msk $0xffff, v49  }
0x381: {  	v49 =	vld.idx.msk [tilespmem:v52+s24+$0x0], $0xffff  }
0x382: {  	v50 =	vor.u32 v45, v48  }
0x383: {  	v51 =	vor.u32 v46, v51  }
.Ltmp8:
0x384: {  	(pc) =	sbr.rel @p0 .LBB2_18-.Ltmp8, $3  }
0x385: {  	_ =	sdelay $0x1  }
0x386: {  	[tilespmem:v50+s10+$0x0] =	vst.idx.msk $0xffff, v49  }
0x387: {  	v49 =	vadd.s32 s11, v0;
	s11 =	sadd.s32 $0x1, s11;
	v50 =	vld.idx.msk [tilespmem:v51+s24+$0x0], $0xffff  }
0x388: {  	v51 =	vand.u32 $0x1F, v49;
	v48 =	vor.u32 v47, v48  }
0x389: {  	v52 =	vor.u32 v29, v51;
	_ =	sdelay $0x2  }
0x38a: {  	v57 =	vshll.u32 v49, $0x7  }
0x38b: {  	[tilespmem:v48+s10+$0x0] =	vst.idx.msk $0xffff, v50;
	v48 =	vand.u32 $0xF80, v57  }
0x38c: {  	v58 =	vld.idx.msk [tilespmem:v52+s24+$0x0], $0xffff;
	v59 =	vor.u32 v0, v48  }
0x38d: {  	v60 =	vor.u32 v34, v51;
	_ =	sdelay $0x3  }
0x38e: {  	[tilespmem:v59+s10+$0x0] =	vst.idx.msk $0xffff, v58  }
0x38f: {  	v61 =	vor.u32 v35, v48;
	v49 =	vld.idx.msk [tilespmem:v60+s24+$0x0], $0xffff  }
0x390: {  	v62 =	vor.u32 v36, v51;
	_ =	sdelay $0x3  }
0x391: {  	[tilespmem:v61+s10+$0x0] =	vst.idx.msk $0xffff, v49  }
0x392: {  	v63 =	vor.u32 v37, v48;
	v49 =	vld.idx.msk [tilespmem:v62+s24+$0x0], $0xffff  }
0x393: {  	v56 =	vor.u32 v38, v51;
	_ =	sdelay $0x3  }
0x394: {  	[tilespmem:v63+s10+$0x0] =	vst.idx.msk $0xffff, v49  }
0x395: {  	v57 =	vor.u32 v39, v48;
	v49 =	vld.idx.msk [tilespmem:v56+s24+$0x0], $0xffff  }
0x396: {  	v58 =	vor.u32 v40, v51;
	_ =	sdelay $0x3  }
0x397: {  	[tilespmem:v57+s10+$0x0] =	vst.idx.msk $0xffff, v49  }
0x398: {  	v59 =	vor.u32 v41, v48;
	v49 =	vld.idx.msk [tilespmem:v58+s24+$0x0], $0xffff  }
0x399: {  	v60 =	vor.u32 v42, v51;
	_ =	sdelay $0x3  }
0x39a: {  	[tilespmem:v59+s10+$0x0] =	vst.idx.msk $0xffff, v49  }
0x39b: {  	v61 =	vor.u32 v43, v48;
	v49 =	vld.idx.msk [tilespmem:v60+s24+$0x0], $0xffff  }
0x39c: {  	v62 =	vor.u32 v44, v51;
	_ =	sdelay $0x3  }
0x39d: {  	[tilespmem:v61+s10+$0x0] =	vst.idx.msk $0xffff, v49  }
0x39e: {  	v63 =	vor.u32 v45, v48;
	v49 =	vld.idx.msk [tilespmem:v62+s24+$0x0], $0xffff  }
0x39f: {  	v51 =	vor.u32 v46, v51;
	_ =	sdelay $0x3  }
0x3a0: {  	[tilespmem:v63+s10+$0x0] =	vst.idx.msk $0xffff, v49  }
0x3a1: {  	v48 =	vor.u32 v47, v48;
	v49 =	vld.idx.msk [tilespmem:v51+s24+$0x0], $0xffff;
	_ =	sdelay $0x4  }
0x3a2: {  	s11 =	rddreg [dreg:$0x7];
	[tilespmem:v48+s10+$0x0] =	vst.idx.msk $0xffff, v49  }
0x3a3: {  	[hbm4b:s11+s28] =	stream.strided.scatter [tilespmem:s10], [sflag:$0x8], $0x1000, s29, s28, $0x38;
	[tilespmem:$0xE600] =	vst v63  }
0x3a4: {  	_ =	swait.ge [sflag:s13], $0x1000  }
0x3a5: {  	[sflag:s13] =	ssyncset.done $0x0  }
0x3a6: {  	[sflag:s13] =	ssyncadd.s32 $0xFFFFF000  }
0x3a7: {  	_ =	swait.ge [sflag:s14], $0x1000  }
0x3a8: {  	[sflag:s14] =	ssyncset.done $0x0  }
0x3a9: {  	s13 =	simm.s32 $0x7;
	[sflag:s14] =	ssyncadd.s32 $0xFFFFF000  }
0x3aa: {  	_ =	swait.ge [sflag:s13], $0x1000  }
0x3ab: {  	[sflag:s13] =	ssyncset.done $0x0  }
0x3ac: {  	[sflag:s13] =	ssyncadd.s32 $0xFFFFF000  }
0x3ad: {  	_ =	swait.ge [sflag:s12], $0x1000  }
0x3ae: {  	s14 =	rddreg [dreg:$0x9]  }
0x3af: {  	s15 =	rddreg [dreg:$0x8];
	s13 =	sadd.s32 $0x1, s14  }
0x3b0: {  	p0 =	sne.s32 s13, s15  }
.Ltmp9:
0x3b1: {  	_ = 	snop;
	(pc) =	sbr.rel @p0 .LBB2_1-.Ltmp9, $3  }
0x3b2: {  	_ =	sdelay $0x1  }
0x3b3: {  	[sflag:s12] =	ssyncset.done $0x0  }
0x3b4: {  	[sflag:s12] =	ssyncadd.s32 $0xFFFFF000  }
0x3b5: {  	_ =	sfence.sel $0x180000  }
0x3b6: {  	[bflag:$0x0] =	sbarrier.arrive $0xFFFF  }
0x3b7: {  	_ =	strace $0x90000047  }
0x3b8: {  	s0 =	stileid.u32;
	[bflag:$0x2] =	sbarrier.arrive $0xFFFF  }
0x3b9: {  	p0 =	sne.s32 s0, $0x0;
	s0 =	rddreg [dreg:$0x2]  }
0x3ba: {  	s0 =	sadd.s32 @!p0 $0x100000, s0  }
0x3bb: {  	[sflag:s0] =	ssyncadd.tile.s32 @!p0 $0x1;
	_ =	shalt  }
.Lfunc_end2:
_tile_overlayer_lowered:
.L_overlay_start_2:
0x3bc: {  	(tag) =	ssettag $0x2  }
0x3bd: {  	s0 =	rddreg [dreg:$0x0];
	s2 =	stileid.u32  }
0x3be: {  	s1 =	rddreg [dreg:$0x1];
	p0 =	sne.s32 s2, $0x0  }
0x3bf: {  	s3 =	rddreg [dreg:$0x2];
	[bflag:$0x3] =	sbarrier.arrive $0xFFFF;
	s2 =	simm.s32 @!p0 $0x1C09  }
0x3c0: {  	[timem:s3], [sflag:s2] =	dma.local @!p0 [hbm:s0], s1  }
0x3c1: {  	s0 =	simm.s32 @!p0 $0x9  }
0x3c2: {  	_ =	swait.ge @!p0 [sflag:s0], s1  }
0x3c3: {  	s1 =	ssub.s32 @!p0 $0x0, s1;
	[sflag:s0] =	ssyncset.done @!p0 $0x0  }
0x3c4: {  	[sflag:s0] =	ssyncadd.s32 @!p0 s1  }
0x3c5: {  	[bflag:$0x3] =	sbarrier.arrive $0xFFFF  }
0x3c6: {  	_ =	shalt  }

</sc_bundles>
